<compile_context>
chip_gen: v7x
topology: tpu7x:2x2x1
jax: 0.10.2.dev20260603
libtpu: 0.0.44.dev20260713+nightly
codegen_flags: <defaults>
</compile_context>

<pallas_src>
import jax
import jax.numpy as jnp
from jax import lax
from jax.experimental import pallas as pl
from jax.experimental.pallas import tpu as pltpu
from jax.experimental.pallas import tpu_sc as plsc

_NC = 2
_NS = 16
_NW = _NC * _NS
_LANES = 16
_TPL = 16


def _make_body(chunks):
    def _scatter_zeros_body(idx_hbm, out_hbm, idx_v, zeros_v, sem_idx, sem_sc):
        wid = lax.axis_index("s") * _NC + lax.axis_index("c")
        d = zeros_v.shape[1]

        idx_cp = pltpu.make_async_copy(idx_hbm.at[wid], idx_v, sem_idx)
        idx_cp.start()

        z = jnp.zeros((_LANES,), jnp.float32)
        for r in range(_TPL):
            for c in range(d // _LANES):
                zeros_v[r, pl.ds(c * _LANES, _LANES)] = z

        idx_cp.wait()
        cps = []
        for j in range(chunks):
            cp = pltpu.make_async_copy(
                zeros_v, out_hbm.at[idx_v.at[j]], sem_sc)
            cp.start()
            cps.append(cp)
        for cp in cps:
            cp.wait()
    return _scatter_zeros_body


_COPY_CHUNKS = 10


def _copy_body(x_ref, o_ref, sem):
    rows = x_ref.shape[0]
    step = rows // _COPY_CHUNKS
    cps = []
    for k in range(_COPY_CHUNKS):
        lo = k * step
        hi = rows if k == _COPY_CHUNKS - 1 else lo + step
        cp = pltpu.make_async_copy(
            x_ref.at[pl.ds(lo, hi - lo)], o_ref.at[pl.ds(lo, hi - lo)], sem)
        cp.start()
        cps.append(cp)
    for cp in cps:
        cp.wait()


def kernel(x, pruned_idx):
    m, d = x.shape
    p = pruned_idx.shape[0]
    idx32 = pruned_idx.astype(jnp.int32)
    chunk_rows = -(-p // (_NW * _TPL))
    pad = _NW * chunk_rows * _TPL - p
    if pad:
        idx32 = jnp.concatenate(
            [idx32, jnp.broadcast_to(idx32[:1], (pad,))])
    idx3d = idx32.reshape(_NW, chunk_rows, _TPL)

    copied = pl.pallas_call(
        _copy_body,
        out_shape=jax.ShapeDtypeStruct((m, d), jnp.float32),
        in_specs=[pl.BlockSpec(memory_space=pltpu.MemorySpace.HBM)],
        out_specs=pl.BlockSpec(memory_space=pltpu.MemorySpace.HBM),
        scratch_shapes=[pltpu.SemaphoreType.DMA],
    )(x)
    out_ref = jax.new_ref(copied)

    mesh = plsc.VectorSubcoreMesh(
        core_axis_name="c", subcore_axis_name="s",
        num_cores=_NC, num_subcores=_NS)
    scatter = pl.kernel(
        _make_body(chunk_rows),
        out_type=(),
        mesh=mesh,
        scratch_types=[
            pltpu.VMEM((chunk_rows, _TPL), jnp.int32),
            pltpu.VMEM((_TPL, d), jnp.float32),
            pltpu.SemaphoreType.DMA,
            pltpu.SemaphoreType.DMA,
        ],
    )
    scatter(idx3d, out_ref)
    return jax.freeze(out_ref)

# --- scband reference (transcript-rebuilt; emitter-appended) ---
"""Pipeline reference for scband-zeroes-parametrization-25220047962452 (READ-ONLY COPY).

The authoritative reference and input builder live on the scoring server;
editing this copy changes nothing except your own understanding.
"""

import jax, jax.numpy as jnp
import numpy as np

M = 100000
D = 512
P = 5000

def setup_inputs(seed: int = 0) -> dict:
    key = jax.random.key(seed)
    k1, k2 = jax.random.split(key)
    x = jax.random.normal(k1, (M, D), dtype=jnp.float32)
    pruned_idx = jax.random.randint(k2, (P,), 0, M, dtype=jnp.int64) if jax.config.jax_enable_x64 else jax.random.randint(k2, (P,), 0, M, dtype=jnp.int32)
    return {"x": x, "pruned_idx": pruned_idx}

def reference(x, pruned_idx):
    # Faithful translation of ZeroesParametrization.forward:
    #   x.data[list(self.pruned_outputs)] = 0
    # i.e. scatter-overwrite zeros into the rows listed in pruned_outputs.
    # (pruned_outputs is represented here as the pruned_idx index tensor.)
    return x.at[pruned_idx].set(0.0)

if __name__ == "__main__":
    import jax
    _d = setup_inputs()
    print(jax.jit(kernel)(*tuple(_d.values())))

</pallas_src>

<mosaic_0001>
#map = affine_map<(d0, d1) -> (0, 0, 0)>
#map1 = affine_map<(d0, d1) -> (0, 0)>
module attributes {stable_mosaic.version = 14 : i64} {
  func.func @new_body(%arg0: i32, %arg1: i32, %arg2: memref<32x10x16xi32, #tpu.memory_space<hbm>>, %arg3: memref<100000x512xf32, #tpu.memory_space<hbm>>, %arg4: memref<100000x512xf32, #tpu.memory_space<hbm>>, %arg5: memref<10x16xi32, #tpu.memory_space<vmem>>, %arg6: memref<16x512xf32, #tpu.memory_space<vmem>>, %arg7: memref<!tpu.dma_semaphore, #tpu.memory_space<semaphore_mem>>, %arg8: memref<!tpu.dma_semaphore, #tpu.memory_space<semaphore_mem>>) attributes {dimension_semantics = [#tpu.dimension_semantics<core_parallel>, #tpu.dimension_semantics<subcore_parallel>], iteration_bounds = array<i64: 2, 16>, scalar_prefetch = 0 : i64, scratch_operands = 4 : i64, tpu.core_type = #tpu.core_type<sc_vector_subcore>, window_params = [{transform_indices = #map}, {transform_indices = #map1}, {transform_indices = #map1}]} {
    %mul3A = arith.constant 2 : i32
    %mul3A_0 = arith.muli %arg1, %mul3A : i32
    %add3A = arith.addi %mul3A_0, %arg0 : i32
    %dma_start3A = arith.constant 0 : i32
    %dma_start3A_1 = arith.constant 0 : i32
    %dma_start3A_2 = tpu.memref_slice %arg2[%add3A, %dma_start3A, %dma_start3A_1] : memref<32x10x16xi32, #tpu.memory_space<hbm>> -> memref<1x10x16xi32, #tpu.memory_space<hbm>>
    %dma_start3A_3 = tpu.memref_squeeze %dma_start3A_2 : memref<1x10x16xi32, #tpu.memory_space<hbm>> -> memref<10x16xi32, #tpu.memory_space<hbm>>
    %dma_start3A_4 = arith.constant 0 : i32
    %dma_start3A_5 = arith.constant 0 : i32
    %dma_start3A_6 = tpu.memref_slice %arg2[%add3A, %dma_start3A_4, %dma_start3A_5] : memref<32x10x16xi32, #tpu.memory_space<hbm>> -> memref<1x10x16xi32, #tpu.memory_space<hbm>>
    %dma_start3A_7 = tpu.memref_squeeze %dma_start3A_6 : memref<1x10x16xi32, #tpu.memory_space<hbm>> -> memref<10x16xi32, #tpu.memory_space<hbm>>
    tpu.enqueue_dma source(%dma_start3A_7 : memref<10x16xi32, #tpu.memory_space<hbm>>) target(%arg5 : memref<10x16xi32, #tpu.memory_space<vmem>>) target_semaphore(%arg7 : memref<!tpu.dma_semaphore, #tpu.memory_space<semaphore_mem>>)
    %broadcast_in_dim3A = arith.constant 0.000000e+00 : f32
    %broadcast_in_dim3A_8 = vector.broadcast %broadcast_in_dim3A : f32 to vector<16xf32>
    %swap3A = arith.constant 0 : i32
    %swap3A_9 = arith.index_cast %swap3A : i32 to index
    %swap3A_10 = arith.constant 0 : index
    %swap3A_11 = tpu.vector_load %arg6[%swap3A_9, %swap3A_10] {strides = array<i32>} : memref<16x512xf32, #tpu.memory_space<vmem>>, vector<1x16xf32>,
    %swap3A_12 = vector.shape_cast %swap3A_11 : vector<1x16xf32> to vector<16xf32>
    %swap3A_13 = vector.shape_cast %broadcast_in_dim3A_8 : vector<16xf32> to vector<1x16xf32>
    tpu.vector_store %arg6[%swap3A_9, %swap3A_10], %swap3A_13 {strides = array<i32>} : memref<16x512xf32, #tpu.memory_space<vmem>>, vector<1x16xf32>,
    %swap3A_14 = arith.constant 0 : i32
    %swap3A_15 = arith.index_cast %swap3A_14 : i32 to index
    %swap3A_16 = arith.constant 16 : index
    %swap3A_17 = tpu.vector_load %arg6[%swap3A_15, %swap3A_16] {strides = array<i32>} : memref<16x512xf32, #tpu.memory_space<vmem>>, vector<1x16xf32>,
    %swap3A_18 = vector.shape_cast %swap3A_17 : vector<1x16xf32> to vector<16xf32>
    %swap3A_19 = vector.shape_cast %broadcast_in_dim3A_8 : vector<16xf32> to vector<1x16xf32>
    tpu.vector_store %arg6[%swap3A_15, %swap3A_16], %swap3A_19 {strides = array<i32>} : memref<16x512xf32, #tpu.memory_space<vmem>>, vector<1x16xf32>,
    %swap3A_20 = arith.constant 0 : i32
    %swap3A_21 = arith.index_cast %swap3A_20 : i32 to index
    %swap3A_22 = arith.constant 32 : index
    %swap3A_23 = tpu.vector_load %arg6[%swap3A_21, %swap3A_22] {strides = array<i32>} : memref<16x512xf32, #tpu.memory_space<vmem>>, vector<1x16xf32>,
    %swap3A_24 = vector.shape_cast %swap3A_23 : vector<1x16xf32> to vector<16xf32>
    %swap3A_25 = vector.shape_cast %broadcast_in_dim3A_8 : vector<16xf32> to vector<1x16xf32>
    tpu.vector_store %arg6[%swap3A_21, %swap3A_22], %swap3A_25 {strides = array<i32>} : memref<16x512xf32, #tpu.memory_space<vmem>>, vector<1x16xf32>,
    %swap3A_26 = arith.constant 0 : i32
    %swap3A_27 = arith.index_cast %swap3A_26 : i32 to index
    %swap3A_28 = arith.constant 48 : index
    %swap3A_29 = tpu.vector_load %arg6[%swap3A_27, %swap3A_28] {strides = array<i32>} : memref<16x512xf32, #tpu.memory_space<vmem>>, vector<1x16xf32>,
    %swap3A_30 = vector.shape_cast %swap3A_29 : vector<1x16xf32> to vector<16xf32>
    %swap3A_31 = vector.shape_cast %broadcast_in_dim3A_8 : vector<16xf32> to vector<1x16xf32>
    tpu.vector_store %arg6[%swap3A_27, %swap3A_28], %swap3A_31 {strides = array<i32>} : memref<16x512xf32, #tpu.memory_space<vmem>>, vector<1x16xf32>,
    %swap3A_32 = arith.constant 0 : i32
    %swap3A_33 = arith.index_cast %swap3A_32 : i32 to index
    %swap3A_34 = arith.constant 64 : index
    %swap3A_35 = tpu.vector_load %arg6[%swap3A_33, %swap3A_34] {strides = array<i32>} : memref<16x512xf32, #tpu.memory_space<vmem>>, vector<1x16xf32>,
    %swap3A_36 = vector.shape_cast %swap3A_35 : vector<1x16xf32> to vector<16xf32>
    %swap3A_37 = vector.shape_cast %broadcast_in_dim3A_8 : vector<16xf32> to vector<1x16xf32>
    tpu.vector_store %arg6[%swap3A_33, %swap3A_34], %swap3A_37 {strides = array<i32>} : memref<16x512xf32, #tpu.memory_space<vmem>>, vector<1x16xf32>,
    %swap3A_38 = arith.constant 0 : i32
    %swap3A_39 = arith.index_cast %swap3A_38 : i32 to index
    %swap3A_40 = arith.constant 80 : index
    %swap3A_41 = tpu.vector_load %arg6[%swap3A_39, %swap3A_40] {strides = array<i32>} : memref<16x512xf32, #tpu.memory_space<vmem>>, vector<1x16xf32>,
    %swap3A_42 = vector.shape_cast %swap3A_41 : vector<1x16xf32> to vector<16xf32>
    %swap3A_43 = vector.shape_cast %broadcast_in_dim3A_8 : vector<16xf32> to vector<1x16xf32>
    tpu.vector_store %arg6[%swap3A_39, %swap3A_40], %swap3A_43 {strides = array<i32>} : memref<16x512xf32, #tpu.memory_space<vmem>>, vector<1x16xf32>,
    %swap3A_44 = arith.constant 0 : i32
    %swap3A_45 = arith.index_cast %swap3A_44 : i32 to index
    %swap3A_46 = arith.constant 96 : index
    %swap3A_47 = tpu.vector_load %arg6[%swap3A_45, %swap3A_46] {strides = array<i32>} : memref<16x512xf32, #tpu.memory_space<vmem>>, vector<1x16xf32>,
    %swap3A_48 = vector.shape_cast %swap3A_47 : vector<1x16xf32> to vector<16xf32>
    %swap3A_49 = vector.shape_cast %broadcast_in_dim3A_8 : vector<16xf32> to vector<1x16xf32>
    tpu.vector_store %arg6[%swap3A_45, %swap3A_46], %swap3A_49 {strides = array<i32>} : memref<16x512xf32, #tpu.memory_space<vmem>>, vector<1x16xf32>,
    %swap3A_50 = arith.constant 0 : i32
    %swap3A_51 = arith.index_cast %swap3A_50 : i32 to index
    %swap3A_52 = arith.constant 112 : index
    %swap3A_53 = tpu.vector_load %arg6[%swap3A_51, %swap3A_52] {strides = array<i32>} : memref<16x512xf32, #tpu.memory_space<vmem>>, vector<1x16xf32>,
    %swap3A_54 = vector.shape_cast %swap3A_53 : vector<1x16xf32> to vector<16xf32>
    %swap3A_55 = vector.shape_cast %broadcast_in_dim3A_8 : vector<16xf32> to vector<1x16xf32>
    tpu.vector_store %arg6[%swap3A_51, %swap3A_52], %swap3A_55 {strides = array<i32>} : memref<16x512xf32, #tpu.memory_space<vmem>>, vector<1x16xf32>,
    %swap3A_56 = arith.constant 0 : i32
    %swap3A_57 = arith.index_cast %swap3A_56 : i32 to index
    %swap3A_58 = arith.constant 128 : index
    %swap3A_59 = tpu.vector_load %arg6[%swap3A_57, %swap3A_58] {strides = array<i32>} : memref<16x512xf32, #tpu.memory_space<vmem>>, vector<1x16xf32>,
    %swap3A_60 = vector.shape_cast %swap3A_59 : vector<1x16xf32> to vector<16xf32>
    %swap3A_61 = vector.shape_cast %broadcast_in_dim3A_8 : vector<16xf32> to vector<1x16xf32>
    tpu.vector_store %arg6[%swap3A_57, %swap3A_58], %swap3A_61 {strides = array<i32>} : memref<16x512xf32, #tpu.memory_space<vmem>>, vector<1x16xf32>,
    %swap3A_62 = arith.constant 0 : i32
    %swap3A_63 = arith.index_cast %swap3A_62 : i32 to index
    %swap3A_64 = arith.constant 144 : index
    %swap3A_65 = tpu.vector_load %arg6[%swap3A_63, %swap3A_64] {strides = array<i32>} : memref<16x512xf32, #tpu.memory_space<vmem>>, vector<1x16xf32>,
    %swap3A_66 = vector.shape_cast %swap3A_65 : vector<1x16xf32> to vector<16xf32>
    %swap3A_67 = vector.shape_cast %broadcast_in_dim3A_8 : vector<16xf32> to vector<1x16xf32>
    tpu.vector_store %arg6[%swap3A_63, %swap3A_64], %swap3A_67 {strides = array<i32>} : memref<16x512xf32, #tpu.memory_space<vmem>>, vector<1x16xf32>,
    %swap3A_68 = arith.constant 0 : i32
    %swap3A_69 = arith.index_cast %swap3A_68 : i32 to index
    %swap3A_70 = arith.constant 160 : index
    %swap3A_71 = tpu.vector_load %arg6[%swap3A_69, %swap3A_70] {strides = array<i32>} : memref<16x512xf32, #tpu.memory_space<vmem>>, vector<1x16xf32>,
    %swap3A_72 = vector.shape_cast %swap3A_71 : vector<1x16xf32> to vector<16xf32>
    %swap3A_73 = vector.shape_cast %broadcast_in_dim3A_8 : vector<16xf32> to vector<1x16xf32>
    tpu.vector_store %arg6[%swap3A_69, %swap3A_70], %swap3A_73 {strides = array<i32>} : memref<16x512xf32, #tpu.memory_space<vmem>>, vector<1x16xf32>,
    %swap3A_74 = arith.constant 0 : i32
    %swap3A_75 = arith.index_cast %swap3A_74 : i32 to index
    %swap3A_76 = arith.constant 176 : index
    %swap3A_77 = tpu.vector_load %arg6[%swap3A_75, %swap3A_76] {strides = array<i32>} : memref<16x512xf32, #tpu.memory_space<vmem>>, vector<1x16xf32>,
    %swap3A_78 = vector.shape_cast %swap3A_77 : vector<1x16xf32> to vector<16xf32>
    %swap3A_79 = vector.shape_cast %broadcast_in_dim3A_8 : vector<16xf32> to vector<1x16xf32>
    tpu.vector_store %arg6[%swap3A_75, %swap3A_76], %swap3A_79 {strides = array<i32>} : memref<16x512xf32, #tpu.memory_space<vmem>>, vector<1x16xf32>,
    %swap3A_80 = arith.constant 0 : i32
    %swap3A_81 = arith.index_cast %swap3A_80 : i32 to index
    %swap3A_82 = arith.constant 192 : index
    %swap3A_83 = tpu.vector_load %arg6[%swap3A_81, %swap3A_82] {strides = array<i32>} : memref<16x512xf32, #tpu.memory_space<vmem>>, vector<1x16xf32>,
    %swap3A_84 = vector.shape_cast %swap3A_83 : vector<1x16xf32> to vector<16xf32>
    %swap3A_85 = vector.shape_cast %broadcast_in_dim3A_8 : vector<16xf32> to vector<1x16xf32>
    tpu.vector_store %arg6[%swap3A_81, %swap3A_82], %swap3A_85 {strides = array<i32>} : memref<16x512xf32, #tpu.memory_space<vmem>>, vector<1x16xf32>,
    %swap3A_86 = arith.constant 0 : i32
    %swap3A_87 = arith.index_cast %swap3A_86 : i32 to index
    %swap3A_88 = arith.constant 208 : index
    %swap3A_89 = tpu.vector_load %arg6[%swap3A_87, %swap3A_88] {strides = array<i32>} : memref<16x512xf32, #tpu.memory_space<vmem>>, vector<1x16xf32>,
    %swap3A_90 = vector.shape_cast %swap3A_89 : vector<1x16xf32> to vector<16xf32>
    %swap3A_91 = vector.shape_cast %broadcast_in_dim3A_8 : vector<16xf32> to vector<1x16xf32>
    tpu.vector_store %arg6[%swap3A_87, %swap3A_88], %swap3A_91 {strides = array<i32>} : memref<16x512xf32, #tpu.memory_space<vmem>>, vector<1x16xf32>,
    %swap3A_92 = arith.constant 0 : i32
    %swap3A_93 = arith.index_cast %swap3A_92 : i32 to index
    %swap3A_94 = arith.constant 224 : index
    %swap3A_95 = tpu.vector_load %arg6[%swap3A_93, %swap3A_94] {strides = array<i32>} : memref<16x512xf32, #tpu.memory_space<vmem>>, vector<1x16xf32>,
    %swap3A_96 = vector.shape_cast %swap3A_95 : vector<1x16xf32> to vector<16xf32>
    %swap3A_97 = vector.shape_cast %broadcast_in_dim3A_8 : vector<16xf32> to vector<1x16xf32>
    tpu.vector_store %arg6[%swap3A_93, %swap3A_94], %swap3A_97 {strides = array<i32>} : memref<16x512xf32, #tpu.memory_space<vmem>>, vector<1x16xf32>,
    %swap3A_98 = arith.constant 0 : i32
    %swap3A_99 = arith.index_cast %swap3A_98 : i32 to index
    %swap3A_100 = arith.constant 240 : index
    %swap3A_101 = tpu.vector_load %arg6[%swap3A_99, %swap3A_100] {strides = array<i32>} : memref<16x512xf32, #tpu.memory_space<vmem>>, vector<1x16xf32>,
    %swap3A_102 = vector.shape_cast %swap3A_101 : vector<1x16xf32> to vector<16xf32>
    %swap3A_103 = vector.shape_cast %broadcast_in_dim3A_8 : vector<16xf32> to vector<1x16xf32>
    tpu.vector_store %arg6[%swap3A_99, %swap3A_100], %swap3A_103 {strides = array<i32>} : memref<16x512xf32, #tpu.memory_space<vmem>>, vector<1x16xf32>,
    %swap3A_104 = arith.constant 0 : i32
    %swap3A_105 = arith.index_cast %swap3A_104 : i32 to index
    %swap3A_106 = arith.constant 256 : index
    %swap3A_107 = tpu.vector_load %arg6[%swap3A_105, %swap3A_106] {strides = array<i32>} : memref<16x512xf32, #tpu.memory_space<vmem>>, vector<1x16xf32>,
    %swap3A_108 = vector.shape_cast %swap3A_107 : vector<1x16xf32> to vector<16xf32>
    %swap3A_109 = vector.shape_cast %broadcast_in_dim3A_8 : vector<16xf32> to vector<1x16xf32>
    tpu.vector_store %arg6[%swap3A_105, %swap3A_106], %swap3A_109 {strides = array<i32>} : memref<16x512xf32, #tpu.memory_space<vmem>>, vector<1x16xf32>,
    %swap3A_110 = arith.constant 0 : i32
    %swap3A_111 = arith.index_cast %swap3A_110 : i32 to index
    %swap3A_112 = arith.constant 272 : index
    %swap3A_113 = tpu.vector_load %arg6[%swap3A_111, %swap3A_112] {strides = array<i32>} : memref<16x512xf32, #tpu.memory_space<vmem>>, vector<1x16xf32>,
    %swap3A_114 = vector.shape_cast %swap3A_113 : vector<1x16xf32> to vector<16xf32>
    %swap3A_115 = vector.shape_cast %broadcast_in_dim3A_8 : vector<16xf32> to vector<1x16xf32>
    tpu.vector_store %arg6[%swap3A_111, %swap3A_112], %swap3A_115 {strides = array<i32>} : memref<16x512xf32, #tpu.memory_space<vmem>>, vector<1x16xf32>,
    %swap3A_116 = arith.constant 0 : i32
    %swap3A_117 = arith.index_cast %swap3A_116 : i32 to index
    %swap3A_118 = arith.constant 288 : index
    %swap3A_119 = tpu.vector_load %arg6[%swap3A_117, %swap3A_118] {strides = array<i32>} : memref<16x512xf32, #tpu.memory_space<vmem>>, vector<1x16xf32>,
    %swap3A_120 = vector.shape_cast %swap3A_119 : vector<1x16xf32> to vector<16xf32>
    %swap3A_121 = vector.shape_cast %broadcast_in_dim3A_8 : vector<16xf32> to vector<1x16xf32>
    tpu.vector_store %arg6[%swap3A_117, %swap3A_118], %swap3A_121 {strides = array<i32>} : memref<16x512xf32, #tpu.memory_space<vmem>>, vector<1x16xf32>,
    %swap3A_122 = arith.constant 0 : i32
    %swap3A_123 = arith.index_cast %swap3A_122 : i32 to index
    %swap3A_124 = arith.constant 304 : index
    %swap3A_125 = tpu.vector_load %arg6[%swap3A_123, %swap3A_124] {strides = array<i32>} : memref<16x512xf32, #tpu.memory_space<vmem>>, vector<1x16xf32>,
    %swap3A_126 = vector.shape_cast %swap3A_125 : vector<1x16xf32> to vector<16xf32>
    %swap3A_127 = vector.shape_cast %broadcast_in_dim3A_8 : vector<16xf32> to vector<1x16xf32>
    tpu.vector_store %arg6[%swap3A_123, %swap3A_124], %swap3A_127 {strides = array<i32>} : memref<16x512xf32, #tpu.memory_space<vmem>>, vector<1x16xf32>,
    %swap3A_128 = arith.constant 0 : i32
    %swap3A_129 = arith.index_cast %swap3A_128 : i32 to index
    %swap3A_130 = arith.constant 320 : index
    %swap3A_131 = tpu.vector_load %arg6[%swap3A_129, %swap3A_130] {strides = array<i32>} : memref<16x512xf32, #tpu.memory_space<vmem>>, vector<1x16xf32>,
    %swap3A_132 = vector.shape_cast %swap3A_131 : vector<1x16xf32> to vector<16xf32>
    %swap3A_133 = vector.shape_cast %broadcast_in_dim3A_8 : vector<16xf32> to vector<1x16xf32>
    tpu.vector_store %arg6[%swap3A_129, %swap3A_130], %swap3A_133 {strides = array<i32>} : memref<16x512xf32, #tpu.memory_space<vmem>>, vector<1x16xf32>,
    %swap3A_134 = arith.constant 0 : i32
    %swap3A_135 = arith.index_cast %swap3A_134 : i32 to index
    %swap3A_136 = arith.constant 336 : index
    %swap3A_137 = tpu.vector_load %arg6[%swap3A_135, %swap3A_136] {strides = array<i32>} : memref<16x512xf32, #tpu.memory_space<vmem>>, vector<1x16xf32>,
    %swap3A_138 = vector.shape_cast %swap3A_137 : vector<1x16xf32> to vector<16xf32>
    %swap3A_139 = vector.shape_cast %broadcast_in_dim3A_8 : vector<16xf32> to vector<1x16xf32>
    tpu.vector_store %arg6[%swap3A_135, %swap3A_136], %swap3A_139 {strides = array<i32>} : memref<16x512xf32, #tpu.memory_space<vmem>>, vector<1x16xf32>,
    %swap3A_140 = arith.constant 0 : i32
    %swap3A_141 = arith.index_cast %swap3A_140 : i32 to index
    %swap3A_142 = arith.constant 352 : index
    %swap3A_143 = tpu.vector_load %arg6[%swap3A_141, %swap3A_142] {strides = array<i32>} : memref<16x512xf32, #tpu.memory_space<vmem>>, vector<1x16xf32>,
    %swap3A_144 = vector.shape_cast %swap3A_143 : vector<1x16xf32> to vector<16xf32>
    %swap3A_145 = vector.shape_cast %broadcast_in_dim3A_8 : vector<16xf32> to vector<1x16xf32>
    tpu.vector_store %arg6[%swap3A_141, %swap3A_142], %swap3A_145 {strides = array<i32>} : memref<16x512xf32, #tpu.memory_space<vmem>>, vector<1x16xf32>,
    %swap3A_146 = arith.constant 0 : i32
    %swap3A_147 = arith.index_cast %swap3A_146 : i32 to index
    %swap3A_148 = arith.constant 368 : index
    %swap3A_149 = tpu.vector_load %arg6[%swap3A_147, %swap3A_148] {strides = array<i32>} : memref<16x512xf32, #tpu.memory_space<vmem>>, vector<1x16xf32>,
    %swap3A_150 = vector.shape_cast %swap3A_149 : vector<1x16xf32> to vector<16xf32>
    %swap3A_151 = vector.shape_cast %broadcast_in_dim3A_8 : vector<16xf32> to vector<1x16xf32>
    tpu.vector_store %arg6[%swap3A_147, %swap3A_148], %swap3A_151 {strides = array<i32>} : memref<16x512xf32, #tpu.memory_space<vmem>>, vector<1x16xf32>,
    %swap3A_152 = arith.constant 0 : i32
    %swap3A_153 = arith.index_cast %swap3A_152 : i32 to index
    %swap3A_154 = arith.constant 384 : index
    %swap3A_155 = tpu.vector_load %arg6[%swap3A_153, %swap3A_154] {strides = array<i32>} : memref<16x512xf32, #tpu.memory_space<vmem>>, vector<1x16xf32>,
    %swap3A_156 = vector.shape_cast %swap3A_155 : vector<1x16xf32> to vector<16xf32>
    %swap3A_157 = vector.shape_cast %broadcast_in_dim3A_8 : vector<16xf32> to vector<1x16xf32>
    tpu.vector_store %arg6[%swap3A_153, %swap3A_154], %swap3A_157 {strides = array<i32>} : memref<16x512xf32, #tpu.memory_space<vmem>>, vector<1x16xf32>,
    %swap3A_158 = arith.constant 0 : i32
    %swap3A_159 = arith.index_cast %swap3A_158 : i32 to index
    %swap3A_160 = arith.constant 400 : index
    %swap3A_161 = tpu.vector_load %arg6[%swap3A_159, %swap3A_160] {strides = array<i32>} : memref<16x512xf32, #tpu.memory_space<vmem>>, vector<1x16xf32>,
    %swap3A_162 = vector.shape_cast %swap3A_161 : vector<1x16xf32> to vector<16xf32>
    %swap3A_163 = vector.shape_cast %broadcast_in_dim3A_8 : vector<16xf32> to vector<1x16xf32>
    tpu.vector_store %arg6[%swap3A_159, %swap3A_160], %swap3A_163 {strides = array<i32>} : memref<16x512xf32, #tpu.memory_space<vmem>>, vector<1x16xf32>,
    %swap3A_164 = arith.constant 0 : i32
    %swap3A_165 = arith.index_cast %swap3A_164 : i32 to index
    %swap3A_166 = arith.constant 416 : index
    %swap3A_167 = tpu.vector_load %arg6[%swap3A_165, %swap3A_166] {strides = array<i32>} : memref<16x512xf32, #tpu.memory_space<vmem>>, vector<1x16xf32>,
    %swap3A_168 = vector.shape_cast %swap3A_167 : vector<1x16xf32> to vector<16xf32>
    %swap3A_169 = vector.shape_cast %broadcast_in_dim3A_8 : vector<16xf32> to vector<1x16xf32>
    tpu.vector_store %arg6[%swap3A_165, %swap3A_166], %swap3A_169 {strides = array<i32>} : memref<16x512xf32, #tpu.memory_space<vmem>>, vector<1x16xf32>,
    %swap3A_170 = arith.constant 0 : i32
    %swap3A_171 = arith.index_cast %swap3A_170 : i32 to index
    %swap3A_172 = arith.constant 432 : index
    %swap3A_173 = tpu.vector_load %arg6[%swap3A_171, %swap3A_172] {strides = array<i32>} : memref<16x512xf32, #tpu.memory_space<vmem>>, vector<1x16xf32>,
    %swap3A_174 = vector.shape_cast %swap3A_173 : vector<1x16xf32> to vector<16xf32>
    %swap3A_175 = vector.shape_cast %broadcast_in_dim3A_8 : vector<16xf32> to vector<1x16xf32>
    tpu.vector_store %arg6[%swap3A_171, %swap3A_172], %swap3A_175 {strides = array<i32>} : memref<16x512xf32, #tpu.memory_space<vmem>>, vector<1x16xf32>,
    %swap3A_176 = arith.constant 0 : i32
    %swap3A_177 = arith.index_cast %swap3A_176 : i32 to index
    %swap3A_178 = arith.constant 448 : index
    %swap3A_179 = tpu.vector_load %arg6[%swap3A_177, %swap3A_178] {strides = array<i32>} : memref<16x512xf32, #tpu.memory_space<vmem>>, vector<1x16xf32>,
    %swap3A_180 = vector.shape_cast %swap3A_179 : vector<1x16xf32> to vector<16xf32>
    %swap3A_181 = vector.shape_cast %broadcast_in_dim3A_8 : vector<16xf32> to vector<1x16xf32>
    tpu.vector_store %arg6[%swap3A_177, %swap3A_178], %swap3A_181 {strides = array<i32>} : memref<16x512xf32, #tpu.memory_space<vmem>>, vector<1x16xf32>,
    %swap3A_182 = arith.constant 0 : i32
    %swap3A_183 = arith.index_cast %swap3A_182 : i32 to index
    %swap3A_184 = arith.constant 464 : index
    %swap3A_185 = tpu.vector_load %arg6[%swap3A_183, %swap3A_184] {strides = array<i32>} : memref<16x512xf32, #tpu.memory_space<vmem>>, vector<1x16xf32>,
    %swap3A_186 = vector.shape_cast %swap3A_185 : vector<1x16xf32> to vector<16xf32>
    %swap3A_187 = vector.shape_cast %broadcast_in_dim3A_8 : vector<16xf32> to vector<1x16xf32>
    tpu.vector_store %arg6[%swap3A_183, %swap3A_184], %swap3A_187 {strides = array<i32>} : memref<16x512xf32, #tpu.memory_space<vmem>>, vector<1x16xf32>,
    %swap3A_188 = arith.constant 0 : i32
    %swap3A_189 = arith.index_cast %swap3A_188 : i32 to index
    %swap3A_190 = arith.constant 480 : index
    %swap3A_191 = tpu.vector_load %arg6[%swap3A_189, %swap3A_190] {strides = array<i32>} : memref<16x512xf32, #tpu.memory_space<vmem>>, vector<1x16xf32>,
    %swap3A_192 = vector.shape_cast %swap3A_191 : vector<1x16xf32> to vector<16xf32>
    %swap3A_193 = vector.shape_cast %broadcast_in_dim3A_8 : vector<16xf32> to vector<1x16xf32>
    tpu.vector_store %arg6[%swap3A_189, %swap3A_190], %swap3A_193 {strides = array<i32>} : memref<16x512xf32, #tpu.memory_space<vmem>>, vector<1x16xf32>,
    %swap3A_194 = arith.constant 0 : i32
    %swap3A_195 = arith.index_cast %swap3A_194 : i32 to index
    %swap3A_196 = arith.constant 496 : index
    %swap3A_197 = tpu.vector_load %arg6[%swap3A_195, %swap3A_196] {strides = array<i32>} : memref<16x512xf32, #tpu.memory_space<vmem>>, vector<1x16xf32>,
    %swap3A_198 = vector.shape_cast %swap3A_197 : vector<1x16xf32> to vector<16xf32>
    %swap3A_199 = vector.shape_cast %broadcast_in_dim3A_8 : vector<16xf32> to vector<1x16xf32>
    tpu.vector_store %arg6[%swap3A_195, %swap3A_196], %swap3A_199 {strides = array<i32>} : memref<16x512xf32, #tpu.memory_space<vmem>>, vector<1x16xf32>,
    %swap3A_200 = arith.constant 1 : i32
    %swap3A_201 = arith.index_cast %swap3A_200 : i32 to index
    %swap3A_202 = arith.constant 0 : index
    %swap3A_203 = tpu.vector_load %arg6[%swap3A_201, %swap3A_202] {strides = array<i32>} : memref<16x512xf32, #tpu.memory_space<vmem>>, vector<1x16xf32>,
    %swap3A_204 = vector.shape_cast %swap3A_203 : vector<1x16xf32> to vector<16xf32>
    %swap3A_205 = vector.shape_cast %broadcast_in_dim3A_8 : vector<16xf32> to vector<1x16xf32>
    tpu.vector_store %arg6[%swap3A_201, %swap3A_202], %swap3A_205 {strides = array<i32>} : memref<16x512xf32, #tpu.memory_space<vmem>>, vector<1x16xf32>,
    %swap3A_206 = arith.constant 1 : i32
    %swap3A_207 = arith.index_cast %swap3A_206 : i32 to index
    %swap3A_208 = arith.constant 16 : index
    %swap3A_209 = tpu.vector_load %arg6[%swap3A_207, %swap3A_208] {strides = array<i32>} : memref<16x512xf32, #tpu.memory_space<vmem>>, vector<1x16xf32>,
    %swap3A_210 = vector.shape_cast %swap3A_209 : vector<1x16xf32> to vector<16xf32>
    %swap3A_211 = vector.shape_cast %broadcast_in_dim3A_8 : vector<16xf32> to vector<1x16xf32>
    tpu.vector_store %arg6[%swap3A_207, %swap3A_208], %swap3A_211 {strides = array<i32>} : memref<16x512xf32, #tpu.memory_space<vmem>>, vector<1x16xf32>,
    %swap3A_212 = arith.constant 1 : i32
    %swap3A_213 = arith.index_cast %swap3A_212 : i32 to index
    %swap3A_214 = arith.constant 32 : index
    %swap3A_215 = tpu.vector_load %arg6[%swap3A_213, %swap3A_214] {strides = array<i32>} : memref<16x512xf32, #tpu.memory_space<vmem>>, vector<1x16xf32>,
    %swap3A_216 = vector.shape_cast %swap3A_215 : vector<1x16xf32> to vector<16xf32>
    %swap3A_217 = vector.shape_cast %broadcast_in_dim3A_8 : vector<16xf32> to vector<1x16xf32>
    tpu.vector_store %arg6[%swap3A_213, %swap3A_214], %swap3A_217 {strides = array<i32>} : memref<16x512xf32, #tpu.memory_space<vmem>>, vector<1x16xf32>,
    %swap3A_218 = arith.constant 1 : i32
    %swap3A_219 = arith.index_cast %swap3A_218 : i32 to index
    %swap3A_220 = arith.constant 48 : index
    %swap3A_221 = tpu.vector_load %arg6[%swap3A_219, %swap3A_220] {strides = array<i32>} : memref<16x512xf32, #tpu.memory_space<vmem>>, vector<1x16xf32>,
    %swap3A_222 = vector.shape_cast %swap3A_221 : vector<1x16xf32> to vector<16xf32>
    %swap3A_223 = vector.shape_cast %broadcast_in_dim3A_8 : vector<16xf32> to vector<1x16xf32>
    tpu.vector_store %arg6[%swap3A_219, %swap3A_220], %swap3A_223 {strides = array<i32>} : memref<16x512xf32, #tpu.memory_space<vmem>>, vector<1x16xf32>,
    %swap3A_224 = arith.constant 1 : i32
    %swap3A_225 = arith.index_cast %swap3A_224 : i32 to index
    %swap3A_226 = arith.constant 64 : index
    %swap3A_227 = tpu.vector_load %arg6[%swap3A_225, %swap3A_226] {strides = array<i32>} : memref<16x512xf32, #tpu.memory_space<vmem>>, vector<1x16xf32>,
    %swap3A_228 = vector.shape_cast %swap3A_227 : vector<1x16xf32> to vector<16xf32>
    %swap3A_229 = vector.shape_cast %broadcast_in_dim3A_8 : vector<16xf32> to vector<1x16xf32>
    tpu.vector_store %arg6[%swap3A_225, %swap3A_226], %swap3A_229 {strides = array<i32>} : memref<16x512xf32, #tpu.memory_space<vmem>>, vector<1x16xf32>,
    %swap3A_230 = arith.constant 1 : i32
    %swap3A_231 = arith.index_cast %swap3A_230 : i32 to index
    %swap3A_232 = arith.constant 80 : index
    %swap3A_233 = tpu.vector_load %arg6[%swap3A_231, %swap3A_232] {strides = array<i32>} : memref<16x512xf32, #tpu.memory_space<vmem>>, vector<1x16xf32>,
    %swap3A_234 = vector.shape_cast %swap3A_233 : vector<1x16xf32> to vector<16xf32>
    %swap3A_235 = vector.shape_cast %broadcast_in_dim3A_8 : vector<16xf32> to vector<1x16xf32>
    tpu.vector_store %arg6[%swap3A_231, %swap3A_232], %swap3A_235 {strides = array<i32>} : memref<16x512xf32, #tpu.memory_space<vmem>>, vector<1x16xf32>,
    %swap3A_236 = arith.constant 1 : i32
    %swap3A_237 = arith.index_cast %swap3A_236 : i32 to index
    %swap3A_238 = arith.constant 96 : index
    %swap3A_239 = tpu.vector_load %arg6[%swap3A_237, %swap3A_238] {strides = array<i32>} : memref<16x512xf32, #tpu.memory_space<vmem>>, vector<1x16xf32>,
    %swap3A_240 = vector.shape_cast %swap3A_239 : vector<1x16xf32> to vector<16xf32>
    %swap3A_241 = vector.shape_cast %broadcast_in_dim3A_8 : vector<16xf32> to vector<1x16xf32>
    tpu.vector_store %arg6[%swap3A_237, %swap3A_238], %swap3A_241 {strides = array<i32>} : memref<16x512xf32, #tpu.memory_space<vmem>>, vector<1x16xf32>,
    %swap3A_242 = arith.constant 1 : i32
    %swap3A_243 = arith.index_cast %swap3A_242 : i32 to index
    %swap3A_244 = arith.constant 112 : index
    %swap3A_245 = tpu.vector_load %arg6[%swap3A_243, %swap3A_244] {strides = array<i32>} : memref<16x512xf32, #tpu.memory_space<vmem>>, vector<1x16xf32>,
    %swap3A_246 = vector.shape_cast %swap3A_245 : vector<1x16xf32> to vector<16xf32>
    %swap3A_247 = vector.shape_cast %broadcast_in_dim3A_8 : vector<16xf32> to vector<1x16xf32>
    tpu.vector_store %arg6[%swap3A_243, %swap3A_244], %swap3A_247 {strides = array<i32>} : memref<16x512xf32, #tpu.memory_space<vmem>>, vector<1x16xf32>,
    %swap3A_248 = arith.constant 1 : i32
    %swap3A_249 = arith.index_cast %swap3A_248 : i32 to index
    %swap3A_250 = arith.constant 128 : index
    %swap3A_251 = tpu.vector_load %arg6[%swap3A_249, %swap3A_250] {strides = array<i32>} : memref<16x512xf32, #tpu.memory_space<vmem>>, vector<1x16xf32>,
    %swap3A_252 = vector.shape_cast %swap3A_251 : vector<1x16xf32> to vector<16xf32>
    %swap3A_253 = vector.shape_cast %broadcast_in_dim3A_8 : vector<16xf32> to vector<1x16xf32>
    tpu.vector_store %arg6[%swap3A_249, %swap3A_250], %swap3A_253 {strides = array<i32>} : memref<16x512xf32, #tpu.memory_space<vmem>>, vector<1x16xf32>,
    %swap3A_254 = arith.constant 1 : i32
    %swap3A_255 = arith.index_cast %swap3A_254 : i32 to index
    %swap3A_256 = arith.constant 144 : index
    %swap3A_257 = tpu.vector_load %arg6[%swap3A_255, %swap3A_256] {strides = array<i32>} : memref<16x512xf32, #tpu.memory_space<vmem>>, vector<1x16xf32>,
    %swap3A_258 = vector.shape_cast %swap3A_257 : vector<1x16xf32> to vector<16xf32>
    %swap3A_259 = vector.shape_cast %broadcast_in_dim3A_8 : vector<16xf32> to vector<1x16xf32>
    tpu.vector_store %arg6[%swap3A_255, %swap3A_256], %swap3A_259 {strides = array<i32>} : memref<16x512xf32, #tpu.memory_space<vmem>>, vector<1x16xf32>,
    %swap3A_260 = arith.constant 1 : i32
    %swap3A_261 = arith.index_cast %swap3A_260 : i32 to index
    %swap3A_262 = arith.constant 160 : index
    %swap3A_263 = tpu.vector_load %arg6[%swap3A_261, %swap3A_262] {strides = array<i32>} : memref<16x512xf32, #tpu.memory_space<vmem>>, vector<1x16xf32>,
    %swap3A_264 = vector.shape_cast %swap3A_263 : vector<1x16xf32> to vector<16xf32>
    %swap3A_265 = vector.shape_cast %broadcast_in_dim3A_8 : vector<16xf32> to vector<1x16xf32>
    tpu.vector_store %arg6[%swap3A_261, %swap3A_262], %swap3A_265 {strides = array<i32>} : memref<16x512xf32, #tpu.memory_space<vmem>>, vector<1x16xf32>,
    %swap3A_266 = arith.constant 1 : i32
    %swap3A_267 = arith.index_cast %swap3A_266 : i32 to index
    %swap3A_268 = arith.constant 176 : index
    %swap3A_269 = tpu.vector_load %arg6[%swap3A_267, %swap3A_268] {strides = array<i32>} : memref<16x512xf32, #tpu.memory_space<vmem>>, vector<1x16xf32>,
    %swap3A_270 = vector.shape_cast %swap3A_269 : vector<1x16xf32> to vector<16xf32>
    %swap3A_271 = vector.shape_cast %broadcast_in_dim3A_8 : vector<16xf32> to vector<1x16xf32>
    tpu.vector_store %arg6[%swap3A_267, %swap3A_268], %swap3A_271 {strides = array<i32>} : memref<16x512xf32, #tpu.memory_space<vmem>>, vector<1x16xf32>,
    %swap3A_272 = arith.constant 1 : i32
    %swap3A_273 = arith.index_cast %swap3A_272 : i32 to index
    %swap3A_274 = arith.constant 192 : index
    %swap3A_275 = tpu.vector_load %arg6[%swap3A_273, %swap3A_274] {strides = array<i32>} : memref<16x512xf32, #tpu.memory_space<vmem>>, vector<1x16xf32>,
    %swap3A_276 = vector.shape_cast %swap3A_275 : vector<1x16xf32> to vector<16xf32>
    %swap3A_277 = vector.shape_cast %broadcast_in_dim3A_8 : vector<16xf32> to vector<1x16xf32>
    tpu.vector_store %arg6[%swap3A_273, %swap3A_274], %swap3A_277 {strides = array<i32>} : memref<16x512xf32, #tpu.memory_space<vmem>>, vector<1x16xf32>,
    %swap3A_278 = arith.constant 1 : i32
    %swap3A_279 = arith.index_cast %swap3A_278 : i32 to index
    %swap3A_280 = arith.constant 208 : index
    %swap3A_281 = tpu.vector_load %arg6[%swap3A_279, %swap3A_280] {strides = array<i32>} : memref<16x512xf32, #tpu.memory_space<vmem>>, vector<1x16xf32>,
    %swap3A_282 = vector.shape_cast %swap3A_281 : vector<1x16xf32> to vector<16xf32>
    %swap3A_283 = vector.shape_cast %broadcast_in_dim3A_8 : vector<16xf32> to vector<1x16xf32>
    tpu.vector_store %arg6[%swap3A_279, %swap3A_280], %swap3A_283 {strides = array<i32>} : memref<16x512xf32, #tpu.memory_space<vmem>>, vector<1x16xf32>,
    %swap3A_284 = arith.constant 1 : i32
    %swap3A_285 = arith.index_cast %swap3A_284 : i32 to index
    %swap3A_286 = arith.constant 224 : index
    %swap3A_287 = tpu.vector_load %arg6[%swap3A_285, %swap3A_286] {strides = array<i32>} : memref<16x512xf32, #tpu.memory_space<vmem>>, vector<1x16xf32>,
    %swap3A_288 = vector.shape_cast %swap3A_287 : vector<1x16xf32> to vector<16xf32>
    %swap3A_289 = vector.shape_cast %broadcast_in_dim3A_8 : vector<16xf32> to vector<1x16xf32>
    tpu.vector_store %arg6[%swap3A_285, %swap3A_286], %swap3A_289 {strides = array<i32>} : memref<16x512xf32, #tpu.memory_space<vmem>>, vector<1x16xf32>,
    %swap3A_290 = arith.constant 1 : i32
    %swap3A_291 = arith.index_cast %swap3A_290 : i32 to index
    %swap3A_292 = arith.constant 240 : index
    %swap3A_293 = tpu.vector_load %arg6[%swap3A_291, %swap3A_292] {strides = array<i32>} : memref<16x512xf32, #tpu.memory_space<vmem>>, vector<1x16xf32>,
    %swap3A_294 = vector.shape_cast %swap3A_293 : vector<1x16xf32> to vector<16xf32>
    %swap3A_295 = vector.shape_cast %broadcast_in_dim3A_8 : vector<16xf32> to vector<1x16xf32>
    tpu.vector_store %arg6[%swap3A_291, %swap3A_292], %swap3A_295 {strides = array<i32>} : memref<16x512xf32, #tpu.memory_space<vmem>>, vector<1x16xf32>,
    %swap3A_296 = arith.constant 1 : i32
    %swap3A_297 = arith.index_cast %swap3A_296 : i32 to index
    %swap3A_298 = arith.constant 256 : index
    %swap3A_299 = tpu.vector_load %arg6[%swap3A_297, %swap3A_298] {strides = array<i32>} : memref<16x512xf32, #tpu.memory_space<vmem>>, vector<1x16xf32>,
    %swap3A_300 = vector.shape_cast %swap3A_299 : vector<1x16xf32> to vector<16xf32>
    %swap3A_301 = vector.shape_cast %broadcast_in_dim3A_8 : vector<16xf32> to vector<1x16xf32>
    tpu.vector_store %arg6[%swap3A_297, %swap3A_298], %swap3A_301 {strides = array<i32>} : memref<16x512xf32, #tpu.memory_space<vmem>>, vector<1x16xf32>,
    %swap3A_302 = arith.constant 1 : i32
    %swap3A_303 = arith.index_cast %swap3A_302 : i32 to index
    %swap3A_304 = arith.constant 272 : index
    %swap3A_305 = tpu.vector_load %arg6[%swap3A_303, %swap3A_304] {strides = array<i32>} : memref<16x512xf32, #tpu.memory_space<vmem>>, vector<1x16xf32>,
    %swap3A_306 = vector.shape_cast %swap3A_305 : vector<1x16xf32> to vector<16xf32>
    %swap3A_307 = vector.shape_cast %broadcast_in_dim3A_8 : vector<16xf32> to vector<1x16xf32>
    tpu.vector_store %arg6[%swap3A_303, %swap3A_304], %swap3A_307 {strides = array<i32>} : memref<16x512xf32, #tpu.memory_space<vmem>>, vector<1x16xf32>,
    %swap3A_308 = arith.constant 1 : i32
    %swap3A_309 = arith.index_cast %swap3A_308 : i32 to index
    %swap3A_310 = arith.constant 288 : index
    %swap3A_311 = tpu.vector_load %arg6[%swap3A_309, %swap3A_310] {strides = array<i32>} : memref<16x512xf32, #tpu.memory_space<vmem>>, vector<1x16xf32>,
    %swap3A_312 = vector.shape_cast %swap3A_311 : vector<1x16xf32> to vector<16xf32>
    %swap3A_313 = vector.shape_cast %broadcast_in_dim3A_8 : vector<16xf32> to vector<1x16xf32>
    tpu.vector_store %arg6[%swap3A_309, %swap3A_310], %swap3A_313 {strides = array<i32>} : memref<16x512xf32, #tpu.memory_space<vmem>>, vector<1x16xf32>,
    %swap3A_314 = arith.constant 1 : i32
    %swap3A_315 = arith.index_cast %swap3A_314 : i32 to index
    %swap3A_316 = arith.constant 304 : index
    %swap3A_317 = tpu.vector_load %arg6[%swap3A_315, %swap3A_316] {strides = array<i32>} : memref<16x512xf32, #tpu.memory_space<vmem>>, vector<1x16xf32>,
    %swap3A_318 = vector.shape_cast %swap3A_317 : vector<1x16xf32> to vector<16xf32>
    %swap3A_319 = vector.shape_cast %broadcast_in_dim3A_8 : vector<16xf32> to vector<1x16xf32>
    tpu.vector_store %arg6[%swap3A_315, %swap3A_316], %swap3A_319 {strides = array<i32>} : memref<16x512xf32, #tpu.memory_space<vmem>>, vector<1x16xf32>,
    %swap3A_320 = arith.constant 1 : i32
    %swap3A_321 = arith.index_cast %swap3A_320 : i32 to index
    %swap3A_322 = arith.constant 320 : index
    %swap3A_323 = tpu.vector_load %arg6[%swap3A_321, %swap3A_322] {strides = array<i32>} : memref<16x512xf32, #tpu.memory_space<vmem>>, vector<1x16xf32>,
    %swap3A_324 = vector.shape_cast %swap3A_323 : vector<1x16xf32> to vector<16xf32>
    %swap3A_325 = vector.shape_cast %broadcast_in_dim3A_8 : vector<16xf32> to vector<1x16xf32>
    tpu.vector_store %arg6[%swap3A_321, %swap3A_322], %swap3A_325 {strides = array<i32>} : memref<16x512xf32, #tpu.memory_space<vmem>>, vector<1x16xf32>,
    %swap3A_326 = arith.constant 1 : i32
    %swap3A_327 = arith.index_cast %swap3A_326 : i32 to index
    %swap3A_328 = arith.constant 336 : index
    %swap3A_329 = tpu.vector_load %arg6[%swap3A_327, %swap3A_328] {strides = array<i32>} : memref<16x512xf32, #tpu.memory_space<vmem>>, vector<1x16xf32>,
    %swap3A_330 = vector.shape_cast %swap3A_329 : vector<1x16xf32> to vector<16xf32>
    %swap3A_331 = vector.shape_cast %broadcast_in_dim3A_8 : vector<16xf32> to vector<1x16xf32>
    tpu.vector_store %arg6[%swap3A_327, %swap3A_328], %swap3A_331 {strides = array<i32>} : memref<16x512xf32, #tpu.memory_space<vmem>>, vector<1x16xf32>,
    %swap3A_332 = arith.constant 1 : i32
    %swap3A_333 = arith.index_cast %swap3A_332 : i32 to index
    %swap3A_334 = arith.constant 352 : index
    %swap3A_335 = tpu.vector_load %arg6[%swap3A_333, %swap3A_334] {strides = array<i32>} : memref<16x512xf32, #tpu.memory_space<vmem>>, vector<1x16xf32>,
    %swap3A_336 = vector.shape_cast %swap3A_335 : vector<1x16xf32> to vector<16xf32>
    %swap3A_337 = vector.shape_cast %broadcast_in_dim3A_8 : vector<16xf32> to vector<1x16xf32>
    tpu.vector_store %arg6[%swap3A_333, %swap3A_334], %swap3A_337 {strides = array<i32>} : memref<16x512xf32, #tpu.memory_space<vmem>>, vector<1x16xf32>,
    %swap3A_338 = arith.constant 1 : i32
    %swap3A_339 = arith.index_cast %swap3A_338 : i32 to index
    %swap3A_340 = arith.constant 368 : index
    %swap3A_341 = tpu.vector_load %arg6[%swap3A_339, %swap3A_340] {strides = array<i32>} : memref<16x512xf32, #tpu.memory_space<vmem>>, vector<1x16xf32>,
    %swap3A_342 = vector.shape_cast %swap3A_341 : vector<1x16xf32> to vector<16xf32>
    %swap3A_343 = vector.shape_cast %broadcast_in_dim3A_8 : vector<16xf32> to vector<1x16xf32>
    tpu.vector_store %arg6[%swap3A_339, %swap3A_340], %swap3A_343 {strides = array<i32>} : memref<16x512xf32, #tpu.memory_space<vmem>>, vector<1x16xf32>,
    %swap3A_344 = arith.constant 1 : i32
    %swap3A_345 = arith.index_cast %swap3A_344 : i32 to index
    %swap3A_346 = arith.constant 384 : index
    %swap3A_347 = tpu.vector_load %arg6[%swap3A_345, %swap3A_346] {strides = array<i32>} : memref<16x512xf32, #tpu.memory_space<vmem>>, vector<1x16xf32>,
    %swap3A_348 = vector.shape_cast %swap3A_347 : vector<1x16xf32> to vector<16xf32>
    %swap3A_349 = vector.shape_cast %broadcast_in_dim3A_8 : vector<16xf32> to vector<1x16xf32>
    tpu.vector_store %arg6[%swap3A_345, %swap3A_346], %swap3A_349 {strides = array<i32>} : memref<16x512xf32, #tpu.memory_space<vmem>>, vector<1x16xf32>,
    %swap3A_350 = arith.constant 1 : i32
    %swap3A_351 = arith.index_cast %swap3A_350 : i32 to index
    %swap3A_352 = arith.constant 400 : index
    %swap3A_353 = tpu.vector_load %arg6[%swap3A_351, %swap3A_352] {strides = array<i32>} : memref<16x512xf32, #tpu.memory_space<vmem>>, vector<1x16xf32>,
    %swap3A_354 = vector.shape_cast %swap3A_353 : vector<1x16xf32> to vector<16xf32>
    %swap3A_355 = vector.shape_cast %broadcast_in_dim3A_8 : vector<16xf32> to vector<1x16xf32>
    tpu.vector_store %arg6[%swap3A_351, %swap3A_352], %swap3A_355 {strides = array<i32>} : memref<16x512xf32, #tpu.memory_space<vmem>>, vector<1x16xf32>,
    %swap3A_356 = arith.constant 1 : i32
    %swap3A_357 = arith.index_cast %swap3A_356 : i32 to index
    %swap3A_358 = arith.constant 416 : index
    %swap3A_359 = tpu.vector_load %arg6[%swap3A_357, %swap3A_358] {strides = array<i32>} : memref<16x512xf32, #tpu.memory_space<vmem>>, vector<1x16xf32>,
    %swap3A_360 = vector.shape_cast %swap3A_359 : vector<1x16xf32> to vector<16xf32>
    %swap3A_361 = vector.shape_cast %broadcast_in_dim3A_8 : vector<16xf32> to vector<1x16xf32>
    tpu.vector_store %arg6[%swap3A_357, %swap3A_358], %swap3A_361 {strides = array<i32>} : memref<16x512xf32, #tpu.memory_space<vmem>>, vector<1x16xf32>,
    %swap3A_362 = arith.constant 1 : i32
    %swap3A_363 = arith.index_cast %swap3A_362 : i32 to index
    %swap3A_364 = arith.constant 432 : index
    %swap3A_365 = tpu.vector_load %arg6[%swap3A_363, %swap3A_364] {strides = array<i32>} : memref<16x512xf32, #tpu.memory_space<vmem>>, vector<1x16xf32>,
    %swap3A_366 = vector.shape_cast %swap3A_365 : vector<1x16xf32> to vector<16xf32>
    %swap3A_367 = vector.shape_cast %broadcast_in_dim3A_8 : vector<16xf32> to vector<1x16xf32>
    tpu.vector_store %arg6[%swap3A_363, %swap3A_364], %swap3A_367 {strides = array<i32>} : memref<16x512xf32, #tpu.memory_space<vmem>>, vector<1x16xf32>,
    %swap3A_368 = arith.constant 1 : i32
    %swap3A_369 = arith.index_cast %swap3A_368 : i32 to index
    %swap3A_370 = arith.constant 448 : index
    %swap3A_371 = tpu.vector_load %arg6[%swap3A_369, %swap3A_370] {strides = array<i32>} : memref<16x512xf32, #tpu.memory_space<vmem>>, vector<1x16xf32>,
    %swap3A_372 = vector.shape_cast %swap3A_371 : vector<1x16xf32> to vector<16xf32>
    %swap3A_373 = vector.shape_cast %broadcast_in_dim3A_8 : vector<16xf32> to vector<1x16xf32>
    tpu.vector_store %arg6[%swap3A_369, %swap3A_370], %swap3A_373 {strides = array<i32>} : memref<16x512xf32, #tpu.memory_space<vmem>>, vector<1x16xf32>,
    %swap3A_374 = arith.constant 1 : i32
    %swap3A_375 = arith.index_cast %swap3A_374 : i32 to index
    %swap3A_376 = arith.constant 464 : index
    %swap3A_377 = tpu.vector_load %arg6[%swap3A_375, %swap3A_376] {strides = array<i32>} : memref<16x512xf32, #tpu.memory_space<vmem>>, vector<1x16xf32>,
    %swap3A_378 = vector.shape_cast %swap3A_377 : vector<1x16xf32> to vector<16xf32>
    %swap3A_379 = vector.shape_cast %broadcast_in_dim3A_8 : vector<16xf32> to vector<1x16xf32>
    tpu.vector_store %arg6[%swap3A_375, %swap3A_376], %swap3A_379 {strides = array<i32>} : memref<16x512xf32, #tpu.memory_space<vmem>>, vector<1x16xf32>,
    %swap3A_380 = arith.constant 1 : i32
    %swap3A_381 = arith.index_cast %swap3A_380 : i32 to index
    %swap3A_382 = arith.constant 480 : index
    %swap3A_383 = tpu.vector_load %arg6[%swap3A_381, %swap3A_382] {strides = array<i32>} : memref<16x512xf32, #tpu.memory_space<vmem>>, vector<1x16xf32>,
    %swap3A_384 = vector.shape_cast %swap3A_383 : vector<1x16xf32> to vector<16xf32>
    %swap3A_385 = vector.shape_cast %broadcast_in_dim3A_8 : vector<16xf32> to vector<1x16xf32>
    tpu.vector_store %arg6[%swap3A_381, %swap3A_382], %swap3A_385 {strides = array<i32>} : memref<16x512xf32, #tpu.memory_space<vmem>>, vector<1x16xf32>,
    %swap3A_386 = arith.constant 1 : i32
    %swap3A_387 = arith.index_cast %swap3A_386 : i32 to index
    %swap3A_388 = arith.constant 496 : index
    %swap3A_389 = tpu.vector_load %arg6[%swap3A_387, %swap3A_388] {strides = array<i32>} : memref<16x512xf32, #tpu.memory_space<vmem>>, vector<1x16xf32>,
    %swap3A_390 = vector.shape_cast %swap3A_389 : vector<1x16xf32> to vector<16xf32>
    %swap3A_391 = vector.shape_cast %broadcast_in_dim3A_8 : vector<16xf32> to vector<1x16xf32>
    tpu.vector_store %arg6[%swap3A_387, %swap3A_388], %swap3A_391 {strides = array<i32>} : memref<16x512xf32, #tpu.memory_space<vmem>>, vector<1x16xf32>,
    %swap3A_392 = arith.constant 2 : i32
    %swap3A_393 = arith.index_cast %swap3A_392 : i32 to index
    %swap3A_394 = arith.constant 0 : index
    %swap3A_395 = tpu.vector_load %arg6[%swap3A_393, %swap3A_394] {strides = array<i32>} : memref<16x512xf32, #tpu.memory_space<vmem>>, vector<1x16xf32>,
    %swap3A_396 = vector.shape_cast %swap3A_395 : vector<1x16xf32> to vector<16xf32>
    %swap3A_397 = vector.shape_cast %broadcast_in_dim3A_8 : vector<16xf32> to vector<1x16xf32>
    tpu.vector_store %arg6[%swap3A_393, %swap3A_394], %swap3A_397 {strides = array<i32>} : memref<16x512xf32, #tpu.memory_space<vmem>>, vector<1x16xf32>,
    %swap3A_398 = arith.constant 2 : i32
    %swap3A_399 = arith.index_cast %swap3A_398 : i32 to index
    %swap3A_400 = arith.constant 16 : index
    %swap3A_401 = tpu.vector_load %arg6[%swap3A_399, %swap3A_400] {strides = array<i32>} : memref<16x512xf32, #tpu.memory_space<vmem>>, vector<1x16xf32>,
    %swap3A_402 = vector.shape_cast %swap3A_401 : vector<1x16xf32> to vector<16xf32>
    %swap3A_403 = vector.shape_cast %broadcast_in_dim3A_8 : vector<16xf32> to vector<1x16xf32>
    tpu.vector_store %arg6[%swap3A_399, %swap3A_400], %swap3A_403 {strides = array<i32>} : memref<16x512xf32, #tpu.memory_space<vmem>>, vector<1x16xf32>,
    %swap3A_404 = arith.constant 2 : i32
    %swap3A_405 = arith.index_cast %swap3A_404 : i32 to index
    %swap3A_406 = arith.constant 32 : index
    %swap3A_407 = tpu.vector_load %arg6[%swap3A_405, %swap3A_406] {strides = array<i32>} : memref<16x512xf32, #tpu.memory_space<vmem>>, vector<1x16xf32>,
    %swap3A_408 = vector.shape_cast %swap3A_407 : vector<1x16xf32> to vector<16xf32>
    %swap3A_409 = vector.shape_cast %broadcast_in_dim3A_8 : vector<16xf32> to vector<1x16xf32>
    tpu.vector_store %arg6[%swap3A_405, %swap3A_406], %swap3A_409 {strides = array<i32>} : memref<16x512xf32, #tpu.memory_space<vmem>>, vector<1x16xf32>,
    %swap3A_410 = arith.constant 2 : i32
    %swap3A_411 = arith.index_cast %swap3A_410 : i32 to index
    %swap3A_412 = arith.constant 48 : index
    %swap3A_413 = tpu.vector_load %arg6[%swap3A_411, %swap3A_412] {strides = array<i32>} : memref<16x512xf32, #tpu.memory_space<vmem>>, vector<1x16xf32>,
    %swap3A_414 = vector.shape_cast %swap3A_413 : vector<1x16xf32> to vector<16xf32>
    %swap3A_415 = vector.shape_cast %broadcast_in_dim3A_8 : vector<16xf32> to vector<1x16xf32>
    tpu.vector_store %arg6[%swap3A_411, %swap3A_412], %swap3A_415 {strides = array<i32>} : memref<16x512xf32, #tpu.memory_space<vmem>>, vector<1x16xf32>,
    %swap3A_416 = arith.constant 2 : i32
    %swap3A_417 = arith.index_cast %swap3A_416 : i32 to index
    %swap3A_418 = arith.constant 64 : index
    %swap3A_419 = tpu.vector_load %arg6[%swap3A_417, %swap3A_418] {strides = array<i32>} : memref<16x512xf32, #tpu.memory_space<vmem>>, vector<1x16xf32>,
    %swap3A_420 = vector.shape_cast %swap3A_419 : vector<1x16xf32> to vector<16xf32>
    %swap3A_421 = vector.shape_cast %broadcast_in_dim3A_8 : vector<16xf32> to vector<1x16xf32>
    tpu.vector_store %arg6[%swap3A_417, %swap3A_418], %swap3A_421 {strides = array<i32>} : memref<16x512xf32, #tpu.memory_space<vmem>>, vector<1x16xf32>,
    %swap3A_422 = arith.constant 2 : i32
    %swap3A_423 = arith.index_cast %swap3A_422 : i32 to index
    %swap3A_424 = arith.constant 80 : index
    %swap3A_425 = tpu.vector_load %arg6[%swap3A_423, %swap3A_424] {strides = array<i32>} : memref<16x512xf32, #tpu.memory_space<vmem>>, vector<1x16xf32>,
    %swap3A_426 = vector.shape_cast %swap3A_425 : vector<1x16xf32> to vector<16xf32>
    %swap3A_427 = vector.shape_cast %broadcast_in_dim3A_8 : vector<16xf32> to vector<1x16xf32>
    tpu.vector_store %arg6[%swap3A_423, %swap3A_424], %swap3A_427 {strides = array<i32>} : memref<16x512xf32, #tpu.memory_space<vmem>>, vector<1x16xf32>,
    %swap3A_428 = arith.constant 2 : i32
    %swap3A_429 = arith.index_cast %swap3A_428 : i32 to index
    %swap3A_430 = arith.constant 96 : index
    %swap3A_431 = tpu.vector_load %arg6[%swap3A_429, %swap3A_430] {strides = array<i32>} : memref<16x512xf32, #tpu.memory_space<vmem>>, vector<1x16xf32>,
    %swap3A_432 = vector.shape_cast %swap3A_431 : vector<1x16xf32> to vector<16xf32>
    %swap3A_433 = vector.shape_cast %broadcast_in_dim3A_8 : vector<16xf32> to vector<1x16xf32>
    tpu.vector_store %arg6[%swap3A_429, %swap3A_430], %swap3A_433 {strides = array<i32>} : memref<16x512xf32, #tpu.memory_space<vmem>>, vector<1x16xf32>,
    %swap3A_434 = arith.constant 2 : i32
    %swap3A_435 = arith.index_cast %swap3A_434 : i32 to index
    %swap3A_436 = arith.constant 112 : index
    %swap3A_437 = tpu.vector_load %arg6[%swap3A_435, %swap3A_436] {strides = array<i32>} : memref<16x512xf32, #tpu.memory_space<vmem>>, vector<1x16xf32>,
    %swap3A_438 = vector.shape_cast %swap3A_437 : vector<1x16xf32> to vector<16xf32>
    %swap3A_439 = vector.shape_cast %broadcast_in_dim3A_8 : vector<16xf32> to vector<1x16xf32>
    tpu.vector_store %arg6[%swap3A_435, %swap3A_436], %swap3A_439 {strides = array<i32>} : memref<16x512xf32, #tpu.memory_space<vmem>>, vector<1x16xf32>,
    %swap3A_440 = arith.constant 2 : i32
    %swap3A_441 = arith.index_cast %swap3A_440 : i32 to index
    %swap3A_442 = arith.constant 128 : index
    %swap3A_443 = tpu.vector_load %arg6[%swap3A_441, %swap3A_442] {strides = array<i32>} : memref<16x512xf32, #tpu.memory_space<vmem>>, vector<1x16xf32>,
    %swap3A_444 = vector.shape_cast %swap3A_443 : vector<1x16xf32> to vector<16xf32>
    %swap3A_445 = vector.shape_cast %broadcast_in_dim3A_8 : vector<16xf32> to vector<1x16xf32>
    tpu.vector_store %arg6[%swap3A_441, %swap3A_442], %swap3A_445 {strides = array<i32>} : memref<16x512xf32, #tpu.memory_space<vmem>>, vector<1x16xf32>,
    %swap3A_446 = arith.constant 2 : i32
    %swap3A_447 = arith.index_cast %swap3A_446 : i32 to index
    %swap3A_448 = arith.constant 144 : index
    %swap3A_449 = tpu.vector_load %arg6[%swap3A_447, %swap3A_448] {strides = array<i32>} : memref<16x512xf32, #tpu.memory_space<vmem>>, vector<1x16xf32>,
    %swap3A_450 = vector.shape_cast %swap3A_449 : vector<1x16xf32> to vector<16xf32>
    %swap3A_451 = vector.shape_cast %broadcast_in_dim3A_8 : vector<16xf32> to vector<1x16xf32>
    tpu.vector_store %arg6[%swap3A_447, %swap3A_448], %swap3A_451 {strides = array<i32>} : memref<16x512xf32, #tpu.memory_space<vmem>>, vector<1x16xf32>,
    %swap3A_452 = arith.constant 2 : i32
    %swap3A_453 = arith.index_cast %swap3A_452 : i32 to index
    %swap3A_454 = arith.constant 160 : index
    %swap3A_455 = tpu.vector_load %arg6[%swap3A_453, %swap3A_454] {strides = array<i32>} : memref<16x512xf32, #tpu.memory_space<vmem>>, vector<1x16xf32>,
    %swap3A_456 = vector.shape_cast %swap3A_455 : vector<1x16xf32> to vector<16xf32>
    %swap3A_457 = vector.shape_cast %broadcast_in_dim3A_8 : vector<16xf32> to vector<1x16xf32>
    tpu.vector_store %arg6[%swap3A_453, %swap3A_454], %swap3A_457 {strides = array<i32>} : memref<16x512xf32, #tpu.memory_space<vmem>>, vector<1x16xf32>,
    %swap3A_458 = arith.constant 2 : i32
    %swap3A_459 = arith.index_cast %swap3A_458 : i32 to index
    %swap3A_460 = arith.constant 176 : index
    %swap3A_461 = tpu.vector_load %arg6[%swap3A_459, %swap3A_460] {strides = array<i32>} : memref<16x512xf32, #tpu.memory_space<vmem>>, vector<1x16xf32>,
    %swap3A_462 = vector.shape_cast %swap3A_461 : vector<1x16xf32> to vector<16xf32>
    %swap3A_463 = vector.shape_cast %broadcast_in_dim3A_8 : vector<16xf32> to vector<1x16xf32>
    tpu.vector_store %arg6[%swap3A_459, %swap3A_460], %swap3A_463 {strides = array<i32>} : memref<16x512xf32, #tpu.memory_space<vmem>>, vector<1x16xf32>,
    %swap3A_464 = arith.constant 2 : i32
    %swap3A_465 = arith.index_cast %swap3A_464 : i32 to index
    %swap3A_466 = arith.constant 192 : index
    %swap3A_467 = tpu.vector_load %arg6[%swap3A_465, %swap3A_466] {strides = array<i32>} : memref<16x512xf32, #tpu.memory_space<vmem>>, vector<1x16xf32>,
    %swap3A_468 = vector.shape_cast %swap3A_467 : vector<1x16xf32> to vector<16xf32>
    %swap3A_469 = vector.shape_cast %broadcast_in_dim3A_8 : vector<16xf32> to vector<1x16xf32>
    tpu.vector_store %arg6[%swap3A_465, %swap3A_466], %swap3A_469 {strides = array<i32>} : memref<16x512xf32, #tpu.memory_space<vmem>>, vector<1x16xf32>,
    %swap3A_470 = arith.constant 2 : i32
    %swap3A_471 = arith.index_cast %swap3A_470 : i32 to index
    %swap3A_472 = arith.constant 208 : index
    %swap3A_473 = tpu.vector_load %arg6[%swap3A_471, %swap3A_472] {strides = array<i32>} : memref<16x512xf32, #tpu.memory_space<vmem>>, vector<1x16xf32>,
    %swap3A_474 = vector.shape_cast %swap3A_473 : vector<1x16xf32> to vector<16xf32>
    %swap3A_475 = vector.shape_cast %broadcast_in_dim3A_8 : vector<16xf32> to vector<1x16xf32>
    tpu.vector_store %arg6[%swap3A_471, %swap3A_472], %swap3A_475 {strides = array<i32>} : memref<16x512xf32, #tpu.memory_space<vmem>>, vector<1x16xf32>,
    %swap3A_476 = arith.constant 2 : i32
    %swap3A_477 = arith.index_cast %swap3A_476 : i32 to index
    %swap3A_478 = arith.constant 224 : index
    %swap3A_479 = tpu.vector_load %arg6[%swap3A_477, %swap3A_478] {strides = array<i32>} : memref<16x512xf32, #tpu.memory_space<vmem>>, vector<1x16xf32>,
    %swap3A_480 = vector.shape_cast %swap3A_479 : vector<1x16xf32> to vector<16xf32>
    %swap3A_481 = vector.shape_cast %broadcast_in_dim3A_8 : vector<16xf32> to vector<1x16xf32>
    tpu.vector_store %arg6[%swap3A_477, %swap3A_478], %swap3A_481 {strides = array<i32>} : memref<16x512xf32, #tpu.memory_space<vmem>>, vector<1x16xf32>,
    %swap3A_482 = arith.constant 2 : i32
    %swap3A_483 = arith.index_cast %swap3A_482 : i32 to index
    %swap3A_484 = arith.constant 240 : index
    %swap3A_485 = tpu.vector_load %arg6[%swap3A_483, %swap3A_484] {strides = array<i32>} : memref<16x512xf32, #tpu.memory_space<vmem>>, vector<1x16xf32>,
    %swap3A_486 = vector.shape_cast %swap3A_485 : vector<1x16xf32> to vector<16xf32>
    %swap3A_487 = vector.shape_cast %broadcast_in_dim3A_8 : vector<16xf32> to vector<1x16xf32>
    tpu.vector_store %arg6[%swap3A_483, %swap3A_484], %swap3A_487 {strides = array<i32>} : memref<16x512xf32, #tpu.memory_space<vmem>>, vector<1x16xf32>,
    %swap3A_488 = arith.constant 2 : i32
    %swap3A_489 = arith.index_cast %swap3A_488 : i32 to index
    %swap3A_490 = arith.constant 256 : index
    %swap3A_491 = tpu.vector_load %arg6[%swap3A_489, %swap3A_490] {strides = array<i32>} : memref<16x512xf32, #tpu.memory_space<vmem>>, vector<1x16xf32>,
    %swap3A_492 = vector.shape_cast %swap3A_491 : vector<1x16xf32> to vector<16xf32>
    %swap3A_493 = vector.shape_cast %broadcast_in_dim3A_8 : vector<16xf32> to vector<1x16xf32>
    tpu.vector_store %arg6[%swap3A_489, %swap3A_490], %swap3A_493 {strides = array<i32>} : memref<16x512xf32, #tpu.memory_space<vmem>>, vector<1x16xf32>,
    %swap3A_494 = arith.constant 2 : i32
    %swap3A_495 = arith.index_cast %swap3A_494 : i32 to index
    %swap3A_496 = arith.constant 272 : index
    %swap3A_497 = tpu.vector_load %arg6[%swap3A_495, %swap3A_496] {strides = array<i32>} : memref<16x512xf32, #tpu.memory_space<vmem>>, vector<1x16xf32>,
    %swap3A_498 = vector.shape_cast %swap3A_497 : vector<1x16xf32> to vector<16xf32>
    %swap3A_499 = vector.shape_cast %broadcast_in_dim3A_8 : vector<16xf32> to vector<1x16xf32>
    tpu.vector_store %arg6[%swap3A_495, %swap3A_496], %swap3A_499 {strides = array<i32>} : memref<16x512xf32, #tpu.memory_space<vmem>>, vector<1x16xf32>,
    %swap3A_500 = arith.constant 2 : i32
    %swap3A_501 = arith.index_cast %swap3A_500 : i32 to index
    %swap3A_502 = arith.constant 288 : index
    %swap3A_503 = tpu.vector_load %arg6[%swap3A_501, %swap3A_502] {strides = array<i32>} : memref<16x512xf32, #tpu.memory_space<vmem>>, vector<1x16xf32>,
    %swap3A_504 = vector.shape_cast %swap3A_503 : vector<1x16xf32> to vector<16xf32>
    %swap3A_505 = vector.shape_cast %broadcast_in_dim3A_8 : vector<16xf32> to vector<1x16xf32>
    tpu.vector_store %arg6[%swap3A_501, %swap3A_502], %swap3A_505 {strides = array<i32>} : memref<16x512xf32, #tpu.memory_space<vmem>>, vector<1x16xf32>,
    %swap3A_506 = arith.constant 2 : i32
    %swap3A_507 = arith.index_cast %swap3A_506 : i32 to index
    %swap3A_508 = arith.constant 304 : index
    %swap3A_509 = tpu.vector_load %arg6[%swap3A_507, %swap3A_508] {strides = array<i32>} : memref<16x512xf32, #tpu.memory_space<vmem>>, vector<1x16xf32>,
    %swap3A_510 = vector.shape_cast %swap3A_509 : vector<1x16xf32> to vector<16xf32>
    %swap3A_511 = vector.shape_cast %broadcast_in_dim3A_8 : vector<16xf32> to vector<1x16xf32>
    tpu.vector_store %arg6[%swap3A_507, %swap3A_508], %swap3A_511 {strides = array<i32>} : memref<16x512xf32, #tpu.memory_space<vmem>>, vector<1x16xf32>,
    %swap3A_512 = arith.constant 2 : i32
    %swap3A_513 = arith.index_cast %swap3A_512 : i32 to index
    %swap3A_514 = arith.constant 320 : index
    %swap3A_515 = tpu.vector_load %arg6[%swap3A_513, %swap3A_514] {strides = array<i32>} : memref<16x512xf32, #tpu.memory_space<vmem>>, vector<1x16xf32>,
    %swap3A_516 = vector.shape_cast %swap3A_515 : vector<1x16xf32> to vector<16xf32>
    %swap3A_517 = vector.shape_cast %broadcast_in_dim3A_8 : vector<16xf32> to vector<1x16xf32>
    tpu.vector_store %arg6[%swap3A_513, %swap3A_514], %swap3A_517 {strides = array<i32>} : memref<16x512xf32, #tpu.memory_space<vmem>>, vector<1x16xf32>,
    %swap3A_518 = arith.constant 2 : i32
    %swap3A_519 = arith.index_cast %swap3A_518 : i32 to index
    %swap3A_520 = arith.constant 336 : index
    %swap3A_521 = tpu.vector_load %arg6[%swap3A_519, %swap3A_520] {strides = array<i32>} : memref<16x512xf32, #tpu.memory_space<vmem>>, vector<1x16xf32>,
    %swap3A_522 = vector.shape_cast %swap3A_521 : vector<1x16xf32> to vector<16xf32>
    %swap3A_523 = vector.shape_cast %broadcast_in_dim3A_8 : vector<16xf32> to vector<1x16xf32>
    tpu.vector_store %arg6[%swap3A_519, %swap3A_520], %swap3A_523 {strides = array<i32>} : memref<16x512xf32, #tpu.memory_space<vmem>>, vector<1x16xf32>,
    %swap3A_524 = arith.constant 2 : i32
    %swap3A_525 = arith.index_cast %swap3A_524 : i32 to index
    %swap3A_526 = arith.constant 352 : index
    %swap3A_527 = tpu.vector_load %arg6[%swap3A_525, %swap3A_526] {strides = array<i32>} : memref<16x512xf32, #tpu.memory_space<vmem>>, vector<1x16xf32>,
    %swap3A_528 = vector.shape_cast %swap3A_527 : vector<1x16xf32> to vector<16xf32>
    %swap3A_529 = vector.shape_cast %broadcast_in_dim3A_8 : vector<16xf32> to vector<1x16xf32>
    tpu.vector_store %arg6[%swap3A_525, %swap3A_526], %swap3A_529 {strides = array<i32>} : memref<16x512xf32, #tpu.memory_space<vmem>>, vector<1x16xf32>,
    %swap3A_530 = arith.constant 2 : i32
    %swap3A_531 = arith.index_cast %swap3A_530 : i32 to index
    %swap3A_532 = arith.constant 368 : index
    %swap3A_533 = tpu.vector_load %arg6[%swap3A_531, %swap3A_532] {strides = array<i32>} : memref<16x512xf32, #tpu.memory_space<vmem>>, vector<1x16xf32>,
    %swap3A_534 = vector.shape_cast %swap3A_533 : vector<1x16xf32> to vector<16xf32>
    %swap3A_535 = vector.shape_cast %broadcast_in_dim3A_8 : vector<16xf32> to vector<1x16xf32>
    tpu.vector_store %arg6[%swap3A_531, %swap3A_532], %swap3A_535 {strides = array<i32>} : memref<16x512xf32, #tpu.memory_space<vmem>>, vector<1x16xf32>,
    %swap3A_536 = arith.constant 2 : i32
    %swap3A_537 = arith.index_cast %swap3A_536 : i32 to index
    %swap3A_538 = arith.constant 384 : index
    %swap3A_539 = tpu.vector_load %arg6[%swap3A_537, %swap3A_538] {strides = array<i32>} : memref<16x512xf32, #tpu.memory_space<vmem>>, vector<1x16xf32>,
    %swap3A_540 = vector.shape_cast %swap3A_539 : vector<1x16xf32> to vector<16xf32>
    %swap3A_541 = vector.shape_cast %broadcast_in_dim3A_8 : vector<16xf32> to vector<1x16xf32>
    tpu.vector_store %arg6[%swap3A_537, %swap3A_538], %swap3A_541 {strides = array<i32>} : memref<16x512xf32, #tpu.memory_space<vmem>>, vector<1x16xf32>,
    %swap3A_542 = arith.constant 2 : i32
    %swap3A_543 = arith.index_cast %swap3A_542 : i32 to index
    %swap3A_544 = arith.constant 400 : index
    %swap3A_545 = tpu.vector_load %arg6[%swap3A_543, %swap3A_544] {strides = array<i32>} : memref<16x512xf32, #tpu.memory_space<vmem>>, vector<1x16xf32>,
    %swap3A_546 = vector.shape_cast %swap3A_545 : vector<1x16xf32> to vector<16xf32>
    %swap3A_547 = vector.shape_cast %broadcast_in_dim3A_8 : vector<16xf32> to vector<1x16xf32>
    tpu.vector_store %arg6[%swap3A_543, %swap3A_544], %swap3A_547 {strides = array<i32>} : memref<16x512xf32, #tpu.memory_space<vmem>>, vector<1x16xf32>,
    %swap3A_548 = arith.constant 2 : i32
    %swap3A_549 = arith.index_cast %swap3A_548 : i32 to index
    %swap3A_550 = arith.constant 416 : index
    %swap3A_551 = tpu.vector_load %arg6[%swap3A_549, %swap3A_550] {strides = array<i32>} : memref<16x512xf32, #tpu.memory_space<vmem>>, vector<1x16xf32>,
    %swap3A_552 = vector.shape_cast %swap3A_551 : vector<1x16xf32> to vector<16xf32>
    %swap3A_553 = vector.shape_cast %broadcast_in_dim3A_8 : vector<16xf32> to vector<1x16xf32>
    tpu.vector_store %arg6[%swap3A_549, %swap3A_550], %swap3A_553 {strides = array<i32>} : memref<16x512xf32, #tpu.memory_space<vmem>>, vector<1x16xf32>,
    %swap3A_554 = arith.constant 2 : i32
    %swap3A_555 = arith.index_cast %swap3A_554 : i32 to index
    %swap3A_556 = arith.constant 432 : index
    %swap3A_557 = tpu.vector_load %arg6[%swap3A_555, %swap3A_556] {strides = array<i32>} : memref<16x512xf32, #tpu.memory_space<vmem>>, vector<1x16xf32>,
    %swap3A_558 = vector.shape_cast %swap3A_557 : vector<1x16xf32> to vector<16xf32>
    %swap3A_559 = vector.shape_cast %broadcast_in_dim3A_8 : vector<16xf32> to vector<1x16xf32>
    tpu.vector_store %arg6[%swap3A_555, %swap3A_556], %swap3A_559 {strides = array<i32>} : memref<16x512xf32, #tpu.memory_space<vmem>>, vector<1x16xf32>,
    %swap3A_560 = arith.constant 2 : i32
    %swap3A_561 = arith.index_cast %swap3A_560 : i32 to index
    %swap3A_562 = arith.constant 448 : index
    %swap3A_563 = tpu.vector_load %arg6[%swap3A_561, %swap3A_562] {strides = array<i32>} : memref<16x512xf32, #tpu.memory_space<vmem>>, vector<1x16xf32>,
    %swap3A_564 = vector.shape_cast %swap3A_563 : vector<1x16xf32> to vector<16xf32>
    %swap3A_565 = vector.shape_cast %broadcast_in_dim3A_8 : vector<16xf32> to vector<1x16xf32>
    tpu.vector_store %arg6[%swap3A_561, %swap3A_562], %swap3A_565 {strides = array<i32>} : memref<16x512xf32, #tpu.memory_space<vmem>>, vector<1x16xf32>,
    %swap3A_566 = arith.constant 2 : i32
    %swap3A_567 = arith.index_cast %swap3A_566 : i32 to index
    %swap3A_568 = arith.constant 464 : index
    %swap3A_569 = tpu.vector_load %arg6[%swap3A_567, %swap3A_568] {strides = array<i32>} : memref<16x512xf32, #tpu.memory_space<vmem>>, vector<1x16xf32>,
    %swap3A_570 = vector.shape_cast %swap3A_569 : vector<1x16xf32> to vector<16xf32>
    %swap3A_571 = vector.shape_cast %broadcast_in_dim3A_8 : vector<16xf32> to vector<1x16xf32>
    tpu.vector_store %arg6[%swap3A_567, %swap3A_568], %swap3A_571 {strides = array<i32>} : memref<16x512xf32, #tpu.memory_space<vmem>>, vector<1x16xf32>,
    %swap3A_572 = arith.constant 2 : i32
    %swap3A_573 = arith.index_cast %swap3A_572 : i32 to index
    %swap3A_574 = arith.constant 480 : index
    %swap3A_575 = tpu.vector_load %arg6[%swap3A_573, %swap3A_574] {strides = array<i32>} : memref<16x512xf32, #tpu.memory_space<vmem>>, vector<1x16xf32>,
    %swap3A_576 = vector.shape_cast %swap3A_575 : vector<1x16xf32> to vector<16xf32>
    %swap3A_577 = vector.shape_cast %broadcast_in_dim3A_8 : vector<16xf32> to vector<1x16xf32>
    tpu.vector_store %arg6[%swap3A_573, %swap3A_574], %swap3A_577 {strides = array<i32>} : memref<16x512xf32, #tpu.memory_space<vmem>>, vector<1x16xf32>,
    %swap3A_578 = arith.constant 2 : i32
    %swap3A_579 = arith.index_cast %swap3A_578 : i32 to index
    %swap3A_580 = arith.constant 496 : index
    %swap3A_581 = tpu.vector_load %arg6[%swap3A_579, %swap3A_580] {strides = array<i32>} : memref<16x512xf32, #tpu.memory_space<vmem>>, vector<1x16xf32>,
    %swap3A_582 = vector.shape_cast %swap3A_581 : vector<1x16xf32> to vector<16xf32>
    %swap3A_583 = vector.shape_cast %broadcast_in_dim3A_8 : vector<16xf32> to vector<1x16xf32>
    tpu.vector_store %arg6[%swap3A_579, %swap3A_580], %swap3A_583 {strides = array<i32>} : memref<16x512xf32, #tpu.memory_space<vmem>>, vector<1x16xf32>,
    %swap3A_584 = arith.constant 3 : i32
    %swap3A_585 = arith.index_cast %swap3A_584 : i32 to index
    %swap3A_586 = arith.constant 0 : index
    %swap3A_587 = tpu.vector_load %arg6[%swap3A_585, %swap3A_586] {strides = array<i32>} : memref<16x512xf32, #tpu.memory_space<vmem>>, vector<1x16xf32>,
    %swap3A_588 = vector.shape_cast %swap3A_587 : vector<1x16xf32> to vector<16xf32>
    %swap3A_589 = vector.shape_cast %broadcast_in_dim3A_8 : vector<16xf32> to vector<1x16xf32>
    tpu.vector_store %arg6[%swap3A_585, %swap3A_586], %swap3A_589 {strides = array<i32>} : memref<16x512xf32, #tpu.memory_space<vmem>>, vector<1x16xf32>,
    %swap3A_590 = arith.constant 3 : i32
    %swap3A_591 = arith.index_cast %swap3A_590 : i32 to index
    %swap3A_592 = arith.constant 16 : index
    %swap3A_593 = tpu.vector_load %arg6[%swap3A_591, %swap3A_592] {strides = array<i32>} : memref<16x512xf32, #tpu.memory_space<vmem>>, vector<1x16xf32>,
    %swap3A_594 = vector.shape_cast %swap3A_593 : vector<1x16xf32> to vector<16xf32>
    %swap3A_595 = vector.shape_cast %broadcast_in_dim3A_8 : vector<16xf32> to vector<1x16xf32>
    tpu.vector_store %arg6[%swap3A_591, %swap3A_592], %swap3A_595 {strides = array<i32>} : memref<16x512xf32, #tpu.memory_space<vmem>>, vector<1x16xf32>,
    %swap3A_596 = arith.constant 3 : i32
    %swap3A_597 = arith.index_cast %swap3A_596 : i32 to index
    %swap3A_598 = arith.constant 32 : index
    %swap3A_599 = tpu.vector_load %arg6[%swap3A_597, %swap3A_598] {strides = array<i32>} : memref<16x512xf32, #tpu.memory_space<vmem>>, vector<1x16xf32>,
    %swap3A_600 = vector.shape_cast %swap3A_599 : vector<1x16xf32> to vector<16xf32>
    %swap3A_601 = vector.shape_cast %broadcast_in_dim3A_8 : vector<16xf32> to vector<1x16xf32>
    tpu.vector_store %arg6[%swap3A_597, %swap3A_598], %swap3A_601 {strides = array<i32>} : memref<16x512xf32, #tpu.memory_space<vmem>>, vector<1x16xf32>,
    %swap3A_602 = arith.constant 3 : i32
    %swap3A_603 = arith.index_cast %swap3A_602 : i32 to index
    %swap3A_604 = arith.constant 48 : index
    %swap3A_605 = tpu.vector_load %arg6[%swap3A_603, %swap3A_604] {strides = array<i32>} : memref<16x512xf32, #tpu.memory_space<vmem>>, vector<1x16xf32>,
    %swap3A_606 = vector.shape_cast %swap3A_605 : vector<1x16xf32> to vector<16xf32>
    %swap3A_607 = vector.shape_cast %broadcast_in_dim3A_8 : vector<16xf32> to vector<1x16xf32>
    tpu.vector_store %arg6[%swap3A_603, %swap3A_604], %swap3A_607 {strides = array<i32>} : memref<16x512xf32, #tpu.memory_space<vmem>>, vector<1x16xf32>,
    %swap3A_608 = arith.constant 3 : i32
    %swap3A_609 = arith.index_cast %swap3A_608 : i32 to index
    %swap3A_610 = arith.constant 64 : index
    %swap3A_611 = tpu.vector_load %arg6[%swap3A_609, %swap3A_610] {strides = array<i32>} : memref<16x512xf32, #tpu.memory_space<vmem>>, vector<1x16xf32>,
    %swap3A_612 = vector.shape_cast %swap3A_611 : vector<1x16xf32> to vector<16xf32>
    %swap3A_613 = vector.shape_cast %broadcast_in_dim3A_8 : vector<16xf32> to vector<1x16xf32>
    tpu.vector_store %arg6[%swap3A_609, %swap3A_610], %swap3A_613 {strides = array<i32>} : memref<16x512xf32, #tpu.memory_space<vmem>>, vector<1x16xf32>,
    %swap3A_614 = arith.constant 3 : i32
    %swap3A_615 = arith.index_cast %swap3A_614 : i32 to index
    %swap3A_616 = arith.constant 80 : index
    %swap3A_617 = tpu.vector_load %arg6[%swap3A_615, %swap3A_616] {strides = array<i32>} : memref<16x512xf32, #tpu.memory_space<vmem>>, vector<1x16xf32>,
    %swap3A_618 = vector.shape_cast %swap3A_617 : vector<1x16xf32> to vector<16xf32>
    %swap3A_619 = vector.shape_cast %broadcast_in_dim3A_8 : vector<16xf32> to vector<1x16xf32>
    tpu.vector_store %arg6[%swap3A_615, %swap3A_616], %swap3A_619 {strides = array<i32>} : memref<16x512xf32, #tpu.memory_space<vmem>>, vector<1x16xf32>,
    %swap3A_620 = arith.constant 3 : i32
    %swap3A_621 = arith.index_cast %swap3A_620 : i32 to index
    %swap3A_622 = arith.constant 96 : index
    %swap3A_623 = tpu.vector_load %arg6[%swap3A_621, %swap3A_622] {strides = array<i32>} : memref<16x512xf32, #tpu.memory_space<vmem>>, vector<1x16xf32>,
    %swap3A_624 = vector.shape_cast %swap3A_623 : vector<1x16xf32> to vector<16xf32>
    %swap3A_625 = vector.shape_cast %broadcast_in_dim3A_8 : vector<16xf32> to vector<1x16xf32>
    tpu.vector_store %arg6[%swap3A_621, %swap3A_622], %swap3A_625 {strides = array<i32>} : memref<16x512xf32, #tpu.memory_space<vmem>>, vector<1x16xf32>,
    %swap3A_626 = arith.constant 3 : i32
    %swap3A_627 = arith.index_cast %swap3A_626 : i32 to index
    %swap3A_628 = arith.constant 112 : index
    %swap3A_629 = tpu.vector_load %arg6[%swap3A_627, %swap3A_628] {strides = array<i32>} : memref<16x512xf32, #tpu.memory_space<vmem>>, vector<1x16xf32>,
    %swap3A_630 = vector.shape_cast %swap3A_629 : vector<1x16xf32> to vector<16xf32>
    %swap3A_631 = vector.shape_cast %broadcast_in_dim3A_8 : vector<16xf32> to vector<1x16xf32>
    tpu.vector_store %arg6[%swap3A_627, %swap3A_628], %swap3A_631 {strides = array<i32>} : memref<16x512xf32, #tpu.memory_space<vmem>>, vector<1x16xf32>,
    %swap3A_632 = arith.constant 3 : i32
    %swap3A_633 = arith.index_cast %swap3A_632 : i32 to index
    %swap3A_634 = arith.constant 128 : index
    %swap3A_635 = tpu.vector_load %arg6[%swap3A_633, %swap3A_634] {strides = array<i32>} : memref<16x512xf32, #tpu.memory_space<vmem>>, vector<1x16xf32>,
    %swap3A_636 = vector.shape_cast %swap3A_635 : vector<1x16xf32> to vector<16xf32>
    %swap3A_637 = vector.shape_cast %broadcast_in_dim3A_8 : vector<16xf32> to vector<1x16xf32>
    tpu.vector_store %arg6[%swap3A_633, %swap3A_634], %swap3A_637 {strides = array<i32>} : memref<16x512xf32, #tpu.memory_space<vmem>>, vector<1x16xf32>,
    %swap3A_638 = arith.constant 3 : i32
    %swap3A_639 = arith.index_cast %swap3A_638 : i32 to index
    %swap3A_640 = arith.constant 144 : index
    %swap3A_641 = tpu.vector_load %arg6[%swap3A_639, %swap3A_640] {strides = array<i32>} : memref<16x512xf32, #tpu.memory_space<vmem>>, vector<1x16xf32>,
    %swap3A_642 = vector.shape_cast %swap3A_641 : vector<1x16xf32> to vector<16xf32>
    %swap3A_643 = vector.shape_cast %broadcast_in_dim3A_8 : vector<16xf32> to vector<1x16xf32>
    tpu.vector_store %arg6[%swap3A_639, %swap3A_640], %swap3A_643 {strides = array<i32>} : memref<16x512xf32, #tpu.memory_space<vmem>>, vector<1x16xf32>,
    %swap3A_644 = arith.constant 3 : i32
    %swap3A_645 = arith.index_cast %swap3A_644 : i32 to index
    %swap3A_646 = arith.constant 160 : index
    %swap3A_647 = tpu.vector_load %arg6[%swap3A_645, %swap3A_646] {strides = array<i32>} : memref<16x512xf32, #tpu.memory_space<vmem>>, vector<1x16xf32>,
    %swap3A_648 = vector.shape_cast %swap3A_647 : vector<1x16xf32> to vector<16xf32>
    %swap3A_649 = vector.shape_cast %broadcast_in_dim3A_8 : vector<16xf32> to vector<1x16xf32>
    tpu.vector_store %arg6[%swap3A_645, %swap3A_646], %swap3A_649 {strides = array<i32>} : memref<16x512xf32, #tpu.memory_space<vmem>>, vector<1x16xf32>,
    %swap3A_650 = arith.constant 3 : i32
    %swap3A_651 = arith.index_cast %swap3A_650 : i32 to index
    %swap3A_652 = arith.constant 176 : index
    %swap3A_653 = tpu.vector_load %arg6[%swap3A_651, %swap3A_652] {strides = array<i32>} : memref<16x512xf32, #tpu.memory_space<vmem>>, vector<1x16xf32>,
    %swap3A_654 = vector.shape_cast %swap3A_653 : vector<1x16xf32> to vector<16xf32>
    %swap3A_655 = vector.shape_cast %broadcast_in_dim3A_8 : vector<16xf32> to vector<1x16xf32>
    tpu.vector_store %arg6[%swap3A_651, %swap3A_652], %swap3A_655 {strides = array<i32>} : memref<16x512xf32, #tpu.memory_space<vmem>>, vector<1x16xf32>,
    %swap3A_656 = arith.constant 3 : i32
    %swap3A_657 = arith.index_cast %swap3A_656 : i32 to index
    %swap3A_658 = arith.constant 192 : index
    %swap3A_659 = tpu.vector_load %arg6[%swap3A_657, %swap3A_658] {strides = array<i32>} : memref<16x512xf32, #tpu.memory_space<vmem>>, vector<1x16xf32>,
    %swap3A_660 = vector.shape_cast %swap3A_659 : vector<1x16xf32> to vector<16xf32>
    %swap3A_661 = vector.shape_cast %broadcast_in_dim3A_8 : vector<16xf32> to vector<1x16xf32>
    tpu.vector_store %arg6[%swap3A_657, %swap3A_658], %swap3A_661 {strides = array<i32>} : memref<16x512xf32, #tpu.memory_space<vmem>>, vector<1x16xf32>,
    %swap3A_662 = arith.constant 3 : i32
    %swap3A_663 = arith.index_cast %swap3A_662 : i32 to index
    %swap3A_664 = arith.constant 208 : index
    %swap3A_665 = tpu.vector_load %arg6[%swap3A_663, %swap3A_664] {strides = array<i32>} : memref<16x512xf32, #tpu.memory_space<vmem>>, vector<1x16xf32>,
    %swap3A_666 = vector.shape_cast %swap3A_665 : vector<1x16xf32> to vector<16xf32>
    %swap3A_667 = vector.shape_cast %broadcast_in_dim3A_8 : vector<16xf32> to vector<1x16xf32>
    tpu.vector_store %arg6[%swap3A_663, %swap3A_664], %swap3A_667 {strides = array<i32>} : memref<16x512xf32, #tpu.memory_space<vmem>>, vector<1x16xf32>,
    %swap3A_668 = arith.constant 3 : i32
    %swap3A_669 = arith.index_cast %swap3A_668 : i32 to index
    %swap3A_670 = arith.constant 224 : index
    %swap3A_671 = tpu.vector_load %arg6[%swap3A_669, %swap3A_670] {strides = array<i32>} : memref<16x512xf32, #tpu.memory_space<vmem>>, vector<1x16xf32>,
    %swap3A_672 = vector.shape_cast %swap3A_671 : vector<1x16xf32> to vector<16xf32>
    %swap3A_673 = vector.shape_cast %broadcast_in_dim3A_8 : vector<16xf32> to vector<1x16xf32>
    tpu.vector_store %arg6[%swap3A_669, %swap3A_670], %swap3A_673 {strides = array<i32>} : memref<16x512xf32, #tpu.memory_space<vmem>>, vector<1x16xf32>,
    %swap3A_674 = arith.constant 3 : i32
    %swap3A_675 = arith.index_cast %swap3A_674 : i32 to index
    %swap3A_676 = arith.constant 240 : index
    %swap3A_677 = tpu.vector_load %arg6[%swap3A_675, %swap3A_676] {strides = array<i32>} : memref<16x512xf32, #tpu.memory_space<vmem>>, vector<1x16xf32>,
    %swap3A_678 = vector.shape_cast %swap3A_677 : vector<1x16xf32> to vector<16xf32>
    %swap3A_679 = vector.shape_cast %broadcast_in_dim3A_8 : vector<16xf32> to vector<1x16xf32>
    tpu.vector_store %arg6[%swap3A_675, %swap3A_676], %swap3A_679 {strides = array<i32>} : memref<16x512xf32, #tpu.memory_space<vmem>>, vector<1x16xf32>,
    %swap3A_680 = arith.constant 3 : i32
    %swap3A_681 = arith.index_cast %swap3A_680 : i32 to index
    %swap3A_682 = arith.constant 256 : index
    %swap3A_683 = tpu.vector_load %arg6[%swap3A_681, %swap3A_682] {strides = array<i32>} : memref<16x512xf32, #tpu.memory_space<vmem>>, vector<1x16xf32>,
    %swap3A_684 = vector.shape_cast %swap3A_683 : vector<1x16xf32> to vector<16xf32>
    %swap3A_685 = vector.shape_cast %broadcast_in_dim3A_8 : vector<16xf32> to vector<1x16xf32>
    tpu.vector_store %arg6[%swap3A_681, %swap3A_682], %swap3A_685 {strides = array<i32>} : memref<16x512xf32, #tpu.memory_space<vmem>>, vector<1x16xf32>,
    %swap3A_686 = arith.constant 3 : i32
    %swap3A_687 = arith.index_cast %swap3A_686 : i32 to index
    %swap3A_688 = arith.constant 272 : index
    %swap3A_689 = tpu.vector_load %arg6[%swap3A_687, %swap3A_688] {strides = array<i32>} : memref<16x512xf32, #tpu.memory_space<vmem>>, vector<1x16xf32>,
    %swap3A_690 = vector.shape_cast %swap3A_689 : vector<1x16xf32> to vector<16xf32>
    %swap3A_691 = vector.shape_cast %broadcast_in_dim3A_8 : vector<16xf32> to vector<1x16xf32>
    tpu.vector_store %arg6[%swap3A_687, %swap3A_688], %swap3A_691 {strides = array<i32>} : memref<16x512xf32, #tpu.memory_space<vmem>>, vector<1x16xf32>,
    %swap3A_692 = arith.constant 3 : i32
    %swap3A_693 = arith.index_cast %swap3A_692 : i32 to index
    %swap3A_694 = arith.constant 288 : index
    %swap3A_695 = tpu.vector_load %arg6[%swap3A_693, %swap3A_694] {strides = array<i32>} : memref<16x512xf32, #tpu.memory_space<vmem>>, vector<1x16xf32>,
    %swap3A_696 = vector.shape_cast %swap3A_695 : vector<1x16xf32> to vector<16xf32>
    %swap3A_697 = vector.shape_cast %broadcast_in_dim3A_8 : vector<16xf32> to vector<1x16xf32>
    tpu.vector_store %arg6[%swap3A_693, %swap3A_694], %swap3A_697 {strides = array<i32>} : memref<16x512xf32, #tpu.memory_space<vmem>>, vector<1x16xf32>,
    %swap3A_698 = arith.constant 3 : i32
    %swap3A_699 = arith.index_cast %swap3A_698 : i32 to index
    %swap3A_700 = arith.constant 304 : index
    %swap3A_701 = tpu.vector_load %arg6[%swap3A_699, %swap3A_700] {strides = array<i32>} : memref<16x512xf32, #tpu.memory_space<vmem>>, vector<1x16xf32>,
    %swap3A_702 = vector.shape_cast %swap3A_701 : vector<1x16xf32> to vector<16xf32>
    %swap3A_703 = vector.shape_cast %broadcast_in_dim3A_8 : vector<16xf32> to vector<1x16xf32>
    tpu.vector_store %arg6[%swap3A_699, %swap3A_700], %swap3A_703 {strides = array<i32>} : memref<16x512xf32, #tpu.memory_space<vmem>>, vector<1x16xf32>,
    %swap3A_704 = arith.constant 3 : i32
    %swap3A_705 = arith.index_cast %swap3A_704 : i32 to index
    %swap3A_706 = arith.constant 320 : index
    %swap3A_707 = tpu.vector_load %arg6[%swap3A_705, %swap3A_706] {strides = array<i32>} : memref<16x512xf32, #tpu.memory_space<vmem>>, vector<1x16xf32>,
    %swap3A_708 = vector.shape_cast %swap3A_707 : vector<1x16xf32> to vector<16xf32>
    %swap3A_709 = vector.shape_cast %broadcast_in_dim3A_8 : vector<16xf32> to vector<1x16xf32>
    tpu.vector_store %arg6[%swap3A_705, %swap3A_706], %swap3A_709 {strides = array<i32>} : memref<16x512xf32, #tpu.memory_space<vmem>>, vector<1x16xf32>,
    %swap3A_710 = arith.constant 3 : i32
    %swap3A_711 = arith.index_cast %swap3A_710 : i32 to index
    %swap3A_712 = arith.constant 336 : index
    %swap3A_713 = tpu.vector_load %arg6[%swap3A_711, %swap3A_712] {strides = array<i32>} : memref<16x512xf32, #tpu.memory_space<vmem>>, vector<1x16xf32>,
    %swap3A_714 = vector.shape_cast %swap3A_713 : vector<1x16xf32> to vector<16xf32>
    %swap3A_715 = vector.shape_cast %broadcast_in_dim3A_8 : vector<16xf32> to vector<1x16xf32>
    tpu.vector_store %arg6[%swap3A_711, %swap3A_712], %swap3A_715 {strides = array<i32>} : memref<16x512xf32, #tpu.memory_space<vmem>>, vector<1x16xf32>,
    %swap3A_716 = arith.constant 3 : i32
    %swap3A_717 = arith.index_cast %swap3A_716 : i32 to index
    %swap3A_718 = arith.constant 352 : index
    %swap3A_719 = tpu.vector_load %arg6[%swap3A_717, %swap3A_718] {strides = array<i32>} : memref<16x512xf32, #tpu.memory_space<vmem>>, vector<1x16xf32>,
    %swap3A_720 = vector.shape_cast %swap3A_719 : vector<1x16xf32> to vector<16xf32>
    %swap3A_721 = vector.shape_cast %broadcast_in_dim3A_8 : vector<16xf32> to vector<1x16xf32>
    tpu.vector_store %arg6[%swap3A_717, %swap3A_718], %swap3A_721 {strides = array<i32>} : memref<16x512xf32, #tpu.memory_space<vmem>>, vector<1x16xf32>,
    %swap3A_722 = arith.constant 3 : i32
    %swap3A_723 = arith.index_cast %swap3A_722 : i32 to index
    %swap3A_724 = arith.constant 368 : index
    %swap3A_725 = tpu.vector_load %arg6[%swap3A_723, %swap3A_724] {strides = array<i32>} : memref<16x512xf32, #tpu.memory_space<vmem>>, vector<1x16xf32>,
    %swap3A_726 = vector.shape_cast %swap3A_725 : vector<1x16xf32> to vector<16xf32>
    %swap3A_727 = vector.shape_cast %broadcast_in_dim3A_8 : vector<16xf32> to vector<1x16xf32>
    tpu.vector_store %arg6[%swap3A_723, %swap3A_724], %swap3A_727 {strides = array<i32>} : memref<16x512xf32, #tpu.memory_space<vmem>>, vector<1x16xf32>,
    %swap3A_728 = arith.constant 3 : i32
    %swap3A_729 = arith.index_cast %swap3A_728 : i32 to index
    %swap3A_730 = arith.constant 384 : index
    %swap3A_731 = tpu.vector_load %arg6[%swap3A_729, %swap3A_730] {strides = array<i32>} : memref<16x512xf32, #tpu.memory_space<vmem>>, vector<1x16xf32>,
    %swap3A_732 = vector.shape_cast %swap3A_731 : vector<1x16xf32> to vector<16xf32>
    %swap3A_733 = vector.shape_cast %broadcast_in_dim3A_8 : vector<16xf32> to vector<1x16xf32>
    tpu.vector_store %arg6[%swap3A_729, %swap3A_730], %swap3A_733 {strides = array<i32>} : memref<16x512xf32, #tpu.memory_space<vmem>>, vector<1x16xf32>,
    %swap3A_734 = arith.constant 3 : i32
    %swap3A_735 = arith.index_cast %swap3A_734 : i32 to index
    %swap3A_736 = arith.constant 400 : index
    %swap3A_737 = tpu.vector_load %arg6[%swap3A_735, %swap3A_736] {strides = array<i32>} : memref<16x512xf32, #tpu.memory_space<vmem>>, vector<1x16xf32>,
    %swap3A_738 = vector.shape_cast %swap3A_737 : vector<1x16xf32> to vector<16xf32>
    %swap3A_739 = vector.shape_cast %broadcast_in_dim3A_8 : vector<16xf32> to vector<1x16xf32>
    tpu.vector_store %arg6[%swap3A_735, %swap3A_736], %swap3A_739 {strides = array<i32>} : memref<16x512xf32, #tpu.memory_space<vmem>>, vector<1x16xf32>,
    %swap3A_740 = arith.constant 3 : i32
    %swap3A_741 = arith.index_cast %swap3A_740 : i32 to index
    %swap3A_742 = arith.constant 416 : index
    %swap3A_743 = tpu.vector_load %arg6[%swap3A_741, %swap3A_742] {strides = array<i32>} : memref<16x512xf32, #tpu.memory_space<vmem>>, vector<1x16xf32>,
    %swap3A_744 = vector.shape_cast %swap3A_743 : vector<1x16xf32> to vector<16xf32>
    %swap3A_745 = vector.shape_cast %broadcast_in_dim3A_8 : vector<16xf32> to vector<1x16xf32>
    tpu.vector_store %arg6[%swap3A_741, %swap3A_742], %swap3A_745 {strides = array<i32>} : memref<16x512xf32, #tpu.memory_space<vmem>>, vector<1x16xf32>,
    %swap3A_746 = arith.constant 3 : i32
    %swap3A_747 = arith.index_cast %swap3A_746 : i32 to index
    %swap3A_748 = arith.constant 432 : index
    %swap3A_749 = tpu.vector_load %arg6[%swap3A_747, %swap3A_748] {strides = array<i32>} : memref<16x512xf32, #tpu.memory_space<vmem>>, vector<1x16xf32>,
    %swap3A_750 = vector.shape_cast %swap3A_749 : vector<1x16xf32> to vector<16xf32>
    %swap3A_751 = vector.shape_cast %broadcast_in_dim3A_8 : vector<16xf32> to vector<1x16xf32>
    tpu.vector_store %arg6[%swap3A_747, %swap3A_748], %swap3A_751 {strides = array<i32>} : memref<16x512xf32, #tpu.memory_space<vmem>>, vector<1x16xf32>,
    %swap3A_752 = arith.constant 3 : i32
    %swap3A_753 = arith.index_cast %swap3A_752 : i32 to index
    %swap3A_754 = arith.constant 448 : index
    %swap3A_755 = tpu.vector_load %arg6[%swap3A_753, %swap3A_754] {strides = array<i32>} : memref<16x512xf32, #tpu.memory_space<vmem>>, vector<1x16xf32>,
    %swap3A_756 = vector.shape_cast %swap3A_755 : vector<1x16xf32> to vector<16xf32>
    %swap3A_757 = vector.shape_cast %broadcast_in_dim3A_8 : vector<16xf32> to vector<1x16xf32>
    tpu.vector_store %arg6[%swap3A_753, %swap3A_754], %swap3A_757 {strides = array<i32>} : memref<16x512xf32, #tpu.memory_space<vmem>>, vector<1x16xf32>,
    %swap3A_758 = arith.constant 3 : i32
    %swap3A_759 = arith.index_cast %swap3A_758 : i32 to index
    %swap3A_760 = arith.constant 464 : index
    %swap3A_761 = tpu.vector_load %arg6[%swap3A_759, %swap3A_760] {strides = array<i32>} : memref<16x512xf32, #tpu.memory_space<vmem>>, vector<1x16xf32>,
    %swap3A_762 = vector.shape_cast %swap3A_761 : vector<1x16xf32> to vector<16xf32>
    %swap3A_763 = vector.shape_cast %broadcast_in_dim3A_8 : vector<16xf32> to vector<1x16xf32>
    tpu.vector_store %arg6[%swap3A_759, %swap3A_760], %swap3A_763 {strides = array<i32>} : memref<16x512xf32, #tpu.memory_space<vmem>>, vector<1x16xf32>,
    %swap3A_764 = arith.constant 3 : i32
    %swap3A_765 = arith.index_cast %swap3A_764 : i32 to index
    %swap3A_766 = arith.constant 480 : index
    %swap3A_767 = tpu.vector_load %arg6[%swap3A_765, %swap3A_766] {strides = array<i32>} : memref<16x512xf32, #tpu.memory_space<vmem>>, vector<1x16xf32>,
    %swap3A_768 = vector.shape_cast %swap3A_767 : vector<1x16xf32> to vector<16xf32>
    %swap3A_769 = vector.shape_cast %broadcast_in_dim3A_8 : vector<16xf32> to vector<1x16xf32>
    tpu.vector_store %arg6[%swap3A_765, %swap3A_766], %swap3A_769 {strides = array<i32>} : memref<16x512xf32, #tpu.memory_space<vmem>>, vector<1x16xf32>,
    %swap3A_770 = arith.constant 3 : i32
    %swap3A_771 = arith.index_cast %swap3A_770 : i32 to index
    %swap3A_772 = arith.constant 496 : index
    %swap3A_773 = tpu.vector_load %arg6[%swap3A_771, %swap3A_772] {strides = array<i32>} : memref<16x512xf32, #tpu.memory_space<vmem>>, vector<1x16xf32>,
    %swap3A_774 = vector.shape_cast %swap3A_773 : vector<1x16xf32> to vector<16xf32>
    %swap3A_775 = vector.shape_cast %broadcast_in_dim3A_8 : vector<16xf32> to vector<1x16xf32>
    tpu.vector_store %arg6[%swap3A_771, %swap3A_772], %swap3A_775 {strides = array<i32>} : memref<16x512xf32, #tpu.memory_space<vmem>>, vector<1x16xf32>,
    %swap3A_776 = arith.constant 4 : i32
    %swap3A_777 = arith.index_cast %swap3A_776 : i32 to index
    %swap3A_778 = arith.constant 0 : index
    %swap3A_779 = tpu.vector_load %arg6[%swap3A_777, %swap3A_778] {strides = array<i32>} : memref<16x512xf32, #tpu.memory_space<vmem>>, vector<1x16xf32>,
    %swap3A_780 = vector.shape_cast %swap3A_779 : vector<1x16xf32> to vector<16xf32>
    %swap3A_781 = vector.shape_cast %broadcast_in_dim3A_8 : vector<16xf32> to vector<1x16xf32>
    tpu.vector_store %arg6[%swap3A_777, %swap3A_778], %swap3A_781 {strides = array<i32>} : memref<16x512xf32, #tpu.memory_space<vmem>>, vector<1x16xf32>,
    %swap3A_782 = arith.constant 4 : i32
    %swap3A_783 = arith.index_cast %swap3A_782 : i32 to index
    %swap3A_784 = arith.constant 16 : index
    %swap3A_785 = tpu.vector_load %arg6[%swap3A_783, %swap3A_784] {strides = array<i32>} : memref<16x512xf32, #tpu.memory_space<vmem>>, vector<1x16xf32>,
    %swap3A_786 = vector.shape_cast %swap3A_785 : vector<1x16xf32> to vector<16xf32>
    %swap3A_787 = vector.shape_cast %broadcast_in_dim3A_8 : vector<16xf32> to vector<1x16xf32>
    tpu.vector_store %arg6[%swap3A_783, %swap3A_784], %swap3A_787 {strides = array<i32>} : memref<16x512xf32, #tpu.memory_space<vmem>>, vector<1x16xf32>,
    %swap3A_788 = arith.constant 4 : i32
    %swap3A_789 = arith.index_cast %swap3A_788 : i32 to index
    %swap3A_790 = arith.constant 32 : index
    %swap3A_791 = tpu.vector_load %arg6[%swap3A_789, %swap3A_790] {strides = array<i32>} : memref<16x512xf32, #tpu.memory_space<vmem>>, vector<1x16xf32>,
    %swap3A_792 = vector.shape_cast %swap3A_791 : vector<1x16xf32> to vector<16xf32>
    %swap3A_793 = vector.shape_cast %broadcast_in_dim3A_8 : vector<16xf32> to vector<1x16xf32>
    tpu.vector_store %arg6[%swap3A_789, %swap3A_790], %swap3A_793 {strides = array<i32>} : memref<16x512xf32, #tpu.memory_space<vmem>>, vector<1x16xf32>,
    %swap3A_794 = arith.constant 4 : i32
    %swap3A_795 = arith.index_cast %swap3A_794 : i32 to index
    %swap3A_796 = arith.constant 48 : index
    %swap3A_797 = tpu.vector_load %arg6[%swap3A_795, %swap3A_796] {strides = array<i32>} : memref<16x512xf32, #tpu.memory_space<vmem>>, vector<1x16xf32>,
    %swap3A_798 = vector.shape_cast %swap3A_797 : vector<1x16xf32> to vector<16xf32>
    %swap3A_799 = vector.shape_cast %broadcast_in_dim3A_8 : vector<16xf32> to vector<1x16xf32>
    tpu.vector_store %arg6[%swap3A_795, %swap3A_796], %swap3A_799 {strides = array<i32>} : memref<16x512xf32, #tpu.memory_space<vmem>>, vector<1x16xf32>,
    %swap3A_800 = arith.constant 4 : i32
    %swap3A_801 = arith.index_cast %swap3A_800 : i32 to index
    %swap3A_802 = arith.constant 64 : index
    %swap3A_803 = tpu.vector_load %arg6[%swap3A_801, %swap3A_802] {strides = array<i32>} : memref<16x512xf32, #tpu.memory_space<vmem>>, vector<1x16xf32>,
    %swap3A_804 = vector.shape_cast %swap3A_803 : vector<1x16xf32> to vector<16xf32>
    %swap3A_805 = vector.shape_cast %broadcast_in_dim3A_8 : vector<16xf32> to vector<1x16xf32>
    tpu.vector_store %arg6[%swap3A_801, %swap3A_802], %swap3A_805 {strides = array<i32>} : memref<16x512xf32, #tpu.memory_space<vmem>>, vector<1x16xf32>,
    %swap3A_806 = arith.constant 4 : i32
    %swap3A_807 = arith.index_cast %swap3A_806 : i32 to index
    %swap3A_808 = arith.constant 80 : index
    %swap3A_809 = tpu.vector_load %arg6[%swap3A_807, %swap3A_808] {strides = array<i32>} : memref<16x512xf32, #tpu.memory_space<vmem>>, vector<1x16xf32>,
    %swap3A_810 = vector.shape_cast %swap3A_809 : vector<1x16xf32> to vector<16xf32>
    %swap3A_811 = vector.shape_cast %broadcast_in_dim3A_8 : vector<16xf32> to vector<1x16xf32>
    tpu.vector_store %arg6[%swap3A_807, %swap3A_808], %swap3A_811 {strides = array<i32>} : memref<16x512xf32, #tpu.memory_space<vmem>>, vector<1x16xf32>,
    %swap3A_812 = arith.constant 4 : i32
    %swap3A_813 = arith.index_cast %swap3A_812 : i32 to index
    %swap3A_814 = arith.constant 96 : index
    %swap3A_815 = tpu.vector_load %arg6[%swap3A_813, %swap3A_814] {strides = array<i32>} : memref<16x512xf32, #tpu.memory_space<vmem>>, vector<1x16xf32>,
    %swap3A_816 = vector.shape_cast %swap3A_815 : vector<1x16xf32> to vector<16xf32>
    %swap3A_817 = vector.shape_cast %broadcast_in_dim3A_8 : vector<16xf32> to vector<1x16xf32>
    tpu.vector_store %arg6[%swap3A_813, %swap3A_814], %swap3A_817 {strides = array<i32>} : memref<16x512xf32, #tpu.memory_space<vmem>>, vector<1x16xf32>,
    %swap3A_818 = arith.constant 4 : i32
    %swap3A_819 = arith.index_cast %swap3A_818 : i32 to index
    %swap3A_820 = arith.constant 112 : index
    %swap3A_821 = tpu.vector_load %arg6[%swap3A_819, %swap3A_820] {strides = array<i32>} : memref<16x512xf32, #tpu.memory_space<vmem>>, vector<1x16xf32>,
    %swap3A_822 = vector.shape_cast %swap3A_821 : vector<1x16xf32> to vector<16xf32>
    %swap3A_823 = vector.shape_cast %broadcast_in_dim3A_8 : vector<16xf32> to vector<1x16xf32>
    tpu.vector_store %arg6[%swap3A_819, %swap3A_820], %swap3A_823 {strides = array<i32>} : memref<16x512xf32, #tpu.memory_space<vmem>>, vector<1x16xf32>,
    %swap3A_824 = arith.constant 4 : i32
    %swap3A_825 = arith.index_cast %swap3A_824 : i32 to index
    %swap3A_826 = arith.constant 128 : index
    %swap3A_827 = tpu.vector_load %arg6[%swap3A_825, %swap3A_826] {strides = array<i32>} : memref<16x512xf32, #tpu.memory_space<vmem>>, vector<1x16xf32>,
    %swap3A_828 = vector.shape_cast %swap3A_827 : vector<1x16xf32> to vector<16xf32>
    %swap3A_829 = vector.shape_cast %broadcast_in_dim3A_8 : vector<16xf32> to vector<1x16xf32>
    tpu.vector_store %arg6[%swap3A_825, %swap3A_826], %swap3A_829 {strides = array<i32>} : memref<16x512xf32, #tpu.memory_space<vmem>>, vector<1x16xf32>,
    %swap3A_830 = arith.constant 4 : i32
    %swap3A_831 = arith.index_cast %swap3A_830 : i32 to index
    %swap3A_832 = arith.constant 144 : index
    %swap3A_833 = tpu.vector_load %arg6[%swap3A_831, %swap3A_832] {strides = array<i32>} : memref<16x512xf32, #tpu.memory_space<vmem>>, vector<1x16xf32>,
    %swap3A_834 = vector.shape_cast %swap3A_833 : vector<1x16xf32> to vector<16xf32>
    %swap3A_835 = vector.shape_cast %broadcast_in_dim3A_8 : vector<16xf32> to vector<1x16xf32>
    tpu.vector_store %arg6[%swap3A_831, %swap3A_832], %swap3A_835 {strides = array<i32>} : memref<16x512xf32, #tpu.memory_space<vmem>>, vector<1x16xf32>,
    %swap3A_836 = arith.constant 4 : i32
    %swap3A_837 = arith.index_cast %swap3A_836 : i32 to index
    %swap3A_838 = arith.constant 160 : index
    %swap3A_839 = tpu.vector_load %arg6[%swap3A_837, %swap3A_838] {strides = array<i32>} : memref<16x512xf32, #tpu.memory_space<vmem>>, vector<1x16xf32>,
    %swap3A_840 = vector.shape_cast %swap3A_839 : vector<1x16xf32> to vector<16xf32>
    %swap3A_841 = vector.shape_cast %broadcast_in_dim3A_8 : vector<16xf32> to vector<1x16xf32>
    tpu.vector_store %arg6[%swap3A_837, %swap3A_838], %swap3A_841 {strides = array<i32>} : memref<16x512xf32, #tpu.memory_space<vmem>>, vector<1x16xf32>,
    %swap3A_842 = arith.constant 4 : i32
    %swap3A_843 = arith.index_cast %swap3A_842 : i32 to index
    %swap3A_844 = arith.constant 176 : index
    %swap3A_845 = tpu.vector_load %arg6[%swap3A_843, %swap3A_844] {strides = array<i32>} : memref<16x512xf32, #tpu.memory_space<vmem>>, vector<1x16xf32>,
    %swap3A_846 = vector.shape_cast %swap3A_845 : vector<1x16xf32> to vector<16xf32>
    %swap3A_847 = vector.shape_cast %broadcast_in_dim3A_8 : vector<16xf32> to vector<1x16xf32>
    tpu.vector_store %arg6[%swap3A_843, %swap3A_844], %swap3A_847 {strides = array<i32>} : memref<16x512xf32, #tpu.memory_space<vmem>>, vector<1x16xf32>,
    %swap3A_848 = arith.constant 4 : i32
    %swap3A_849 = arith.index_cast %swap3A_848 : i32 to index
    %swap3A_850 = arith.constant 192 : index
    %swap3A_851 = tpu.vector_load %arg6[%swap3A_849, %swap3A_850] {strides = array<i32>} : memref<16x512xf32, #tpu.memory_space<vmem>>, vector<1x16xf32>,
    %swap3A_852 = vector.shape_cast %swap3A_851 : vector<1x16xf32> to vector<16xf32>
    %swap3A_853 = vector.shape_cast %broadcast_in_dim3A_8 : vector<16xf32> to vector<1x16xf32>
    tpu.vector_store %arg6[%swap3A_849, %swap3A_850], %swap3A_853 {strides = array<i32>} : memref<16x512xf32, #tpu.memory_space<vmem>>, vector<1x16xf32>,
    %swap3A_854 = arith.constant 4 : i32
    %swap3A_855 = arith.index_cast %swap3A_854 : i32 to index
    %swap3A_856 = arith.constant 208 : index
    %swap3A_857 = tpu.vector_load %arg6[%swap3A_855, %swap3A_856] {strides = array<i32>} : memref<16x512xf32, #tpu.memory_space<vmem>>, vector<1x16xf32>,
    %swap3A_858 = vector.shape_cast %swap3A_857 : vector<1x16xf32> to vector<16xf32>
    %swap3A_859 = vector.shape_cast %broadcast_in_dim3A_8 : vector<16xf32> to vector<1x16xf32>
    tpu.vector_store %arg6[%swap3A_855, %swap3A_856], %swap3A_859 {strides = array<i32>} : memref<16x512xf32, #tpu.memory_space<vmem>>, vector<1x16xf32>,
    %swap3A_860 = arith.constant 4 : i32
    %swap3A_861 = arith.index_cast %swap3A_860 : i32 to index
    %swap3A_862 = arith.constant 224 : index
    %swap3A_863 = tpu.vector_load %arg6[%swap3A_861, %swap3A_862] {strides = array<i32>} : memref<16x512xf32, #tpu.memory_space<vmem>>, vector<1x16xf32>,
    %swap3A_864 = vector.shape_cast %swap3A_863 : vector<1x16xf32> to vector<16xf32>
    %swap3A_865 = vector.shape_cast %broadcast_in_dim3A_8 : vector<16xf32> to vector<1x16xf32>
    tpu.vector_store %arg6[%swap3A_861, %swap3A_862], %swap3A_865 {strides = array<i32>} : memref<16x512xf32, #tpu.memory_space<vmem>>, vector<1x16xf32>,
    %swap3A_866 = arith.constant 4 : i32
    %swap3A_867 = arith.index_cast %swap3A_866 : i32 to index
    %swap3A_868 = arith.constant 240 : index
    %swap3A_869 = tpu.vector_load %arg6[%swap3A_867, %swap3A_868] {strides = array<i32>} : memref<16x512xf32, #tpu.memory_space<vmem>>, vector<1x16xf32>,
    %swap3A_870 = vector.shape_cast %swap3A_869 : vector<1x16xf32> to vector<16xf32>
    %swap3A_871 = vector.shape_cast %broadcast_in_dim3A_8 : vector<16xf32> to vector<1x16xf32>
    tpu.vector_store %arg6[%swap3A_867, %swap3A_868], %swap3A_871 {strides = array<i32>} : memref<16x512xf32, #tpu.memory_space<vmem>>, vector<1x16xf32>,
    %swap3A_872 = arith.constant 4 : i32
    %swap3A_873 = arith.index_cast %swap3A_872 : i32 to index
    %swap3A_874 = arith.constant 256 : index
    %swap3A_875 = tpu.vector_load %arg6[%swap3A_873, %swap3A_874] {strides = array<i32>} : memref<16x512xf32, #tpu.memory_space<vmem>>, vector<1x16xf32>,
    %swap3A_876 = vector.shape_cast %swap3A_875 : vector<1x16xf32> to vector<16xf32>
    %swap3A_877 = vector.shape_cast %broadcast_in_dim3A_8 : vector<16xf32> to vector<1x16xf32>
    tpu.vector_store %arg6[%swap3A_873, %swap3A_874], %swap3A_877 {strides = array<i32>} : memref<16x512xf32, #tpu.memory_space<vmem>>, vector<1x16xf32>,
    %swap3A_878 = arith.constant 4 : i32
    %swap3A_879 = arith.index_cast %swap3A_878 : i32 to index
    %swap3A_880 = arith.constant 272 : index
    %swap3A_881 = tpu.vector_load %arg6[%swap3A_879, %swap3A_880] {strides = array<i32>} : memref<16x512xf32, #tpu.memory_space<vmem>>, vector<1x16xf32>,
    %swap3A_882 = vector.shape_cast %swap3A_881 : vector<1x16xf32> to vector<16xf32>
    %swap3A_883 = vector.shape_cast %broadcast_in_dim3A_8 : vector<16xf32> to vector<1x16xf32>
    tpu.vector_store %arg6[%swap3A_879, %swap3A_880], %swap3A_883 {strides = array<i32>} : memref<16x512xf32, #tpu.memory_space<vmem>>, vector<1x16xf32>,
    %swap3A_884 = arith.constant 4 : i32
    %swap3A_885 = arith.index_cast %swap3A_884 : i32 to index
    %swap3A_886 = arith.constant 288 : index
    %swap3A_887 = tpu.vector_load %arg6[%swap3A_885, %swap3A_886] {strides = array<i32>} : memref<16x512xf32, #tpu.memory_space<vmem>>, vector<1x16xf32>,
    %swap3A_888 = vector.shape_cast %swap3A_887 : vector<1x16xf32> to vector<16xf32>
    %swap3A_889 = vector.shape_cast %broadcast_in_dim3A_8 : vector<16xf32> to vector<1x16xf32>
    tpu.vector_store %arg6[%swap3A_885, %swap3A_886], %swap3A_889 {strides = array<i32>} : memref<16x512xf32, #tpu.memory_space<vmem>>, vector<1x16xf32>,
    %swap3A_890 = arith.constant 4 : i32
    %swap3A_891 = arith.index_cast %swap3A_890 : i32 to index
    %swap3A_892 = arith.constant 304 : index
    %swap3A_893 = tpu.vector_load %arg6[%swap3A_891, %swap3A_892] {strides = array<i32>} : memref<16x512xf32, #tpu.memory_space<vmem>>, vector<1x16xf32>,
    %swap3A_894 = vector.shape_cast %swap3A_893 : vector<1x16xf32> to vector<16xf32>
    %swap3A_895 = vector.shape_cast %broadcast_in_dim3A_8 : vector<16xf32> to vector<1x16xf32>
    tpu.vector_store %arg6[%swap3A_891, %swap3A_892], %swap3A_895 {strides = array<i32>} : memref<16x512xf32, #tpu.memory_space<vmem>>, vector<1x16xf32>,
    %swap3A_896 = arith.constant 4 : i32
    %swap3A_897 = arith.index_cast %swap3A_896 : i32 to index
    %swap3A_898 = arith.constant 320 : index
    %swap3A_899 = tpu.vector_load %arg6[%swap3A_897, %swap3A_898] {strides = array<i32>} : memref<16x512xf32, #tpu.memory_space<vmem>>, vector<1x16xf32>,
    %swap3A_900 = vector.shape_cast %swap3A_899 : vector<1x16xf32> to vector<16xf32>
    %swap3A_901 = vector.shape_cast %broadcast_in_dim3A_8 : vector<16xf32> to vector<1x16xf32>
    tpu.vector_store %arg6[%swap3A_897, %swap3A_898], %swap3A_901 {strides = array<i32>} : memref<16x512xf32, #tpu.memory_space<vmem>>, vector<1x16xf32>,
    %swap3A_902 = arith.constant 4 : i32
    %swap3A_903 = arith.index_cast %swap3A_902 : i32 to index
    %swap3A_904 = arith.constant 336 : index
    %swap3A_905 = tpu.vector_load %arg6[%swap3A_903, %swap3A_904] {strides = array<i32>} : memref<16x512xf32, #tpu.memory_space<vmem>>, vector<1x16xf32>,
    %swap3A_906 = vector.shape_cast %swap3A_905 : vector<1x16xf32> to vector<16xf32>
    %swap3A_907 = vector.shape_cast %broadcast_in_dim3A_8 : vector<16xf32> to vector<1x16xf32>
    tpu.vector_store %arg6[%swap3A_903, %swap3A_904], %swap3A_907 {strides = array<i32>} : memref<16x512xf32, #tpu.memory_space<vmem>>, vector<1x16xf32>,
    %swap3A_908 = arith.constant 4 : i32
    %swap3A_909 = arith.index_cast %swap3A_908 : i32 to index
    %swap3A_910 = arith.constant 352 : index
    %swap3A_911 = tpu.vector_load %arg6[%swap3A_909, %swap3A_910] {strides = array<i32>} : memref<16x512xf32, #tpu.memory_space<vmem>>, vector<1x16xf32>,
    %swap3A_912 = vector.shape_cast %swap3A_911 : vector<1x16xf32> to vector<16xf32>
    %swap3A_913 = vector.shape_cast %broadcast_in_dim3A_8 : vector<16xf32> to vector<1x16xf32>
    tpu.vector_store %arg6[%swap3A_909, %swap3A_910], %swap3A_913 {strides = array<i32>} : memref<16x512xf32, #tpu.memory_space<vmem>>, vector<1x16xf32>,
    %swap3A_914 = arith.constant 4 : i32
    %swap3A_915 = arith.index_cast %swap3A_914 : i32 to index
    %swap3A_916 = arith.constant 368 : index
    %swap3A_917 = tpu.vector_load %arg6[%swap3A_915, %swap3A_916] {strides = array<i32>} : memref<16x512xf32, #tpu.memory_space<vmem>>, vector<1x16xf32>,
    %swap3A_918 = vector.shape_cast %swap3A_917 : vector<1x16xf32> to vector<16xf32>
    %swap3A_919 = vector.shape_cast %broadcast_in_dim3A_8 : vector<16xf32> to vector<1x16xf32>
    tpu.vector_store %arg6[%swap3A_915, %swap3A_916], %swap3A_919 {strides = array<i32>} : memref<16x512xf32, #tpu.memory_space<vmem>>, vector<1x16xf32>,
    %swap3A_920 = arith.constant 4 : i32
    %swap3A_921 = arith.index_cast %swap3A_920 : i32 to index
    %swap3A_922 = arith.constant 384 : index
    %swap3A_923 = tpu.vector_load %arg6[%swap3A_921, %swap3A_922] {strides = array<i32>} : memref<16x512xf32, #tpu.memory_space<vmem>>, vector<1x16xf32>,
    %swap3A_924 = vector.shape_cast %swap3A_923 : vector<1x16xf32> to vector<16xf32>
    %swap3A_925 = vector.shape_cast %broadcast_in_dim3A_8 : vector<16xf32> to vector<1x16xf32>
    tpu.vector_store %arg6[%swap3A_921, %swap3A_922], %swap3A_925 {strides = array<i32>} : memref<16x512xf32, #tpu.memory_space<vmem>>, vector<1x16xf32>,
    %swap3A_926 = arith.constant 4 : i32
    %swap3A_927 = arith.index_cast %swap3A_926 : i32 to index
    %swap3A_928 = arith.constant 400 : index
    %swap3A_929 = tpu.vector_load %arg6[%swap3A_927, %swap3A_928] {strides = array<i32>} : memref<16x512xf32, #tpu.memory_space<vmem>>, vector<1x16xf32>,
    %swap3A_930 = vector.shape_cast %swap3A_929 : vector<1x16xf32> to vector<16xf32>
    %swap3A_931 = vector.shape_cast %broadcast_in_dim3A_8 : vector<16xf32> to vector<1x16xf32>
    tpu.vector_store %arg6[%swap3A_927, %swap3A_928], %swap3A_931 {strides = array<i32>} : memref<16x512xf32, #tpu.memory_space<vmem>>, vector<1x16xf32>,
    %swap3A_932 = arith.constant 4 : i32
    %swap3A_933 = arith.index_cast %swap3A_932 : i32 to index
    %swap3A_934 = arith.constant 416 : index
    %swap3A_935 = tpu.vector_load %arg6[%swap3A_933, %swap3A_934] {strides = array<i32>} : memref<16x512xf32, #tpu.memory_space<vmem>>, vector<1x16xf32>,
    %swap3A_936 = vector.shape_cast %swap3A_935 : vector<1x16xf32> to vector<16xf32>
    %swap3A_937 = vector.shape_cast %broadcast_in_dim3A_8 : vector<16xf32> to vector<1x16xf32>
    tpu.vector_store %arg6[%swap3A_933, %swap3A_934], %swap3A_937 {strides = array<i32>} : memref<16x512xf32, #tpu.memory_space<vmem>>, vector<1x16xf32>,
    %swap3A_938 = arith.constant 4 : i32
    %swap3A_939 = arith.index_cast %swap3A_938 : i32 to index
    %swap3A_940 = arith.constant 432 : index
    %swap3A_941 = tpu.vector_load %arg6[%swap3A_939, %swap3A_940] {strides = array<i32>} : memref<16x512xf32, #tpu.memory_space<vmem>>, vector<1x16xf32>,
    %swap3A_942 = vector.shape_cast %swap3A_941 : vector<1x16xf32> to vector<16xf32>
    %swap3A_943 = vector.shape_cast %broadcast_in_dim3A_8 : vector<16xf32> to vector<1x16xf32>
    tpu.vector_store %arg6[%swap3A_939, %swap3A_940], %swap3A_943 {strides = array<i32>} : memref<16x512xf32, #tpu.memory_space<vmem>>, vector<1x16xf32>,
    %swap3A_944 = arith.constant 4 : i32
    %swap3A_945 = arith.index_cast %swap3A_944 : i32 to index
    %swap3A_946 = arith.constant 448 : index
    %swap3A_947 = tpu.vector_load %arg6[%swap3A_945, %swap3A_946] {strides = array<i32>} : memref<16x512xf32, #tpu.memory_space<vmem>>, vector<1x16xf32>,
    %swap3A_948 = vector.shape_cast %swap3A_947 : vector<1x16xf32> to vector<16xf32>
    %swap3A_949 = vector.shape_cast %broadcast_in_dim3A_8 : vector<16xf32> to vector<1x16xf32>
    tpu.vector_store %arg6[%swap3A_945, %swap3A_946], %swap3A_949 {strides = array<i32>} : memref<16x512xf32, #tpu.memory_space<vmem>>, vector<1x16xf32>,
    %swap3A_950 = arith.constant 4 : i32
    %swap3A_951 = arith.index_cast %swap3A_950 : i32 to index
    %swap3A_952 = arith.constant 464 : index
    %swap3A_953 = tpu.vector_load %arg6[%swap3A_951, %swap3A_952] {strides = array<i32>} : memref<16x512xf32, #tpu.memory_space<vmem>>, vector<1x16xf32>,
    %swap3A_954 = vector.shape_cast %swap3A_953 : vector<1x16xf32> to vector<16xf32>
    %swap3A_955 = vector.shape_cast %broadcast_in_dim3A_8 : vector<16xf32> to vector<1x16xf32>
    tpu.vector_store %arg6[%swap3A_951, %swap3A_952], %swap3A_955 {strides = array<i32>} : memref<16x512xf32, #tpu.memory_space<vmem>>, vector<1x16xf32>,
    %swap3A_956 = arith.constant 4 : i32
    %swap3A_957 = arith.index_cast %swap3A_956 : i32 to index
    %swap3A_958 = arith.constant 480 : index
    %swap3A_959 = tpu.vector_load %arg6[%swap3A_957, %swap3A_958] {strides = array<i32>} : memref<16x512xf32, #tpu.memory_space<vmem>>, vector<1x16xf32>,
    %swap3A_960 = vector.shape_cast %swap3A_959 : vector<1x16xf32> to vector<16xf32>
    %swap3A_961 = vector.shape_cast %broadcast_in_dim3A_8 : vector<16xf32> to vector<1x16xf32>
    tpu.vector_store %arg6[%swap3A_957, %swap3A_958], %swap3A_961 {strides = array<i32>} : memref<16x512xf32, #tpu.memory_space<vmem>>, vector<1x16xf32>,
    %swap3A_962 = arith.constant 4 : i32
    %swap3A_963 = arith.index_cast %swap3A_962 : i32 to index
    %swap3A_964 = arith.constant 496 : index
    %swap3A_965 = tpu.vector_load %arg6[%swap3A_963, %swap3A_964] {strides = array<i32>} : memref<16x512xf32, #tpu.memory_space<vmem>>, vector<1x16xf32>,
    %swap3A_966 = vector.shape_cast %swap3A_965 : vector<1x16xf32> to vector<16xf32>
    %swap3A_967 = vector.shape_cast %broadcast_in_dim3A_8 : vector<16xf32> to vector<1x16xf32>
    tpu.vector_store %arg6[%swap3A_963, %swap3A_964], %swap3A_967 {strides = array<i32>} : memref<16x512xf32, #tpu.memory_space<vmem>>, vector<1x16xf32>,
    %swap3A_968 = arith.constant 5 : i32
    %swap3A_969 = arith.index_cast %swap3A_968 : i32 to index
    %swap3A_970 = arith.constant 0 : index
    %swap3A_971 = tpu.vector_load %arg6[%swap3A_969, %swap3A_970] {strides = array<i32>} : memref<16x512xf32, #tpu.memory_space<vmem>>, vector<1x16xf32>,
    %swap3A_972 = vector.shape_cast %swap3A_971 : vector<1x16xf32> to vector<16xf32>
    %swap3A_973 = vector.shape_cast %broadcast_in_dim3A_8 : vector<16xf32> to vector<1x16xf32>
    tpu.vector_store %arg6[%swap3A_969, %swap3A_970], %swap3A_973 {strides = array<i32>} : memref<16x512xf32, #tpu.memory_space<vmem>>, vector<1x16xf32>,
    %swap3A_974 = arith.constant 5 : i32
    %swap3A_975 = arith.index_cast %swap3A_974 : i32 to index
    %swap3A_976 = arith.constant 16 : index
    %swap3A_977 = tpu.vector_load %arg6[%swap3A_975, %swap3A_976] {strides = array<i32>} : memref<16x512xf32, #tpu.memory_space<vmem>>, vector<1x16xf32>,
    %swap3A_978 = vector.shape_cast %swap3A_977 : vector<1x16xf32> to vector<16xf32>
    %swap3A_979 = vector.shape_cast %broadcast_in_dim3A_8 : vector<16xf32> to vector<1x16xf32>
    tpu.vector_store %arg6[%swap3A_975, %swap3A_976], %swap3A_979 {strides = array<i32>} : memref<16x512xf32, #tpu.memory_space<vmem>>, vector<1x16xf32>,
    %swap3A_980 = arith.constant 5 : i32
    %swap3A_981 = arith.index_cast %swap3A_980 : i32 to index
    %swap3A_982 = arith.constant 32 : index
    %swap3A_983 = tpu.vector_load %arg6[%swap3A_981, %swap3A_982] {strides = array<i32>} : memref<16x512xf32, #tpu.memory_space<vmem>>, vector<1x16xf32>,
    %swap3A_984 = vector.shape_cast %swap3A_983 : vector<1x16xf32> to vector<16xf32>
    %swap3A_985 = vector.shape_cast %broadcast_in_dim3A_8 : vector<16xf32> to vector<1x16xf32>
    tpu.vector_store %arg6[%swap3A_981, %swap3A_982], %swap3A_985 {strides = array<i32>} : memref<16x512xf32, #tpu.memory_space<vmem>>, vector<1x16xf32>,
    %swap3A_986 = arith.constant 5 : i32
    %swap3A_987 = arith.index_cast %swap3A_986 : i32 to index
    %swap3A_988 = arith.constant 48 : index
    %swap3A_989 = tpu.vector_load %arg6[%swap3A_987, %swap3A_988] {strides = array<i32>} : memref<16x512xf32, #tpu.memory_space<vmem>>, vector<1x16xf32>,
    %swap3A_990 = vector.shape_cast %swap3A_989 : vector<1x16xf32> to vector<16xf32>
    %swap3A_991 = vector.shape_cast %broadcast_in_dim3A_8 : vector<16xf32> to vector<1x16xf32>
    tpu.vector_store %arg6[%swap3A_987, %swap3A_988], %swap3A_991 {strides = array<i32>} : memref<16x512xf32, #tpu.memory_space<vmem>>, vector<1x16xf32>,
    %swap3A_992 = arith.constant 5 : i32
    %swap3A_993 = arith.index_cast %swap3A_992 : i32 to index
    %swap3A_994 = arith.constant 64 : index
    %swap3A_995 = tpu.vector_load %arg6[%swap3A_993, %swap3A_994] {strides = array<i32>} : memref<16x512xf32, #tpu.memory_space<vmem>>, vector<1x16xf32>,
    %swap3A_996 = vector.shape_cast %swap3A_995 : vector<1x16xf32> to vector<16xf32>
    %swap3A_997 = vector.shape_cast %broadcast_in_dim3A_8 : vector<16xf32> to vector<1x16xf32>
    tpu.vector_store %arg6[%swap3A_993, %swap3A_994], %swap3A_997 {strides = array<i32>} : memref<16x512xf32, #tpu.memory_space<vmem>>, vector<1x16xf32>,
    %swap3A_998 = arith.constant 5 : i32
    %swap3A_999 = arith.index_cast %swap3A_998 : i32 to index
    %swap3A_1000 = arith.constant 80 : index
    %swap3A_1001 = tpu.vector_load %arg6[%swap3A_999, %swap3A_1000] {strides = array<i32>} : memref<16x512xf32, #tpu.memory_space<vmem>>, vector<1x16xf32>,
    %swap3A_1002 = vector.shape_cast %swap3A_1001 : vector<1x16xf32> to vector<16xf32>
    %swap3A_1003 = vector.shape_cast %broadcast_in_dim3A_8 : vector<16xf32> to vector<1x16xf32>
    tpu.vector_store %arg6[%swap3A_999, %swap3A_1000], %swap3A_1003 {strides = array<i32>} : memref<16x512xf32, #tpu.memory_space<vmem>>, vector<1x16xf32>,
    %swap3A_1004 = arith.constant 5 : i32
    %swap3A_1005 = arith.index_cast %swap3A_1004 : i32 to index
    %swap3A_1006 = arith.constant 96 : index
    %swap3A_1007 = tpu.vector_load %arg6[%swap3A_1005, %swap3A_1006] {strides = array<i32>} : memref<16x512xf32, #tpu.memory_space<vmem>>, vector<1x16xf32>,
    %swap3A_1008 = vector.shape_cast %swap3A_1007 : vector<1x16xf32> to vector<16xf32>
    %swap3A_1009 = vector.shape_cast %broadcast_in_dim3A_8 : vector<16xf32> to vector<1x16xf32>
    tpu.vector_store %arg6[%swap3A_1005, %swap3A_1006], %swap3A_1009 {strides = array<i32>} : memref<16x512xf32, #tpu.memory_space<vmem>>, vector<1x16xf32>,
    %swap3A_1010 = arith.constant 5 : i32
    %swap3A_1011 = arith.index_cast %swap3A_1010 : i32 to index
    %swap3A_1012 = arith.constant 112 : index
    %swap3A_1013 = tpu.vector_load %arg6[%swap3A_1011, %swap3A_1012] {strides = array<i32>} : memref<16x512xf32, #tpu.memory_space<vmem>>, vector<1x16xf32>,
    %swap3A_1014 = vector.shape_cast %swap3A_1013 : vector<1x16xf32> to vector<16xf32>
    %swap3A_1015 = vector.shape_cast %broadcast_in_dim3A_8 : vector<16xf32> to vector<1x16xf32>
    tpu.vector_store %arg6[%swap3A_1011, %swap3A_1012], %swap3A_1015 {strides = array<i32>} : memref<16x512xf32, #tpu.memory_space<vmem>>, vector<1x16xf32>,
    %swap3A_1016 = arith.constant 5 : i32
    %swap3A_1017 = arith.index_cast %swap3A_1016 : i32 to index
    %swap3A_1018 = arith.constant 128 : index
    %swap3A_1019 = tpu.vector_load %arg6[%swap3A_1017, %swap3A_1018] {strides = array<i32>} : memref<16x512xf32, #tpu.memory_space<vmem>>, vector<1x16xf32>,
    %swap3A_1020 = vector.shape_cast %swap3A_1019 : vector<1x16xf32> to vector<16xf32>
    %swap3A_1021 = vector.shape_cast %broadcast_in_dim3A_8 : vector<16xf32> to vector<1x16xf32>
    tpu.vector_store %arg6[%swap3A_1017, %swap3A_1018], %swap3A_1021 {strides = array<i32>} : memref<16x512xf32, #tpu.memory_space<vmem>>, vector<1x16xf32>,
    %swap3A_1022 = arith.constant 5 : i32
    %swap3A_1023 = arith.index_cast %swap3A_1022 : i32 to index
    %swap3A_1024 = arith.constant 144 : index
    %swap3A_1025 = tpu.vector_load %arg6[%swap3A_1023, %swap3A_1024] {strides = array<i32>} : memref<16x512xf32, #tpu.memory_space<vmem>>, vector<1x16xf32>,
    %swap3A_1026 = vector.shape_cast %swap3A_1025 : vector<1x16xf32> to vector<16xf32>
    %swap3A_1027 = vector.shape_cast %broadcast_in_dim3A_8 : vector<16xf32> to vector<1x16xf32>
    tpu.vector_store %arg6[%swap3A_1023, %swap3A_1024], %swap3A_1027 {strides = array<i32>} : memref<16x512xf32, #tpu.memory_space<vmem>>, vector<1x16xf32>,
    %swap3A_1028 = arith.constant 5 : i32
    %swap3A_1029 = arith.index_cast %swap3A_1028 : i32 to index
    %swap3A_1030 = arith.constant 160 : index
    %swap3A_1031 = tpu.vector_load %arg6[%swap3A_1029, %swap3A_1030] {strides = array<i32>} : memref<16x512xf32, #tpu.memory_space<vmem>>, vector<1x16xf32>,
    %swap3A_1032 = vector.shape_cast %swap3A_1031 : vector<1x16xf32> to vector<16xf32>
    %swap3A_1033 = vector.shape_cast %broadcast_in_dim3A_8 : vector<16xf32> to vector<1x16xf32>
    tpu.vector_store %arg6[%swap3A_1029, %swap3A_1030], %swap3A_1033 {strides = array<i32>} : memref<16x512xf32, #tpu.memory_space<vmem>>, vector<1x16xf32>,
    %swap3A_1034 = arith.constant 5 : i32
    %swap3A_1035 = arith.index_cast %swap3A_1034 : i32 to index
    %swap3A_1036 = arith.constant 176 : index
    %swap3A_1037 = tpu.vector_load %arg6[%swap3A_1035, %swap3A_1036] {strides = array<i32>} : memref<16x512xf32, #tpu.memory_space<vmem>>, vector<1x16xf32>,
    %swap3A_1038 = vector.shape_cast %swap3A_1037 : vector<1x16xf32> to vector<16xf32>
    %swap3A_1039 = vector.shape_cast %broadcast_in_dim3A_8 : vector<16xf32> to vector<1x16xf32>
    tpu.vector_store %arg6[%swap3A_1035, %swap3A_1036], %swap3A_1039 {strides = array<i32>} : memref<16x512xf32, #tpu.memory_space<vmem>>, vector<1x16xf32>,
    %swap3A_1040 = arith.constant 5 : i32
    %swap3A_1041 = arith.index_cast %swap3A_1040 : i32 to index
    %swap3A_1042 = arith.constant 192 : index
    %swap3A_1043 = tpu.vector_load %arg6[%swap3A_1041, %swap3A_1042] {strides = array<i32>} : memref<16x512xf32, #tpu.memory_space<vmem>>, vector<1x16xf32>,
    %swap3A_1044 = vector.shape_cast %swap3A_1043 : vector<1x16xf32> to vector<16xf32>
    %swap3A_1045 = vector.shape_cast %broadcast_in_dim3A_8 : vector<16xf32> to vector<1x16xf32>
    tpu.vector_store %arg6[%swap3A_1041, %swap3A_1042], %swap3A_1045 {strides = array<i32>} : memref<16x512xf32, #tpu.memory_space<vmem>>, vector<1x16xf32>,
    %swap3A_1046 = arith.constant 5 : i32
    %swap3A_1047 = arith.index_cast %swap3A_1046 : i32 to index
    %swap3A_1048 = arith.constant 208 : index
    %swap3A_1049 = tpu.vector_load %arg6[%swap3A_1047, %swap3A_1048] {strides = array<i32>} : memref<16x512xf32, #tpu.memory_space<vmem>>, vector<1x16xf32>,
    %swap3A_1050 = vector.shape_cast %swap3A_1049 : vector<1x16xf32> to vector<16xf32>
    %swap3A_1051 = vector.shape_cast %broadcast_in_dim3A_8 : vector<16xf32> to vector<1x16xf32>
    tpu.vector_store %arg6[%swap3A_1047, %swap3A_1048], %swap3A_1051 {strides = array<i32>} : memref<16x512xf32, #tpu.memory_space<vmem>>, vector<1x16xf32>,
    %swap3A_1052 = arith.constant 5 : i32
    %swap3A_1053 = arith.index_cast %swap3A_1052 : i32 to index
    %swap3A_1054 = arith.constant 224 : index
    %swap3A_1055 = tpu.vector_load %arg6[%swap3A_1053, %swap3A_1054] {strides = array<i32>} : memref<16x512xf32, #tpu.memory_space<vmem>>, vector<1x16xf32>,
    %swap3A_1056 = vector.shape_cast %swap3A_1055 : vector<1x16xf32> to vector<16xf32>
    %swap3A_1057 = vector.shape_cast %broadcast_in_dim3A_8 : vector<16xf32> to vector<1x16xf32>
    tpu.vector_store %arg6[%swap3A_1053, %swap3A_1054], %swap3A_1057 {strides = array<i32>} : memref<16x512xf32, #tpu.memory_space<vmem>>, vector<1x16xf32>,
    %swap3A_1058 = arith.constant 5 : i32
    %swap3A_1059 = arith.index_cast %swap3A_1058 : i32 to index
    %swap3A_1060 = arith.constant 240 : index
    %swap3A_1061 = tpu.vector_load %arg6[%swap3A_1059, %swap3A_1060] {strides = array<i32>} : memref<16x512xf32, #tpu.memory_space<vmem>>, vector<1x16xf32>,
    %swap3A_1062 = vector.shape_cast %swap3A_1061 : vector<1x16xf32> to vector<16xf32>
    %swap3A_1063 = vector.shape_cast %broadcast_in_dim3A_8 : vector<16xf32> to vector<1x16xf32>
    tpu.vector_store %arg6[%swap3A_1059, %swap3A_1060], %swap3A_1063 {strides = array<i32>} : memref<16x512xf32, #tpu.memory_space<vmem>>, vector<1x16xf32>,
    %swap3A_1064 = arith.constant 5 : i32
    %swap3A_1065 = arith.index_cast %swap3A_1064 : i32 to index
    %swap3A_1066 = arith.constant 256 : index
    %swap3A_1067 = tpu.vector_load %arg6[%swap3A_1065, %swap3A_1066] {strides = array<i32>} : memref<16x512xf32, #tpu.memory_space<vmem>>, vector<1x16xf32>,
    %swap3A_1068 = vector.shape_cast %swap3A_1067 : vector<1x16xf32> to vector<16xf32>
    %swap3A_1069 = vector.shape_cast %broadcast_in_dim3A_8 : vector<16xf32> to vector<1x16xf32>
    tpu.vector_store %arg6[%swap3A_1065, %swap3A_1066], %swap3A_1069 {strides = array<i32>} : memref<16x512xf32, #tpu.memory_space<vmem>>, vector<1x16xf32>,
    %swap3A_1070 = arith.constant 5 : i32
    %swap3A_1071 = arith.index_cast %swap3A_1070 : i32 to index
    %swap3A_1072 = arith.constant 272 : index
    %swap3A_1073 = tpu.vector_load %arg6[%swap3A_1071, %swap3A_1072] {strides = array<i32>} : memref<16x512xf32, #tpu.memory_space<vmem>>, vector<1x16xf32>,
    %swap3A_1074 = vector.shape_cast %swap3A_1073 : vector<1x16xf32> to vector<16xf32>
    %swap3A_1075 = vector.shape_cast %broadcast_in_dim3A_8 : vector<16xf32> to vector<1x16xf32>
    tpu.vector_store %arg6[%swap3A_1071, %swap3A_1072], %swap3A_1075 {strides = array<i32>} : memref<16x512xf32, #tpu.memory_space<vmem>>, vector<1x16xf32>,
    %swap3A_1076 = arith.constant 5 : i32
    %swap3A_1077 = arith.index_cast %swap3A_1076 : i32 to index
    %swap3A_1078 = arith.constant 288 : index
    %swap3A_1079 = tpu.vector_load %arg6[%swap3A_1077, %swap3A_1078] {strides = array<i32>} : memref<16x512xf32, #tpu.memory_space<vmem>>, vector<1x16xf32>,
    %swap3A_1080 = vector.shape_cast %swap3A_1079 : vector<1x16xf32> to vector<16xf32>
    %swap3A_1081 = vector.shape_cast %broadcast_in_dim3A_8 : vector<16xf32> to vector<1x16xf32>
    tpu.vector_store %arg6[%swap3A_1077, %swap3A_1078], %swap3A_1081 {strides = array<i32>} : memref<16x512xf32, #tpu.memory_space<vmem>>, vector<1x16xf32>,
    %swap3A_1082 = arith.constant 5 : i32
    %swap3A_1083 = arith.index_cast %swap3A_1082 : i32 to index
    %swap3A_1084 = arith.constant 304 : index
    %swap3A_1085 = tpu.vector_load %arg6[%swap3A_1083, %swap3A_1084] {strides = array<i32>} : memref<16x512xf32, #tpu.memory_space<vmem>>, vector<1x16xf32>,
    %swap3A_1086 = vector.shape_cast %swap3A_1085 : vector<1x16xf32> to vector<16xf32>
    %swap3A_1087 = vector.shape_cast %broadcast_in_dim3A_8 : vector<16xf32> to vector<1x16xf32>
    tpu.vector_store %arg6[%swap3A_1083, %swap3A_1084], %swap3A_1087 {strides = array<i32>} : memref<16x512xf32, #tpu.memory_space<vmem>>, vector<1x16xf32>,
    %swap3A_1088 = arith.constant 5 : i32
    %swap3A_1089 = arith.index_cast %swap3A_1088 : i32 to index
    %swap3A_1090 = arith.constant 320 : index
    %swap3A_1091 = tpu.vector_load %arg6[%swap3A_1089, %swap3A_1090] {strides = array<i32>} : memref<16x512xf32, #tpu.memory_space<vmem>>, vector<1x16xf32>,
    %swap3A_1092 = vector.shape_cast %swap3A_1091 : vector<1x16xf32> to vector<16xf32>
    %swap3A_1093 = vector.shape_cast %broadcast_in_dim3A_8 : vector<16xf32> to vector<1x16xf32>
    tpu.vector_store %arg6[%swap3A_1089, %swap3A_1090], %swap3A_1093 {strides = array<i32>} : memref<16x512xf32, #tpu.memory_space<vmem>>, vector<1x16xf32>,
    %swap3A_1094 = arith.constant 5 : i32
    %swap3A_1095 = arith.index_cast %swap3A_1094 : i32 to index
    %swap3A_1096 = arith.constant 336 : index
    %swap3A_1097 = tpu.vector_load %arg6[%swap3A_1095, %swap3A_1096] {strides = array<i32>} : memref<16x512xf32, #tpu.memory_space<vmem>>, vector<1x16xf32>,
    %swap3A_1098 = vector.shape_cast %swap3A_1097 : vector<1x16xf32> to vector<16xf32>
    %swap3A_1099 = vector.shape_cast %broadcast_in_dim3A_8 : vector<16xf32> to vector<1x16xf32>
    tpu.vector_store %arg6[%swap3A_1095, %swap3A_1096], %swap3A_1099 {strides = array<i32>} : memref<16x512xf32, #tpu.memory_space<vmem>>, vector<1x16xf32>,
    %swap3A_1100 = arith.constant 5 : i32
    %swap3A_1101 = arith.index_cast %swap3A_1100 : i32 to index
    %swap3A_1102 = arith.constant 352 : index
    %swap3A_1103 = tpu.vector_load %arg6[%swap3A_1101, %swap3A_1102] {strides = array<i32>} : memref<16x512xf32, #tpu.memory_space<vmem>>, vector<1x16xf32>,
    %swap3A_1104 = vector.shape_cast %swap3A_1103 : vector<1x16xf32> to vector<16xf32>
    %swap3A_1105 = vector.shape_cast %broadcast_in_dim3A_8 : vector<16xf32> to vector<1x16xf32>
    tpu.vector_store %arg6[%swap3A_1101, %swap3A_1102], %swap3A_1105 {strides = array<i32>} : memref<16x512xf32, #tpu.memory_space<vmem>>, vector<1x16xf32>,
    %swap3A_1106 = arith.constant 5 : i32
    %swap3A_1107 = arith.index_cast %swap3A_1106 : i32 to index
    %swap3A_1108 = arith.constant 368 : index
    %swap3A_1109 = tpu.vector_load %arg6[%swap3A_1107, %swap3A_1108] {strides = array<i32>} : memref<16x512xf32, #tpu.memory_space<vmem>>, vector<1x16xf32>,
    %swap3A_1110 = vector.shape_cast %swap3A_1109 : vector<1x16xf32> to vector<16xf32>
    %swap3A_1111 = vector.shape_cast %broadcast_in_dim3A_8 : vector<16xf32> to vector<1x16xf32>
    tpu.vector_store %arg6[%swap3A_1107, %swap3A_1108], %swap3A_1111 {strides = array<i32>} : memref<16x512xf32, #tpu.memory_space<vmem>>, vector<1x16xf32>,
    %swap3A_1112 = arith.constant 5 : i32
    %swap3A_1113 = arith.index_cast %swap3A_1112 : i32 to index
    %swap3A_1114 = arith.constant 384 : index
    %swap3A_1115 = tpu.vector_load %arg6[%swap3A_1113, %swap3A_1114] {strides = array<i32>} : memref<16x512xf32, #tpu.memory_space<vmem>>, vector<1x16xf32>,
    %swap3A_1116 = vector.shape_cast %swap3A_1115 : vector<1x16xf32> to vector<16xf32>
    %swap3A_1117 = vector.shape_cast %broadcast_in_dim3A_8 : vector<16xf32> to vector<1x16xf32>
    tpu.vector_store %arg6[%swap3A_1113, %swap3A_1114], %swap3A_1117 {strides = array<i32>} : memref<16x512xf32, #tpu.memory_space<vmem>>, vector<1x16xf32>,
    %swap3A_1118 = arith.constant 5 : i32
    %swap3A_1119 = arith.index_cast %swap3A_1118 : i32 to index
    %swap3A_1120 = arith.constant 400 : index
    %swap3A_1121 = tpu.vector_load %arg6[%swap3A_1119, %swap3A_1120] {strides = array<i32>} : memref<16x512xf32, #tpu.memory_space<vmem>>, vector<1x16xf32>,
    %swap3A_1122 = vector.shape_cast %swap3A_1121 : vector<1x16xf32> to vector<16xf32>
    %swap3A_1123 = vector.shape_cast %broadcast_in_dim3A_8 : vector<16xf32> to vector<1x16xf32>
    tpu.vector_store %arg6[%swap3A_1119, %swap3A_1120], %swap3A_1123 {strides = array<i32>} : memref<16x512xf32, #tpu.memory_space<vmem>>, vector<1x16xf32>,
    %swap3A_1124 = arith.constant 5 : i32
    %swap3A_1125 = arith.index_cast %swap3A_1124 : i32 to index
    %swap3A_1126 = arith.constant 416 : index
    %swap3A_1127 = tpu.vector_load %arg6[%swap3A_1125, %swap3A_1126] {strides = array<i32>} : memref<16x512xf32, #tpu.memory_space<vmem>>, vector<1x16xf32>,
    %swap3A_1128 = vector.shape_cast %swap3A_1127 : vector<1x16xf32> to vector<16xf32>
    %swap3A_1129 = vector.shape_cast %broadcast_in_dim3A_8 : vector<16xf32> to vector<1x16xf32>
    tpu.vector_store %arg6[%swap3A_1125, %swap3A_1126], %swap3A_1129 {strides = array<i32>} : memref<16x512xf32, #tpu.memory_space<vmem>>, vector<1x16xf32>,
    %swap3A_1130 = arith.constant 5 : i32
    %swap3A_1131 = arith.index_cast %swap3A_1130 : i32 to index
    %swap3A_1132 = arith.constant 432 : index
    %swap3A_1133 = tpu.vector_load %arg6[%swap3A_1131, %swap3A_1132] {strides = array<i32>} : memref<16x512xf32, #tpu.memory_space<vmem>>, vector<1x16xf32>,
    %swap3A_1134 = vector.shape_cast %swap3A_1133 : vector<1x16xf32> to vector<16xf32>
    %swap3A_1135 = vector.shape_cast %broadcast_in_dim3A_8 : vector<16xf32> to vector<1x16xf32>
    tpu.vector_store %arg6[%swap3A_1131, %swap3A_1132], %swap3A_1135 {strides = array<i32>} : memref<16x512xf32, #tpu.memory_space<vmem>>, vector<1x16xf32>,
    %swap3A_1136 = arith.constant 5 : i32
    %swap3A_1137 = arith.index_cast %swap3A_1136 : i32 to index
    %swap3A_1138 = arith.constant 448 : index
    %swap3A_1139 = tpu.vector_load %arg6[%swap3A_1137, %swap3A_1138] {strides = array<i32>} : memref<16x512xf32, #tpu.memory_space<vmem>>, vector<1x16xf32>,
    %swap3A_1140 = vector.shape_cast %swap3A_1139 : vector<1x16xf32> to vector<16xf32>
    %swap3A_1141 = vector.shape_cast %broadcast_in_dim3A_8 : vector<16xf32> to vector<1x16xf32>
    tpu.vector_store %arg6[%swap3A_1137, %swap3A_1138], %swap3A_1141 {strides = array<i32>} : memref<16x512xf32, #tpu.memory_space<vmem>>, vector<1x16xf32>,
    %swap3A_1142 = arith.constant 5 : i32
    %swap3A_1143 = arith.index_cast %swap3A_1142 : i32 to index
    %swap3A_1144 = arith.constant 464 : index
    %swap3A_1145 = tpu.vector_load %arg6[%swap3A_1143, %swap3A_1144] {strides = array<i32>} : memref<16x512xf32, #tpu.memory_space<vmem>>, vector<1x16xf32>,
    %swap3A_1146 = vector.shape_cast %swap3A_1145 : vector<1x16xf32> to vector<16xf32>
    %swap3A_1147 = vector.shape_cast %broadcast_in_dim3A_8 : vector<16xf32> to vector<1x16xf32>
    tpu.vector_store %arg6[%swap3A_1143, %swap3A_1144], %swap3A_1147 {strides = array<i32>} : memref<16x512xf32, #tpu.memory_space<vmem>>, vector<1x16xf32>,
    %swap3A_1148 = arith.constant 5 : i32
    %swap3A_1149 = arith.index_cast %swap3A_1148 : i32 to index
    %swap3A_1150 = arith.constant 480 : index
    %swap3A_1151 = tpu.vector_load %arg6[%swap3A_1149, %swap3A_1150] {strides = array<i32>} : memref<16x512xf32, #tpu.memory_space<vmem>>, vector<1x16xf32>,
    %swap3A_1152 = vector.shape_cast %swap3A_1151 : vector<1x16xf32> to vector<16xf32>
    %swap3A_1153 = vector.shape_cast %broadcast_in_dim3A_8 : vector<16xf32> to vector<1x16xf32>
    tpu.vector_store %arg6[%swap3A_1149, %swap3A_1150], %swap3A_1153 {strides = array<i32>} : memref<16x512xf32, #tpu.memory_space<vmem>>, vector<1x16xf32>,
    %swap3A_1154 = arith.constant 5 : i32
    %swap3A_1155 = arith.index_cast %swap3A_1154 : i32 to index
    %swap3A_1156 = arith.constant 496 : index
    %swap3A_1157 = tpu.vector_load %arg6[%swap3A_1155, %swap3A_1156] {strides = array<i32>} : memref<16x512xf32, #tpu.memory_space<vmem>>, vector<1x16xf32>,
    %swap3A_1158 = vector.shape_cast %swap3A_1157 : vector<1x16xf32> to vector<16xf32>
    %swap3A_1159 = vector.shape_cast %broadcast_in_dim3A_8 : vector<16xf32> to vector<1x16xf32>
    tpu.vector_store %arg6[%swap3A_1155, %swap3A_1156], %swap3A_1159 {strides = array<i32>} : memref<16x512xf32, #tpu.memory_space<vmem>>, vector<1x16xf32>,
    %swap3A_1160 = arith.constant 6 : i32
    %swap3A_1161 = arith.index_cast %swap3A_1160 : i32 to index
    %swap3A_1162 = arith.constant 0 : index
    %swap3A_1163 = tpu.vector_load %arg6[%swap3A_1161, %swap3A_1162] {strides = array<i32>} : memref<16x512xf32, #tpu.memory_space<vmem>>, vector<1x16xf32>,
    %swap3A_1164 = vector.shape_cast %swap3A_1163 : vector<1x16xf32> to vector<16xf32>
    %swap3A_1165 = vector.shape_cast %broadcast_in_dim3A_8 : vector<16xf32> to vector<1x16xf32>
    tpu.vector_store %arg6[%swap3A_1161, %swap3A_1162], %swap3A_1165 {strides = array<i32>} : memref<16x512xf32, #tpu.memory_space<vmem>>, vector<1x16xf32>,
    %swap3A_1166 = arith.constant 6 : i32
    %swap3A_1167 = arith.index_cast %swap3A_1166 : i32 to index
    %swap3A_1168 = arith.constant 16 : index
    %swap3A_1169 = tpu.vector_load %arg6[%swap3A_1167, %swap3A_1168] {strides = array<i32>} : memref<16x512xf32, #tpu.memory_space<vmem>>, vector<1x16xf32>,
    %swap3A_1170 = vector.shape_cast %swap3A_1169 : vector<1x16xf32> to vector<16xf32>
    %swap3A_1171 = vector.shape_cast %broadcast_in_dim3A_8 : vector<16xf32> to vector<1x16xf32>
    tpu.vector_store %arg6[%swap3A_1167, %swap3A_1168], %swap3A_1171 {strides = array<i32>} : memref<16x512xf32, #tpu.memory_space<vmem>>, vector<1x16xf32>,
    %swap3A_1172 = arith.constant 6 : i32
    %swap3A_1173 = arith.index_cast %swap3A_1172 : i32 to index
    %swap3A_1174 = arith.constant 32 : index
    %swap3A_1175 = tpu.vector_load %arg6[%swap3A_1173, %swap3A_1174] {strides = array<i32>} : memref<16x512xf32, #tpu.memory_space<vmem>>, vector<1x16xf32>,
    %swap3A_1176 = vector.shape_cast %swap3A_1175 : vector<1x16xf32> to vector<16xf32>
    %swap3A_1177 = vector.shape_cast %broadcast_in_dim3A_8 : vector<16xf32> to vector<1x16xf32>
    tpu.vector_store %arg6[%swap3A_1173, %swap3A_1174], %swap3A_1177 {strides = array<i32>} : memref<16x512xf32, #tpu.memory_space<vmem>>, vector<1x16xf32>,
    %swap3A_1178 = arith.constant 6 : i32
    %swap3A_1179 = arith.index_cast %swap3A_1178 : i32 to index
    %swap3A_1180 = arith.constant 48 : index
    %swap3A_1181 = tpu.vector_load %arg6[%swap3A_1179, %swap3A_1180] {strides = array<i32>} : memref<16x512xf32, #tpu.memory_space<vmem>>, vector<1x16xf32>,
    %swap3A_1182 = vector.shape_cast %swap3A_1181 : vector<1x16xf32> to vector<16xf32>
    %swap3A_1183 = vector.shape_cast %broadcast_in_dim3A_8 : vector<16xf32> to vector<1x16xf32>
    tpu.vector_store %arg6[%swap3A_1179, %swap3A_1180], %swap3A_1183 {strides = array<i32>} : memref<16x512xf32, #tpu.memory_space<vmem>>, vector<1x16xf32>,
    %swap3A_1184 = arith.constant 6 : i32
    %swap3A_1185 = arith.index_cast %swap3A_1184 : i32 to index
    %swap3A_1186 = arith.constant 64 : index
    %swap3A_1187 = tpu.vector_load %arg6[%swap3A_1185, %swap3A_1186] {strides = array<i32>} : memref<16x512xf32, #tpu.memory_space<vmem>>, vector<1x16xf32>,
    %swap3A_1188 = vector.shape_cast %swap3A_1187 : vector<1x16xf32> to vector<16xf32>
    %swap3A_1189 = vector.shape_cast %broadcast_in_dim3A_8 : vector<16xf32> to vector<1x16xf32>
    tpu.vector_store %arg6[%swap3A_1185, %swap3A_1186], %swap3A_1189 {strides = array<i32>} : memref<16x512xf32, #tpu.memory_space<vmem>>, vector<1x16xf32>,
    %swap3A_1190 = arith.constant 6 : i32
    %swap3A_1191 = arith.index_cast %swap3A_1190 : i32 to index
    %swap3A_1192 = arith.constant 80 : index
    %swap3A_1193 = tpu.vector_load %arg6[%swap3A_1191, %swap3A_1192] {strides = array<i32>} : memref<16x512xf32, #tpu.memory_space<vmem>>, vector<1x16xf32>,
    %swap3A_1194 = vector.shape_cast %swap3A_1193 : vector<1x16xf32> to vector<16xf32>
    %swap3A_1195 = vector.shape_cast %broadcast_in_dim3A_8 : vector<16xf32> to vector<1x16xf32>
    tpu.vector_store %arg6[%swap3A_1191, %swap3A_1192], %swap3A_1195 {strides = array<i32>} : memref<16x512xf32, #tpu.memory_space<vmem>>, vector<1x16xf32>,
    %swap3A_1196 = arith.constant 6 : i32
    %swap3A_1197 = arith.index_cast %swap3A_1196 : i32 to index
    %swap3A_1198 = arith.constant 96 : index
    %swap3A_1199 = tpu.vector_load %arg6[%swap3A_1197, %swap3A_1198] {strides = array<i32>} : memref<16x512xf32, #tpu.memory_space<vmem>>, vector<1x16xf32>,
    %swap3A_1200 = vector.shape_cast %swap3A_1199 : vector<1x16xf32> to vector<16xf32>
    %swap3A_1201 = vector.shape_cast %broadcast_in_dim3A_8 : vector<16xf32> to vector<1x16xf32>
    tpu.vector_store %arg6[%swap3A_1197, %swap3A_1198], %swap3A_1201 {strides = array<i32>} : memref<16x512xf32, #tpu.memory_space<vmem>>, vector<1x16xf32>,
    %swap3A_1202 = arith.constant 6 : i32
    %swap3A_1203 = arith.index_cast %swap3A_1202 : i32 to index
    %swap3A_1204 = arith.constant 112 : index
    %swap3A_1205 = tpu.vector_load %arg6[%swap3A_1203, %swap3A_1204] {strides = array<i32>} : memref<16x512xf32, #tpu.memory_space<vmem>>, vector<1x16xf32>,
    %swap3A_1206 = vector.shape_cast %swap3A_1205 : vector<1x16xf32> to vector<16xf32>
    %swap3A_1207 = vector.shape_cast %broadcast_in_dim3A_8 : vector<16xf32> to vector<1x16xf32>
    tpu.vector_store %arg6[%swap3A_1203, %swap3A_1204], %swap3A_1207 {strides = array<i32>} : memref<16x512xf32, #tpu.memory_space<vmem>>, vector<1x16xf32>,
    %swap3A_1208 = arith.constant 6 : i32
    %swap3A_1209 = arith.index_cast %swap3A_1208 : i32 to index
    %swap3A_1210 = arith.constant 128 : index
    %swap3A_1211 = tpu.vector_load %arg6[%swap3A_1209, %swap3A_1210] {strides = array<i32>} : memref<16x512xf32, #tpu.memory_space<vmem>>, vector<1x16xf32>,
    %swap3A_1212 = vector.shape_cast %swap3A_1211 : vector<1x16xf32> to vector<16xf32>
    %swap3A_1213 = vector.shape_cast %broadcast_in_dim3A_8 : vector<16xf32> to vector<1x16xf32>
    tpu.vector_store %arg6[%swap3A_1209, %swap3A_1210], %swap3A_1213 {strides = array<i32>} : memref<16x512xf32, #tpu.memory_space<vmem>>, vector<1x16xf32>,
    %swap3A_1214 = arith.constant 6 : i32
    %swap3A_1215 = arith.index_cast %swap3A_1214 : i32 to index
    %swap3A_1216 = arith.constant 144 : index
    %swap3A_1217 = tpu.vector_load %arg6[%swap3A_1215, %swap3A_1216] {strides = array<i32>} : memref<16x512xf32, #tpu.memory_space<vmem>>, vector<1x16xf32>,
    %swap3A_1218 = vector.shape_cast %swap3A_1217 : vector<1x16xf32> to vector<16xf32>
    %swap3A_1219 = vector.shape_cast %broadcast_in_dim3A_8 : vector<16xf32> to vector<1x16xf32>
    tpu.vector_store %arg6[%swap3A_1215, %swap3A_1216], %swap3A_1219 {strides = array<i32>} : memref<16x512xf32, #tpu.memory_space<vmem>>, vector<1x16xf32>,
    %swap3A_1220 = arith.constant 6 : i32
    %swap3A_1221 = arith.index_cast %swap3A_1220 : i32 to index
    %swap3A_1222 = arith.constant 160 : index
    %swap3A_1223 = tpu.vector_load %arg6[%swap3A_1221, %swap3A_1222] {strides = array<i32>} : memref<16x512xf32, #tpu.memory_space<vmem>>, vector<1x16xf32>,
    %swap3A_1224 = vector.shape_cast %swap3A_1223 : vector<1x16xf32> to vector<16xf32>
    %swap3A_1225 = vector.shape_cast %broadcast_in_dim3A_8 : vector<16xf32> to vector<1x16xf32>
    tpu.vector_store %arg6[%swap3A_1221, %swap3A_1222], %swap3A_1225 {strides = array<i32>} : memref<16x512xf32, #tpu.memory_space<vmem>>, vector<1x16xf32>,
    %swap3A_1226 = arith.constant 6 : i32
    %swap3A_1227 = arith.index_cast %swap3A_1226 : i32 to index
    %swap3A_1228 = arith.constant 176 : index
    %swap3A_1229 = tpu.vector_load %arg6[%swap3A_1227, %swap3A_1228] {strides = array<i32>} : memref<16x512xf32, #tpu.memory_space<vmem>>, vector<1x16xf32>,
    %swap3A_1230 = vector.shape_cast %swap3A_1229 : vector<1x16xf32> to vector<16xf32>
    %swap3A_1231 = vector.shape_cast %broadcast_in_dim3A_8 : vector<16xf32> to vector<1x16xf32>
    tpu.vector_store %arg6[%swap3A_1227, %swap3A_1228], %swap3A_1231 {strides = array<i32>} : memref<16x512xf32, #tpu.memory_space<vmem>>, vector<1x16xf32>,
    %swap3A_1232 = arith.constant 6 : i32
    %swap3A_1233 = arith.index_cast %swap3A_1232 : i32 to index
    %swap3A_1234 = arith.constant 192 : index
    %swap3A_1235 = tpu.vector_load %arg6[%swap3A_1233, %swap3A_1234] {strides = array<i32>} : memref<16x512xf32, #tpu.memory_space<vmem>>, vector<1x16xf32>,
    %swap3A_1236 = vector.shape_cast %swap3A_1235 : vector<1x16xf32> to vector<16xf32>
    %swap3A_1237 = vector.shape_cast %broadcast_in_dim3A_8 : vector<16xf32> to vector<1x16xf32>
    tpu.vector_store %arg6[%swap3A_1233, %swap3A_1234], %swap3A_1237 {strides = array<i32>} : memref<16x512xf32, #tpu.memory_space<vmem>>, vector<1x16xf32>,
    %swap3A_1238 = arith.constant 6 : i32
    %swap3A_1239 = arith.index_cast %swap3A_1238 : i32 to index
    %swap3A_1240 = arith.constant 208 : index
    %swap3A_1241 = tpu.vector_load %arg6[%swap3A_1239, %swap3A_1240] {strides = array<i32>} : memref<16x512xf32, #tpu.memory_space<vmem>>, vector<1x16xf32>,
    %swap3A_1242 = vector.shape_cast %swap3A_1241 : vector<1x16xf32> to vector<16xf32>
    %swap3A_1243 = vector.shape_cast %broadcast_in_dim3A_8 : vector<16xf32> to vector<1x16xf32>
    tpu.vector_store %arg6[%swap3A_1239, %swap3A_1240], %swap3A_1243 {strides = array<i32>} : memref<16x512xf32, #tpu.memory_space<vmem>>, vector<1x16xf32>,
    %swap3A_1244 = arith.constant 6 : i32
    %swap3A_1245 = arith.index_cast %swap3A_1244 : i32 to index
    %swap3A_1246 = arith.constant 224 : index
    %swap3A_1247 = tpu.vector_load %arg6[%swap3A_1245, %swap3A_1246] {strides = array<i32>} : memref<16x512xf32, #tpu.memory_space<vmem>>, vector<1x16xf32>,
    %swap3A_1248 = vector.shape_cast %swap3A_1247 : vector<1x16xf32> to vector<16xf32>
    %swap3A_1249 = vector.shape_cast %broadcast_in_dim3A_8 : vector<16xf32> to vector<1x16xf32>
    tpu.vector_store %arg6[%swap3A_1245, %swap3A_1246], %swap3A_1249 {strides = array<i32>} : memref<16x512xf32, #tpu.memory_space<vmem>>, vector<1x16xf32>,
    %swap3A_1250 = arith.constant 6 : i32
    %swap3A_1251 = arith.index_cast %swap3A_1250 : i32 to index
    %swap3A_1252 = arith.constant 240 : index
    %swap3A_1253 = tpu.vector_load %arg6[%swap3A_1251, %swap3A_1252] {strides = array<i32>} : memref<16x512xf32, #tpu.memory_space<vmem>>, vector<1x16xf32>,
    %swap3A_1254 = vector.shape_cast %swap3A_1253 : vector<1x16xf32> to vector<16xf32>
    %swap3A_1255 = vector.shape_cast %broadcast_in_dim3A_8 : vector<16xf32> to vector<1x16xf32>
    tpu.vector_store %arg6[%swap3A_1251, %swap3A_1252], %swap3A_1255 {strides = array<i32>} : memref<16x512xf32, #tpu.memory_space<vmem>>, vector<1x16xf32>,
    %swap3A_1256 = arith.constant 6 : i32
    %swap3A_1257 = arith.index_cast %swap3A_1256 : i32 to index
    %swap3A_1258 = arith.constant 256 : index
    %swap3A_1259 = tpu.vector_load %arg6[%swap3A_1257, %swap3A_1258] {strides = array<i32>} : memref<16x512xf32, #tpu.memory_space<vmem>>, vector<1x16xf32>,
    %swap3A_1260 = vector.shape_cast %swap3A_1259 : vector<1x16xf32> to vector<16xf32>
    %swap3A_1261 = vector.shape_cast %broadcast_in_dim3A_8 : vector<16xf32> to vector<1x16xf32>
    tpu.vector_store %arg6[%swap3A_1257, %swap3A_1258], %swap3A_1261 {strides = array<i32>} : memref<16x512xf32, #tpu.memory_space<vmem>>, vector<1x16xf32>,
    %swap3A_1262 = arith.constant 6 : i32
    %swap3A_1263 = arith.index_cast %swap3A_1262 : i32 to index
    %swap3A_1264 = arith.constant 272 : index
    %swap3A_1265 = tpu.vector_load %arg6[%swap3A_1263, %swap3A_1264] {strides = array<i32>} : memref<16x512xf32, #tpu.memory_space<vmem>>, vector<1x16xf32>,
    %swap3A_1266 = vector.shape_cast %swap3A_1265 : vector<1x16xf32> to vector<16xf32>
    %swap3A_1267 = vector.shape_cast %broadcast_in_dim3A_8 : vector<16xf32> to vector<1x16xf32>
    tpu.vector_store %arg6[%swap3A_1263, %swap3A_1264], %swap3A_1267 {strides = array<i32>} : memref<16x512xf32, #tpu.memory_space<vmem>>, vector<1x16xf32>,
    %swap3A_1268 = arith.constant 6 : i32
    %swap3A_1269 = arith.index_cast %swap3A_1268 : i32 to index
    %swap3A_1270 = arith.constant 288 : index
    %swap3A_1271 = tpu.vector_load %arg6[%swap3A_1269, %swap3A_1270] {strides = array<i32>} : memref<16x512xf32, #tpu.memory_space<vmem>>, vector<1x16xf32>,
    %swap3A_1272 = vector.shape_cast %swap3A_1271 : vector<1x16xf32> to vector<16xf32>
    %swap3A_1273 = vector.shape_cast %broadcast_in_dim3A_8 : vector<16xf32> to vector<1x16xf32>
    tpu.vector_store %arg6[%swap3A_1269, %swap3A_1270], %swap3A_1273 {strides = array<i32>} : memref<16x512xf32, #tpu.memory_space<vmem>>, vector<1x16xf32>,
    %swap3A_1274 = arith.constant 6 : i32
    %swap3A_1275 = arith.index_cast %swap3A_1274 : i32 to index
    %swap3A_1276 = arith.constant 304 : index
    %swap3A_1277 = tpu.vector_load %arg6[%swap3A_1275, %swap3A_1276] {strides = array<i32>} : memref<16x512xf32, #tpu.memory_space<vmem>>, vector<1x16xf32>,
    %swap3A_1278 = vector.shape_cast %swap3A_1277 : vector<1x16xf32> to vector<16xf32>
    %swap3A_1279 = vector.shape_cast %broadcast_in_dim3A_8 : vector<16xf32> to vector<1x16xf32>
    tpu.vector_store %arg6[%swap3A_1275, %swap3A_1276], %swap3A_1279 {strides = array<i32>} : memref<16x512xf32, #tpu.memory_space<vmem>>, vector<1x16xf32>,
    %swap3A_1280 = arith.constant 6 : i32
    %swap3A_1281 = arith.index_cast %swap3A_1280 : i32 to index
    %swap3A_1282 = arith.constant 320 : index
    %swap3A_1283 = tpu.vector_load %arg6[%swap3A_1281, %swap3A_1282] {strides = array<i32>} : memref<16x512xf32, #tpu.memory_space<vmem>>, vector<1x16xf32>,
    %swap3A_1284 = vector.shape_cast %swap3A_1283 : vector<1x16xf32> to vector<16xf32>
    %swap3A_1285 = vector.shape_cast %broadcast_in_dim3A_8 : vector<16xf32> to vector<1x16xf32>
    tpu.vector_store %arg6[%swap3A_1281, %swap3A_1282], %swap3A_1285 {strides = array<i32>} : memref<16x512xf32, #tpu.memory_space<vmem>>, vector<1x16xf32>,
    %swap3A_1286 = arith.constant 6 : i32
    %swap3A_1287 = arith.index_cast %swap3A_1286 : i32 to index
    %swap3A_1288 = arith.constant 336 : index
    %swap3A_1289 = tpu.vector_load %arg6[%swap3A_1287, %swap3A_1288] {strides = array<i32>} : memref<16x512xf32, #tpu.memory_space<vmem>>, vector<1x16xf32>,
    %swap3A_1290 = vector.shape_cast %swap3A_1289 : vector<1x16xf32> to vector<16xf32>
    %swap3A_1291 = vector.shape_cast %broadcast_in_dim3A_8 : vector<16xf32> to vector<1x16xf32>
    tpu.vector_store %arg6[%swap3A_1287, %swap3A_1288], %swap3A_1291 {strides = array<i32>} : memref<16x512xf32, #tpu.memory_space<vmem>>, vector<1x16xf32>,
    %swap3A_1292 = arith.constant 6 : i32
    %swap3A_1293 = arith.index_cast %swap3A_1292 : i32 to index
    %swap3A_1294 = arith.constant 352 : index
    %swap3A_1295 = tpu.vector_load %arg6[%swap3A_1293, %swap3A_1294] {strides = array<i32>} : memref<16x512xf32, #tpu.memory_space<vmem>>, vector<1x16xf32>,
    %swap3A_1296 = vector.shape_cast %swap3A_1295 : vector<1x16xf32> to vector<16xf32>
    %swap3A_1297 = vector.shape_cast %broadcast_in_dim3A_8 : vector<16xf32> to vector<1x16xf32>
    tpu.vector_store %arg6[%swap3A_1293, %swap3A_1294], %swap3A_1297 {strides = array<i32>} : memref<16x512xf32, #tpu.memory_space<vmem>>, vector<1x16xf32>,
    %swap3A_1298 = arith.constant 6 : i32
    %swap3A_1299 = arith.index_cast %swap3A_1298 : i32 to index
    %swap3A_1300 = arith.constant 368 : index
    %swap3A_1301 = tpu.vector_load %arg6[%swap3A_1299, %swap3A_1300] {strides = array<i32>} : memref<16x512xf32, #tpu.memory_space<vmem>>, vector<1x16xf32>,
    %swap3A_1302 = vector.shape_cast %swap3A_1301 : vector<1x16xf32> to vector<16xf32>
    %swap3A_1303 = vector.shape_cast %broadcast_in_dim3A_8 : vector<16xf32> to vector<1x16xf32>
    tpu.vector_store %arg6[%swap3A_1299, %swap3A_1300], %swap3A_1303 {strides = array<i32>} : memref<16x512xf32, #tpu.memory_space<vmem>>, vector<1x16xf32>,
    %swap3A_1304 = arith.constant 6 : i32
    %swap3A_1305 = arith.index_cast %swap3A_1304 : i32 to index
    %swap3A_1306 = arith.constant 384 : index
    %swap3A_1307 = tpu.vector_load %arg6[%swap3A_1305, %swap3A_1306] {strides = array<i32>} : memref<16x512xf32, #tpu.memory_space<vmem>>, vector<1x16xf32>,
    %swap3A_1308 = vector.shape_cast %swap3A_1307 : vector<1x16xf32> to vector<16xf32>
    %swap3A_1309 = vector.shape_cast %broadcast_in_dim3A_8 : vector<16xf32> to vector<1x16xf32>
    tpu.vector_store %arg6[%swap3A_1305, %swap3A_1306], %swap3A_1309 {strides = array<i32>} : memref<16x512xf32, #tpu.memory_space<vmem>>, vector<1x16xf32>,
    %swap3A_1310 = arith.constant 6 : i32
    %swap3A_1311 = arith.index_cast %swap3A_1310 : i32 to index
    %swap3A_1312 = arith.constant 400 : index
    %swap3A_1313 = tpu.vector_load %arg6[%swap3A_1311, %swap3A_1312] {strides = array<i32>} : memref<16x512xf32, #tpu.memory_space<vmem>>, vector<1x16xf32>,
    %swap3A_1314 = vector.shape_cast %swap3A_1313 : vector<1x16xf32> to vector<16xf32>
    %swap3A_1315 = vector.shape_cast %broadcast_in_dim3A_8 : vector<16xf32> to vector<1x16xf32>
    tpu.vector_store %arg6[%swap3A_1311, %swap3A_1312], %swap3A_1315 {strides = array<i32>} : memref<16x512xf32, #tpu.memory_space<vmem>>, vector<1x16xf32>,
    %swap3A_1316 = arith.constant 6 : i32
    %swap3A_1317 = arith.index_cast %swap3A_1316 : i32 to index
    %swap3A_1318 = arith.constant 416 : index
    %swap3A_1319 = tpu.vector_load %arg6[%swap3A_1317, %swap3A_1318] {strides = array<i32>} : memref<16x512xf32, #tpu.memory_space<vmem>>, vector<1x16xf32>,
    %swap3A_1320 = vector.shape_cast %swap3A_1319 : vector<1x16xf32> to vector<16xf32>
    %swap3A_1321 = vector.shape_cast %broadcast_in_dim3A_8 : vector<16xf32> to vector<1x16xf32>
    tpu.vector_store %arg6[%swap3A_1317, %swap3A_1318], %swap3A_1321 {strides = array<i32>} : memref<16x512xf32, #tpu.memory_space<vmem>>, vector<1x16xf32>,
    %swap3A_1322 = arith.constant 6 : i32
    %swap3A_1323 = arith.index_cast %swap3A_1322 : i32 to index
    %swap3A_1324 = arith.constant 432 : index
    %swap3A_1325 = tpu.vector_load %arg6[%swap3A_1323, %swap3A_1324] {strides = array<i32>} : memref<16x512xf32, #tpu.memory_space<vmem>>, vector<1x16xf32>,
    %swap3A_1326 = vector.shape_cast %swap3A_1325 : vector<1x16xf32> to vector<16xf32>
    %swap3A_1327 = vector.shape_cast %broadcast_in_dim3A_8 : vector<16xf32> to vector<1x16xf32>
    tpu.vector_store %arg6[%swap3A_1323, %swap3A_1324], %swap3A_1327 {strides = array<i32>} : memref<16x512xf32, #tpu.memory_space<vmem>>, vector<1x16xf32>,
    %swap3A_1328 = arith.constant 6 : i32
    %swap3A_1329 = arith.index_cast %swap3A_1328 : i32 to index
    %swap3A_1330 = arith.constant 448 : index
    %swap3A_1331 = tpu.vector_load %arg6[%swap3A_1329, %swap3A_1330] {strides = array<i32>} : memref<16x512xf32, #tpu.memory_space<vmem>>, vector<1x16xf32>,
    %swap3A_1332 = vector.shape_cast %swap3A_1331 : vector<1x16xf32> to vector<16xf32>
    %swap3A_1333 = vector.shape_cast %broadcast_in_dim3A_8 : vector<16xf32> to vector<1x16xf32>
    tpu.vector_store %arg6[%swap3A_1329, %swap3A_1330], %swap3A_1333 {strides = array<i32>} : memref<16x512xf32, #tpu.memory_space<vmem>>, vector<1x16xf32>,
    %swap3A_1334 = arith.constant 6 : i32
    %swap3A_1335 = arith.index_cast %swap3A_1334 : i32 to index
    %swap3A_1336 = arith.constant 464 : index
    %swap3A_1337 = tpu.vector_load %arg6[%swap3A_1335, %swap3A_1336] {strides = array<i32>} : memref<16x512xf32, #tpu.memory_space<vmem>>, vector<1x16xf32>,
    %swap3A_1338 = vector.shape_cast %swap3A_1337 : vector<1x16xf32> to vector<16xf32>
    %swap3A_1339 = vector.shape_cast %broadcast_in_dim3A_8 : vector<16xf32> to vector<1x16xf32>
    tpu.vector_store %arg6[%swap3A_1335, %swap3A_1336], %swap3A_1339 {strides = array<i32>} : memref<16x512xf32, #tpu.memory_space<vmem>>, vector<1x16xf32>,
    %swap3A_1340 = arith.constant 6 : i32
    %swap3A_1341 = arith.index_cast %swap3A_1340 : i32 to index
    %swap3A_1342 = arith.constant 480 : index
    %swap3A_1343 = tpu.vector_load %arg6[%swap3A_1341, %swap3A_1342] {strides = array<i32>} : memref<16x512xf32, #tpu.memory_space<vmem>>, vector<1x16xf32>,
    %swap3A_1344 = vector.shape_cast %swap3A_1343 : vector<1x16xf32> to vector<16xf32>
    %swap3A_1345 = vector.shape_cast %broadcast_in_dim3A_8 : vector<16xf32> to vector<1x16xf32>
    tpu.vector_store %arg6[%swap3A_1341, %swap3A_1342], %swap3A_1345 {strides = array<i32>} : memref<16x512xf32, #tpu.memory_space<vmem>>, vector<1x16xf32>,
    %swap3A_1346 = arith.constant 6 : i32
    %swap3A_1347 = arith.index_cast %swap3A_1346 : i32 to index
    %swap3A_1348 = arith.constant 496 : index
    %swap3A_1349 = tpu.vector_load %arg6[%swap3A_1347, %swap3A_1348] {strides = array<i32>} : memref<16x512xf32, #tpu.memory_space<vmem>>, vector<1x16xf32>,
    %swap3A_1350 = vector.shape_cast %swap3A_1349 : vector<1x16xf32> to vector<16xf32>
    %swap3A_1351 = vector.shape_cast %broadcast_in_dim3A_8 : vector<16xf32> to vector<1x16xf32>
    tpu.vector_store %arg6[%swap3A_1347, %swap3A_1348], %swap3A_1351 {strides = array<i32>} : memref<16x512xf32, #tpu.memory_space<vmem>>, vector<1x16xf32>,
    %swap3A_1352 = arith.constant 7 : i32
    %swap3A_1353 = arith.index_cast %swap3A_1352 : i32 to index
    %swap3A_1354 = arith.constant 0 : index
    %swap3A_1355 = tpu.vector_load %arg6[%swap3A_1353, %swap3A_1354] {strides = array<i32>} : memref<16x512xf32, #tpu.memory_space<vmem>>, vector<1x16xf32>,
    %swap3A_1356 = vector.shape_cast %swap3A_1355 : vector<1x16xf32> to vector<16xf32>
    %swap3A_1357 = vector.shape_cast %broadcast_in_dim3A_8 : vector<16xf32> to vector<1x16xf32>
    tpu.vector_store %arg6[%swap3A_1353, %swap3A_1354], %swap3A_1357 {strides = array<i32>} : memref<16x512xf32, #tpu.memory_space<vmem>>, vector<1x16xf32>,
    %swap3A_1358 = arith.constant 7 : i32
    %swap3A_1359 = arith.index_cast %swap3A_1358 : i32 to index
    %swap3A_1360 = arith.constant 16 : index
    %swap3A_1361 = tpu.vector_load %arg6[%swap3A_1359, %swap3A_1360] {strides = array<i32>} : memref<16x512xf32, #tpu.memory_space<vmem>>, vector<1x16xf32>,
    %swap3A_1362 = vector.shape_cast %swap3A_1361 : vector<1x16xf32> to vector<16xf32>
    %swap3A_1363 = vector.shape_cast %broadcast_in_dim3A_8 : vector<16xf32> to vector<1x16xf32>
    tpu.vector_store %arg6[%swap3A_1359, %swap3A_1360], %swap3A_1363 {strides = array<i32>} : memref<16x512xf32, #tpu.memory_space<vmem>>, vector<1x16xf32>,
    %swap3A_1364 = arith.constant 7 : i32
    %swap3A_1365 = arith.index_cast %swap3A_1364 : i32 to index
    %swap3A_1366 = arith.constant 32 : index
    %swap3A_1367 = tpu.vector_load %arg6[%swap3A_1365, %swap3A_1366] {strides = array<i32>} : memref<16x512xf32, #tpu.memory_space<vmem>>, vector<1x16xf32>,
    %swap3A_1368 = vector.shape_cast %swap3A_1367 : vector<1x16xf32> to vector<16xf32>
    %swap3A_1369 = vector.shape_cast %broadcast_in_dim3A_8 : vector<16xf32> to vector<1x16xf32>
    tpu.vector_store %arg6[%swap3A_1365, %swap3A_1366], %swap3A_1369 {strides = array<i32>} : memref<16x512xf32, #tpu.memory_space<vmem>>, vector<1x16xf32>,
    %swap3A_1370 = arith.constant 7 : i32
    %swap3A_1371 = arith.index_cast %swap3A_1370 : i32 to index
    %swap3A_1372 = arith.constant 48 : index
    %swap3A_1373 = tpu.vector_load %arg6[%swap3A_1371, %swap3A_1372] {strides = array<i32>} : memref<16x512xf32, #tpu.memory_space<vmem>>, vector<1x16xf32>,
    %swap3A_1374 = vector.shape_cast %swap3A_1373 : vector<1x16xf32> to vector<16xf32>
    %swap3A_1375 = vector.shape_cast %broadcast_in_dim3A_8 : vector<16xf32> to vector<1x16xf32>
    tpu.vector_store %arg6[%swap3A_1371, %swap3A_1372], %swap3A_1375 {strides = array<i32>} : memref<16x512xf32, #tpu.memory_space<vmem>>, vector<1x16xf32>,
    %swap3A_1376 = arith.constant 7 : i32
    %swap3A_1377 = arith.index_cast %swap3A_1376 : i32 to index
    %swap3A_1378 = arith.constant 64 : index
    %swap3A_1379 = tpu.vector_load %arg6[%swap3A_1377, %swap3A_1378] {strides = array<i32>} : memref<16x512xf32, #tpu.memory_space<vmem>>, vector<1x16xf32>,
    %swap3A_1380 = vector.shape_cast %swap3A_1379 : vector<1x16xf32> to vector<16xf32>
    %swap3A_1381 = vector.shape_cast %broadcast_in_dim3A_8 : vector<16xf32> to vector<1x16xf32>
    tpu.vector_store %arg6[%swap3A_1377, %swap3A_1378], %swap3A_1381 {strides = array<i32>} : memref<16x512xf32, #tpu.memory_space<vmem>>, vector<1x16xf32>,
    %swap3A_1382 = arith.constant 7 : i32
    %swap3A_1383 = arith.index_cast %swap3A_1382 : i32 to index
    %swap3A_1384 = arith.constant 80 : index
    %swap3A_1385 = tpu.vector_load %arg6[%swap3A_1383, %swap3A_1384] {strides = array<i32>} : memref<16x512xf32, #tpu.memory_space<vmem>>, vector<1x16xf32>,
    %swap3A_1386 = vector.shape_cast %swap3A_1385 : vector<1x16xf32> to vector<16xf32>
    %swap3A_1387 = vector.shape_cast %broadcast_in_dim3A_8 : vector<16xf32> to vector<1x16xf32>
    tpu.vector_store %arg6[%swap3A_1383, %swap3A_1384], %swap3A_1387 {strides = array<i32>} : memref<16x512xf32, #tpu.memory_space<vmem>>, vector<1x16xf32>,
    %swap3A_1388 = arith.constant 7 : i32
    %swap3A_1389 = arith.index_cast %swap3A_1388 : i32 to index
    %swap3A_1390 = arith.constant 96 : index
    %swap3A_1391 = tpu.vector_load %arg6[%swap3A_1389, %swap3A_1390] {strides = array<i32>} : memref<16x512xf32, #tpu.memory_space<vmem>>, vector<1x16xf32>,
    %swap3A_1392 = vector.shape_cast %swap3A_1391 : vector<1x16xf32> to vector<16xf32>
    %swap3A_1393 = vector.shape_cast %broadcast_in_dim3A_8 : vector<16xf32> to vector<1x16xf32>
    tpu.vector_store %arg6[%swap3A_1389, %swap3A_1390], %swap3A_1393 {strides = array<i32>} : memref<16x512xf32, #tpu.memory_space<vmem>>, vector<1x16xf32>,
    %swap3A_1394 = arith.constant 7 : i32
    %swap3A_1395 = arith.index_cast %swap3A_1394 : i32 to index
    %swap3A_1396 = arith.constant 112 : index
    %swap3A_1397 = tpu.vector_load %arg6[%swap3A_1395, %swap3A_1396] {strides = array<i32>} : memref<16x512xf32, #tpu.memory_space<vmem>>, vector<1x16xf32>,
    %swap3A_1398 = vector.shape_cast %swap3A_1397 : vector<1x16xf32> to vector<16xf32>
    %swap3A_1399 = vector.shape_cast %broadcast_in_dim3A_8 : vector<16xf32> to vector<1x16xf32>
    tpu.vector_store %arg6[%swap3A_1395, %swap3A_1396], %swap3A_1399 {strides = array<i32>} : memref<16x512xf32, #tpu.memory_space<vmem>>, vector<1x16xf32>,
    %swap3A_1400 = arith.constant 7 : i32
    %swap3A_1401 = arith.index_cast %swap3A_1400 : i32 to index
    %swap3A_1402 = arith.constant 128 : index
    %swap3A_1403 = tpu.vector_load %arg6[%swap3A_1401, %swap3A_1402] {strides = array<i32>} : memref<16x512xf32, #tpu.memory_space<vmem>>, vector<1x16xf32>,
    %swap3A_1404 = vector.shape_cast %swap3A_1403 : vector<1x16xf32> to vector<16xf32>
    %swap3A_1405 = vector.shape_cast %broadcast_in_dim3A_8 : vector<16xf32> to vector<1x16xf32>
    tpu.vector_store %arg6[%swap3A_1401, %swap3A_1402], %swap3A_1405 {strides = array<i32>} : memref<16x512xf32, #tpu.memory_space<vmem>>, vector<1x16xf32>,
    %swap3A_1406 = arith.constant 7 : i32
    %swap3A_1407 = arith.index_cast %swap3A_1406 : i32 to index
    %swap3A_1408 = arith.constant 144 : index
    %swap3A_1409 = tpu.vector_load %arg6[%swap3A_1407, %swap3A_1408] {strides = array<i32>} : memref<16x512xf32, #tpu.memory_space<vmem>>, vector<1x16xf32>,
    %swap3A_1410 = vector.shape_cast %swap3A_1409 : vector<1x16xf32> to vector<16xf32>
    %swap3A_1411 = vector.shape_cast %broadcast_in_dim3A_8 : vector<16xf32> to vector<1x16xf32>
    tpu.vector_store %arg6[%swap3A_1407, %swap3A_1408], %swap3A_1411 {strides = array<i32>} : memref<16x512xf32, #tpu.memory_space<vmem>>, vector<1x16xf32>,
    %swap3A_1412 = arith.constant 7 : i32
    %swap3A_1413 = arith.index_cast %swap3A_1412 : i32 to index
    %swap3A_1414 = arith.constant 160 : index
    %swap3A_1415 = tpu.vector_load %arg6[%swap3A_1413, %swap3A_1414] {strides = array<i32>} : memref<16x512xf32, #tpu.memory_space<vmem>>, vector<1x16xf32>,
    %swap3A_1416 = vector.shape_cast %swap3A_1415 : vector<1x16xf32> to vector<16xf32>
    %swap3A_1417 = vector.shape_cast %broadcast_in_dim3A_8 : vector<16xf32> to vector<1x16xf32>
    tpu.vector_store %arg6[%swap3A_1413, %swap3A_1414], %swap3A_1417 {strides = array<i32>} : memref<16x512xf32, #tpu.memory_space<vmem>>, vector<1x16xf32>,
    %swap3A_1418 = arith.constant 7 : i32
    %swap3A_1419 = arith.index_cast %swap3A_1418 : i32 to index
    %swap3A_1420 = arith.constant 176 : index
    %swap3A_1421 = tpu.vector_load %arg6[%swap3A_1419, %swap3A_1420] {strides = array<i32>} : memref<16x512xf32, #tpu.memory_space<vmem>>, vector<1x16xf32>,
    %swap3A_1422 = vector.shape_cast %swap3A_1421 : vector<1x16xf32> to vector<16xf32>
    %swap3A_1423 = vector.shape_cast %broadcast_in_dim3A_8 : vector<16xf32> to vector<1x16xf32>
    tpu.vector_store %arg6[%swap3A_1419, %swap3A_1420], %swap3A_1423 {strides = array<i32>} : memref<16x512xf32, #tpu.memory_space<vmem>>, vector<1x16xf32>,
    %swap3A_1424 = arith.constant 7 : i32
    %swap3A_1425 = arith.index_cast %swap3A_1424 : i32 to index
    %swap3A_1426 = arith.constant 192 : index
    %swap3A_1427 = tpu.vector_load %arg6[%swap3A_1425, %swap3A_1426] {strides = array<i32>} : memref<16x512xf32, #tpu.memory_space<vmem>>, vector<1x16xf32>,
    %swap3A_1428 = vector.shape_cast %swap3A_1427 : vector<1x16xf32> to vector<16xf32>
    %swap3A_1429 = vector.shape_cast %broadcast_in_dim3A_8 : vector<16xf32> to vector<1x16xf32>
    tpu.vector_store %arg6[%swap3A_1425, %swap3A_1426], %swap3A_1429 {strides = array<i32>} : memref<16x512xf32, #tpu.memory_space<vmem>>, vector<1x16xf32>,
    %swap3A_1430 = arith.constant 7 : i32
    %swap3A_1431 = arith.index_cast %swap3A_1430 : i32 to index
    %swap3A_1432 = arith.constant 208 : index
    %swap3A_1433 = tpu.vector_load %arg6[%swap3A_1431, %swap3A_1432] {strides = array<i32>} : memref<16x512xf32, #tpu.memory_space<vmem>>, vector<1x16xf32>,
    %swap3A_1434 = vector.shape_cast %swap3A_1433 : vector<1x16xf32> to vector<16xf32>
    %swap3A_1435 = vector.shape_cast %broadcast_in_dim3A_8 : vector<16xf32> to vector<1x16xf32>
    tpu.vector_store %arg6[%swap3A_1431, %swap3A_1432], %swap3A_1435 {strides = array<i32>} : memref<16x512xf32, #tpu.memory_space<vmem>>, vector<1x16xf32>,
    %swap3A_1436 = arith.constant 7 : i32
    %swap3A_1437 = arith.index_cast %swap3A_1436 : i32 to index
    %swap3A_1438 = arith.constant 224 : index
    %swap3A_1439 = tpu.vector_load %arg6[%swap3A_1437, %swap3A_1438] {strides = array<i32>} : memref<16x512xf32, #tpu.memory_space<vmem>>, vector<1x16xf32>,
    %swap3A_1440 = vector.shape_cast %swap3A_1439 : vector<1x16xf32> to vector<16xf32>
    %swap3A_1441 = vector.shape_cast %broadcast_in_dim3A_8 : vector<16xf32> to vector<1x16xf32>
    tpu.vector_store %arg6[%swap3A_1437, %swap3A_1438], %swap3A_1441 {strides = array<i32>} : memref<16x512xf32, #tpu.memory_space<vmem>>, vector<1x16xf32>,
    %swap3A_1442 = arith.constant 7 : i32
    %swap3A_1443 = arith.index_cast %swap3A_1442 : i32 to index
    %swap3A_1444 = arith.constant 240 : index
    %swap3A_1445 = tpu.vector_load %arg6[%swap3A_1443, %swap3A_1444] {strides = array<i32>} : memref<16x512xf32, #tpu.memory_space<vmem>>, vector<1x16xf32>,
    %swap3A_1446 = vector.shape_cast %swap3A_1445 : vector<1x16xf32> to vector<16xf32>
    %swap3A_1447 = vector.shape_cast %broadcast_in_dim3A_8 : vector<16xf32> to vector<1x16xf32>
    tpu.vector_store %arg6[%swap3A_1443, %swap3A_1444], %swap3A_1447 {strides = array<i32>} : memref<16x512xf32, #tpu.memory_space<vmem>>, vector<1x16xf32>,
    %swap3A_1448 = arith.constant 7 : i32
    %swap3A_1449 = arith.index_cast %swap3A_1448 : i32 to index
    %swap3A_1450 = arith.constant 256 : index
    %swap3A_1451 = tpu.vector_load %arg6[%swap3A_1449, %swap3A_1450] {strides = array<i32>} : memref<16x512xf32, #tpu.memory_space<vmem>>, vector<1x16xf32>,
    %swap3A_1452 = vector.shape_cast %swap3A_1451 : vector<1x16xf32> to vector<16xf32>
    %swap3A_1453 = vector.shape_cast %broadcast_in_dim3A_8 : vector<16xf32> to vector<1x16xf32>
    tpu.vector_store %arg6[%swap3A_1449, %swap3A_1450], %swap3A_1453 {strides = array<i32>} : memref<16x512xf32, #tpu.memory_space<vmem>>, vector<1x16xf32>,
    %swap3A_1454 = arith.constant 7 : i32
    %swap3A_1455 = arith.index_cast %swap3A_1454 : i32 to index
    %swap3A_1456 = arith.constant 272 : index
    %swap3A_1457 = tpu.vector_load %arg6[%swap3A_1455, %swap3A_1456] {strides = array<i32>} : memref<16x512xf32, #tpu.memory_space<vmem>>, vector<1x16xf32>,
    %swap3A_1458 = vector.shape_cast %swap3A_1457 : vector<1x16xf32> to vector<16xf32>
    %swap3A_1459 = vector.shape_cast %broadcast_in_dim3A_8 : vector<16xf32> to vector<1x16xf32>
    tpu.vector_store %arg6[%swap3A_1455, %swap3A_1456], %swap3A_1459 {strides = array<i32>} : memref<16x512xf32, #tpu.memory_space<vmem>>, vector<1x16xf32>,
    %swap3A_1460 = arith.constant 7 : i32
    %swap3A_1461 = arith.index_cast %swap3A_1460 : i32 to index
    %swap3A_1462 = arith.constant 288 : index
    %swap3A_1463 = tpu.vector_load %arg6[%swap3A_1461, %swap3A_1462] {strides = array<i32>} : memref<16x512xf32, #tpu.memory_space<vmem>>, vector<1x16xf32>,
    %swap3A_1464 = vector.shape_cast %swap3A_1463 : vector<1x16xf32> to vector<16xf32>
    %swap3A_1465 = vector.shape_cast %broadcast_in_dim3A_8 : vector<16xf32> to vector<1x16xf32>
    tpu.vector_store %arg6[%swap3A_1461, %swap3A_1462], %swap3A_1465 {strides = array<i32>} : memref<16x512xf32, #tpu.memory_space<vmem>>, vector<1x16xf32>,
    %swap3A_1466 = arith.constant 7 : i32
    %swap3A_1467 = arith.index_cast %swap3A_1466 : i32 to index
    %swap3A_1468 = arith.constant 304 : index
    %swap3A_1469 = tpu.vector_load %arg6[%swap3A_1467, %swap3A_1468] {strides = array<i32>} : memref<16x512xf32, #tpu.memory_space<vmem>>, vector<1x16xf32>,
    %swap3A_1470 = vector.shape_cast %swap3A_1469 : vector<1x16xf32> to vector<16xf32>
    %swap3A_1471 = vector.shape_cast %broadcast_in_dim3A_8 : vector<16xf32> to vector<1x16xf32>
    tpu.vector_store %arg6[%swap3A_1467, %swap3A_1468], %swap3A_1471 {strides = array<i32>} : memref<16x512xf32, #tpu.memory_space<vmem>>, vector<1x16xf32>,
    %swap3A_1472 = arith.constant 7 : i32
    %swap3A_1473 = arith.index_cast %swap3A_1472 : i32 to index
    %swap3A_1474 = arith.constant 320 : index
    %swap3A_1475 = tpu.vector_load %arg6[%swap3A_1473, %swap3A_1474] {strides = array<i32>} : memref<16x512xf32, #tpu.memory_space<vmem>>, vector<1x16xf32>,
    %swap3A_1476 = vector.shape_cast %swap3A_1475 : vector<1x16xf32> to vector<16xf32>
    %swap3A_1477 = vector.shape_cast %broadcast_in_dim3A_8 : vector<16xf32> to vector<1x16xf32>
    tpu.vector_store %arg6[%swap3A_1473, %swap3A_1474], %swap3A_1477 {strides = array<i32>} : memref<16x512xf32, #tpu.memory_space<vmem>>, vector<1x16xf32>,
    %swap3A_1478 = arith.constant 7 : i32
    %swap3A_1479 = arith.index_cast %swap3A_1478 : i32 to index
    %swap3A_1480 = arith.constant 336 : index
    %swap3A_1481 = tpu.vector_load %arg6[%swap3A_1479, %swap3A_1480] {strides = array<i32>} : memref<16x512xf32, #tpu.memory_space<vmem>>, vector<1x16xf32>,
    %swap3A_1482 = vector.shape_cast %swap3A_1481 : vector<1x16xf32> to vector<16xf32>
    %swap3A_1483 = vector.shape_cast %broadcast_in_dim3A_8 : vector<16xf32> to vector<1x16xf32>
    tpu.vector_store %arg6[%swap3A_1479, %swap3A_1480], %swap3A_1483 {strides = array<i32>} : memref<16x512xf32, #tpu.memory_space<vmem>>, vector<1x16xf32>,
    %swap3A_1484 = arith.constant 7 : i32
    %swap3A_1485 = arith.index_cast %swap3A_1484 : i32 to index
    %swap3A_1486 = arith.constant 352 : index
    %swap3A_1487 = tpu.vector_load %arg6[%swap3A_1485, %swap3A_1486] {strides = array<i32>} : memref<16x512xf32, #tpu.memory_space<vmem>>, vector<1x16xf32>,
    %swap3A_1488 = vector.shape_cast %swap3A_1487 : vector<1x16xf32> to vector<16xf32>
    %swap3A_1489 = vector.shape_cast %broadcast_in_dim3A_8 : vector<16xf32> to vector<1x16xf32>
    tpu.vector_store %arg6[%swap3A_1485, %swap3A_1486], %swap3A_1489 {strides = array<i32>} : memref<16x512xf32, #tpu.memory_space<vmem>>, vector<1x16xf32>,
    %swap3A_1490 = arith.constant 7 : i32
    %swap3A_1491 = arith.index_cast %swap3A_1490 : i32 to index
    %swap3A_1492 = arith.constant 368 : index
    %swap3A_1493 = tpu.vector_load %arg6[%swap3A_1491, %swap3A_1492] {strides = array<i32>} : memref<16x512xf32, #tpu.memory_space<vmem>>, vector<1x16xf32>,
    %swap3A_1494 = vector.shape_cast %swap3A_1493 : vector<1x16xf32> to vector<16xf32>
    %swap3A_1495 = vector.shape_cast %broadcast_in_dim3A_8 : vector<16xf32> to vector<1x16xf32>
    tpu.vector_store %arg6[%swap3A_1491, %swap3A_1492], %swap3A_1495 {strides = array<i32>} : memref<16x512xf32, #tpu.memory_space<vmem>>, vector<1x16xf32>,
    %swap3A_1496 = arith.constant 7 : i32
    %swap3A_1497 = arith.index_cast %swap3A_1496 : i32 to index
    %swap3A_1498 = arith.constant 384 : index
    %swap3A_1499 = tpu.vector_load %arg6[%swap3A_1497, %swap3A_1498] {strides = array<i32>} : memref<16x512xf32, #tpu.memory_space<vmem>>, vector<1x16xf32>,
    %swap3A_1500 = vector.shape_cast %swap3A_1499 : vector<1x16xf32> to vector<16xf32>
    %swap3A_1501 = vector.shape_cast %broadcast_in_dim3A_8 : vector<16xf32> to vector<1x16xf32>
    tpu.vector_store %arg6[%swap3A_1497, %swap3A_1498], %swap3A_1501 {strides = array<i32>} : memref<16x512xf32, #tpu.memory_space<vmem>>, vector<1x16xf32>,
    %swap3A_1502 = arith.constant 7 : i32
    %swap3A_1503 = arith.index_cast %swap3A_1502 : i32 to index
    %swap3A_1504 = arith.constant 400 : index
    %swap3A_1505 = tpu.vector_load %arg6[%swap3A_1503, %swap3A_1504] {strides = array<i32>} : memref<16x512xf32, #tpu.memory_space<vmem>>, vector<1x16xf32>,
    %swap3A_1506 = vector.shape_cast %swap3A_1505 : vector<1x16xf32> to vector<16xf32>
    %swap3A_1507 = vector.shape_cast %broadcast_in_dim3A_8 : vector<16xf32> to vector<1x16xf32>
    tpu.vector_store %arg6[%swap3A_1503, %swap3A_1504], %swap3A_1507 {strides = array<i32>} : memref<16x512xf32, #tpu.memory_space<vmem>>, vector<1x16xf32>,
    %swap3A_1508 = arith.constant 7 : i32
    %swap3A_1509 = arith.index_cast %swap3A_1508 : i32 to index
    %swap3A_1510 = arith.constant 416 : index
    %swap3A_1511 = tpu.vector_load %arg6[%swap3A_1509, %swap3A_1510] {strides = array<i32>} : memref<16x512xf32, #tpu.memory_space<vmem>>, vector<1x16xf32>,
    %swap3A_1512 = vector.shape_cast %swap3A_1511 : vector<1x16xf32> to vector<16xf32>
    %swap3A_1513 = vector.shape_cast %broadcast_in_dim3A_8 : vector<16xf32> to vector<1x16xf32>
    tpu.vector_store %arg6[%swap3A_1509, %swap3A_1510], %swap3A_1513 {strides = array<i32>} : memref<16x512xf32, #tpu.memory_space<vmem>>, vector<1x16xf32>,
    %swap3A_1514 = arith.constant 7 : i32
    %swap3A_1515 = arith.index_cast %swap3A_1514 : i32 to index
    %swap3A_1516 = arith.constant 432 : index
    %swap3A_1517 = tpu.vector_load %arg6[%swap3A_1515, %swap3A_1516] {strides = array<i32>} : memref<16x512xf32, #tpu.memory_space<vmem>>, vector<1x16xf32>,
    %swap3A_1518 = vector.shape_cast %swap3A_1517 : vector<1x16xf32> to vector<16xf32>
    %swap3A_1519 = vector.shape_cast %broadcast_in_dim3A_8 : vector<16xf32> to vector<1x16xf32>
    tpu.vector_store %arg6[%swap3A_1515, %swap3A_1516], %swap3A_1519 {strides = array<i32>} : memref<16x512xf32, #tpu.memory_space<vmem>>, vector<1x16xf32>,
    %swap3A_1520 = arith.constant 7 : i32
    %swap3A_1521 = arith.index_cast %swap3A_1520 : i32 to index
    %swap3A_1522 = arith.constant 448 : index
    %swap3A_1523 = tpu.vector_load %arg6[%swap3A_1521, %swap3A_1522] {strides = array<i32>} : memref<16x512xf32, #tpu.memory_space<vmem>>, vector<1x16xf32>,
    %swap3A_1524 = vector.shape_cast %swap3A_1523 : vector<1x16xf32> to vector<16xf32>
    %swap3A_1525 = vector.shape_cast %broadcast_in_dim3A_8 : vector<16xf32> to vector<1x16xf32>
    tpu.vector_store %arg6[%swap3A_1521, %swap3A_1522], %swap3A_1525 {strides = array<i32>} : memref<16x512xf32, #tpu.memory_space<vmem>>, vector<1x16xf32>,
    %swap3A_1526 = arith.constant 7 : i32
    %swap3A_1527 = arith.index_cast %swap3A_1526 : i32 to index
    %swap3A_1528 = arith.constant 464 : index
    %swap3A_1529 = tpu.vector_load %arg6[%swap3A_1527, %swap3A_1528] {strides = array<i32>} : memref<16x512xf32, #tpu.memory_space<vmem>>, vector<1x16xf32>,
    %swap3A_1530 = vector.shape_cast %swap3A_1529 : vector<1x16xf32> to vector<16xf32>
    %swap3A_1531 = vector.shape_cast %broadcast_in_dim3A_8 : vector<16xf32> to vector<1x16xf32>
    tpu.vector_store %arg6[%swap3A_1527, %swap3A_1528], %swap3A_1531 {strides = array<i32>} : memref<16x512xf32, #tpu.memory_space<vmem>>, vector<1x16xf32>,
    %swap3A_1532 = arith.constant 7 : i32
    %swap3A_1533 = arith.index_cast %swap3A_1532 : i32 to index
    %swap3A_1534 = arith.constant 480 : index
    %swap3A_1535 = tpu.vector_load %arg6[%swap3A_1533, %swap3A_1534] {strides = array<i32>} : memref<16x512xf32, #tpu.memory_space<vmem>>, vector<1x16xf32>,
    %swap3A_1536 = vector.shape_cast %swap3A_1535 : vector<1x16xf32> to vector<16xf32>
    %swap3A_1537 = vector.shape_cast %broadcast_in_dim3A_8 : vector<16xf32> to vector<1x16xf32>
    tpu.vector_store %arg6[%swap3A_1533, %swap3A_1534], %swap3A_1537 {strides = array<i32>} : memref<16x512xf32, #tpu.memory_space<vmem>>, vector<1x16xf32>,
    %swap3A_1538 = arith.constant 7 : i32
    %swap3A_1539 = arith.index_cast %swap3A_1538 : i32 to index
    %swap3A_1540 = arith.constant 496 : index
    %swap3A_1541 = tpu.vector_load %arg6[%swap3A_1539, %swap3A_1540] {strides = array<i32>} : memref<16x512xf32, #tpu.memory_space<vmem>>, vector<1x16xf32>,
    %swap3A_1542 = vector.shape_cast %swap3A_1541 : vector<1x16xf32> to vector<16xf32>
    %swap3A_1543 = vector.shape_cast %broadcast_in_dim3A_8 : vector<16xf32> to vector<1x16xf32>
    tpu.vector_store %arg6[%swap3A_1539, %swap3A_1540], %swap3A_1543 {strides = array<i32>} : memref<16x512xf32, #tpu.memory_space<vmem>>, vector<1x16xf32>,
    %swap3A_1544 = arith.constant 8 : i32
    %swap3A_1545 = arith.index_cast %swap3A_1544 : i32 to index
    %swap3A_1546 = arith.constant 0 : index
    %swap3A_1547 = tpu.vector_load %arg6[%swap3A_1545, %swap3A_1546] {strides = array<i32>} : memref<16x512xf32, #tpu.memory_space<vmem>>, vector<1x16xf32>,
    %swap3A_1548 = vector.shape_cast %swap3A_1547 : vector<1x16xf32> to vector<16xf32>
    %swap3A_1549 = vector.shape_cast %broadcast_in_dim3A_8 : vector<16xf32> to vector<1x16xf32>
    tpu.vector_store %arg6[%swap3A_1545, %swap3A_1546], %swap3A_1549 {strides = array<i32>} : memref<16x512xf32, #tpu.memory_space<vmem>>, vector<1x16xf32>,
    %swap3A_1550 = arith.constant 8 : i32
    %swap3A_1551 = arith.index_cast %swap3A_1550 : i32 to index
    %swap3A_1552 = arith.constant 16 : index
    %swap3A_1553 = tpu.vector_load %arg6[%swap3A_1551, %swap3A_1552] {strides = array<i32>} : memref<16x512xf32, #tpu.memory_space<vmem>>, vector<1x16xf32>,
    %swap3A_1554 = vector.shape_cast %swap3A_1553 : vector<1x16xf32> to vector<16xf32>
    %swap3A_1555 = vector.shape_cast %broadcast_in_dim3A_8 : vector<16xf32> to vector<1x16xf32>
    tpu.vector_store %arg6[%swap3A_1551, %swap3A_1552], %swap3A_1555 {strides = array<i32>} : memref<16x512xf32, #tpu.memory_space<vmem>>, vector<1x16xf32>,
    %swap3A_1556 = arith.constant 8 : i32
    %swap3A_1557 = arith.index_cast %swap3A_1556 : i32 to index
    %swap3A_1558 = arith.constant 32 : index
    %swap3A_1559 = tpu.vector_load %arg6[%swap3A_1557, %swap3A_1558] {strides = array<i32>} : memref<16x512xf32, #tpu.memory_space<vmem>>, vector<1x16xf32>,
    %swap3A_1560 = vector.shape_cast %swap3A_1559 : vector<1x16xf32> to vector<16xf32>
    %swap3A_1561 = vector.shape_cast %broadcast_in_dim3A_8 : vector<16xf32> to vector<1x16xf32>
    tpu.vector_store %arg6[%swap3A_1557, %swap3A_1558], %swap3A_1561 {strides = array<i32>} : memref<16x512xf32, #tpu.memory_space<vmem>>, vector<1x16xf32>,
    %swap3A_1562 = arith.constant 8 : i32
    %swap3A_1563 = arith.index_cast %swap3A_1562 : i32 to index
    %swap3A_1564 = arith.constant 48 : index
    %swap3A_1565 = tpu.vector_load %arg6[%swap3A_1563, %swap3A_1564] {strides = array<i32>} : memref<16x512xf32, #tpu.memory_space<vmem>>, vector<1x16xf32>,
    %swap3A_1566 = vector.shape_cast %swap3A_1565 : vector<1x16xf32> to vector<16xf32>
    %swap3A_1567 = vector.shape_cast %broadcast_in_dim3A_8 : vector<16xf32> to vector<1x16xf32>
    tpu.vector_store %arg6[%swap3A_1563, %swap3A_1564], %swap3A_1567 {strides = array<i32>} : memref<16x512xf32, #tpu.memory_space<vmem>>, vector<1x16xf32>,
    %swap3A_1568 = arith.constant 8 : i32
    %swap3A_1569 = arith.index_cast %swap3A_1568 : i32 to index
    %swap3A_1570 = arith.constant 64 : index
    %swap3A_1571 = tpu.vector_load %arg6[%swap3A_1569, %swap3A_1570] {strides = array<i32>} : memref<16x512xf32, #tpu.memory_space<vmem>>, vector<1x16xf32>,
    %swap3A_1572 = vector.shape_cast %swap3A_1571 : vector<1x16xf32> to vector<16xf32>
    %swap3A_1573 = vector.shape_cast %broadcast_in_dim3A_8 : vector<16xf32> to vector<1x16xf32>
    tpu.vector_store %arg6[%swap3A_1569, %swap3A_1570], %swap3A_1573 {strides = array<i32>} : memref<16x512xf32, #tpu.memory_space<vmem>>, vector<1x16xf32>,
    %swap3A_1574 = arith.constant 8 : i32
    %swap3A_1575 = arith.index_cast %swap3A_1574 : i32 to index
    %swap3A_1576 = arith.constant 80 : index
    %swap3A_1577 = tpu.vector_load %arg6[%swap3A_1575, %swap3A_1576] {strides = array<i32>} : memref<16x512xf32, #tpu.memory_space<vmem>>, vector<1x16xf32>,
    %swap3A_1578 = vector.shape_cast %swap3A_1577 : vector<1x16xf32> to vector<16xf32>
    %swap3A_1579 = vector.shape_cast %broadcast_in_dim3A_8 : vector<16xf32> to vector<1x16xf32>
    tpu.vector_store %arg6[%swap3A_1575, %swap3A_1576], %swap3A_1579 {strides = array<i32>} : memref<16x512xf32, #tpu.memory_space<vmem>>, vector<1x16xf32>,
    %swap3A_1580 = arith.constant 8 : i32
    %swap3A_1581 = arith.index_cast %swap3A_1580 : i32 to index
    %swap3A_1582 = arith.constant 96 : index
    %swap3A_1583 = tpu.vector_load %arg6[%swap3A_1581, %swap3A_1582] {strides = array<i32>} : memref<16x512xf32, #tpu.memory_space<vmem>>, vector<1x16xf32>,
    %swap3A_1584 = vector.shape_cast %swap3A_1583 : vector<1x16xf32> to vector<16xf32>
    %swap3A_1585 = vector.shape_cast %broadcast_in_dim3A_8 : vector<16xf32> to vector<1x16xf32>
    tpu.vector_store %arg6[%swap3A_1581, %swap3A_1582], %swap3A_1585 {strides = array<i32>} : memref<16x512xf32, #tpu.memory_space<vmem>>, vector<1x16xf32>,
    %swap3A_1586 = arith.constant 8 : i32
    %swap3A_1587 = arith.index_cast %swap3A_1586 : i32 to index
    %swap3A_1588 = arith.constant 112 : index
    %swap3A_1589 = tpu.vector_load %arg6[%swap3A_1587, %swap3A_1588] {strides = array<i32>} : memref<16x512xf32, #tpu.memory_space<vmem>>, vector<1x16xf32>,
    %swap3A_1590 = vector.shape_cast %swap3A_1589 : vector<1x16xf32> to vector<16xf32>
    %swap3A_1591 = vector.shape_cast %broadcast_in_dim3A_8 : vector<16xf32> to vector<1x16xf32>
    tpu.vector_store %arg6[%swap3A_1587, %swap3A_1588], %swap3A_1591 {strides = array<i32>} : memref<16x512xf32, #tpu.memory_space<vmem>>, vector<1x16xf32>,
    %swap3A_1592 = arith.constant 8 : i32
    %swap3A_1593 = arith.index_cast %swap3A_1592 : i32 to index
    %swap3A_1594 = arith.constant 128 : index
    %swap3A_1595 = tpu.vector_load %arg6[%swap3A_1593, %swap3A_1594] {strides = array<i32>} : memref<16x512xf32, #tpu.memory_space<vmem>>, vector<1x16xf32>,
    %swap3A_1596 = vector.shape_cast %swap3A_1595 : vector<1x16xf32> to vector<16xf32>
    %swap3A_1597 = vector.shape_cast %broadcast_in_dim3A_8 : vector<16xf32> to vector<1x16xf32>
    tpu.vector_store %arg6[%swap3A_1593, %swap3A_1594], %swap3A_1597 {strides = array<i32>} : memref<16x512xf32, #tpu.memory_space<vmem>>, vector<1x16xf32>,
    %swap3A_1598 = arith.constant 8 : i32
    %swap3A_1599 = arith.index_cast %swap3A_1598 : i32 to index
    %swap3A_1600 = arith.constant 144 : index
    %swap3A_1601 = tpu.vector_load %arg6[%swap3A_1599, %swap3A_1600] {strides = array<i32>} : memref<16x512xf32, #tpu.memory_space<vmem>>, vector<1x16xf32>,
    %swap3A_1602 = vector.shape_cast %swap3A_1601 : vector<1x16xf32> to vector<16xf32>
    %swap3A_1603 = vector.shape_cast %broadcast_in_dim3A_8 : vector<16xf32> to vector<1x16xf32>
    tpu.vector_store %arg6[%swap3A_1599, %swap3A_1600], %swap3A_1603 {strides = array<i32>} : memref<16x512xf32, #tpu.memory_space<vmem>>, vector<1x16xf32>,
    %swap3A_1604 = arith.constant 8 : i32
    %swap3A_1605 = arith.index_cast %swap3A_1604 : i32 to index
    %swap3A_1606 = arith.constant 160 : index
    %swap3A_1607 = tpu.vector_load %arg6[%swap3A_1605, %swap3A_1606] {strides = array<i32>} : memref<16x512xf32, #tpu.memory_space<vmem>>, vector<1x16xf32>,
    %swap3A_1608 = vector.shape_cast %swap3A_1607 : vector<1x16xf32> to vector<16xf32>
    %swap3A_1609 = vector.shape_cast %broadcast_in_dim3A_8 : vector<16xf32> to vector<1x16xf32>
    tpu.vector_store %arg6[%swap3A_1605, %swap3A_1606], %swap3A_1609 {strides = array<i32>} : memref<16x512xf32, #tpu.memory_space<vmem>>, vector<1x16xf32>,
    %swap3A_1610 = arith.constant 8 : i32
    %swap3A_1611 = arith.index_cast %swap3A_1610 : i32 to index
    %swap3A_1612 = arith.constant 176 : index
    %swap3A_1613 = tpu.vector_load %arg6[%swap3A_1611, %swap3A_1612] {strides = array<i32>} : memref<16x512xf32, #tpu.memory_space<vmem>>, vector<1x16xf32>,
    %swap3A_1614 = vector.shape_cast %swap3A_1613 : vector<1x16xf32> to vector<16xf32>
    %swap3A_1615 = vector.shape_cast %broadcast_in_dim3A_8 : vector<16xf32> to vector<1x16xf32>
    tpu.vector_store %arg6[%swap3A_1611, %swap3A_1612], %swap3A_1615 {strides = array<i32>} : memref<16x512xf32, #tpu.memory_space<vmem>>, vector<1x16xf32>,
    %swap3A_1616 = arith.constant 8 : i32
    %swap3A_1617 = arith.index_cast %swap3A_1616 : i32 to index
    %swap3A_1618 = arith.constant 192 : index
    %swap3A_1619 = tpu.vector_load %arg6[%swap3A_1617, %swap3A_1618] {strides = array<i32>} : memref<16x512xf32, #tpu.memory_space<vmem>>, vector<1x16xf32>,
    %swap3A_1620 = vector.shape_cast %swap3A_1619 : vector<1x16xf32> to vector<16xf32>
    %swap3A_1621 = vector.shape_cast %broadcast_in_dim3A_8 : vector<16xf32> to vector<1x16xf32>
    tpu.vector_store %arg6[%swap3A_1617, %swap3A_1618], %swap3A_1621 {strides = array<i32>} : memref<16x512xf32, #tpu.memory_space<vmem>>, vector<1x16xf32>,
    %swap3A_1622 = arith.constant 8 : i32
    %swap3A_1623 = arith.index_cast %swap3A_1622 : i32 to index
    %swap3A_1624 = arith.constant 208 : index
    %swap3A_1625 = tpu.vector_load %arg6[%swap3A_1623, %swap3A_1624] {strides = array<i32>} : memref<16x512xf32, #tpu.memory_space<vmem>>, vector<1x16xf32>,
    %swap3A_1626 = vector.shape_cast %swap3A_1625 : vector<1x16xf32> to vector<16xf32>
    %swap3A_1627 = vector.shape_cast %broadcast_in_dim3A_8 : vector<16xf32> to vector<1x16xf32>
    tpu.vector_store %arg6[%swap3A_1623, %swap3A_1624], %swap3A_1627 {strides = array<i32>} : memref<16x512xf32, #tpu.memory_space<vmem>>, vector<1x16xf32>,
    %swap3A_1628 = arith.constant 8 : i32
    %swap3A_1629 = arith.index_cast %swap3A_1628 : i32 to index
    %swap3A_1630 = arith.constant 224 : index
    %swap3A_1631 = tpu.vector_load %arg6[%swap3A_1629, %swap3A_1630] {strides = array<i32>} : memref<16x512xf32, #tpu.memory_space<vmem>>, vector<1x16xf32>,
    %swap3A_1632 = vector.shape_cast %swap3A_1631 : vector<1x16xf32> to vector<16xf32>
    %swap3A_1633 = vector.shape_cast %broadcast_in_dim3A_8 : vector<16xf32> to vector<1x16xf32>
    tpu.vector_store %arg6[%swap3A_1629, %swap3A_1630], %swap3A_1633 {strides = array<i32>} : memref<16x512xf32, #tpu.memory_space<vmem>>, vector<1x16xf32>,
    %swap3A_1634 = arith.constant 8 : i32
    %swap3A_1635 = arith.index_cast %swap3A_1634 : i32 to index
    %swap3A_1636 = arith.constant 240 : index
    %swap3A_1637 = tpu.vector_load %arg6[%swap3A_1635, %swap3A_1636] {strides = array<i32>} : memref<16x512xf32, #tpu.memory_space<vmem>>, vector<1x16xf32>,
    %swap3A_1638 = vector.shape_cast %swap3A_1637 : vector<1x16xf32> to vector<16xf32>
    %swap3A_1639 = vector.shape_cast %broadcast_in_dim3A_8 : vector<16xf32> to vector<1x16xf32>
    tpu.vector_store %arg6[%swap3A_1635, %swap3A_1636], %swap3A_1639 {strides = array<i32>} : memref<16x512xf32, #tpu.memory_space<vmem>>, vector<1x16xf32>,
    %swap3A_1640 = arith.constant 8 : i32
    %swap3A_1641 = arith.index_cast %swap3A_1640 : i32 to index
    %swap3A_1642 = arith.constant 256 : index
    %swap3A_1643 = tpu.vector_load %arg6[%swap3A_1641, %swap3A_1642] {strides = array<i32>} : memref<16x512xf32, #tpu.memory_space<vmem>>, vector<1x16xf32>,
    %swap3A_1644 = vector.shape_cast %swap3A_1643 : vector<1x16xf32> to vector<16xf32>
    %swap3A_1645 = vector.shape_cast %broadcast_in_dim3A_8 : vector<16xf32> to vector<1x16xf32>
    tpu.vector_store %arg6[%swap3A_1641, %swap3A_1642], %swap3A_1645 {strides = array<i32>} : memref<16x512xf32, #tpu.memory_space<vmem>>, vector<1x16xf32>,
    %swap3A_1646 = arith.constant 8 : i32
    %swap3A_1647 = arith.index_cast %swap3A_1646 : i32 to index
    %swap3A_1648 = arith.constant 272 : index
    %swap3A_1649 = tpu.vector_load %arg6[%swap3A_1647, %swap3A_1648] {strides = array<i32>} : memref<16x512xf32, #tpu.memory_space<vmem>>, vector<1x16xf32>,
    %swap3A_1650 = vector.shape_cast %swap3A_1649 : vector<1x16xf32> to vector<16xf32>
    %swap3A_1651 = vector.shape_cast %broadcast_in_dim3A_8 : vector<16xf32> to vector<1x16xf32>
    tpu.vector_store %arg6[%swap3A_1647, %swap3A_1648], %swap3A_1651 {strides = array<i32>} : memref<16x512xf32, #tpu.memory_space<vmem>>, vector<1x16xf32>,
    %swap3A_1652 = arith.constant 8 : i32
    %swap3A_1653 = arith.index_cast %swap3A_1652 : i32 to index
    %swap3A_1654 = arith.constant 288 : index
    %swap3A_1655 = tpu.vector_load %arg6[%swap3A_1653, %swap3A_1654] {strides = array<i32>} : memref<16x512xf32, #tpu.memory_space<vmem>>, vector<1x16xf32>,
    %swap3A_1656 = vector.shape_cast %swap3A_1655 : vector<1x16xf32> to vector<16xf32>
    %swap3A_1657 = vector.shape_cast %broadcast_in_dim3A_8 : vector<16xf32> to vector<1x16xf32>
    tpu.vector_store %arg6[%swap3A_1653, %swap3A_1654], %swap3A_1657 {strides = array<i32>} : memref<16x512xf32, #tpu.memory_space<vmem>>, vector<1x16xf32>,
    %swap3A_1658 = arith.constant 8 : i32
    %swap3A_1659 = arith.index_cast %swap3A_1658 : i32 to index
    %swap3A_1660 = arith.constant 304 : index
    %swap3A_1661 = tpu.vector_load %arg6[%swap3A_1659, %swap3A_1660] {strides = array<i32>} : memref<16x512xf32, #tpu.memory_space<vmem>>, vector<1x16xf32>,
    %swap3A_1662 = vector.shape_cast %swap3A_1661 : vector<1x16xf32> to vector<16xf32>
    %swap3A_1663 = vector.shape_cast %broadcast_in_dim3A_8 : vector<16xf32> to vector<1x16xf32>
    tpu.vector_store %arg6[%swap3A_1659, %swap3A_1660], %swap3A_1663 {strides = array<i32>} : memref<16x512xf32, #tpu.memory_space<vmem>>, vector<1x16xf32>,
    %swap3A_1664 = arith.constant 8 : i32
    %swap3A_1665 = arith.index_cast %swap3A_1664 : i32 to index
    %swap3A_1666 = arith.constant 320 : index
    %swap3A_1667 = tpu.vector_load %arg6[%swap3A_1665, %swap3A_1666] {strides = array<i32>} : memref<16x512xf32, #tpu.memory_space<vmem>>, vector<1x16xf32>,
    %swap3A_1668 = vector.shape_cast %swap3A_1667 : vector<1x16xf32> to vector<16xf32>
    %swap3A_1669 = vector.shape_cast %broadcast_in_dim3A_8 : vector<16xf32> to vector<1x16xf32>
    tpu.vector_store %arg6[%swap3A_1665, %swap3A_1666], %swap3A_1669 {strides = array<i32>} : memref<16x512xf32, #tpu.memory_space<vmem>>, vector<1x16xf32>,
    %swap3A_1670 = arith.constant 8 : i32
    %swap3A_1671 = arith.index_cast %swap3A_1670 : i32 to index
    %swap3A_1672 = arith.constant 336 : index
    %swap3A_1673 = tpu.vector_load %arg6[%swap3A_1671, %swap3A_1672] {strides = array<i32>} : memref<16x512xf32, #tpu.memory_space<vmem>>, vector<1x16xf32>,
    %swap3A_1674 = vector.shape_cast %swap3A_1673 : vector<1x16xf32> to vector<16xf32>
    %swap3A_1675 = vector.shape_cast %broadcast_in_dim3A_8 : vector<16xf32> to vector<1x16xf32>
    tpu.vector_store %arg6[%swap3A_1671, %swap3A_1672], %swap3A_1675 {strides = array<i32>} : memref<16x512xf32, #tpu.memory_space<vmem>>, vector<1x16xf32>,
    %swap3A_1676 = arith.constant 8 : i32
    %swap3A_1677 = arith.index_cast %swap3A_1676 : i32 to index
    %swap3A_1678 = arith.constant 352 : index
    %swap3A_1679 = tpu.vector_load %arg6[%swap3A_1677, %swap3A_1678] {strides = array<i32>} : memref<16x512xf32, #tpu.memory_space<vmem>>, vector<1x16xf32>,
    %swap3A_1680 = vector.shape_cast %swap3A_1679 : vector<1x16xf32> to vector<16xf32>
    %swap3A_1681 = vector.shape_cast %broadcast_in_dim3A_8 : vector<16xf32> to vector<1x16xf32>
    tpu.vector_store %arg6[%swap3A_1677, %swap3A_1678], %swap3A_1681 {strides = array<i32>} : memref<16x512xf32, #tpu.memory_space<vmem>>, vector<1x16xf32>,
    %swap3A_1682 = arith.constant 8 : i32
    %swap3A_1683 = arith.index_cast %swap3A_1682 : i32 to index
    %swap3A_1684 = arith.constant 368 : index
    %swap3A_1685 = tpu.vector_load %arg6[%swap3A_1683, %swap3A_1684] {strides = array<i32>} : memref<16x512xf32, #tpu.memory_space<vmem>>, vector<1x16xf32>,
    %swap3A_1686 = vector.shape_cast %swap3A_1685 : vector<1x16xf32> to vector<16xf32>
    %swap3A_1687 = vector.shape_cast %broadcast_in_dim3A_8 : vector<16xf32> to vector<1x16xf32>
    tpu.vector_store %arg6[%swap3A_1683, %swap3A_1684], %swap3A_1687 {strides = array<i32>} : memref<16x512xf32, #tpu.memory_space<vmem>>, vector<1x16xf32>,
    %swap3A_1688 = arith.constant 8 : i32
    %swap3A_1689 = arith.index_cast %swap3A_1688 : i32 to index
    %swap3A_1690 = arith.constant 384 : index
    %swap3A_1691 = tpu.vector_load %arg6[%swap3A_1689, %swap3A_1690] {strides = array<i32>} : memref<16x512xf32, #tpu.memory_space<vmem>>, vector<1x16xf32>,
    %swap3A_1692 = vector.shape_cast %swap3A_1691 : vector<1x16xf32> to vector<16xf32>
    %swap3A_1693 = vector.shape_cast %broadcast_in_dim3A_8 : vector<16xf32> to vector<1x16xf32>
    tpu.vector_store %arg6[%swap3A_1689, %swap3A_1690], %swap3A_1693 {strides = array<i32>} : memref<16x512xf32, #tpu.memory_space<vmem>>, vector<1x16xf32>,
    %swap3A_1694 = arith.constant 8 : i32
    %swap3A_1695 = arith.index_cast %swap3A_1694 : i32 to index
    %swap3A_1696 = arith.constant 400 : index
    %swap3A_1697 = tpu.vector_load %arg6[%swap3A_1695, %swap3A_1696] {strides = array<i32>} : memref<16x512xf32, #tpu.memory_space<vmem>>, vector<1x16xf32>,
    %swap3A_1698 = vector.shape_cast %swap3A_1697 : vector<1x16xf32> to vector<16xf32>
    %swap3A_1699 = vector.shape_cast %broadcast_in_dim3A_8 : vector<16xf32> to vector<1x16xf32>
    tpu.vector_store %arg6[%swap3A_1695, %swap3A_1696], %swap3A_1699 {strides = array<i32>} : memref<16x512xf32, #tpu.memory_space<vmem>>, vector<1x16xf32>,
    %swap3A_1700 = arith.constant 8 : i32
    %swap3A_1701 = arith.index_cast %swap3A_1700 : i32 to index
    %swap3A_1702 = arith.constant 416 : index
    %swap3A_1703 = tpu.vector_load %arg6[%swap3A_1701, %swap3A_1702] {strides = array<i32>} : memref<16x512xf32, #tpu.memory_space<vmem>>, vector<1x16xf32>,
    %swap3A_1704 = vector.shape_cast %swap3A_1703 : vector<1x16xf32> to vector<16xf32>
    %swap3A_1705 = vector.shape_cast %broadcast_in_dim3A_8 : vector<16xf32> to vector<1x16xf32>
    tpu.vector_store %arg6[%swap3A_1701, %swap3A_1702], %swap3A_1705 {strides = array<i32>} : memref<16x512xf32, #tpu.memory_space<vmem>>, vector<1x16xf32>,
    %swap3A_1706 = arith.constant 8 : i32
    %swap3A_1707 = arith.index_cast %swap3A_1706 : i32 to index
    %swap3A_1708 = arith.constant 432 : index
    %swap3A_1709 = tpu.vector_load %arg6[%swap3A_1707, %swap3A_1708] {strides = array<i32>} : memref<16x512xf32, #tpu.memory_space<vmem>>, vector<1x16xf32>,
    %swap3A_1710 = vector.shape_cast %swap3A_1709 : vector<1x16xf32> to vector<16xf32>
    %swap3A_1711 = vector.shape_cast %broadcast_in_dim3A_8 : vector<16xf32> to vector<1x16xf32>
    tpu.vector_store %arg6[%swap3A_1707, %swap3A_1708], %swap3A_1711 {strides = array<i32>} : memref<16x512xf32, #tpu.memory_space<vmem>>, vector<1x16xf32>,
    %swap3A_1712 = arith.constant 8 : i32
    %swap3A_1713 = arith.index_cast %swap3A_1712 : i32 to index
    %swap3A_1714 = arith.constant 448 : index
    %swap3A_1715 = tpu.vector_load %arg6[%swap3A_1713, %swap3A_1714] {strides = array<i32>} : memref<16x512xf32, #tpu.memory_space<vmem>>, vector<1x16xf32>,
    %swap3A_1716 = vector.shape_cast %swap3A_1715 : vector<1x16xf32> to vector<16xf32>
    %swap3A_1717 = vector.shape_cast %broadcast_in_dim3A_8 : vector<16xf32> to vector<1x16xf32>
    tpu.vector_store %arg6[%swap3A_1713, %swap3A_1714], %swap3A_1717 {strides = array<i32>} : memref<16x512xf32, #tpu.memory_space<vmem>>, vector<1x16xf32>,
    %swap3A_1718 = arith.constant 8 : i32
    %swap3A_1719 = arith.index_cast %swap3A_1718 : i32 to index
    %swap3A_1720 = arith.constant 464 : index
    %swap3A_1721 = tpu.vector_load %arg6[%swap3A_1719, %swap3A_1720] {strides = array<i32>} : memref<16x512xf32, #tpu.memory_space<vmem>>, vector<1x16xf32>,
    %swap3A_1722 = vector.shape_cast %swap3A_1721 : vector<1x16xf32> to vector<16xf32>
    %swap3A_1723 = vector.shape_cast %broadcast_in_dim3A_8 : vector<16xf32> to vector<1x16xf32>
    tpu.vector_store %arg6[%swap3A_1719, %swap3A_1720], %swap3A_1723 {strides = array<i32>} : memref<16x512xf32, #tpu.memory_space<vmem>>, vector<1x16xf32>,
    %swap3A_1724 = arith.constant 8 : i32
    %swap3A_1725 = arith.index_cast %swap3A_1724 : i32 to index
    %swap3A_1726 = arith.constant 480 : index
    %swap3A_1727 = tpu.vector_load %arg6[%swap3A_1725, %swap3A_1726] {strides = array<i32>} : memref<16x512xf32, #tpu.memory_space<vmem>>, vector<1x16xf32>,
    %swap3A_1728 = vector.shape_cast %swap3A_1727 : vector<1x16xf32> to vector<16xf32>
    %swap3A_1729 = vector.shape_cast %broadcast_in_dim3A_8 : vector<16xf32> to vector<1x16xf32>
    tpu.vector_store %arg6[%swap3A_1725, %swap3A_1726], %swap3A_1729 {strides = array<i32>} : memref<16x512xf32, #tpu.memory_space<vmem>>, vector<1x16xf32>,
    %swap3A_1730 = arith.constant 8 : i32
    %swap3A_1731 = arith.index_cast %swap3A_1730 : i32 to index
    %swap3A_1732 = arith.constant 496 : index
    %swap3A_1733 = tpu.vector_load %arg6[%swap3A_1731, %swap3A_1732] {strides = array<i32>} : memref<16x512xf32, #tpu.memory_space<vmem>>, vector<1x16xf32>,
    %swap3A_1734 = vector.shape_cast %swap3A_1733 : vector<1x16xf32> to vector<16xf32>
    %swap3A_1735 = vector.shape_cast %broadcast_in_dim3A_8 : vector<16xf32> to vector<1x16xf32>
    tpu.vector_store %arg6[%swap3A_1731, %swap3A_1732], %swap3A_1735 {strides = array<i32>} : memref<16x512xf32, #tpu.memory_space<vmem>>, vector<1x16xf32>,
    %swap3A_1736 = arith.constant 9 : i32
    %swap3A_1737 = arith.index_cast %swap3A_1736 : i32 to index
    %swap3A_1738 = arith.constant 0 : index
    %swap3A_1739 = tpu.vector_load %arg6[%swap3A_1737, %swap3A_1738] {strides = array<i32>} : memref<16x512xf32, #tpu.memory_space<vmem>>, vector<1x16xf32>,
    %swap3A_1740 = vector.shape_cast %swap3A_1739 : vector<1x16xf32> to vector<16xf32>
    %swap3A_1741 = vector.shape_cast %broadcast_in_dim3A_8 : vector<16xf32> to vector<1x16xf32>
    tpu.vector_store %arg6[%swap3A_1737, %swap3A_1738], %swap3A_1741 {strides = array<i32>} : memref<16x512xf32, #tpu.memory_space<vmem>>, vector<1x16xf32>,
    %swap3A_1742 = arith.constant 9 : i32
    %swap3A_1743 = arith.index_cast %swap3A_1742 : i32 to index
    %swap3A_1744 = arith.constant 16 : index
    %swap3A_1745 = tpu.vector_load %arg6[%swap3A_1743, %swap3A_1744] {strides = array<i32>} : memref<16x512xf32, #tpu.memory_space<vmem>>, vector<1x16xf32>,
    %swap3A_1746 = vector.shape_cast %swap3A_1745 : vector<1x16xf32> to vector<16xf32>
    %swap3A_1747 = vector.shape_cast %broadcast_in_dim3A_8 : vector<16xf32> to vector<1x16xf32>
    tpu.vector_store %arg6[%swap3A_1743, %swap3A_1744], %swap3A_1747 {strides = array<i32>} : memref<16x512xf32, #tpu.memory_space<vmem>>, vector<1x16xf32>,
    %swap3A_1748 = arith.constant 9 : i32
    %swap3A_1749 = arith.index_cast %swap3A_1748 : i32 to index
    %swap3A_1750 = arith.constant 32 : index
    %swap3A_1751 = tpu.vector_load %arg6[%swap3A_1749, %swap3A_1750] {strides = array<i32>} : memref<16x512xf32, #tpu.memory_space<vmem>>, vector<1x16xf32>,
    %swap3A_1752 = vector.shape_cast %swap3A_1751 : vector<1x16xf32> to vector<16xf32>
    %swap3A_1753 = vector.shape_cast %broadcast_in_dim3A_8 : vector<16xf32> to vector<1x16xf32>
    tpu.vector_store %arg6[%swap3A_1749, %swap3A_1750], %swap3A_1753 {strides = array<i32>} : memref<16x512xf32, #tpu.memory_space<vmem>>, vector<1x16xf32>,
    %swap3A_1754 = arith.constant 9 : i32
    %swap3A_1755 = arith.index_cast %swap3A_1754 : i32 to index
    %swap3A_1756 = arith.constant 48 : index
    %swap3A_1757 = tpu.vector_load %arg6[%swap3A_1755, %swap3A_1756] {strides = array<i32>} : memref<16x512xf32, #tpu.memory_space<vmem>>, vector<1x16xf32>,
    %swap3A_1758 = vector.shape_cast %swap3A_1757 : vector<1x16xf32> to vector<16xf32>
    %swap3A_1759 = vector.shape_cast %broadcast_in_dim3A_8 : vector<16xf32> to vector<1x16xf32>
    tpu.vector_store %arg6[%swap3A_1755, %swap3A_1756], %swap3A_1759 {strides = array<i32>} : memref<16x512xf32, #tpu.memory_space<vmem>>, vector<1x16xf32>,
    %swap3A_1760 = arith.constant 9 : i32
    %swap3A_1761 = arith.index_cast %swap3A_1760 : i32 to index
    %swap3A_1762 = arith.constant 64 : index
    %swap3A_1763 = tpu.vector_load %arg6[%swap3A_1761, %swap3A_1762] {strides = array<i32>} : memref<16x512xf32, #tpu.memory_space<vmem>>, vector<1x16xf32>,
    %swap3A_1764 = vector.shape_cast %swap3A_1763 : vector<1x16xf32> to vector<16xf32>
    %swap3A_1765 = vector.shape_cast %broadcast_in_dim3A_8 : vector<16xf32> to vector<1x16xf32>
    tpu.vector_store %arg6[%swap3A_1761, %swap3A_1762], %swap3A_1765 {strides = array<i32>} : memref<16x512xf32, #tpu.memory_space<vmem>>, vector<1x16xf32>,
    %swap3A_1766 = arith.constant 9 : i32
    %swap3A_1767 = arith.index_cast %swap3A_1766 : i32 to index
    %swap3A_1768 = arith.constant 80 : index
    %swap3A_1769 = tpu.vector_load %arg6[%swap3A_1767, %swap3A_1768] {strides = array<i32>} : memref<16x512xf32, #tpu.memory_space<vmem>>, vector<1x16xf32>,
    %swap3A_1770 = vector.shape_cast %swap3A_1769 : vector<1x16xf32> to vector<16xf32>
    %swap3A_1771 = vector.shape_cast %broadcast_in_dim3A_8 : vector<16xf32> to vector<1x16xf32>
    tpu.vector_store %arg6[%swap3A_1767, %swap3A_1768], %swap3A_1771 {strides = array<i32>} : memref<16x512xf32, #tpu.memory_space<vmem>>, vector<1x16xf32>,
    %swap3A_1772 = arith.constant 9 : i32
    %swap3A_1773 = arith.index_cast %swap3A_1772 : i32 to index
    %swap3A_1774 = arith.constant 96 : index
    %swap3A_1775 = tpu.vector_load %arg6[%swap3A_1773, %swap3A_1774] {strides = array<i32>} : memref<16x512xf32, #tpu.memory_space<vmem>>, vector<1x16xf32>,
    %swap3A_1776 = vector.shape_cast %swap3A_1775 : vector<1x16xf32> to vector<16xf32>
    %swap3A_1777 = vector.shape_cast %broadcast_in_dim3A_8 : vector<16xf32> to vector<1x16xf32>
    tpu.vector_store %arg6[%swap3A_1773, %swap3A_1774], %swap3A_1777 {strides = array<i32>} : memref<16x512xf32, #tpu.memory_space<vmem>>, vector<1x16xf32>,
    %swap3A_1778 = arith.constant 9 : i32
    %swap3A_1779 = arith.index_cast %swap3A_1778 : i32 to index
    %swap3A_1780 = arith.constant 112 : index
    %swap3A_1781 = tpu.vector_load %arg6[%swap3A_1779, %swap3A_1780] {strides = array<i32>} : memref<16x512xf32, #tpu.memory_space<vmem>>, vector<1x16xf32>,
    %swap3A_1782 = vector.shape_cast %swap3A_1781 : vector<1x16xf32> to vector<16xf32>
    %swap3A_1783 = vector.shape_cast %broadcast_in_dim3A_8 : vector<16xf32> to vector<1x16xf32>
    tpu.vector_store %arg6[%swap3A_1779, %swap3A_1780], %swap3A_1783 {strides = array<i32>} : memref<16x512xf32, #tpu.memory_space<vmem>>, vector<1x16xf32>,
    %swap3A_1784 = arith.constant 9 : i32
    %swap3A_1785 = arith.index_cast %swap3A_1784 : i32 to index
    %swap3A_1786 = arith.constant 128 : index
    %swap3A_1787 = tpu.vector_load %arg6[%swap3A_1785, %swap3A_1786] {strides = array<i32>} : memref<16x512xf32, #tpu.memory_space<vmem>>, vector<1x16xf32>,
    %swap3A_1788 = vector.shape_cast %swap3A_1787 : vector<1x16xf32> to vector<16xf32>
    %swap3A_1789 = vector.shape_cast %broadcast_in_dim3A_8 : vector<16xf32> to vector<1x16xf32>
    tpu.vector_store %arg6[%swap3A_1785, %swap3A_1786], %swap3A_1789 {strides = array<i32>} : memref<16x512xf32, #tpu.memory_space<vmem>>, vector<1x16xf32>,
    %swap3A_1790 = arith.constant 9 : i32
    %swap3A_1791 = arith.index_cast %swap3A_1790 : i32 to index
    %swap3A_1792 = arith.constant 144 : index
    %swap3A_1793 = tpu.vector_load %arg6[%swap3A_1791, %swap3A_1792] {strides = array<i32>} : memref<16x512xf32, #tpu.memory_space<vmem>>, vector<1x16xf32>,
    %swap3A_1794 = vector.shape_cast %swap3A_1793 : vector<1x16xf32> to vector<16xf32>
    %swap3A_1795 = vector.shape_cast %broadcast_in_dim3A_8 : vector<16xf32> to vector<1x16xf32>
    tpu.vector_store %arg6[%swap3A_1791, %swap3A_1792], %swap3A_1795 {strides = array<i32>} : memref<16x512xf32, #tpu.memory_space<vmem>>, vector<1x16xf32>,
    %swap3A_1796 = arith.constant 9 : i32
    %swap3A_1797 = arith.index_cast %swap3A_1796 : i32 to index
    %swap3A_1798 = arith.constant 160 : index
    %swap3A_1799 = tpu.vector_load %arg6[%swap3A_1797, %swap3A_1798] {strides = array<i32>} : memref<16x512xf32, #tpu.memory_space<vmem>>, vector<1x16xf32>,
    %swap3A_1800 = vector.shape_cast %swap3A_1799 : vector<1x16xf32> to vector<16xf32>
    %swap3A_1801 = vector.shape_cast %broadcast_in_dim3A_8 : vector<16xf32> to vector<1x16xf32>
    tpu.vector_store %arg6[%swap3A_1797, %swap3A_1798], %swap3A_1801 {strides = array<i32>} : memref<16x512xf32, #tpu.memory_space<vmem>>, vector<1x16xf32>,
    %swap3A_1802 = arith.constant 9 : i32
    %swap3A_1803 = arith.index_cast %swap3A_1802 : i32 to index
    %swap3A_1804 = arith.constant 176 : index
    %swap3A_1805 = tpu.vector_load %arg6[%swap3A_1803, %swap3A_1804] {strides = array<i32>} : memref<16x512xf32, #tpu.memory_space<vmem>>, vector<1x16xf32>,
    %swap3A_1806 = vector.shape_cast %swap3A_1805 : vector<1x16xf32> to vector<16xf32>
    %swap3A_1807 = vector.shape_cast %broadcast_in_dim3A_8 : vector<16xf32> to vector<1x16xf32>
    tpu.vector_store %arg6[%swap3A_1803, %swap3A_1804], %swap3A_1807 {strides = array<i32>} : memref<16x512xf32, #tpu.memory_space<vmem>>, vector<1x16xf32>,
    %swap3A_1808 = arith.constant 9 : i32
    %swap3A_1809 = arith.index_cast %swap3A_1808 : i32 to index
    %swap3A_1810 = arith.constant 192 : index
    %swap3A_1811 = tpu.vector_load %arg6[%swap3A_1809, %swap3A_1810] {strides = array<i32>} : memref<16x512xf32, #tpu.memory_space<vmem>>, vector<1x16xf32>,
    %swap3A_1812 = vector.shape_cast %swap3A_1811 : vector<1x16xf32> to vector<16xf32>
    %swap3A_1813 = vector.shape_cast %broadcast_in_dim3A_8 : vector<16xf32> to vector<1x16xf32>
    tpu.vector_store %arg6[%swap3A_1809, %swap3A_1810], %swap3A_1813 {strides = array<i32>} : memref<16x512xf32, #tpu.memory_space<vmem>>, vector<1x16xf32>,
    %swap3A_1814 = arith.constant 9 : i32
    %swap3A_1815 = arith.index_cast %swap3A_1814 : i32 to index
    %swap3A_1816 = arith.constant 208 : index
    %swap3A_1817 = tpu.vector_load %arg6[%swap3A_1815, %swap3A_1816] {strides = array<i32>} : memref<16x512xf32, #tpu.memory_space<vmem>>, vector<1x16xf32>,
    %swap3A_1818 = vector.shape_cast %swap3A_1817 : vector<1x16xf32> to vector<16xf32>
    %swap3A_1819 = vector.shape_cast %broadcast_in_dim3A_8 : vector<16xf32> to vector<1x16xf32>
    tpu.vector_store %arg6[%swap3A_1815, %swap3A_1816], %swap3A_1819 {strides = array<i32>} : memref<16x512xf32, #tpu.memory_space<vmem>>, vector<1x16xf32>,
    %swap3A_1820 = arith.constant 9 : i32
    %swap3A_1821 = arith.index_cast %swap3A_1820 : i32 to index
    %swap3A_1822 = arith.constant 224 : index
    %swap3A_1823 = tpu.vector_load %arg6[%swap3A_1821, %swap3A_1822] {strides = array<i32>} : memref<16x512xf32, #tpu.memory_space<vmem>>, vector<1x16xf32>,
    %swap3A_1824 = vector.shape_cast %swap3A_1823 : vector<1x16xf32> to vector<16xf32>
    %swap3A_1825 = vector.shape_cast %broadcast_in_dim3A_8 : vector<16xf32> to vector<1x16xf32>
    tpu.vector_store %arg6[%swap3A_1821, %swap3A_1822], %swap3A_1825 {strides = array<i32>} : memref<16x512xf32, #tpu.memory_space<vmem>>, vector<1x16xf32>,
    %swap3A_1826 = arith.constant 9 : i32
    %swap3A_1827 = arith.index_cast %swap3A_1826 : i32 to index
    %swap3A_1828 = arith.constant 240 : index
    %swap3A_1829 = tpu.vector_load %arg6[%swap3A_1827, %swap3A_1828] {strides = array<i32>} : memref<16x512xf32, #tpu.memory_space<vmem>>, vector<1x16xf32>,
    %swap3A_1830 = vector.shape_cast %swap3A_1829 : vector<1x16xf32> to vector<16xf32>
    %swap3A_1831 = vector.shape_cast %broadcast_in_dim3A_8 : vector<16xf32> to vector<1x16xf32>
    tpu.vector_store %arg6[%swap3A_1827, %swap3A_1828], %swap3A_1831 {strides = array<i32>} : memref<16x512xf32, #tpu.memory_space<vmem>>, vector<1x16xf32>,
    %swap3A_1832 = arith.constant 9 : i32
    %swap3A_1833 = arith.index_cast %swap3A_1832 : i32 to index
    %swap3A_1834 = arith.constant 256 : index
    %swap3A_1835 = tpu.vector_load %arg6[%swap3A_1833, %swap3A_1834] {strides = array<i32>} : memref<16x512xf32, #tpu.memory_space<vmem>>, vector<1x16xf32>,
    %swap3A_1836 = vector.shape_cast %swap3A_1835 : vector<1x16xf32> to vector<16xf32>
    %swap3A_1837 = vector.shape_cast %broadcast_in_dim3A_8 : vector<16xf32> to vector<1x16xf32>
    tpu.vector_store %arg6[%swap3A_1833, %swap3A_1834], %swap3A_1837 {strides = array<i32>} : memref<16x512xf32, #tpu.memory_space<vmem>>, vector<1x16xf32>,
    %swap3A_1838 = arith.constant 9 : i32
    %swap3A_1839 = arith.index_cast %swap3A_1838 : i32 to index
    %swap3A_1840 = arith.constant 272 : index
    %swap3A_1841 = tpu.vector_load %arg6[%swap3A_1839, %swap3A_1840] {strides = array<i32>} : memref<16x512xf32, #tpu.memory_space<vmem>>, vector<1x16xf32>,
    %swap3A_1842 = vector.shape_cast %swap3A_1841 : vector<1x16xf32> to vector<16xf32>
    %swap3A_1843 = vector.shape_cast %broadcast_in_dim3A_8 : vector<16xf32> to vector<1x16xf32>
    tpu.vector_store %arg6[%swap3A_1839, %swap3A_1840], %swap3A_1843 {strides = array<i32>} : memref<16x512xf32, #tpu.memory_space<vmem>>, vector<1x16xf32>,
    %swap3A_1844 = arith.constant 9 : i32
    %swap3A_1845 = arith.index_cast %swap3A_1844 : i32 to index
    %swap3A_1846 = arith.constant 288 : index
    %swap3A_1847 = tpu.vector_load %arg6[%swap3A_1845, %swap3A_1846] {strides = array<i32>} : memref<16x512xf32, #tpu.memory_space<vmem>>, vector<1x16xf32>,
    %swap3A_1848 = vector.shape_cast %swap3A_1847 : vector<1x16xf32> to vector<16xf32>
    %swap3A_1849 = vector.shape_cast %broadcast_in_dim3A_8 : vector<16xf32> to vector<1x16xf32>
    tpu.vector_store %arg6[%swap3A_1845, %swap3A_1846], %swap3A_1849 {strides = array<i32>} : memref<16x512xf32, #tpu.memory_space<vmem>>, vector<1x16xf32>,
    %swap3A_1850 = arith.constant 9 : i32
    %swap3A_1851 = arith.index_cast %swap3A_1850 : i32 to index
    %swap3A_1852 = arith.constant 304 : index
    %swap3A_1853 = tpu.vector_load %arg6[%swap3A_1851, %swap3A_1852] {strides = array<i32>} : memref<16x512xf32, #tpu.memory_space<vmem>>, vector<1x16xf32>,
    %swap3A_1854 = vector.shape_cast %swap3A_1853 : vector<1x16xf32> to vector<16xf32>
    %swap3A_1855 = vector.shape_cast %broadcast_in_dim3A_8 : vector<16xf32> to vector<1x16xf32>
    tpu.vector_store %arg6[%swap3A_1851, %swap3A_1852], %swap3A_1855 {strides = array<i32>} : memref<16x512xf32, #tpu.memory_space<vmem>>, vector<1x16xf32>,
    %swap3A_1856 = arith.constant 9 : i32
    %swap3A_1857 = arith.index_cast %swap3A_1856 : i32 to index
    %swap3A_1858 = arith.constant 320 : index
    %swap3A_1859 = tpu.vector_load %arg6[%swap3A_1857, %swap3A_1858] {strides = array<i32>} : memref<16x512xf32, #tpu.memory_space<vmem>>, vector<1x16xf32>,
    %swap3A_1860 = vector.shape_cast %swap3A_1859 : vector<1x16xf32> to vector<16xf32>
    %swap3A_1861 = vector.shape_cast %broadcast_in_dim3A_8 : vector<16xf32> to vector<1x16xf32>
    tpu.vector_store %arg6[%swap3A_1857, %swap3A_1858], %swap3A_1861 {strides = array<i32>} : memref<16x512xf32, #tpu.memory_space<vmem>>, vector<1x16xf32>,
    %swap3A_1862 = arith.constant 9 : i32
    %swap3A_1863 = arith.index_cast %swap3A_1862 : i32 to index
    %swap3A_1864 = arith.constant 336 : index
    %swap3A_1865 = tpu.vector_load %arg6[%swap3A_1863, %swap3A_1864] {strides = array<i32>} : memref<16x512xf32, #tpu.memory_space<vmem>>, vector<1x16xf32>,
    %swap3A_1866 = vector.shape_cast %swap3A_1865 : vector<1x16xf32> to vector<16xf32>
    %swap3A_1867 = vector.shape_cast %broadcast_in_dim3A_8 : vector<16xf32> to vector<1x16xf32>
    tpu.vector_store %arg6[%swap3A_1863, %swap3A_1864], %swap3A_1867 {strides = array<i32>} : memref<16x512xf32, #tpu.memory_space<vmem>>, vector<1x16xf32>,
    %swap3A_1868 = arith.constant 9 : i32
    %swap3A_1869 = arith.index_cast %swap3A_1868 : i32 to index
    %swap3A_1870 = arith.constant 352 : index
    %swap3A_1871 = tpu.vector_load %arg6[%swap3A_1869, %swap3A_1870] {strides = array<i32>} : memref<16x512xf32, #tpu.memory_space<vmem>>, vector<1x16xf32>,
    %swap3A_1872 = vector.shape_cast %swap3A_1871 : vector<1x16xf32> to vector<16xf32>
    %swap3A_1873 = vector.shape_cast %broadcast_in_dim3A_8 : vector<16xf32> to vector<1x16xf32>
    tpu.vector_store %arg6[%swap3A_1869, %swap3A_1870], %swap3A_1873 {strides = array<i32>} : memref<16x512xf32, #tpu.memory_space<vmem>>, vector<1x16xf32>,
    %swap3A_1874 = arith.constant 9 : i32
    %swap3A_1875 = arith.index_cast %swap3A_1874 : i32 to index
    %swap3A_1876 = arith.constant 368 : index
    %swap3A_1877 = tpu.vector_load %arg6[%swap3A_1875, %swap3A_1876] {strides = array<i32>} : memref<16x512xf32, #tpu.memory_space<vmem>>, vector<1x16xf32>,
    %swap3A_1878 = vector.shape_cast %swap3A_1877 : vector<1x16xf32> to vector<16xf32>
    %swap3A_1879 = vector.shape_cast %broadcast_in_dim3A_8 : vector<16xf32> to vector<1x16xf32>
    tpu.vector_store %arg6[%swap3A_1875, %swap3A_1876], %swap3A_1879 {strides = array<i32>} : memref<16x512xf32, #tpu.memory_space<vmem>>, vector<1x16xf32>,
    %swap3A_1880 = arith.constant 9 : i32
    %swap3A_1881 = arith.index_cast %swap3A_1880 : i32 to index
    %swap3A_1882 = arith.constant 384 : index
    %swap3A_1883 = tpu.vector_load %arg6[%swap3A_1881, %swap3A_1882] {strides = array<i32>} : memref<16x512xf32, #tpu.memory_space<vmem>>, vector<1x16xf32>,
    %swap3A_1884 = vector.shape_cast %swap3A_1883 : vector<1x16xf32> to vector<16xf32>
    %swap3A_1885 = vector.shape_cast %broadcast_in_dim3A_8 : vector<16xf32> to vector<1x16xf32>
    tpu.vector_store %arg6[%swap3A_1881, %swap3A_1882], %swap3A_1885 {strides = array<i32>} : memref<16x512xf32, #tpu.memory_space<vmem>>, vector<1x16xf32>,
    %swap3A_1886 = arith.constant 9 : i32
    %swap3A_1887 = arith.index_cast %swap3A_1886 : i32 to index
    %swap3A_1888 = arith.constant 400 : index
    %swap3A_1889 = tpu.vector_load %arg6[%swap3A_1887, %swap3A_1888] {strides = array<i32>} : memref<16x512xf32, #tpu.memory_space<vmem>>, vector<1x16xf32>,
    %swap3A_1890 = vector.shape_cast %swap3A_1889 : vector<1x16xf32> to vector<16xf32>
    %swap3A_1891 = vector.shape_cast %broadcast_in_dim3A_8 : vector<16xf32> to vector<1x16xf32>
    tpu.vector_store %arg6[%swap3A_1887, %swap3A_1888], %swap3A_1891 {strides = array<i32>} : memref<16x512xf32, #tpu.memory_space<vmem>>, vector<1x16xf32>,
    %swap3A_1892 = arith.constant 9 : i32
    %swap3A_1893 = arith.index_cast %swap3A_1892 : i32 to index
    %swap3A_1894 = arith.constant 416 : index
    %swap3A_1895 = tpu.vector_load %arg6[%swap3A_1893, %swap3A_1894] {strides = array<i32>} : memref<16x512xf32, #tpu.memory_space<vmem>>, vector<1x16xf32>,
    %swap3A_1896 = vector.shape_cast %swap3A_1895 : vector<1x16xf32> to vector<16xf32>
    %swap3A_1897 = vector.shape_cast %broadcast_in_dim3A_8 : vector<16xf32> to vector<1x16xf32>
    tpu.vector_store %arg6[%swap3A_1893, %swap3A_1894], %swap3A_1897 {strides = array<i32>} : memref<16x512xf32, #tpu.memory_space<vmem>>, vector<1x16xf32>,
    %swap3A_1898 = arith.constant 9 : i32
    %swap3A_1899 = arith.index_cast %swap3A_1898 : i32 to index
    %swap3A_1900 = arith.constant 432 : index
    %swap3A_1901 = tpu.vector_load %arg6[%swap3A_1899, %swap3A_1900] {strides = array<i32>} : memref<16x512xf32, #tpu.memory_space<vmem>>, vector<1x16xf32>,
    %swap3A_1902 = vector.shape_cast %swap3A_1901 : vector<1x16xf32> to vector<16xf32>
    %swap3A_1903 = vector.shape_cast %broadcast_in_dim3A_8 : vector<16xf32> to vector<1x16xf32>
    tpu.vector_store %arg6[%swap3A_1899, %swap3A_1900], %swap3A_1903 {strides = array<i32>} : memref<16x512xf32, #tpu.memory_space<vmem>>, vector<1x16xf32>,
    %swap3A_1904 = arith.constant 9 : i32
    %swap3A_1905 = arith.index_cast %swap3A_1904 : i32 to index
    %swap3A_1906 = arith.constant 448 : index
    %swap3A_1907 = tpu.vector_load %arg6[%swap3A_1905, %swap3A_1906] {strides = array<i32>} : memref<16x512xf32, #tpu.memory_space<vmem>>, vector<1x16xf32>,
    %swap3A_1908 = vector.shape_cast %swap3A_1907 : vector<1x16xf32> to vector<16xf32>
    %swap3A_1909 = vector.shape_cast %broadcast_in_dim3A_8 : vector<16xf32> to vector<1x16xf32>
    tpu.vector_store %arg6[%swap3A_1905, %swap3A_1906], %swap3A_1909 {strides = array<i32>} : memref<16x512xf32, #tpu.memory_space<vmem>>, vector<1x16xf32>,
    %swap3A_1910 = arith.constant 9 : i32
    %swap3A_1911 = arith.index_cast %swap3A_1910 : i32 to index
    %swap3A_1912 = arith.constant 464 : index
    %swap3A_1913 = tpu.vector_load %arg6[%swap3A_1911, %swap3A_1912] {strides = array<i32>} : memref<16x512xf32, #tpu.memory_space<vmem>>, vector<1x16xf32>,
    %swap3A_1914 = vector.shape_cast %swap3A_1913 : vector<1x16xf32> to vector<16xf32>
    %swap3A_1915 = vector.shape_cast %broadcast_in_dim3A_8 : vector<16xf32> to vector<1x16xf32>
    tpu.vector_store %arg6[%swap3A_1911, %swap3A_1912], %swap3A_1915 {strides = array<i32>} : memref<16x512xf32, #tpu.memory_space<vmem>>, vector<1x16xf32>,
    %swap3A_1916 = arith.constant 9 : i32
    %swap3A_1917 = arith.index_cast %swap3A_1916 : i32 to index
    %swap3A_1918 = arith.constant 480 : index
    %swap3A_1919 = tpu.vector_load %arg6[%swap3A_1917, %swap3A_1918] {strides = array<i32>} : memref<16x512xf32, #tpu.memory_space<vmem>>, vector<1x16xf32>,
    %swap3A_1920 = vector.shape_cast %swap3A_1919 : vector<1x16xf32> to vector<16xf32>
    %swap3A_1921 = vector.shape_cast %broadcast_in_dim3A_8 : vector<16xf32> to vector<1x16xf32>
    tpu.vector_store %arg6[%swap3A_1917, %swap3A_1918], %swap3A_1921 {strides = array<i32>} : memref<16x512xf32, #tpu.memory_space<vmem>>, vector<1x16xf32>,
    %swap3A_1922 = arith.constant 9 : i32
    %swap3A_1923 = arith.index_cast %swap3A_1922 : i32 to index
    %swap3A_1924 = arith.constant 496 : index
    %swap3A_1925 = tpu.vector_load %arg6[%swap3A_1923, %swap3A_1924] {strides = array<i32>} : memref<16x512xf32, #tpu.memory_space<vmem>>, vector<1x16xf32>,
    %swap3A_1926 = vector.shape_cast %swap3A_1925 : vector<1x16xf32> to vector<16xf32>
    %swap3A_1927 = vector.shape_cast %broadcast_in_dim3A_8 : vector<16xf32> to vector<1x16xf32>
    tpu.vector_store %arg6[%swap3A_1923, %swap3A_1924], %swap3A_1927 {strides = array<i32>} : memref<16x512xf32, #tpu.memory_space<vmem>>, vector<1x16xf32>,
    %swap3A_1928 = arith.constant 10 : i32
    %swap3A_1929 = arith.index_cast %swap3A_1928 : i32 to index
    %swap3A_1930 = arith.constant 0 : index
    %swap3A_1931 = tpu.vector_load %arg6[%swap3A_1929, %swap3A_1930] {strides = array<i32>} : memref<16x512xf32, #tpu.memory_space<vmem>>, vector<1x16xf32>,
    %swap3A_1932 = vector.shape_cast %swap3A_1931 : vector<1x16xf32> to vector<16xf32>
    %swap3A_1933 = vector.shape_cast %broadcast_in_dim3A_8 : vector<16xf32> to vector<1x16xf32>
    tpu.vector_store %arg6[%swap3A_1929, %swap3A_1930], %swap3A_1933 {strides = array<i32>} : memref<16x512xf32, #tpu.memory_space<vmem>>, vector<1x16xf32>,
    %swap3A_1934 = arith.constant 10 : i32
    %swap3A_1935 = arith.index_cast %swap3A_1934 : i32 to index
    %swap3A_1936 = arith.constant 16 : index
    %swap3A_1937 = tpu.vector_load %arg6[%swap3A_1935, %swap3A_1936] {strides = array<i32>} : memref<16x512xf32, #tpu.memory_space<vmem>>, vector<1x16xf32>,
    %swap3A_1938 = vector.shape_cast %swap3A_1937 : vector<1x16xf32> to vector<16xf32>
    %swap3A_1939 = vector.shape_cast %broadcast_in_dim3A_8 : vector<16xf32> to vector<1x16xf32>
    tpu.vector_store %arg6[%swap3A_1935, %swap3A_1936], %swap3A_1939 {strides = array<i32>} : memref<16x512xf32, #tpu.memory_space<vmem>>, vector<1x16xf32>,
    %swap3A_1940 = arith.constant 10 : i32
    %swap3A_1941 = arith.index_cast %swap3A_1940 : i32 to index
    %swap3A_1942 = arith.constant 32 : index
    %swap3A_1943 = tpu.vector_load %arg6[%swap3A_1941, %swap3A_1942] {strides = array<i32>} : memref<16x512xf32, #tpu.memory_space<vmem>>, vector<1x16xf32>,
    %swap3A_1944 = vector.shape_cast %swap3A_1943 : vector<1x16xf32> to vector<16xf32>
    %swap3A_1945 = vector.shape_cast %broadcast_in_dim3A_8 : vector<16xf32> to vector<1x16xf32>
    tpu.vector_store %arg6[%swap3A_1941, %swap3A_1942], %swap3A_1945 {strides = array<i32>} : memref<16x512xf32, #tpu.memory_space<vmem>>, vector<1x16xf32>,
    %swap3A_1946 = arith.constant 10 : i32
    %swap3A_1947 = arith.index_cast %swap3A_1946 : i32 to index
    %swap3A_1948 = arith.constant 48 : index
    %swap3A_1949 = tpu.vector_load %arg6[%swap3A_1947, %swap3A_1948] {strides = array<i32>} : memref<16x512xf32, #tpu.memory_space<vmem>>, vector<1x16xf32>,
    %swap3A_1950 = vector.shape_cast %swap3A_1949 : vector<1x16xf32> to vector<16xf32>
    %swap3A_1951 = vector.shape_cast %broadcast_in_dim3A_8 : vector<16xf32> to vector<1x16xf32>
    tpu.vector_store %arg6[%swap3A_1947, %swap3A_1948], %swap3A_1951 {strides = array<i32>} : memref<16x512xf32, #tpu.memory_space<vmem>>, vector<1x16xf32>,
    %swap3A_1952 = arith.constant 10 : i32
    %swap3A_1953 = arith.index_cast %swap3A_1952 : i32 to index
    %swap3A_1954 = arith.constant 64 : index
    %swap3A_1955 = tpu.vector_load %arg6[%swap3A_1953, %swap3A_1954] {strides = array<i32>} : memref<16x512xf32, #tpu.memory_space<vmem>>, vector<1x16xf32>,
    %swap3A_1956 = vector.shape_cast %swap3A_1955 : vector<1x16xf32> to vector<16xf32>
    %swap3A_1957 = vector.shape_cast %broadcast_in_dim3A_8 : vector<16xf32> to vector<1x16xf32>
    tpu.vector_store %arg6[%swap3A_1953, %swap3A_1954], %swap3A_1957 {strides = array<i32>} : memref<16x512xf32, #tpu.memory_space<vmem>>, vector<1x16xf32>,
    %swap3A_1958 = arith.constant 10 : i32
    %swap3A_1959 = arith.index_cast %swap3A_1958 : i32 to index
    %swap3A_1960 = arith.constant 80 : index
    %swap3A_1961 = tpu.vector_load %arg6[%swap3A_1959, %swap3A_1960] {strides = array<i32>} : memref<16x512xf32, #tpu.memory_space<vmem>>, vector<1x16xf32>,
    %swap3A_1962 = vector.shape_cast %swap3A_1961 : vector<1x16xf32> to vector<16xf32>
    %swap3A_1963 = vector.shape_cast %broadcast_in_dim3A_8 : vector<16xf32> to vector<1x16xf32>
    tpu.vector_store %arg6[%swap3A_1959, %swap3A_1960], %swap3A_1963 {strides = array<i32>} : memref<16x512xf32, #tpu.memory_space<vmem>>, vector<1x16xf32>,
    %swap3A_1964 = arith.constant 10 : i32
    %swap3A_1965 = arith.index_cast %swap3A_1964 : i32 to index
    %swap3A_1966 = arith.constant 96 : index
    %swap3A_1967 = tpu.vector_load %arg6[%swap3A_1965, %swap3A_1966] {strides = array<i32>} : memref<16x512xf32, #tpu.memory_space<vmem>>, vector<1x16xf32>,
    %swap3A_1968 = vector.shape_cast %swap3A_1967 : vector<1x16xf32> to vector<16xf32>
    %swap3A_1969 = vector.shape_cast %broadcast_in_dim3A_8 : vector<16xf32> to vector<1x16xf32>
    tpu.vector_store %arg6[%swap3A_1965, %swap3A_1966], %swap3A_1969 {strides = array<i32>} : memref<16x512xf32, #tpu.memory_space<vmem>>, vector<1x16xf32>,
    %swap3A_1970 = arith.constant 10 : i32
    %swap3A_1971 = arith.index_cast %swap3A_1970 : i32 to index
    %swap3A_1972 = arith.constant 112 : index
    %swap3A_1973 = tpu.vector_load %arg6[%swap3A_1971, %swap3A_1972] {strides = array<i32>} : memref<16x512xf32, #tpu.memory_space<vmem>>, vector<1x16xf32>,
    %swap3A_1974 = vector.shape_cast %swap3A_1973 : vector<1x16xf32> to vector<16xf32>
    %swap3A_1975 = vector.shape_cast %broadcast_in_dim3A_8 : vector<16xf32> to vector<1x16xf32>
    tpu.vector_store %arg6[%swap3A_1971, %swap3A_1972], %swap3A_1975 {strides = array<i32>} : memref<16x512xf32, #tpu.memory_space<vmem>>, vector<1x16xf32>,
    %swap3A_1976 = arith.constant 10 : i32
    %swap3A_1977 = arith.index_cast %swap3A_1976 : i32 to index
    %swap3A_1978 = arith.constant 128 : index
    %swap3A_1979 = tpu.vector_load %arg6[%swap3A_1977, %swap3A_1978] {strides = array<i32>} : memref<16x512xf32, #tpu.memory_space<vmem>>, vector<1x16xf32>,
    %swap3A_1980 = vector.shape_cast %swap3A_1979 : vector<1x16xf32> to vector<16xf32>
    %swap3A_1981 = vector.shape_cast %broadcast_in_dim3A_8 : vector<16xf32> to vector<1x16xf32>
    tpu.vector_store %arg6[%swap3A_1977, %swap3A_1978], %swap3A_1981 {strides = array<i32>} : memref<16x512xf32, #tpu.memory_space<vmem>>, vector<1x16xf32>,
    %swap3A_1982 = arith.constant 10 : i32
    %swap3A_1983 = arith.index_cast %swap3A_1982 : i32 to index
    %swap3A_1984 = arith.constant 144 : index
    %swap3A_1985 = tpu.vector_load %arg6[%swap3A_1983, %swap3A_1984] {strides = array<i32>} : memref<16x512xf32, #tpu.memory_space<vmem>>, vector<1x16xf32>,
    %swap3A_1986 = vector.shape_cast %swap3A_1985 : vector<1x16xf32> to vector<16xf32>
    %swap3A_1987 = vector.shape_cast %broadcast_in_dim3A_8 : vector<16xf32> to vector<1x16xf32>
    tpu.vector_store %arg6[%swap3A_1983, %swap3A_1984], %swap3A_1987 {strides = array<i32>} : memref<16x512xf32, #tpu.memory_space<vmem>>, vector<1x16xf32>,
    %swap3A_1988 = arith.constant 10 : i32
    %swap3A_1989 = arith.index_cast %swap3A_1988 : i32 to index
    %swap3A_1990 = arith.constant 160 : index
    %swap3A_1991 = tpu.vector_load %arg6[%swap3A_1989, %swap3A_1990] {strides = array<i32>} : memref<16x512xf32, #tpu.memory_space<vmem>>, vector<1x16xf32>,
    %swap3A_1992 = vector.shape_cast %swap3A_1991 : vector<1x16xf32> to vector<16xf32>
    %swap3A_1993 = vector.shape_cast %broadcast_in_dim3A_8 : vector<16xf32> to vector<1x16xf32>
    tpu.vector_store %arg6[%swap3A_1989, %swap3A_1990], %swap3A_1993 {strides = array<i32>} : memref<16x512xf32, #tpu.memory_space<vmem>>, vector<1x16xf32>,
    %swap3A_1994 = arith.constant 10 : i32
    %swap3A_1995 = arith.index_cast %swap3A_1994 : i32 to index
    %swap3A_1996 = arith.constant 176 : index
    %swap3A_1997 = tpu.vector_load %arg6[%swap3A_1995, %swap3A_1996] {strides = array<i32>} : memref<16x512xf32, #tpu.memory_space<vmem>>, vector<1x16xf32>,
    %swap3A_1998 = vector.shape_cast %swap3A_1997 : vector<1x16xf32> to vector<16xf32>
    %swap3A_1999 = vector.shape_cast %broadcast_in_dim3A_8 : vector<16xf32> to vector<1x16xf32>
    tpu.vector_store %arg6[%swap3A_1995, %swap3A_1996], %swap3A_1999 {strides = array<i32>} : memref<16x512xf32, #tpu.memory_space<vmem>>, vector<1x16xf32>,
    %swap3A_2000 = arith.constant 10 : i32
    %swap3A_2001 = arith.index_cast %swap3A_2000 : i32 to index
    %swap3A_2002 = arith.constant 192 : index
    %swap3A_2003 = tpu.vector_load %arg6[%swap3A_2001, %swap3A_2002] {strides = array<i32>} : memref<16x512xf32, #tpu.memory_space<vmem>>, vector<1x16xf32>,
    %swap3A_2004 = vector.shape_cast %swap3A_2003 : vector<1x16xf32> to vector<16xf32>
    %swap3A_2005 = vector.shape_cast %broadcast_in_dim3A_8 : vector<16xf32> to vector<1x16xf32>
    tpu.vector_store %arg6[%swap3A_2001, %swap3A_2002], %swap3A_2005 {strides = array<i32>} : memref<16x512xf32, #tpu.memory_space<vmem>>, vector<1x16xf32>,
    %swap3A_2006 = arith.constant 10 : i32
    %swap3A_2007 = arith.index_cast %swap3A_2006 : i32 to index
    %swap3A_2008 = arith.constant 208 : index
    %swap3A_2009 = tpu.vector_load %arg6[%swap3A_2007, %swap3A_2008] {strides = array<i32>} : memref<16x512xf32, #tpu.memory_space<vmem>>, vector<1x16xf32>,
    %swap3A_2010 = vector.shape_cast %swap3A_2009 : vector<1x16xf32> to vector<16xf32>
    %swap3A_2011 = vector.shape_cast %broadcast_in_dim3A_8 : vector<16xf32> to vector<1x16xf32>
    tpu.vector_store %arg6[%swap3A_2007, %swap3A_2008], %swap3A_2011 {strides = array<i32>} : memref<16x512xf32, #tpu.memory_space<vmem>>, vector<1x16xf32>,
    %swap3A_2012 = arith.constant 10 : i32
    %swap3A_2013 = arith.index_cast %swap3A_2012 : i32 to index
    %swap3A_2014 = arith.constant 224 : index
    %swap3A_2015 = tpu.vector_load %arg6[%swap3A_2013, %swap3A_2014] {strides = array<i32>} : memref<16x512xf32, #tpu.memory_space<vmem>>, vector<1x16xf32>,
    %swap3A_2016 = vector.shape_cast %swap3A_2015 : vector<1x16xf32> to vector<16xf32>
    %swap3A_2017 = vector.shape_cast %broadcast_in_dim3A_8 : vector<16xf32> to vector<1x16xf32>
    tpu.vector_store %arg6[%swap3A_2013, %swap3A_2014], %swap3A_2017 {strides = array<i32>} : memref<16x512xf32, #tpu.memory_space<vmem>>, vector<1x16xf32>,
    %swap3A_2018 = arith.constant 10 : i32
    %swap3A_2019 = arith.index_cast %swap3A_2018 : i32 to index
    %swap3A_2020 = arith.constant 240 : index
    %swap3A_2021 = tpu.vector_load %arg6[%swap3A_2019, %swap3A_2020] {strides = array<i32>} : memref<16x512xf32, #tpu.memory_space<vmem>>, vector<1x16xf32>,
    %swap3A_2022 = vector.shape_cast %swap3A_2021 : vector<1x16xf32> to vector<16xf32>
    %swap3A_2023 = vector.shape_cast %broadcast_in_dim3A_8 : vector<16xf32> to vector<1x16xf32>
    tpu.vector_store %arg6[%swap3A_2019, %swap3A_2020], %swap3A_2023 {strides = array<i32>} : memref<16x512xf32, #tpu.memory_space<vmem>>, vector<1x16xf32>,
    %swap3A_2024 = arith.constant 10 : i32
    %swap3A_2025 = arith.index_cast %swap3A_2024 : i32 to index
    %swap3A_2026 = arith.constant 256 : index
    %swap3A_2027 = tpu.vector_load %arg6[%swap3A_2025, %swap3A_2026] {strides = array<i32>} : memref<16x512xf32, #tpu.memory_space<vmem>>, vector<1x16xf32>,
    %swap3A_2028 = vector.shape_cast %swap3A_2027 : vector<1x16xf32> to vector<16xf32>
    %swap3A_2029 = vector.shape_cast %broadcast_in_dim3A_8 : vector<16xf32> to vector<1x16xf32>
    tpu.vector_store %arg6[%swap3A_2025, %swap3A_2026], %swap3A_2029 {strides = array<i32>} : memref<16x512xf32, #tpu.memory_space<vmem>>, vector<1x16xf32>,
    %swap3A_2030 = arith.constant 10 : i32
    %swap3A_2031 = arith.index_cast %swap3A_2030 : i32 to index
    %swap3A_2032 = arith.constant 272 : index
    %swap3A_2033 = tpu.vector_load %arg6[%swap3A_2031, %swap3A_2032] {strides = array<i32>} : memref<16x512xf32, #tpu.memory_space<vmem>>, vector<1x16xf32>,
    %swap3A_2034 = vector.shape_cast %swap3A_2033 : vector<1x16xf32> to vector<16xf32>
    %swap3A_2035 = vector.shape_cast %broadcast_in_dim3A_8 : vector<16xf32> to vector<1x16xf32>
    tpu.vector_store %arg6[%swap3A_2031, %swap3A_2032], %swap3A_2035 {strides = array<i32>} : memref<16x512xf32, #tpu.memory_space<vmem>>, vector<1x16xf32>,
    %swap3A_2036 = arith.constant 10 : i32
    %swap3A_2037 = arith.index_cast %swap3A_2036 : i32 to index
    %swap3A_2038 = arith.constant 288 : index
    %swap3A_2039 = tpu.vector_load %arg6[%swap3A_2037, %swap3A_2038] {strides = array<i32>} : memref<16x512xf32, #tpu.memory_space<vmem>>, vector<1x16xf32>,
    %swap3A_2040 = vector.shape_cast %swap3A_2039 : vector<1x16xf32> to vector<16xf32>
    %swap3A_2041 = vector.shape_cast %broadcast_in_dim3A_8 : vector<16xf32> to vector<1x16xf32>
    tpu.vector_store %arg6[%swap3A_2037, %swap3A_2038], %swap3A_2041 {strides = array<i32>} : memref<16x512xf32, #tpu.memory_space<vmem>>, vector<1x16xf32>,
    %swap3A_2042 = arith.constant 10 : i32
    %swap3A_2043 = arith.index_cast %swap3A_2042 : i32 to index
    %swap3A_2044 = arith.constant 304 : index
    %swap3A_2045 = tpu.vector_load %arg6[%swap3A_2043, %swap3A_2044] {strides = array<i32>} : memref<16x512xf32, #tpu.memory_space<vmem>>, vector<1x16xf32>,
    %swap3A_2046 = vector.shape_cast %swap3A_2045 : vector<1x16xf32> to vector<16xf32>
    %swap3A_2047 = vector.shape_cast %broadcast_in_dim3A_8 : vector<16xf32> to vector<1x16xf32>
    tpu.vector_store %arg6[%swap3A_2043, %swap3A_2044], %swap3A_2047 {strides = array<i32>} : memref<16x512xf32, #tpu.memory_space<vmem>>, vector<1x16xf32>,
    %swap3A_2048 = arith.constant 10 : i32
    %swap3A_2049 = arith.index_cast %swap3A_2048 : i32 to index
    %swap3A_2050 = arith.constant 320 : index
    %swap3A_2051 = tpu.vector_load %arg6[%swap3A_2049, %swap3A_2050] {strides = array<i32>} : memref<16x512xf32, #tpu.memory_space<vmem>>, vector<1x16xf32>,
    %swap3A_2052 = vector.shape_cast %swap3A_2051 : vector<1x16xf32> to vector<16xf32>
    %swap3A_2053 = vector.shape_cast %broadcast_in_dim3A_8 : vector<16xf32> to vector<1x16xf32>
    tpu.vector_store %arg6[%swap3A_2049, %swap3A_2050], %swap3A_2053 {strides = array<i32>} : memref<16x512xf32, #tpu.memory_space<vmem>>, vector<1x16xf32>,
    %swap3A_2054 = arith.constant 10 : i32
    %swap3A_2055 = arith.index_cast %swap3A_2054 : i32 to index
    %swap3A_2056 = arith.constant 336 : index
    %swap3A_2057 = tpu.vector_load %arg6[%swap3A_2055, %swap3A_2056] {strides = array<i32>} : memref<16x512xf32, #tpu.memory_space<vmem>>, vector<1x16xf32>,
    %swap3A_2058 = vector.shape_cast %swap3A_2057 : vector<1x16xf32> to vector<16xf32>
    %swap3A_2059 = vector.shape_cast %broadcast_in_dim3A_8 : vector<16xf32> to vector<1x16xf32>
    tpu.vector_store %arg6[%swap3A_2055, %swap3A_2056], %swap3A_2059 {strides = array<i32>} : memref<16x512xf32, #tpu.memory_space<vmem>>, vector<1x16xf32>,
    %swap3A_2060 = arith.constant 10 : i32
    %swap3A_2061 = arith.index_cast %swap3A_2060 : i32 to index
    %swap3A_2062 = arith.constant 352 : index
    %swap3A_2063 = tpu.vector_load %arg6[%swap3A_2061, %swap3A_2062] {strides = array<i32>} : memref<16x512xf32, #tpu.memory_space<vmem>>, vector<1x16xf32>,
    %swap3A_2064 = vector.shape_cast %swap3A_2063 : vector<1x16xf32> to vector<16xf32>
    %swap3A_2065 = vector.shape_cast %broadcast_in_dim3A_8 : vector<16xf32> to vector<1x16xf32>
    tpu.vector_store %arg6[%swap3A_2061, %swap3A_2062], %swap3A_2065 {strides = array<i32>} : memref<16x512xf32, #tpu.memory_space<vmem>>, vector<1x16xf32>,
    %swap3A_2066 = arith.constant 10 : i32
    %swap3A_2067 = arith.index_cast %swap3A_2066 : i32 to index
    %swap3A_2068 = arith.constant 368 : index
    %swap3A_2069 = tpu.vector_load %arg6[%swap3A_2067, %swap3A_2068] {strides = array<i32>} : memref<16x512xf32, #tpu.memory_space<vmem>>, vector<1x16xf32>,
    %swap3A_2070 = vector.shape_cast %swap3A_2069 : vector<1x16xf32> to vector<16xf32>
    %swap3A_2071 = vector.shape_cast %broadcast_in_dim3A_8 : vector<16xf32> to vector<1x16xf32>
    tpu.vector_store %arg6[%swap3A_2067, %swap3A_2068], %swap3A_2071 {strides = array<i32>} : memref<16x512xf32, #tpu.memory_space<vmem>>, vector<1x16xf32>,
    %swap3A_2072 = arith.constant 10 : i32
    %swap3A_2073 = arith.index_cast %swap3A_2072 : i32 to index
    %swap3A_2074 = arith.constant 384 : index
    %swap3A_2075 = tpu.vector_load %arg6[%swap3A_2073, %swap3A_2074] {strides = array<i32>} : memref<16x512xf32, #tpu.memory_space<vmem>>, vector<1x16xf32>,
    %swap3A_2076 = vector.shape_cast %swap3A_2075 : vector<1x16xf32> to vector<16xf32>
    %swap3A_2077 = vector.shape_cast %broadcast_in_dim3A_8 : vector<16xf32> to vector<1x16xf32>
    tpu.vector_store %arg6[%swap3A_2073, %swap3A_2074], %swap3A_2077 {strides = array<i32>} : memref<16x512xf32, #tpu.memory_space<vmem>>, vector<1x16xf32>,
    %swap3A_2078 = arith.constant 10 : i32
    %swap3A_2079 = arith.index_cast %swap3A_2078 : i32 to index
    %swap3A_2080 = arith.constant 400 : index
    %swap3A_2081 = tpu.vector_load %arg6[%swap3A_2079, %swap3A_2080] {strides = array<i32>} : memref<16x512xf32, #tpu.memory_space<vmem>>, vector<1x16xf32>,
    %swap3A_2082 = vector.shape_cast %swap3A_2081 : vector<1x16xf32> to vector<16xf32>
    %swap3A_2083 = vector.shape_cast %broadcast_in_dim3A_8 : vector<16xf32> to vector<1x16xf32>
    tpu.vector_store %arg6[%swap3A_2079, %swap3A_2080], %swap3A_2083 {strides = array<i32>} : memref<16x512xf32, #tpu.memory_space<vmem>>, vector<1x16xf32>,
    %swap3A_2084 = arith.constant 10 : i32
    %swap3A_2085 = arith.index_cast %swap3A_2084 : i32 to index
    %swap3A_2086 = arith.constant 416 : index
    %swap3A_2087 = tpu.vector_load %arg6[%swap3A_2085, %swap3A_2086] {strides = array<i32>} : memref<16x512xf32, #tpu.memory_space<vmem>>, vector<1x16xf32>,
    %swap3A_2088 = vector.shape_cast %swap3A_2087 : vector<1x16xf32> to vector<16xf32>
    %swap3A_2089 = vector.shape_cast %broadcast_in_dim3A_8 : vector<16xf32> to vector<1x16xf32>
    tpu.vector_store %arg6[%swap3A_2085, %swap3A_2086], %swap3A_2089 {strides = array<i32>} : memref<16x512xf32, #tpu.memory_space<vmem>>, vector<1x16xf32>,
    %swap3A_2090 = arith.constant 10 : i32
    %swap3A_2091 = arith.index_cast %swap3A_2090 : i32 to index
    %swap3A_2092 = arith.constant 432 : index
    %swap3A_2093 = tpu.vector_load %arg6[%swap3A_2091, %swap3A_2092] {strides = array<i32>} : memref<16x512xf32, #tpu.memory_space<vmem>>, vector<1x16xf32>,
    %swap3A_2094 = vector.shape_cast %swap3A_2093 : vector<1x16xf32> to vector<16xf32>
    %swap3A_2095 = vector.shape_cast %broadcast_in_dim3A_8 : vector<16xf32> to vector<1x16xf32>
    tpu.vector_store %arg6[%swap3A_2091, %swap3A_2092], %swap3A_2095 {strides = array<i32>} : memref<16x512xf32, #tpu.memory_space<vmem>>, vector<1x16xf32>,
    %swap3A_2096 = arith.constant 10 : i32
    %swap3A_2097 = arith.index_cast %swap3A_2096 : i32 to index
    %swap3A_2098 = arith.constant 448 : index
    %swap3A_2099 = tpu.vector_load %arg6[%swap3A_2097, %swap3A_2098] {strides = array<i32>} : memref<16x512xf32, #tpu.memory_space<vmem>>, vector<1x16xf32>,
    %swap3A_2100 = vector.shape_cast %swap3A_2099 : vector<1x16xf32> to vector<16xf32>
    %swap3A_2101 = vector.shape_cast %broadcast_in_dim3A_8 : vector<16xf32> to vector<1x16xf32>
    tpu.vector_store %arg6[%swap3A_2097, %swap3A_2098], %swap3A_2101 {strides = array<i32>} : memref<16x512xf32, #tpu.memory_space<vmem>>, vector<1x16xf32>,
    %swap3A_2102 = arith.constant 10 : i32
    %swap3A_2103 = arith.index_cast %swap3A_2102 : i32 to index
    %swap3A_2104 = arith.constant 464 : index
    %swap3A_2105 = tpu.vector_load %arg6[%swap3A_2103, %swap3A_2104] {strides = array<i32>} : memref<16x512xf32, #tpu.memory_space<vmem>>, vector<1x16xf32>,
    %swap3A_2106 = vector.shape_cast %swap3A_2105 : vector<1x16xf32> to vector<16xf32>
    %swap3A_2107 = vector.shape_cast %broadcast_in_dim3A_8 : vector<16xf32> to vector<1x16xf32>
    tpu.vector_store %arg6[%swap3A_2103, %swap3A_2104], %swap3A_2107 {strides = array<i32>} : memref<16x512xf32, #tpu.memory_space<vmem>>, vector<1x16xf32>,
    %swap3A_2108 = arith.constant 10 : i32
    %swap3A_2109 = arith.index_cast %swap3A_2108 : i32 to index
    %swap3A_2110 = arith.constant 480 : index
    %swap3A_2111 = tpu.vector_load %arg6[%swap3A_2109, %swap3A_2110] {strides = array<i32>} : memref<16x512xf32, #tpu.memory_space<vmem>>, vector<1x16xf32>,
    %swap3A_2112 = vector.shape_cast %swap3A_2111 : vector<1x16xf32> to vector<16xf32>
    %swap3A_2113 = vector.shape_cast %broadcast_in_dim3A_8 : vector<16xf32> to vector<1x16xf32>
    tpu.vector_store %arg6[%swap3A_2109, %swap3A_2110], %swap3A_2113 {strides = array<i32>} : memref<16x512xf32, #tpu.memory_space<vmem>>, vector<1x16xf32>,
    %swap3A_2114 = arith.constant 10 : i32
    %swap3A_2115 = arith.index_cast %swap3A_2114 : i32 to index
    %swap3A_2116 = arith.constant 496 : index
    %swap3A_2117 = tpu.vector_load %arg6[%swap3A_2115, %swap3A_2116] {strides = array<i32>} : memref<16x512xf32, #tpu.memory_space<vmem>>, vector<1x16xf32>,
    %swap3A_2118 = vector.shape_cast %swap3A_2117 : vector<1x16xf32> to vector<16xf32>
    %swap3A_2119 = vector.shape_cast %broadcast_in_dim3A_8 : vector<16xf32> to vector<1x16xf32>
    tpu.vector_store %arg6[%swap3A_2115, %swap3A_2116], %swap3A_2119 {strides = array<i32>} : memref<16x512xf32, #tpu.memory_space<vmem>>, vector<1x16xf32>,
    %swap3A_2120 = arith.constant 11 : i32
    %swap3A_2121 = arith.index_cast %swap3A_2120 : i32 to index
    %swap3A_2122 = arith.constant 0 : index
    %swap3A_2123 = tpu.vector_load %arg6[%swap3A_2121, %swap3A_2122] {strides = array<i32>} : memref<16x512xf32, #tpu.memory_space<vmem>>, vector<1x16xf32>,
    %swap3A_2124 = vector.shape_cast %swap3A_2123 : vector<1x16xf32> to vector<16xf32>
    %swap3A_2125 = vector.shape_cast %broadcast_in_dim3A_8 : vector<16xf32> to vector<1x16xf32>
    tpu.vector_store %arg6[%swap3A_2121, %swap3A_2122], %swap3A_2125 {strides = array<i32>} : memref<16x512xf32, #tpu.memory_space<vmem>>, vector<1x16xf32>,
    %swap3A_2126 = arith.constant 11 : i32
    %swap3A_2127 = arith.index_cast %swap3A_2126 : i32 to index
    %swap3A_2128 = arith.constant 16 : index
    %swap3A_2129 = tpu.vector_load %arg6[%swap3A_2127, %swap3A_2128] {strides = array<i32>} : memref<16x512xf32, #tpu.memory_space<vmem>>, vector<1x16xf32>,
    %swap3A_2130 = vector.shape_cast %swap3A_2129 : vector<1x16xf32> to vector<16xf32>
    %swap3A_2131 = vector.shape_cast %broadcast_in_dim3A_8 : vector<16xf32> to vector<1x16xf32>
    tpu.vector_store %arg6[%swap3A_2127, %swap3A_2128], %swap3A_2131 {strides = array<i32>} : memref<16x512xf32, #tpu.memory_space<vmem>>, vector<1x16xf32>,
    %swap3A_2132 = arith.constant 11 : i32
    %swap3A_2133 = arith.index_cast %swap3A_2132 : i32 to index
    %swap3A_2134 = arith.constant 32 : index
    %swap3A_2135 = tpu.vector_load %arg6[%swap3A_2133, %swap3A_2134] {strides = array<i32>} : memref<16x512xf32, #tpu.memory_space<vmem>>, vector<1x16xf32>,
    %swap3A_2136 = vector.shape_cast %swap3A_2135 : vector<1x16xf32> to vector<16xf32>
    %swap3A_2137 = vector.shape_cast %broadcast_in_dim3A_8 : vector<16xf32> to vector<1x16xf32>
    tpu.vector_store %arg6[%swap3A_2133, %swap3A_2134], %swap3A_2137 {strides = array<i32>} : memref<16x512xf32, #tpu.memory_space<vmem>>, vector<1x16xf32>,
    %swap3A_2138 = arith.constant 11 : i32
    %swap3A_2139 = arith.index_cast %swap3A_2138 : i32 to index
    %swap3A_2140 = arith.constant 48 : index
    %swap3A_2141 = tpu.vector_load %arg6[%swap3A_2139, %swap3A_2140] {strides = array<i32>} : memref<16x512xf32, #tpu.memory_space<vmem>>, vector<1x16xf32>,
    %swap3A_2142 = vector.shape_cast %swap3A_2141 : vector<1x16xf32> to vector<16xf32>
    %swap3A_2143 = vector.shape_cast %broadcast_in_dim3A_8 : vector<16xf32> to vector<1x16xf32>
    tpu.vector_store %arg6[%swap3A_2139, %swap3A_2140], %swap3A_2143 {strides = array<i32>} : memref<16x512xf32, #tpu.memory_space<vmem>>, vector<1x16xf32>,
    %swap3A_2144 = arith.constant 11 : i32
    %swap3A_2145 = arith.index_cast %swap3A_2144 : i32 to index
    %swap3A_2146 = arith.constant 64 : index
    %swap3A_2147 = tpu.vector_load %arg6[%swap3A_2145, %swap3A_2146] {strides = array<i32>} : memref<16x512xf32, #tpu.memory_space<vmem>>, vector<1x16xf32>,
    %swap3A_2148 = vector.shape_cast %swap3A_2147 : vector<1x16xf32> to vector<16xf32>
    %swap3A_2149 = vector.shape_cast %broadcast_in_dim3A_8 : vector<16xf32> to vector<1x16xf32>
    tpu.vector_store %arg6[%swap3A_2145, %swap3A_2146], %swap3A_2149 {strides = array<i32>} : memref<16x512xf32, #tpu.memory_space<vmem>>, vector<1x16xf32>,
    %swap3A_2150 = arith.constant 11 : i32
    %swap3A_2151 = arith.index_cast %swap3A_2150 : i32 to index
    %swap3A_2152 = arith.constant 80 : index
    %swap3A_2153 = tpu.vector_load %arg6[%swap3A_2151, %swap3A_2152] {strides = array<i32>} : memref<16x512xf32, #tpu.memory_space<vmem>>, vector<1x16xf32>,
    %swap3A_2154 = vector.shape_cast %swap3A_2153 : vector<1x16xf32> to vector<16xf32>
    %swap3A_2155 = vector.shape_cast %broadcast_in_dim3A_8 : vector<16xf32> to vector<1x16xf32>
    tpu.vector_store %arg6[%swap3A_2151, %swap3A_2152], %swap3A_2155 {strides = array<i32>} : memref<16x512xf32, #tpu.memory_space<vmem>>, vector<1x16xf32>,
    %swap3A_2156 = arith.constant 11 : i32
    %swap3A_2157 = arith.index_cast %swap3A_2156 : i32 to index
    %swap3A_2158 = arith.constant 96 : index
    %swap3A_2159 = tpu.vector_load %arg6[%swap3A_2157, %swap3A_2158] {strides = array<i32>} : memref<16x512xf32, #tpu.memory_space<vmem>>, vector<1x16xf32>,
    %swap3A_2160 = vector.shape_cast %swap3A_2159 : vector<1x16xf32> to vector<16xf32>
    %swap3A_2161 = vector.shape_cast %broadcast_in_dim3A_8 : vector<16xf32> to vector<1x16xf32>
    tpu.vector_store %arg6[%swap3A_2157, %swap3A_2158], %swap3A_2161 {strides = array<i32>} : memref<16x512xf32, #tpu.memory_space<vmem>>, vector<1x16xf32>,
    %swap3A_2162 = arith.constant 11 : i32
    %swap3A_2163 = arith.index_cast %swap3A_2162 : i32 to index
    %swap3A_2164 = arith.constant 112 : index
    %swap3A_2165 = tpu.vector_load %arg6[%swap3A_2163, %swap3A_2164] {strides = array<i32>} : memref<16x512xf32, #tpu.memory_space<vmem>>, vector<1x16xf32>,
    %swap3A_2166 = vector.shape_cast %swap3A_2165 : vector<1x16xf32> to vector<16xf32>
    %swap3A_2167 = vector.shape_cast %broadcast_in_dim3A_8 : vector<16xf32> to vector<1x16xf32>
    tpu.vector_store %arg6[%swap3A_2163, %swap3A_2164], %swap3A_2167 {strides = array<i32>} : memref<16x512xf32, #tpu.memory_space<vmem>>, vector<1x16xf32>,
    %swap3A_2168 = arith.constant 11 : i32
    %swap3A_2169 = arith.index_cast %swap3A_2168 : i32 to index
    %swap3A_2170 = arith.constant 128 : index
    %swap3A_2171 = tpu.vector_load %arg6[%swap3A_2169, %swap3A_2170] {strides = array<i32>} : memref<16x512xf32, #tpu.memory_space<vmem>>, vector<1x16xf32>,
    %swap3A_2172 = vector.shape_cast %swap3A_2171 : vector<1x16xf32> to vector<16xf32>
    %swap3A_2173 = vector.shape_cast %broadcast_in_dim3A_8 : vector<16xf32> to vector<1x16xf32>
    tpu.vector_store %arg6[%swap3A_2169, %swap3A_2170], %swap3A_2173 {strides = array<i32>} : memref<16x512xf32, #tpu.memory_space<vmem>>, vector<1x16xf32>,
    %swap3A_2174 = arith.constant 11 : i32
    %swap3A_2175 = arith.index_cast %swap3A_2174 : i32 to index
    %swap3A_2176 = arith.constant 144 : index
    %swap3A_2177 = tpu.vector_load %arg6[%swap3A_2175, %swap3A_2176] {strides = array<i32>} : memref<16x512xf32, #tpu.memory_space<vmem>>, vector<1x16xf32>,
    %swap3A_2178 = vector.shape_cast %swap3A_2177 : vector<1x16xf32> to vector<16xf32>
    %swap3A_2179 = vector.shape_cast %broadcast_in_dim3A_8 : vector<16xf32> to vector<1x16xf32>
    tpu.vector_store %arg6[%swap3A_2175, %swap3A_2176], %swap3A_2179 {strides = array<i32>} : memref<16x512xf32, #tpu.memory_space<vmem>>, vector<1x16xf32>,
    %swap3A_2180 = arith.constant 11 : i32
    %swap3A_2181 = arith.index_cast %swap3A_2180 : i32 to index
    %swap3A_2182 = arith.constant 160 : index
    %swap3A_2183 = tpu.vector_load %arg6[%swap3A_2181, %swap3A_2182] {strides = array<i32>} : memref<16x512xf32, #tpu.memory_space<vmem>>, vector<1x16xf32>,
    %swap3A_2184 = vector.shape_cast %swap3A_2183 : vector<1x16xf32> to vector<16xf32>
    %swap3A_2185 = vector.shape_cast %broadcast_in_dim3A_8 : vector<16xf32> to vector<1x16xf32>
    tpu.vector_store %arg6[%swap3A_2181, %swap3A_2182], %swap3A_2185 {strides = array<i32>} : memref<16x512xf32, #tpu.memory_space<vmem>>, vector<1x16xf32>,
    %swap3A_2186 = arith.constant 11 : i32
    %swap3A_2187 = arith.index_cast %swap3A_2186 : i32 to index
    %swap3A_2188 = arith.constant 176 : index
    %swap3A_2189 = tpu.vector_load %arg6[%swap3A_2187, %swap3A_2188] {strides = array<i32>} : memref<16x512xf32, #tpu.memory_space<vmem>>, vector<1x16xf32>,
    %swap3A_2190 = vector.shape_cast %swap3A_2189 : vector<1x16xf32> to vector<16xf32>
    %swap3A_2191 = vector.shape_cast %broadcast_in_dim3A_8 : vector<16xf32> to vector<1x16xf32>
    tpu.vector_store %arg6[%swap3A_2187, %swap3A_2188], %swap3A_2191 {strides = array<i32>} : memref<16x512xf32, #tpu.memory_space<vmem>>, vector<1x16xf32>,
    %swap3A_2192 = arith.constant 11 : i32
    %swap3A_2193 = arith.index_cast %swap3A_2192 : i32 to index
    %swap3A_2194 = arith.constant 192 : index
    %swap3A_2195 = tpu.vector_load %arg6[%swap3A_2193, %swap3A_2194] {strides = array<i32>} : memref<16x512xf32, #tpu.memory_space<vmem>>, vector<1x16xf32>,
    %swap3A_2196 = vector.shape_cast %swap3A_2195 : vector<1x16xf32> to vector<16xf32>
    %swap3A_2197 = vector.shape_cast %broadcast_in_dim3A_8 : vector<16xf32> to vector<1x16xf32>
    tpu.vector_store %arg6[%swap3A_2193, %swap3A_2194], %swap3A_2197 {strides = array<i32>} : memref<16x512xf32, #tpu.memory_space<vmem>>, vector<1x16xf32>,
    %swap3A_2198 = arith.constant 11 : i32
    %swap3A_2199 = arith.index_cast %swap3A_2198 : i32 to index
    %swap3A_2200 = arith.constant 208 : index
    %swap3A_2201 = tpu.vector_load %arg6[%swap3A_2199, %swap3A_2200] {strides = array<i32>} : memref<16x512xf32, #tpu.memory_space<vmem>>, vector<1x16xf32>,
    %swap3A_2202 = vector.shape_cast %swap3A_2201 : vector<1x16xf32> to vector<16xf32>
    %swap3A_2203 = vector.shape_cast %broadcast_in_dim3A_8 : vector<16xf32> to vector<1x16xf32>
    tpu.vector_store %arg6[%swap3A_2199, %swap3A_2200], %swap3A_2203 {strides = array<i32>} : memref<16x512xf32, #tpu.memory_space<vmem>>, vector<1x16xf32>,
    %swap3A_2204 = arith.constant 11 : i32
    %swap3A_2205 = arith.index_cast %swap3A_2204 : i32 to index
    %swap3A_2206 = arith.constant 224 : index
    %swap3A_2207 = tpu.vector_load %arg6[%swap3A_2205, %swap3A_2206] {strides = array<i32>} : memref<16x512xf32, #tpu.memory_space<vmem>>, vector<1x16xf32>,
    %swap3A_2208 = vector.shape_cast %swap3A_2207 : vector<1x16xf32> to vector<16xf32>
    %swap3A_2209 = vector.shape_cast %broadcast_in_dim3A_8 : vector<16xf32> to vector<1x16xf32>
    tpu.vector_store %arg6[%swap3A_2205, %swap3A_2206], %swap3A_2209 {strides = array<i32>} : memref<16x512xf32, #tpu.memory_space<vmem>>, vector<1x16xf32>,
    %swap3A_2210 = arith.constant 11 : i32
    %swap3A_2211 = arith.index_cast %swap3A_2210 : i32 to index
    %swap3A_2212 = arith.constant 240 : index
    %swap3A_2213 = tpu.vector_load %arg6[%swap3A_2211, %swap3A_2212] {strides = array<i32>} : memref<16x512xf32, #tpu.memory_space<vmem>>, vector<1x16xf32>,
    %swap3A_2214 = vector.shape_cast %swap3A_2213 : vector<1x16xf32> to vector<16xf32>
    %swap3A_2215 = vector.shape_cast %broadcast_in_dim3A_8 : vector<16xf32> to vector<1x16xf32>
    tpu.vector_store %arg6[%swap3A_2211, %swap3A_2212], %swap3A_2215 {strides = array<i32>} : memref<16x512xf32, #tpu.memory_space<vmem>>, vector<1x16xf32>,
    %swap3A_2216 = arith.constant 11 : i32
    %swap3A_2217 = arith.index_cast %swap3A_2216 : i32 to index
    %swap3A_2218 = arith.constant 256 : index
    %swap3A_2219 = tpu.vector_load %arg6[%swap3A_2217, %swap3A_2218] {strides = array<i32>} : memref<16x512xf32, #tpu.memory_space<vmem>>, vector<1x16xf32>,
    %swap3A_2220 = vector.shape_cast %swap3A_2219 : vector<1x16xf32> to vector<16xf32>
    %swap3A_2221 = vector.shape_cast %broadcast_in_dim3A_8 : vector<16xf32> to vector<1x16xf32>
    tpu.vector_store %arg6[%swap3A_2217, %swap3A_2218], %swap3A_2221 {strides = array<i32>} : memref<16x512xf32, #tpu.memory_space<vmem>>, vector<1x16xf32>,
    %swap3A_2222 = arith.constant 11 : i32
    %swap3A_2223 = arith.index_cast %swap3A_2222 : i32 to index
    %swap3A_2224 = arith.constant 272 : index
    %swap3A_2225 = tpu.vector_load %arg6[%swap3A_2223, %swap3A_2224] {strides = array<i32>} : memref<16x512xf32, #tpu.memory_space<vmem>>, vector<1x16xf32>,
    %swap3A_2226 = vector.shape_cast %swap3A_2225 : vector<1x16xf32> to vector<16xf32>
    %swap3A_2227 = vector.shape_cast %broadcast_in_dim3A_8 : vector<16xf32> to vector<1x16xf32>
    tpu.vector_store %arg6[%swap3A_2223, %swap3A_2224], %swap3A_2227 {strides = array<i32>} : memref<16x512xf32, #tpu.memory_space<vmem>>, vector<1x16xf32>,
    %swap3A_2228 = arith.constant 11 : i32
    %swap3A_2229 = arith.index_cast %swap3A_2228 : i32 to index
    %swap3A_2230 = arith.constant 288 : index
    %swap3A_2231 = tpu.vector_load %arg6[%swap3A_2229, %swap3A_2230] {strides = array<i32>} : memref<16x512xf32, #tpu.memory_space<vmem>>, vector<1x16xf32>,
    %swap3A_2232 = vector.shape_cast %swap3A_2231 : vector<1x16xf32> to vector<16xf32>
    %swap3A_2233 = vector.shape_cast %broadcast_in_dim3A_8 : vector<16xf32> to vector<1x16xf32>
    tpu.vector_store %arg6[%swap3A_2229, %swap3A_2230], %swap3A_2233 {strides = array<i32>} : memref<16x512xf32, #tpu.memory_space<vmem>>, vector<1x16xf32>,
    %swap3A_2234 = arith.constant 11 : i32
    %swap3A_2235 = arith.index_cast %swap3A_2234 : i32 to index
    %swap3A_2236 = arith.constant 304 : index
    %swap3A_2237 = tpu.vector_load %arg6[%swap3A_2235, %swap3A_2236] {strides = array<i32>} : memref<16x512xf32, #tpu.memory_space<vmem>>, vector<1x16xf32>,
    %swap3A_2238 = vector.shape_cast %swap3A_2237 : vector<1x16xf32> to vector<16xf32>
    %swap3A_2239 = vector.shape_cast %broadcast_in_dim3A_8 : vector<16xf32> to vector<1x16xf32>
    tpu.vector_store %arg6[%swap3A_2235, %swap3A_2236], %swap3A_2239 {strides = array<i32>} : memref<16x512xf32, #tpu.memory_space<vmem>>, vector<1x16xf32>,
    %swap3A_2240 = arith.constant 11 : i32
    %swap3A_2241 = arith.index_cast %swap3A_2240 : i32 to index
    %swap3A_2242 = arith.constant 320 : index
    %swap3A_2243 = tpu.vector_load %arg6[%swap3A_2241, %swap3A_2242] {strides = array<i32>} : memref<16x512xf32, #tpu.memory_space<vmem>>, vector<1x16xf32>,
    %swap3A_2244 = vector.shape_cast %swap3A_2243 : vector<1x16xf32> to vector<16xf32>
    %swap3A_2245 = vector.shape_cast %broadcast_in_dim3A_8 : vector<16xf32> to vector<1x16xf32>
    tpu.vector_store %arg6[%swap3A_2241, %swap3A_2242], %swap3A_2245 {strides = array<i32>} : memref<16x512xf32, #tpu.memory_space<vmem>>, vector<1x16xf32>,
    %swap3A_2246 = arith.constant 11 : i32
    %swap3A_2247 = arith.index_cast %swap3A_2246 : i32 to index
    %swap3A_2248 = arith.constant 336 : index
    %swap3A_2249 = tpu.vector_load %arg6[%swap3A_2247, %swap3A_2248] {strides = array<i32>} : memref<16x512xf32, #tpu.memory_space<vmem>>, vector<1x16xf32>,
    %swap3A_2250 = vector.shape_cast %swap3A_2249 : vector<1x16xf32> to vector<16xf32>
    %swap3A_2251 = vector.shape_cast %broadcast_in_dim3A_8 : vector<16xf32> to vector<1x16xf32>
    tpu.vector_store %arg6[%swap3A_2247, %swap3A_2248], %swap3A_2251 {strides = array<i32>} : memref<16x512xf32, #tpu.memory_space<vmem>>, vector<1x16xf32>,
    %swap3A_2252 = arith.constant 11 : i32
    %swap3A_2253 = arith.index_cast %swap3A_2252 : i32 to index
    %swap3A_2254 = arith.constant 352 : index
    %swap3A_2255 = tpu.vector_load %arg6[%swap3A_2253, %swap3A_2254] {strides = array<i32>} : memref<16x512xf32, #tpu.memory_space<vmem>>, vector<1x16xf32>,
    %swap3A_2256 = vector.shape_cast %swap3A_2255 : vector<1x16xf32> to vector<16xf32>
    %swap3A_2257 = vector.shape_cast %broadcast_in_dim3A_8 : vector<16xf32> to vector<1x16xf32>
    tpu.vector_store %arg6[%swap3A_2253, %swap3A_2254], %swap3A_2257 {strides = array<i32>} : memref<16x512xf32, #tpu.memory_space<vmem>>, vector<1x16xf32>,
    %swap3A_2258 = arith.constant 11 : i32
    %swap3A_2259 = arith.index_cast %swap3A_2258 : i32 to index
    %swap3A_2260 = arith.constant 368 : index
    %swap3A_2261 = tpu.vector_load %arg6[%swap3A_2259, %swap3A_2260] {strides = array<i32>} : memref<16x512xf32, #tpu.memory_space<vmem>>, vector<1x16xf32>,
    %swap3A_2262 = vector.shape_cast %swap3A_2261 : vector<1x16xf32> to vector<16xf32>
    %swap3A_2263 = vector.shape_cast %broadcast_in_dim3A_8 : vector<16xf32> to vector<1x16xf32>
    tpu.vector_store %arg6[%swap3A_2259, %swap3A_2260], %swap3A_2263 {strides = array<i32>} : memref<16x512xf32, #tpu.memory_space<vmem>>, vector<1x16xf32>,
    %swap3A_2264 = arith.constant 11 : i32
    %swap3A_2265 = arith.index_cast %swap3A_2264 : i32 to index
    %swap3A_2266 = arith.constant 384 : index
    %swap3A_2267 = tpu.vector_load %arg6[%swap3A_2265, %swap3A_2266] {strides = array<i32>} : memref<16x512xf32, #tpu.memory_space<vmem>>, vector<1x16xf32>,
    %swap3A_2268 = vector.shape_cast %swap3A_2267 : vector<1x16xf32> to vector<16xf32>
    %swap3A_2269 = vector.shape_cast %broadcast_in_dim3A_8 : vector<16xf32> to vector<1x16xf32>
    tpu.vector_store %arg6[%swap3A_2265, %swap3A_2266], %swap3A_2269 {strides = array<i32>} : memref<16x512xf32, #tpu.memory_space<vmem>>, vector<1x16xf32>,
    %swap3A_2270 = arith.constant 11 : i32
    %swap3A_2271 = arith.index_cast %swap3A_2270 : i32 to index
    %swap3A_2272 = arith.constant 400 : index
    %swap3A_2273 = tpu.vector_load %arg6[%swap3A_2271, %swap3A_2272] {strides = array<i32>} : memref<16x512xf32, #tpu.memory_space<vmem>>, vector<1x16xf32>,
    %swap3A_2274 = vector.shape_cast %swap3A_2273 : vector<1x16xf32> to vector<16xf32>
    %swap3A_2275 = vector.shape_cast %broadcast_in_dim3A_8 : vector<16xf32> to vector<1x16xf32>
    tpu.vector_store %arg6[%swap3A_2271, %swap3A_2272], %swap3A_2275 {strides = array<i32>} : memref<16x512xf32, #tpu.memory_space<vmem>>, vector<1x16xf32>,
    %swap3A_2276 = arith.constant 11 : i32
    %swap3A_2277 = arith.index_cast %swap3A_2276 : i32 to index
    %swap3A_2278 = arith.constant 416 : index
    %swap3A_2279 = tpu.vector_load %arg6[%swap3A_2277, %swap3A_2278] {strides = array<i32>} : memref<16x512xf32, #tpu.memory_space<vmem>>, vector<1x16xf32>,
    %swap3A_2280 = vector.shape_cast %swap3A_2279 : vector<1x16xf32> to vector<16xf32>
    %swap3A_2281 = vector.shape_cast %broadcast_in_dim3A_8 : vector<16xf32> to vector<1x16xf32>
    tpu.vector_store %arg6[%swap3A_2277, %swap3A_2278], %swap3A_2281 {strides = array<i32>} : memref<16x512xf32, #tpu.memory_space<vmem>>, vector<1x16xf32>,
    %swap3A_2282 = arith.constant 11 : i32
    %swap3A_2283 = arith.index_cast %swap3A_2282 : i32 to index
    %swap3A_2284 = arith.constant 432 : index
    %swap3A_2285 = tpu.vector_load %arg6[%swap3A_2283, %swap3A_2284] {strides = array<i32>} : memref<16x512xf32, #tpu.memory_space<vmem>>, vector<1x16xf32>,
    %swap3A_2286 = vector.shape_cast %swap3A_2285 : vector<1x16xf32> to vector<16xf32>
    %swap3A_2287 = vector.shape_cast %broadcast_in_dim3A_8 : vector<16xf32> to vector<1x16xf32>
    tpu.vector_store %arg6[%swap3A_2283, %swap3A_2284], %swap3A_2287 {strides = array<i32>} : memref<16x512xf32, #tpu.memory_space<vmem>>, vector<1x16xf32>,
    %swap3A_2288 = arith.constant 11 : i32
    %swap3A_2289 = arith.index_cast %swap3A_2288 : i32 to index
    %swap3A_2290 = arith.constant 448 : index
    %swap3A_2291 = tpu.vector_load %arg6[%swap3A_2289, %swap3A_2290] {strides = array<i32>} : memref<16x512xf32, #tpu.memory_space<vmem>>, vector<1x16xf32>,
    %swap3A_2292 = vector.shape_cast %swap3A_2291 : vector<1x16xf32> to vector<16xf32>
    %swap3A_2293 = vector.shape_cast %broadcast_in_dim3A_8 : vector<16xf32> to vector<1x16xf32>
    tpu.vector_store %arg6[%swap3A_2289, %swap3A_2290], %swap3A_2293 {strides = array<i32>} : memref<16x512xf32, #tpu.memory_space<vmem>>, vector<1x16xf32>,
    %swap3A_2294 = arith.constant 11 : i32
    %swap3A_2295 = arith.index_cast %swap3A_2294 : i32 to index
    %swap3A_2296 = arith.constant 464 : index
    %swap3A_2297 = tpu.vector_load %arg6[%swap3A_2295, %swap3A_2296] {strides = array<i32>} : memref<16x512xf32, #tpu.memory_space<vmem>>, vector<1x16xf32>,
    %swap3A_2298 = vector.shape_cast %swap3A_2297 : vector<1x16xf32> to vector<16xf32>
    %swap3A_2299 = vector.shape_cast %broadcast_in_dim3A_8 : vector<16xf32> to vector<1x16xf32>
    tpu.vector_store %arg6[%swap3A_2295, %swap3A_2296], %swap3A_2299 {strides = array<i32>} : memref<16x512xf32, #tpu.memory_space<vmem>>, vector<1x16xf32>,
    %swap3A_2300 = arith.constant 11 : i32
    %swap3A_2301 = arith.index_cast %swap3A_2300 : i32 to index
    %swap3A_2302 = arith.constant 480 : index
    %swap3A_2303 = tpu.vector_load %arg6[%swap3A_2301, %swap3A_2302] {strides = array<i32>} : memref<16x512xf32, #tpu.memory_space<vmem>>, vector<1x16xf32>,
    %swap3A_2304 = vector.shape_cast %swap3A_2303 : vector<1x16xf32> to vector<16xf32>
    %swap3A_2305 = vector.shape_cast %broadcast_in_dim3A_8 : vector<16xf32> to vector<1x16xf32>
    tpu.vector_store %arg6[%swap3A_2301, %swap3A_2302], %swap3A_2305 {strides = array<i32>} : memref<16x512xf32, #tpu.memory_space<vmem>>, vector<1x16xf32>,
    %swap3A_2306 = arith.constant 11 : i32
    %swap3A_2307 = arith.index_cast %swap3A_2306 : i32 to index
    %swap3A_2308 = arith.constant 496 : index
    %swap3A_2309 = tpu.vector_load %arg6[%swap3A_2307, %swap3A_2308] {strides = array<i32>} : memref<16x512xf32, #tpu.memory_space<vmem>>, vector<1x16xf32>,
    %swap3A_2310 = vector.shape_cast %swap3A_2309 : vector<1x16xf32> to vector<16xf32>
    %swap3A_2311 = vector.shape_cast %broadcast_in_dim3A_8 : vector<16xf32> to vector<1x16xf32>
    tpu.vector_store %arg6[%swap3A_2307, %swap3A_2308], %swap3A_2311 {strides = array<i32>} : memref<16x512xf32, #tpu.memory_space<vmem>>, vector<1x16xf32>,
    %swap3A_2312 = arith.constant 12 : i32
    %swap3A_2313 = arith.index_cast %swap3A_2312 : i32 to index
    %swap3A_2314 = arith.constant 0 : index
    %swap3A_2315 = tpu.vector_load %arg6[%swap3A_2313, %swap3A_2314] {strides = array<i32>} : memref<16x512xf32, #tpu.memory_space<vmem>>, vector<1x16xf32>,
    %swap3A_2316 = vector.shape_cast %swap3A_2315 : vector<1x16xf32> to vector<16xf32>
    %swap3A_2317 = vector.shape_cast %broadcast_in_dim3A_8 : vector<16xf32> to vector<1x16xf32>
    tpu.vector_store %arg6[%swap3A_2313, %swap3A_2314], %swap3A_2317 {strides = array<i32>} : memref<16x512xf32, #tpu.memory_space<vmem>>, vector<1x16xf32>,
    %swap3A_2318 = arith.constant 12 : i32
    %swap3A_2319 = arith.index_cast %swap3A_2318 : i32 to index
    %swap3A_2320 = arith.constant 16 : index
    %swap3A_2321 = tpu.vector_load %arg6[%swap3A_2319, %swap3A_2320] {strides = array<i32>} : memref<16x512xf32, #tpu.memory_space<vmem>>, vector<1x16xf32>,
    %swap3A_2322 = vector.shape_cast %swap3A_2321 : vector<1x16xf32> to vector<16xf32>
    %swap3A_2323 = vector.shape_cast %broadcast_in_dim3A_8 : vector<16xf32> to vector<1x16xf32>
    tpu.vector_store %arg6[%swap3A_2319, %swap3A_2320], %swap3A_2323 {strides = array<i32>} : memref<16x512xf32, #tpu.memory_space<vmem>>, vector<1x16xf32>,
    %swap3A_2324 = arith.constant 12 : i32
    %swap3A_2325 = arith.index_cast %swap3A_2324 : i32 to index
    %swap3A_2326 = arith.constant 32 : index
    %swap3A_2327 = tpu.vector_load %arg6[%swap3A_2325, %swap3A_2326] {strides = array<i32>} : memref<16x512xf32, #tpu.memory_space<vmem>>, vector<1x16xf32>,
    %swap3A_2328 = vector.shape_cast %swap3A_2327 : vector<1x16xf32> to vector<16xf32>
    %swap3A_2329 = vector.shape_cast %broadcast_in_dim3A_8 : vector<16xf32> to vector<1x16xf32>
    tpu.vector_store %arg6[%swap3A_2325, %swap3A_2326], %swap3A_2329 {strides = array<i32>} : memref<16x512xf32, #tpu.memory_space<vmem>>, vector<1x16xf32>,
    %swap3A_2330 = arith.constant 12 : i32
    %swap3A_2331 = arith.index_cast %swap3A_2330 : i32 to index
    %swap3A_2332 = arith.constant 48 : index
    %swap3A_2333 = tpu.vector_load %arg6[%swap3A_2331, %swap3A_2332] {strides = array<i32>} : memref<16x512xf32, #tpu.memory_space<vmem>>, vector<1x16xf32>,
    %swap3A_2334 = vector.shape_cast %swap3A_2333 : vector<1x16xf32> to vector<16xf32>
    %swap3A_2335 = vector.shape_cast %broadcast_in_dim3A_8 : vector<16xf32> to vector<1x16xf32>
    tpu.vector_store %arg6[%swap3A_2331, %swap3A_2332], %swap3A_2335 {strides = array<i32>} : memref<16x512xf32, #tpu.memory_space<vmem>>, vector<1x16xf32>,
    %swap3A_2336 = arith.constant 12 : i32
    %swap3A_2337 = arith.index_cast %swap3A_2336 : i32 to index
    %swap3A_2338 = arith.constant 64 : index
    %swap3A_2339 = tpu.vector_load %arg6[%swap3A_2337, %swap3A_2338] {strides = array<i32>} : memref<16x512xf32, #tpu.memory_space<vmem>>, vector<1x16xf32>,
    %swap3A_2340 = vector.shape_cast %swap3A_2339 : vector<1x16xf32> to vector<16xf32>
    %swap3A_2341 = vector.shape_cast %broadcast_in_dim3A_8 : vector<16xf32> to vector<1x16xf32>
    tpu.vector_store %arg6[%swap3A_2337, %swap3A_2338], %swap3A_2341 {strides = array<i32>} : memref<16x512xf32, #tpu.memory_space<vmem>>, vector<1x16xf32>,
    %swap3A_2342 = arith.constant 12 : i32
    %swap3A_2343 = arith.index_cast %swap3A_2342 : i32 to index
    %swap3A_2344 = arith.constant 80 : index
    %swap3A_2345 = tpu.vector_load %arg6[%swap3A_2343, %swap3A_2344] {strides = array<i32>} : memref<16x512xf32, #tpu.memory_space<vmem>>, vector<1x16xf32>,
    %swap3A_2346 = vector.shape_cast %swap3A_2345 : vector<1x16xf32> to vector<16xf32>
    %swap3A_2347 = vector.shape_cast %broadcast_in_dim3A_8 : vector<16xf32> to vector<1x16xf32>
    tpu.vector_store %arg6[%swap3A_2343, %swap3A_2344], %swap3A_2347 {strides = array<i32>} : memref<16x512xf32, #tpu.memory_space<vmem>>, vector<1x16xf32>,
    %swap3A_2348 = arith.constant 12 : i32
    %swap3A_2349 = arith.index_cast %swap3A_2348 : i32 to index
    %swap3A_2350 = arith.constant 96 : index
    %swap3A_2351 = tpu.vector_load %arg6[%swap3A_2349, %swap3A_2350] {strides = array<i32>} : memref<16x512xf32, #tpu.memory_space<vmem>>, vector<1x16xf32>,
    %swap3A_2352 = vector.shape_cast %swap3A_2351 : vector<1x16xf32> to vector<16xf32>
    %swap3A_2353 = vector.shape_cast %broadcast_in_dim3A_8 : vector<16xf32> to vector<1x16xf32>
    tpu.vector_store %arg6[%swap3A_2349, %swap3A_2350], %swap3A_2353 {strides = array<i32>} : memref<16x512xf32, #tpu.memory_space<vmem>>, vector<1x16xf32>,
    %swap3A_2354 = arith.constant 12 : i32
    %swap3A_2355 = arith.index_cast %swap3A_2354 : i32 to index
    %swap3A_2356 = arith.constant 112 : index
    %swap3A_2357 = tpu.vector_load %arg6[%swap3A_2355, %swap3A_2356] {strides = array<i32>} : memref<16x512xf32, #tpu.memory_space<vmem>>, vector<1x16xf32>,
    %swap3A_2358 = vector.shape_cast %swap3A_2357 : vector<1x16xf32> to vector<16xf32>
    %swap3A_2359 = vector.shape_cast %broadcast_in_dim3A_8 : vector<16xf32> to vector<1x16xf32>
    tpu.vector_store %arg6[%swap3A_2355, %swap3A_2356], %swap3A_2359 {strides = array<i32>} : memref<16x512xf32, #tpu.memory_space<vmem>>, vector<1x16xf32>,
    %swap3A_2360 = arith.constant 12 : i32
    %swap3A_2361 = arith.index_cast %swap3A_2360 : i32 to index
    %swap3A_2362 = arith.constant 128 : index
    %swap3A_2363 = tpu.vector_load %arg6[%swap3A_2361, %swap3A_2362] {strides = array<i32>} : memref<16x512xf32, #tpu.memory_space<vmem>>, vector<1x16xf32>,
    %swap3A_2364 = vector.shape_cast %swap3A_2363 : vector<1x16xf32> to vector<16xf32>
    %swap3A_2365 = vector.shape_cast %broadcast_in_dim3A_8 : vector<16xf32> to vector<1x16xf32>
    tpu.vector_store %arg6[%swap3A_2361, %swap3A_2362], %swap3A_2365 {strides = array<i32>} : memref<16x512xf32, #tpu.memory_space<vmem>>, vector<1x16xf32>,
    %swap3A_2366 = arith.constant 12 : i32
    %swap3A_2367 = arith.index_cast %swap3A_2366 : i32 to index
    %swap3A_2368 = arith.constant 144 : index
    %swap3A_2369 = tpu.vector_load %arg6[%swap3A_2367, %swap3A_2368] {strides = array<i32>} : memref<16x512xf32, #tpu.memory_space<vmem>>, vector<1x16xf32>,
    %swap3A_2370 = vector.shape_cast %swap3A_2369 : vector<1x16xf32> to vector<16xf32>
    %swap3A_2371 = vector.shape_cast %broadcast_in_dim3A_8 : vector<16xf32> to vector<1x16xf32>
    tpu.vector_store %arg6[%swap3A_2367, %swap3A_2368], %swap3A_2371 {strides = array<i32>} : memref<16x512xf32, #tpu.memory_space<vmem>>, vector<1x16xf32>,
    %swap3A_2372 = arith.constant 12 : i32
    %swap3A_2373 = arith.index_cast %swap3A_2372 : i32 to index
    %swap3A_2374 = arith.constant 160 : index
    %swap3A_2375 = tpu.vector_load %arg6[%swap3A_2373, %swap3A_2374] {strides = array<i32>} : memref<16x512xf32, #tpu.memory_space<vmem>>, vector<1x16xf32>,
    %swap3A_2376 = vector.shape_cast %swap3A_2375 : vector<1x16xf32> to vector<16xf32>
    %swap3A_2377 = vector.shape_cast %broadcast_in_dim3A_8 : vector<16xf32> to vector<1x16xf32>
    tpu.vector_store %arg6[%swap3A_2373, %swap3A_2374], %swap3A_2377 {strides = array<i32>} : memref<16x512xf32, #tpu.memory_space<vmem>>, vector<1x16xf32>,
    %swap3A_2378 = arith.constant 12 : i32
    %swap3A_2379 = arith.index_cast %swap3A_2378 : i32 to index
    %swap3A_2380 = arith.constant 176 : index
    %swap3A_2381 = tpu.vector_load %arg6[%swap3A_2379, %swap3A_2380] {strides = array<i32>} : memref<16x512xf32, #tpu.memory_space<vmem>>, vector<1x16xf32>,
    %swap3A_2382 = vector.shape_cast %swap3A_2381 : vector<1x16xf32> to vector<16xf32>
    %swap3A_2383 = vector.shape_cast %broadcast_in_dim3A_8 : vector<16xf32> to vector<1x16xf32>
    tpu.vector_store %arg6[%swap3A_2379, %swap3A_2380], %swap3A_2383 {strides = array<i32>} : memref<16x512xf32, #tpu.memory_space<vmem>>, vector<1x16xf32>,
    %swap3A_2384 = arith.constant 12 : i32
    %swap3A_2385 = arith.index_cast %swap3A_2384 : i32 to index
    %swap3A_2386 = arith.constant 192 : index
    %swap3A_2387 = tpu.vector_load %arg6[%swap3A_2385, %swap3A_2386] {strides = array<i32>} : memref<16x512xf32, #tpu.memory_space<vmem>>, vector<1x16xf32>,
    %swap3A_2388 = vector.shape_cast %swap3A_2387 : vector<1x16xf32> to vector<16xf32>
    %swap3A_2389 = vector.shape_cast %broadcast_in_dim3A_8 : vector<16xf32> to vector<1x16xf32>
    tpu.vector_store %arg6[%swap3A_2385, %swap3A_2386], %swap3A_2389 {strides = array<i32>} : memref<16x512xf32, #tpu.memory_space<vmem>>, vector<1x16xf32>,
    %swap3A_2390 = arith.constant 12 : i32
    %swap3A_2391 = arith.index_cast %swap3A_2390 : i32 to index
    %swap3A_2392 = arith.constant 208 : index
    %swap3A_2393 = tpu.vector_load %arg6[%swap3A_2391, %swap3A_2392] {strides = array<i32>} : memref<16x512xf32, #tpu.memory_space<vmem>>, vector<1x16xf32>,
    %swap3A_2394 = vector.shape_cast %swap3A_2393 : vector<1x16xf32> to vector<16xf32>
    %swap3A_2395 = vector.shape_cast %broadcast_in_dim3A_8 : vector<16xf32> to vector<1x16xf32>
    tpu.vector_store %arg6[%swap3A_2391, %swap3A_2392], %swap3A_2395 {strides = array<i32>} : memref<16x512xf32, #tpu.memory_space<vmem>>, vector<1x16xf32>,
    %swap3A_2396 = arith.constant 12 : i32
    %swap3A_2397 = arith.index_cast %swap3A_2396 : i32 to index
    %swap3A_2398 = arith.constant 224 : index
    %swap3A_2399 = tpu.vector_load %arg6[%swap3A_2397, %swap3A_2398] {strides = array<i32>} : memref<16x512xf32, #tpu.memory_space<vmem>>, vector<1x16xf32>,
    %swap3A_2400 = vector.shape_cast %swap3A_2399 : vector<1x16xf32> to vector<16xf32>
    %swap3A_2401 = vector.shape_cast %broadcast_in_dim3A_8 : vector<16xf32> to vector<1x16xf32>
    tpu.vector_store %arg6[%swap3A_2397, %swap3A_2398], %swap3A_2401 {strides = array<i32>} : memref<16x512xf32, #tpu.memory_space<vmem>>, vector<1x16xf32>,
    %swap3A_2402 = arith.constant 12 : i32
    %swap3A_2403 = arith.index_cast %swap3A_2402 : i32 to index
    %swap3A_2404 = arith.constant 240 : index
    %swap3A_2405 = tpu.vector_load %arg6[%swap3A_2403, %swap3A_2404] {strides = array<i32>} : memref<16x512xf32, #tpu.memory_space<vmem>>, vector<1x16xf32>,
    %swap3A_2406 = vector.shape_cast %swap3A_2405 : vector<1x16xf32> to vector<16xf32>
    %swap3A_2407 = vector.shape_cast %broadcast_in_dim3A_8 : vector<16xf32> to vector<1x16xf32>
    tpu.vector_store %arg6[%swap3A_2403, %swap3A_2404], %swap3A_2407 {strides = array<i32>} : memref<16x512xf32, #tpu.memory_space<vmem>>, vector<1x16xf32>,
    %swap3A_2408 = arith.constant 12 : i32
    %swap3A_2409 = arith.index_cast %swap3A_2408 : i32 to index
    %swap3A_2410 = arith.constant 256 : index
    %swap3A_2411 = tpu.vector_load %arg6[%swap3A_2409, %swap3A_2410] {strides = array<i32>} : memref<16x512xf32, #tpu.memory_space<vmem>>, vector<1x16xf32>,
    %swap3A_2412 = vector.shape_cast %swap3A_2411 : vector<1x16xf32> to vector<16xf32>
    %swap3A_2413 = vector.shape_cast %broadcast_in_dim3A_8 : vector<16xf32> to vector<1x16xf32>
    tpu.vector_store %arg6[%swap3A_2409, %swap3A_2410], %swap3A_2413 {strides = array<i32>} : memref<16x512xf32, #tpu.memory_space<vmem>>, vector<1x16xf32>,
    %swap3A_2414 = arith.constant 12 : i32
    %swap3A_2415 = arith.index_cast %swap3A_2414 : i32 to index
    %swap3A_2416 = arith.constant 272 : index
    %swap3A_2417 = tpu.vector_load %arg6[%swap3A_2415, %swap3A_2416] {strides = array<i32>} : memref<16x512xf32, #tpu.memory_space<vmem>>, vector<1x16xf32>,
    %swap3A_2418 = vector.shape_cast %swap3A_2417 : vector<1x16xf32> to vector<16xf32>
    %swap3A_2419 = vector.shape_cast %broadcast_in_dim3A_8 : vector<16xf32> to vector<1x16xf32>
    tpu.vector_store %arg6[%swap3A_2415, %swap3A_2416], %swap3A_2419 {strides = array<i32>} : memref<16x512xf32, #tpu.memory_space<vmem>>, vector<1x16xf32>,
    %swap3A_2420 = arith.constant 12 : i32
    %swap3A_2421 = arith.index_cast %swap3A_2420 : i32 to index
    %swap3A_2422 = arith.constant 288 : index
    %swap3A_2423 = tpu.vector_load %arg6[%swap3A_2421, %swap3A_2422] {strides = array<i32>} : memref<16x512xf32, #tpu.memory_space<vmem>>, vector<1x16xf32>,
    %swap3A_2424 = vector.shape_cast %swap3A_2423 : vector<1x16xf32> to vector<16xf32>
    %swap3A_2425 = vector.shape_cast %broadcast_in_dim3A_8 : vector<16xf32> to vector<1x16xf32>
    tpu.vector_store %arg6[%swap3A_2421, %swap3A_2422], %swap3A_2425 {strides = array<i32>} : memref<16x512xf32, #tpu.memory_space<vmem>>, vector<1x16xf32>,
    %swap3A_2426 = arith.constant 12 : i32
    %swap3A_2427 = arith.index_cast %swap3A_2426 : i32 to index
    %swap3A_2428 = arith.constant 304 : index
    %swap3A_2429 = tpu.vector_load %arg6[%swap3A_2427, %swap3A_2428] {strides = array<i32>} : memref<16x512xf32, #tpu.memory_space<vmem>>, vector<1x16xf32>,
    %swap3A_2430 = vector.shape_cast %swap3A_2429 : vector<1x16xf32> to vector<16xf32>
    %swap3A_2431 = vector.shape_cast %broadcast_in_dim3A_8 : vector<16xf32> to vector<1x16xf32>
    tpu.vector_store %arg6[%swap3A_2427, %swap3A_2428], %swap3A_2431 {strides = array<i32>} : memref<16x512xf32, #tpu.memory_space<vmem>>, vector<1x16xf32>,
    %swap3A_2432 = arith.constant 12 : i32
    %swap3A_2433 = arith.index_cast %swap3A_2432 : i32 to index
    %swap3A_2434 = arith.constant 320 : index
    %swap3A_2435 = tpu.vector_load %arg6[%swap3A_2433, %swap3A_2434] {strides = array<i32>} : memref<16x512xf32, #tpu.memory_space<vmem>>, vector<1x16xf32>,
    %swap3A_2436 = vector.shape_cast %swap3A_2435 : vector<1x16xf32> to vector<16xf32>
    %swap3A_2437 = vector.shape_cast %broadcast_in_dim3A_8 : vector<16xf32> to vector<1x16xf32>
    tpu.vector_store %arg6[%swap3A_2433, %swap3A_2434], %swap3A_2437 {strides = array<i32>} : memref<16x512xf32, #tpu.memory_space<vmem>>, vector<1x16xf32>,
    %swap3A_2438 = arith.constant 12 : i32
    %swap3A_2439 = arith.index_cast %swap3A_2438 : i32 to index
    %swap3A_2440 = arith.constant 336 : index
    %swap3A_2441 = tpu.vector_load %arg6[%swap3A_2439, %swap3A_2440] {strides = array<i32>} : memref<16x512xf32, #tpu.memory_space<vmem>>, vector<1x16xf32>,
    %swap3A_2442 = vector.shape_cast %swap3A_2441 : vector<1x16xf32> to vector<16xf32>
    %swap3A_2443 = vector.shape_cast %broadcast_in_dim3A_8 : vector<16xf32> to vector<1x16xf32>
    tpu.vector_store %arg6[%swap3A_2439, %swap3A_2440], %swap3A_2443 {strides = array<i32>} : memref<16x512xf32, #tpu.memory_space<vmem>>, vector<1x16xf32>,
    %swap3A_2444 = arith.constant 12 : i32
    %swap3A_2445 = arith.index_cast %swap3A_2444 : i32 to index
    %swap3A_2446 = arith.constant 352 : index
    %swap3A_2447 = tpu.vector_load %arg6[%swap3A_2445, %swap3A_2446] {strides = array<i32>} : memref<16x512xf32, #tpu.memory_space<vmem>>, vector<1x16xf32>,
    %swap3A_2448 = vector.shape_cast %swap3A_2447 : vector<1x16xf32> to vector<16xf32>
    %swap3A_2449 = vector.shape_cast %broadcast_in_dim3A_8 : vector<16xf32> to vector<1x16xf32>
    tpu.vector_store %arg6[%swap3A_2445, %swap3A_2446], %swap3A_2449 {strides = array<i32>} : memref<16x512xf32, #tpu.memory_space<vmem>>, vector<1x16xf32>,
    %swap3A_2450 = arith.constant 12 : i32
    %swap3A_2451 = arith.index_cast %swap3A_2450 : i32 to index
    %swap3A_2452 = arith.constant 368 : index
    %swap3A_2453 = tpu.vector_load %arg6[%swap3A_2451, %swap3A_2452] {strides = array<i32>} : memref<16x512xf32, #tpu.memory_space<vmem>>, vector<1x16xf32>,
    %swap3A_2454 = vector.shape_cast %swap3A_2453 : vector<1x16xf32> to vector<16xf32>
    %swap3A_2455 = vector.shape_cast %broadcast_in_dim3A_8 : vector<16xf32> to vector<1x16xf32>
    tpu.vector_store %arg6[%swap3A_2451, %swap3A_2452], %swap3A_2455 {strides = array<i32>} : memref<16x512xf32, #tpu.memory_space<vmem>>, vector<1x16xf32>,
    %swap3A_2456 = arith.constant 12 : i32
    %swap3A_2457 = arith.index_cast %swap3A_2456 : i32 to index
    %swap3A_2458 = arith.constant 384 : index
    %swap3A_2459 = tpu.vector_load %arg6[%swap3A_2457, %swap3A_2458] {strides = array<i32>} : memref<16x512xf32, #tpu.memory_space<vmem>>, vector<1x16xf32>,
    %swap3A_2460 = vector.shape_cast %swap3A_2459 : vector<1x16xf32> to vector<16xf32>
    %swap3A_2461 = vector.shape_cast %broadcast_in_dim3A_8 : vector<16xf32> to vector<1x16xf32>
    tpu.vector_store %arg6[%swap3A_2457, %swap3A_2458], %swap3A_2461 {strides = array<i32>} : memref<16x512xf32, #tpu.memory_space<vmem>>, vector<1x16xf32>,
    %swap3A_2462 = arith.constant 12 : i32
    %swap3A_2463 = arith.index_cast %swap3A_2462 : i32 to index
    %swap3A_2464 = arith.constant 400 : index
    %swap3A_2465 = tpu.vector_load %arg6[%swap3A_2463, %swap3A_2464] {strides = array<i32>} : memref<16x512xf32, #tpu.memory_space<vmem>>, vector<1x16xf32>,
    %swap3A_2466 = vector.shape_cast %swap3A_2465 : vector<1x16xf32> to vector<16xf32>
    %swap3A_2467 = vector.shape_cast %broadcast_in_dim3A_8 : vector<16xf32> to vector<1x16xf32>
    tpu.vector_store %arg6[%swap3A_2463, %swap3A_2464], %swap3A_2467 {strides = array<i32>} : memref<16x512xf32, #tpu.memory_space<vmem>>, vector<1x16xf32>,
    %swap3A_2468 = arith.constant 12 : i32
    %swap3A_2469 = arith.index_cast %swap3A_2468 : i32 to index
    %swap3A_2470 = arith.constant 416 : index
    %swap3A_2471 = tpu.vector_load %arg6[%swap3A_2469, %swap3A_2470] {strides = array<i32>} : memref<16x512xf32, #tpu.memory_space<vmem>>, vector<1x16xf32>,
    %swap3A_2472 = vector.shape_cast %swap3A_2471 : vector<1x16xf32> to vector<16xf32>
    %swap3A_2473 = vector.shape_cast %broadcast_in_dim3A_8 : vector<16xf32> to vector<1x16xf32>
    tpu.vector_store %arg6[%swap3A_2469, %swap3A_2470], %swap3A_2473 {strides = array<i32>} : memref<16x512xf32, #tpu.memory_space<vmem>>, vector<1x16xf32>,
    %swap3A_2474 = arith.constant 12 : i32
    %swap3A_2475 = arith.index_cast %swap3A_2474 : i32 to index
    %swap3A_2476 = arith.constant 432 : index
    %swap3A_2477 = tpu.vector_load %arg6[%swap3A_2475, %swap3A_2476] {strides = array<i32>} : memref<16x512xf32, #tpu.memory_space<vmem>>, vector<1x16xf32>,
    %swap3A_2478 = vector.shape_cast %swap3A_2477 : vector<1x16xf32> to vector<16xf32>
    %swap3A_2479 = vector.shape_cast %broadcast_in_dim3A_8 : vector<16xf32> to vector<1x16xf32>
    tpu.vector_store %arg6[%swap3A_2475, %swap3A_2476], %swap3A_2479 {strides = array<i32>} : memref<16x512xf32, #tpu.memory_space<vmem>>, vector<1x16xf32>,
    %swap3A_2480 = arith.constant 12 : i32
    %swap3A_2481 = arith.index_cast %swap3A_2480 : i32 to index
    %swap3A_2482 = arith.constant 448 : index
    %swap3A_2483 = tpu.vector_load %arg6[%swap3A_2481, %swap3A_2482] {strides = array<i32>} : memref<16x512xf32, #tpu.memory_space<vmem>>, vector<1x16xf32>,
    %swap3A_2484 = vector.shape_cast %swap3A_2483 : vector<1x16xf32> to vector<16xf32>
    %swap3A_2485 = vector.shape_cast %broadcast_in_dim3A_8 : vector<16xf32> to vector<1x16xf32>
    tpu.vector_store %arg6[%swap3A_2481, %swap3A_2482], %swap3A_2485 {strides = array<i32>} : memref<16x512xf32, #tpu.memory_space<vmem>>, vector<1x16xf32>,
    %swap3A_2486 = arith.constant 12 : i32
    %swap3A_2487 = arith.index_cast %swap3A_2486 : i32 to index
    %swap3A_2488 = arith.constant 464 : index
    %swap3A_2489 = tpu.vector_load %arg6[%swap3A_2487, %swap3A_2488] {strides = array<i32>} : memref<16x512xf32, #tpu.memory_space<vmem>>, vector<1x16xf32>,
    %swap3A_2490 = vector.shape_cast %swap3A_2489 : vector<1x16xf32> to vector<16xf32>
    %swap3A_2491 = vector.shape_cast %broadcast_in_dim3A_8 : vector<16xf32> to vector<1x16xf32>
    tpu.vector_store %arg6[%swap3A_2487, %swap3A_2488], %swap3A_2491 {strides = array<i32>} : memref<16x512xf32, #tpu.memory_space<vmem>>, vector<1x16xf32>,
    %swap3A_2492 = arith.constant 12 : i32
    %swap3A_2493 = arith.index_cast %swap3A_2492 : i32 to index
    %swap3A_2494 = arith.constant 480 : index
    %swap3A_2495 = tpu.vector_load %arg6[%swap3A_2493, %swap3A_2494] {strides = array<i32>} : memref<16x512xf32, #tpu.memory_space<vmem>>, vector<1x16xf32>,
    %swap3A_2496 = vector.shape_cast %swap3A_2495 : vector<1x16xf32> to vector<16xf32>
    %swap3A_2497 = vector.shape_cast %broadcast_in_dim3A_8 : vector<16xf32> to vector<1x16xf32>
    tpu.vector_store %arg6[%swap3A_2493, %swap3A_2494], %swap3A_2497 {strides = array<i32>} : memref<16x512xf32, #tpu.memory_space<vmem>>, vector<1x16xf32>,
    %swap3A_2498 = arith.constant 12 : i32
    %swap3A_2499 = arith.index_cast %swap3A_2498 : i32 to index
    %swap3A_2500 = arith.constant 496 : index
    %swap3A_2501 = tpu.vector_load %arg6[%swap3A_2499, %swap3A_2500] {strides = array<i32>} : memref<16x512xf32, #tpu.memory_space<vmem>>, vector<1x16xf32>,
    %swap3A_2502 = vector.shape_cast %swap3A_2501 : vector<1x16xf32> to vector<16xf32>
    %swap3A_2503 = vector.shape_cast %broadcast_in_dim3A_8 : vector<16xf32> to vector<1x16xf32>
    tpu.vector_store %arg6[%swap3A_2499, %swap3A_2500], %swap3A_2503 {strides = array<i32>} : memref<16x512xf32, #tpu.memory_space<vmem>>, vector<1x16xf32>,
    %swap3A_2504 = arith.constant 13 : i32
    %swap3A_2505 = arith.index_cast %swap3A_2504 : i32 to index
    %swap3A_2506 = arith.constant 0 : index
    %swap3A_2507 = tpu.vector_load %arg6[%swap3A_2505, %swap3A_2506] {strides = array<i32>} : memref<16x512xf32, #tpu.memory_space<vmem>>, vector<1x16xf32>,
    %swap3A_2508 = vector.shape_cast %swap3A_2507 : vector<1x16xf32> to vector<16xf32>
    %swap3A_2509 = vector.shape_cast %broadcast_in_dim3A_8 : vector<16xf32> to vector<1x16xf32>
    tpu.vector_store %arg6[%swap3A_2505, %swap3A_2506], %swap3A_2509 {strides = array<i32>} : memref<16x512xf32, #tpu.memory_space<vmem>>, vector<1x16xf32>,
    %swap3A_2510 = arith.constant 13 : i32
    %swap3A_2511 = arith.index_cast %swap3A_2510 : i32 to index
    %swap3A_2512 = arith.constant 16 : index
    %swap3A_2513 = tpu.vector_load %arg6[%swap3A_2511, %swap3A_2512] {strides = array<i32>} : memref<16x512xf32, #tpu.memory_space<vmem>>, vector<1x16xf32>,
    %swap3A_2514 = vector.shape_cast %swap3A_2513 : vector<1x16xf32> to vector<16xf32>
    %swap3A_2515 = vector.shape_cast %broadcast_in_dim3A_8 : vector<16xf32> to vector<1x16xf32>
    tpu.vector_store %arg6[%swap3A_2511, %swap3A_2512], %swap3A_2515 {strides = array<i32>} : memref<16x512xf32, #tpu.memory_space<vmem>>, vector<1x16xf32>,
    %swap3A_2516 = arith.constant 13 : i32
    %swap3A_2517 = arith.index_cast %swap3A_2516 : i32 to index
    %swap3A_2518 = arith.constant 32 : index
    %swap3A_2519 = tpu.vector_load %arg6[%swap3A_2517, %swap3A_2518] {strides = array<i32>} : memref<16x512xf32, #tpu.memory_space<vmem>>, vector<1x16xf32>,
    %swap3A_2520 = vector.shape_cast %swap3A_2519 : vector<1x16xf32> to vector<16xf32>
    %swap3A_2521 = vector.shape_cast %broadcast_in_dim3A_8 : vector<16xf32> to vector<1x16xf32>
    tpu.vector_store %arg6[%swap3A_2517, %swap3A_2518], %swap3A_2521 {strides = array<i32>} : memref<16x512xf32, #tpu.memory_space<vmem>>, vector<1x16xf32>,
    %swap3A_2522 = arith.constant 13 : i32
    %swap3A_2523 = arith.index_cast %swap3A_2522 : i32 to index
    %swap3A_2524 = arith.constant 48 : index
    %swap3A_2525 = tpu.vector_load %arg6[%swap3A_2523, %swap3A_2524] {strides = array<i32>} : memref<16x512xf32, #tpu.memory_space<vmem>>, vector<1x16xf32>,
    %swap3A_2526 = vector.shape_cast %swap3A_2525 : vector<1x16xf32> to vector<16xf32>
    %swap3A_2527 = vector.shape_cast %broadcast_in_dim3A_8 : vector<16xf32> to vector<1x16xf32>
    tpu.vector_store %arg6[%swap3A_2523, %swap3A_2524], %swap3A_2527 {strides = array<i32>} : memref<16x512xf32, #tpu.memory_space<vmem>>, vector<1x16xf32>,
    %swap3A_2528 = arith.constant 13 : i32
    %swap3A_2529 = arith.index_cast %swap3A_2528 : i32 to index
    %swap3A_2530 = arith.constant 64 : index
    %swap3A_2531 = tpu.vector_load %arg6[%swap3A_2529, %swap3A_2530] {strides = array<i32>} : memref<16x512xf32, #tpu.memory_space<vmem>>, vector<1x16xf32>,
    %swap3A_2532 = vector.shape_cast %swap3A_2531 : vector<1x16xf32> to vector<16xf32>
    %swap3A_2533 = vector.shape_cast %broadcast_in_dim3A_8 : vector<16xf32> to vector<1x16xf32>
    tpu.vector_store %arg6[%swap3A_2529, %swap3A_2530], %swap3A_2533 {strides = array<i32>} : memref<16x512xf32, #tpu.memory_space<vmem>>, vector<1x16xf32>,
    %swap3A_2534 = arith.constant 13 : i32
    %swap3A_2535 = arith.index_cast %swap3A_2534 : i32 to index
    %swap3A_2536 = arith.constant 80 : index
    %swap3A_2537 = tpu.vector_load %arg6[%swap3A_2535, %swap3A_2536] {strides = array<i32>} : memref<16x512xf32, #tpu.memory_space<vmem>>, vector<1x16xf32>,
    %swap3A_2538 = vector.shape_cast %swap3A_2537 : vector<1x16xf32> to vector<16xf32>
    %swap3A_2539 = vector.shape_cast %broadcast_in_dim3A_8 : vector<16xf32> to vector<1x16xf32>
    tpu.vector_store %arg6[%swap3A_2535, %swap3A_2536], %swap3A_2539 {strides = array<i32>} : memref<16x512xf32, #tpu.memory_space<vmem>>, vector<1x16xf32>,
    %swap3A_2540 = arith.constant 13 : i32
    %swap3A_2541 = arith.index_cast %swap3A_2540 : i32 to index
    %swap3A_2542 = arith.constant 96 : index
    %swap3A_2543 = tpu.vector_load %arg6[%swap3A_2541, %swap3A_2542] {strides = array<i32>} : memref<16x512xf32, #tpu.memory_space<vmem>>, vector<1x16xf32>,
    %swap3A_2544 = vector.shape_cast %swap3A_2543 : vector<1x16xf32> to vector<16xf32>
    %swap3A_2545 = vector.shape_cast %broadcast_in_dim3A_8 : vector<16xf32> to vector<1x16xf32>
    tpu.vector_store %arg6[%swap3A_2541, %swap3A_2542], %swap3A_2545 {strides = array<i32>} : memref<16x512xf32, #tpu.memory_space<vmem>>, vector<1x16xf32>,
    %swap3A_2546 = arith.constant 13 : i32
    %swap3A_2547 = arith.index_cast %swap3A_2546 : i32 to index
    %swap3A_2548 = arith.constant 112 : index
    %swap3A_2549 = tpu.vector_load %arg6[%swap3A_2547, %swap3A_2548] {strides = array<i32>} : memref<16x512xf32, #tpu.memory_space<vmem>>, vector<1x16xf32>,
    %swap3A_2550 = vector.shape_cast %swap3A_2549 : vector<1x16xf32> to vector<16xf32>
    %swap3A_2551 = vector.shape_cast %broadcast_in_dim3A_8 : vector<16xf32> to vector<1x16xf32>
    tpu.vector_store %arg6[%swap3A_2547, %swap3A_2548], %swap3A_2551 {strides = array<i32>} : memref<16x512xf32, #tpu.memory_space<vmem>>, vector<1x16xf32>,
    %swap3A_2552 = arith.constant 13 : i32
    %swap3A_2553 = arith.index_cast %swap3A_2552 : i32 to index
    %swap3A_2554 = arith.constant 128 : index
    %swap3A_2555 = tpu.vector_load %arg6[%swap3A_2553, %swap3A_2554] {strides = array<i32>} : memref<16x512xf32, #tpu.memory_space<vmem>>, vector<1x16xf32>,
    %swap3A_2556 = vector.shape_cast %swap3A_2555 : vector<1x16xf32> to vector<16xf32>
    %swap3A_2557 = vector.shape_cast %broadcast_in_dim3A_8 : vector<16xf32> to vector<1x16xf32>
    tpu.vector_store %arg6[%swap3A_2553, %swap3A_2554], %swap3A_2557 {strides = array<i32>} : memref<16x512xf32, #tpu.memory_space<vmem>>, vector<1x16xf32>,
    %swap3A_2558 = arith.constant 13 : i32
    %swap3A_2559 = arith.index_cast %swap3A_2558 : i32 to index
    %swap3A_2560 = arith.constant 144 : index
    %swap3A_2561 = tpu.vector_load %arg6[%swap3A_2559, %swap3A_2560] {strides = array<i32>} : memref<16x512xf32, #tpu.memory_space<vmem>>, vector<1x16xf32>,
    %swap3A_2562 = vector.shape_cast %swap3A_2561 : vector<1x16xf32> to vector<16xf32>
    %swap3A_2563 = vector.shape_cast %broadcast_in_dim3A_8 : vector<16xf32> to vector<1x16xf32>
    tpu.vector_store %arg6[%swap3A_2559, %swap3A_2560], %swap3A_2563 {strides = array<i32>} : memref<16x512xf32, #tpu.memory_space<vmem>>, vector<1x16xf32>,
    %swap3A_2564 = arith.constant 13 : i32
    %swap3A_2565 = arith.index_cast %swap3A_2564 : i32 to index
    %swap3A_2566 = arith.constant 160 : index
    %swap3A_2567 = tpu.vector_load %arg6[%swap3A_2565, %swap3A_2566] {strides = array<i32>} : memref<16x512xf32, #tpu.memory_space<vmem>>, vector<1x16xf32>,
    %swap3A_2568 = vector.shape_cast %swap3A_2567 : vector<1x16xf32> to vector<16xf32>
    %swap3A_2569 = vector.shape_cast %broadcast_in_dim3A_8 : vector<16xf32> to vector<1x16xf32>
    tpu.vector_store %arg6[%swap3A_2565, %swap3A_2566], %swap3A_2569 {strides = array<i32>} : memref<16x512xf32, #tpu.memory_space<vmem>>, vector<1x16xf32>,
    %swap3A_2570 = arith.constant 13 : i32
    %swap3A_2571 = arith.index_cast %swap3A_2570 : i32 to index
    %swap3A_2572 = arith.constant 176 : index
    %swap3A_2573 = tpu.vector_load %arg6[%swap3A_2571, %swap3A_2572] {strides = array<i32>} : memref<16x512xf32, #tpu.memory_space<vmem>>, vector<1x16xf32>,
    %swap3A_2574 = vector.shape_cast %swap3A_2573 : vector<1x16xf32> to vector<16xf32>
    %swap3A_2575 = vector.shape_cast %broadcast_in_dim3A_8 : vector<16xf32> to vector<1x16xf32>
    tpu.vector_store %arg6[%swap3A_2571, %swap3A_2572], %swap3A_2575 {strides = array<i32>} : memref<16x512xf32, #tpu.memory_space<vmem>>, vector<1x16xf32>,
    %swap3A_2576 = arith.constant 13 : i32
    %swap3A_2577 = arith.index_cast %swap3A_2576 : i32 to index
    %swap3A_2578 = arith.constant 192 : index
    %swap3A_2579 = tpu.vector_load %arg6[%swap3A_2577, %swap3A_2578] {strides = array<i32>} : memref<16x512xf32, #tpu.memory_space<vmem>>, vector<1x16xf32>,
    %swap3A_2580 = vector.shape_cast %swap3A_2579 : vector<1x16xf32> to vector<16xf32>
    %swap3A_2581 = vector.shape_cast %broadcast_in_dim3A_8 : vector<16xf32> to vector<1x16xf32>
    tpu.vector_store %arg6[%swap3A_2577, %swap3A_2578], %swap3A_2581 {strides = array<i32>} : memref<16x512xf32, #tpu.memory_space<vmem>>, vector<1x16xf32>,
    %swap3A_2582 = arith.constant 13 : i32
    %swap3A_2583 = arith.index_cast %swap3A_2582 : i32 to index
    %swap3A_2584 = arith.constant 208 : index
    %swap3A_2585 = tpu.vector_load %arg6[%swap3A_2583, %swap3A_2584] {strides = array<i32>} : memref<16x512xf32, #tpu.memory_space<vmem>>, vector<1x16xf32>,
    %swap3A_2586 = vector.shape_cast %swap3A_2585 : vector<1x16xf32> to vector<16xf32>
    %swap3A_2587 = vector.shape_cast %broadcast_in_dim3A_8 : vector<16xf32> to vector<1x16xf32>
    tpu.vector_store %arg6[%swap3A_2583, %swap3A_2584], %swap3A_2587 {strides = array<i32>} : memref<16x512xf32, #tpu.memory_space<vmem>>, vector<1x16xf32>,
    %swap3A_2588 = arith.constant 13 : i32
    %swap3A_2589 = arith.index_cast %swap3A_2588 : i32 to index
    %swap3A_2590 = arith.constant 224 : index
    %swap3A_2591 = tpu.vector_load %arg6[%swap3A_2589, %swap3A_2590] {strides = array<i32>} : memref<16x512xf32, #tpu.memory_space<vmem>>, vector<1x16xf32>,
    %swap3A_2592 = vector.shape_cast %swap3A_2591 : vector<1x16xf32> to vector<16xf32>
    %swap3A_2593 = vector.shape_cast %broadcast_in_dim3A_8 : vector<16xf32> to vector<1x16xf32>
    tpu.vector_store %arg6[%swap3A_2589, %swap3A_2590], %swap3A_2593 {strides = array<i32>} : memref<16x512xf32, #tpu.memory_space<vmem>>, vector<1x16xf32>,
    %swap3A_2594 = arith.constant 13 : i32
    %swap3A_2595 = arith.index_cast %swap3A_2594 : i32 to index
    %swap3A_2596 = arith.constant 240 : index
    %swap3A_2597 = tpu.vector_load %arg6[%swap3A_2595, %swap3A_2596] {strides = array<i32>} : memref<16x512xf32, #tpu.memory_space<vmem>>, vector<1x16xf32>,
    %swap3A_2598 = vector.shape_cast %swap3A_2597 : vector<1x16xf32> to vector<16xf32>
    %swap3A_2599 = vector.shape_cast %broadcast_in_dim3A_8 : vector<16xf32> to vector<1x16xf32>
    tpu.vector_store %arg6[%swap3A_2595, %swap3A_2596], %swap3A_2599 {strides = array<i32>} : memref<16x512xf32, #tpu.memory_space<vmem>>, vector<1x16xf32>,
    %swap3A_2600 = arith.constant 13 : i32
    %swap3A_2601 = arith.index_cast %swap3A_2600 : i32 to index
    %swap3A_2602 = arith.constant 256 : index
    %swap3A_2603 = tpu.vector_load %arg6[%swap3A_2601, %swap3A_2602] {strides = array<i32>} : memref<16x512xf32, #tpu.memory_space<vmem>>, vector<1x16xf32>,
    %swap3A_2604 = vector.shape_cast %swap3A_2603 : vector<1x16xf32> to vector<16xf32>
    %swap3A_2605 = vector.shape_cast %broadcast_in_dim3A_8 : vector<16xf32> to vector<1x16xf32>
    tpu.vector_store %arg6[%swap3A_2601, %swap3A_2602], %swap3A_2605 {strides = array<i32>} : memref<16x512xf32, #tpu.memory_space<vmem>>, vector<1x16xf32>,
    %swap3A_2606 = arith.constant 13 : i32
    %swap3A_2607 = arith.index_cast %swap3A_2606 : i32 to index
    %swap3A_2608 = arith.constant 272 : index
    %swap3A_2609 = tpu.vector_load %arg6[%swap3A_2607, %swap3A_2608] {strides = array<i32>} : memref<16x512xf32, #tpu.memory_space<vmem>>, vector<1x16xf32>,
    %swap3A_2610 = vector.shape_cast %swap3A_2609 : vector<1x16xf32> to vector<16xf32>
    %swap3A_2611 = vector.shape_cast %broadcast_in_dim3A_8 : vector<16xf32> to vector<1x16xf32>
    tpu.vector_store %arg6[%swap3A_2607, %swap3A_2608], %swap3A_2611 {strides = array<i32>} : memref<16x512xf32, #tpu.memory_space<vmem>>, vector<1x16xf32>,
    %swap3A_2612 = arith.constant 13 : i32
    %swap3A_2613 = arith.index_cast %swap3A_2612 : i32 to index
    %swap3A_2614 = arith.constant 288 : index
    %swap3A_2615 = tpu.vector_load %arg6[%swap3A_2613, %swap3A_2614] {strides = array<i32>} : memref<16x512xf32, #tpu.memory_space<vmem>>, vector<1x16xf32>,
    %swap3A_2616 = vector.shape_cast %swap3A_2615 : vector<1x16xf32> to vector<16xf32>
    %swap3A_2617 = vector.shape_cast %broadcast_in_dim3A_8 : vector<16xf32> to vector<1x16xf32>
    tpu.vector_store %arg6[%swap3A_2613, %swap3A_2614], %swap3A_2617 {strides = array<i32>} : memref<16x512xf32, #tpu.memory_space<vmem>>, vector<1x16xf32>,
    %swap3A_2618 = arith.constant 13 : i32
    %swap3A_2619 = arith.index_cast %swap3A_2618 : i32 to index
    %swap3A_2620 = arith.constant 304 : index
    %swap3A_2621 = tpu.vector_load %arg6[%swap3A_2619, %swap3A_2620] {strides = array<i32>} : memref<16x512xf32, #tpu.memory_space<vmem>>, vector<1x16xf32>,
    %swap3A_2622 = vector.shape_cast %swap3A_2621 : vector<1x16xf32> to vector<16xf32>
    %swap3A_2623 = vector.shape_cast %broadcast_in_dim3A_8 : vector<16xf32> to vector<1x16xf32>
    tpu.vector_store %arg6[%swap3A_2619, %swap3A_2620], %swap3A_2623 {strides = array<i32>} : memref<16x512xf32, #tpu.memory_space<vmem>>, vector<1x16xf32>,
    %swap3A_2624 = arith.constant 13 : i32
    %swap3A_2625 = arith.index_cast %swap3A_2624 : i32 to index
    %swap3A_2626 = arith.constant 320 : index
    %swap3A_2627 = tpu.vector_load %arg6[%swap3A_2625, %swap3A_2626] {strides = array<i32>} : memref<16x512xf32, #tpu.memory_space<vmem>>, vector<1x16xf32>,
    %swap3A_2628 = vector.shape_cast %swap3A_2627 : vector<1x16xf32> to vector<16xf32>
    %swap3A_2629 = vector.shape_cast %broadcast_in_dim3A_8 : vector<16xf32> to vector<1x16xf32>
    tpu.vector_store %arg6[%swap3A_2625, %swap3A_2626], %swap3A_2629 {strides = array<i32>} : memref<16x512xf32, #tpu.memory_space<vmem>>, vector<1x16xf32>,
    %swap3A_2630 = arith.constant 13 : i32
    %swap3A_2631 = arith.index_cast %swap3A_2630 : i32 to index
    %swap3A_2632 = arith.constant 336 : index
    %swap3A_2633 = tpu.vector_load %arg6[%swap3A_2631, %swap3A_2632] {strides = array<i32>} : memref<16x512xf32, #tpu.memory_space<vmem>>, vector<1x16xf32>,
    %swap3A_2634 = vector.shape_cast %swap3A_2633 : vector<1x16xf32> to vector<16xf32>
    %swap3A_2635 = vector.shape_cast %broadcast_in_dim3A_8 : vector<16xf32> to vector<1x16xf32>
    tpu.vector_store %arg6[%swap3A_2631, %swap3A_2632], %swap3A_2635 {strides = array<i32>} : memref<16x512xf32, #tpu.memory_space<vmem>>, vector<1x16xf32>,
    %swap3A_2636 = arith.constant 13 : i32
    %swap3A_2637 = arith.index_cast %swap3A_2636 : i32 to index
    %swap3A_2638 = arith.constant 352 : index
    %swap3A_2639 = tpu.vector_load %arg6[%swap3A_2637, %swap3A_2638] {strides = array<i32>} : memref<16x512xf32, #tpu.memory_space<vmem>>, vector<1x16xf32>,
    %swap3A_2640 = vector.shape_cast %swap3A_2639 : vector<1x16xf32> to vector<16xf32>
    %swap3A_2641 = vector.shape_cast %broadcast_in_dim3A_8 : vector<16xf32> to vector<1x16xf32>
    tpu.vector_store %arg6[%swap3A_2637, %swap3A_2638], %swap3A_2641 {strides = array<i32>} : memref<16x512xf32, #tpu.memory_space<vmem>>, vector<1x16xf32>,
    %swap3A_2642 = arith.constant 13 : i32
    %swap3A_2643 = arith.index_cast %swap3A_2642 : i32 to index
    %swap3A_2644 = arith.constant 368 : index
    %swap3A_2645 = tpu.vector_load %arg6[%swap3A_2643, %swap3A_2644] {strides = array<i32>} : memref<16x512xf32, #tpu.memory_space<vmem>>, vector<1x16xf32>,
    %swap3A_2646 = vector.shape_cast %swap3A_2645 : vector<1x16xf32> to vector<16xf32>
    %swap3A_2647 = vector.shape_cast %broadcast_in_dim3A_8 : vector<16xf32> to vector<1x16xf32>
    tpu.vector_store %arg6[%swap3A_2643, %swap3A_2644], %swap3A_2647 {strides = array<i32>} : memref<16x512xf32, #tpu.memory_space<vmem>>, vector<1x16xf32>,
    %swap3A_2648 = arith.constant 13 : i32
    %swap3A_2649 = arith.index_cast %swap3A_2648 : i32 to index
    %swap3A_2650 = arith.constant 384 : index
    %swap3A_2651 = tpu.vector_load %arg6[%swap3A_2649, %swap3A_2650] {strides = array<i32>} : memref<16x512xf32, #tpu.memory_space<vmem>>, vector<1x16xf32>,
    %swap3A_2652 = vector.shape_cast %swap3A_2651 : vector<1x16xf32> to vector<16xf32>
    %swap3A_2653 = vector.shape_cast %broadcast_in_dim3A_8 : vector<16xf32> to vector<1x16xf32>
    tpu.vector_store %arg6[%swap3A_2649, %swap3A_2650], %swap3A_2653 {strides = array<i32>} : memref<16x512xf32, #tpu.memory_space<vmem>>, vector<1x16xf32>,
    %swap3A_2654 = arith.constant 13 : i32
    %swap3A_2655 = arith.index_cast %swap3A_2654 : i32 to index
    %swap3A_2656 = arith.constant 400 : index
    %swap3A_2657 = tpu.vector_load %arg6[%swap3A_2655, %swap3A_2656] {strides = array<i32>} : memref<16x512xf32, #tpu.memory_space<vmem>>, vector<1x16xf32>,
    %swap3A_2658 = vector.shape_cast %swap3A_2657 : vector<1x16xf32> to vector<16xf32>
    %swap3A_2659 = vector.shape_cast %broadcast_in_dim3A_8 : vector<16xf32> to vector<1x16xf32>
    tpu.vector_store %arg6[%swap3A_2655, %swap3A_2656], %swap3A_2659 {strides = array<i32>} : memref<16x512xf32, #tpu.memory_space<vmem>>, vector<1x16xf32>,
    %swap3A_2660 = arith.constant 13 : i32
    %swap3A_2661 = arith.index_cast %swap3A_2660 : i32 to index
    %swap3A_2662 = arith.constant 416 : index
    %swap3A_2663 = tpu.vector_load %arg6[%swap3A_2661, %swap3A_2662] {strides = array<i32>} : memref<16x512xf32, #tpu.memory_space<vmem>>, vector<1x16xf32>,
    %swap3A_2664 = vector.shape_cast %swap3A_2663 : vector<1x16xf32> to vector<16xf32>
    %swap3A_2665 = vector.shape_cast %broadcast_in_dim3A_8 : vector<16xf32> to vector<1x16xf32>
    tpu.vector_store %arg6[%swap3A_2661, %swap3A_2662], %swap3A_2665 {strides = array<i32>} : memref<16x512xf32, #tpu.memory_space<vmem>>, vector<1x16xf32>,
    %swap3A_2666 = arith.constant 13 : i32
    %swap3A_2667 = arith.index_cast %swap3A_2666 : i32 to index
    %swap3A_2668 = arith.constant 432 : index
    %swap3A_2669 = tpu.vector_load %arg6[%swap3A_2667, %swap3A_2668] {strides = array<i32>} : memref<16x512xf32, #tpu.memory_space<vmem>>, vector<1x16xf32>,
    %swap3A_2670 = vector.shape_cast %swap3A_2669 : vector<1x16xf32> to vector<16xf32>
    %swap3A_2671 = vector.shape_cast %broadcast_in_dim3A_8 : vector<16xf32> to vector<1x16xf32>
    tpu.vector_store %arg6[%swap3A_2667, %swap3A_2668], %swap3A_2671 {strides = array<i32>} : memref<16x512xf32, #tpu.memory_space<vmem>>, vector<1x16xf32>,
    %swap3A_2672 = arith.constant 13 : i32
    %swap3A_2673 = arith.index_cast %swap3A_2672 : i32 to index
    %swap3A_2674 = arith.constant 448 : index
    %swap3A_2675 = tpu.vector_load %arg6[%swap3A_2673, %swap3A_2674] {strides = array<i32>} : memref<16x512xf32, #tpu.memory_space<vmem>>, vector<1x16xf32>,
    %swap3A_2676 = vector.shape_cast %swap3A_2675 : vector<1x16xf32> to vector<16xf32>
    %swap3A_2677 = vector.shape_cast %broadcast_in_dim3A_8 : vector<16xf32> to vector<1x16xf32>
    tpu.vector_store %arg6[%swap3A_2673, %swap3A_2674], %swap3A_2677 {strides = array<i32>} : memref<16x512xf32, #tpu.memory_space<vmem>>, vector<1x16xf32>,
    %swap3A_2678 = arith.constant 13 : i32
    %swap3A_2679 = arith.index_cast %swap3A_2678 : i32 to index
    %swap3A_2680 = arith.constant 464 : index
    %swap3A_2681 = tpu.vector_load %arg6[%swap3A_2679, %swap3A_2680] {strides = array<i32>} : memref<16x512xf32, #tpu.memory_space<vmem>>, vector<1x16xf32>,
    %swap3A_2682 = vector.shape_cast %swap3A_2681 : vector<1x16xf32> to vector<16xf32>
    %swap3A_2683 = vector.shape_cast %broadcast_in_dim3A_8 : vector<16xf32> to vector<1x16xf32>
    tpu.vector_store %arg6[%swap3A_2679, %swap3A_2680], %swap3A_2683 {strides = array<i32>} : memref<16x512xf32, #tpu.memory_space<vmem>>, vector<1x16xf32>,
    %swap3A_2684 = arith.constant 13 : i32
    %swap3A_2685 = arith.index_cast %swap3A_2684 : i32 to index
    %swap3A_2686 = arith.constant 480 : index
    %swap3A_2687 = tpu.vector_load %arg6[%swap3A_2685, %swap3A_2686] {strides = array<i32>} : memref<16x512xf32, #tpu.memory_space<vmem>>, vector<1x16xf32>,
    %swap3A_2688 = vector.shape_cast %swap3A_2687 : vector<1x16xf32> to vector<16xf32>
    %swap3A_2689 = vector.shape_cast %broadcast_in_dim3A_8 : vector<16xf32> to vector<1x16xf32>
    tpu.vector_store %arg6[%swap3A_2685, %swap3A_2686], %swap3A_2689 {strides = array<i32>} : memref<16x512xf32, #tpu.memory_space<vmem>>, vector<1x16xf32>,
    %swap3A_2690 = arith.constant 13 : i32
    %swap3A_2691 = arith.index_cast %swap3A_2690 : i32 to index
    %swap3A_2692 = arith.constant 496 : index
    %swap3A_2693 = tpu.vector_load %arg6[%swap3A_2691, %swap3A_2692] {strides = array<i32>} : memref<16x512xf32, #tpu.memory_space<vmem>>, vector<1x16xf32>,
    %swap3A_2694 = vector.shape_cast %swap3A_2693 : vector<1x16xf32> to vector<16xf32>
    %swap3A_2695 = vector.shape_cast %broadcast_in_dim3A_8 : vector<16xf32> to vector<1x16xf32>
    tpu.vector_store %arg6[%swap3A_2691, %swap3A_2692], %swap3A_2695 {strides = array<i32>} : memref<16x512xf32, #tpu.memory_space<vmem>>, vector<1x16xf32>,
    %swap3A_2696 = arith.constant 14 : i32
    %swap3A_2697 = arith.index_cast %swap3A_2696 : i32 to index
    %swap3A_2698 = arith.constant 0 : index
    %swap3A_2699 = tpu.vector_load %arg6[%swap3A_2697, %swap3A_2698] {strides = array<i32>} : memref<16x512xf32, #tpu.memory_space<vmem>>, vector<1x16xf32>,
    %swap3A_2700 = vector.shape_cast %swap3A_2699 : vector<1x16xf32> to vector<16xf32>
    %swap3A_2701 = vector.shape_cast %broadcast_in_dim3A_8 : vector<16xf32> to vector<1x16xf32>
    tpu.vector_store %arg6[%swap3A_2697, %swap3A_2698], %swap3A_2701 {strides = array<i32>} : memref<16x512xf32, #tpu.memory_space<vmem>>, vector<1x16xf32>,
    %swap3A_2702 = arith.constant 14 : i32
    %swap3A_2703 = arith.index_cast %swap3A_2702 : i32 to index
    %swap3A_2704 = arith.constant 16 : index
    %swap3A_2705 = tpu.vector_load %arg6[%swap3A_2703, %swap3A_2704] {strides = array<i32>} : memref<16x512xf32, #tpu.memory_space<vmem>>, vector<1x16xf32>,
    %swap3A_2706 = vector.shape_cast %swap3A_2705 : vector<1x16xf32> to vector<16xf32>
    %swap3A_2707 = vector.shape_cast %broadcast_in_dim3A_8 : vector<16xf32> to vector<1x16xf32>
    tpu.vector_store %arg6[%swap3A_2703, %swap3A_2704], %swap3A_2707 {strides = array<i32>} : memref<16x512xf32, #tpu.memory_space<vmem>>, vector<1x16xf32>,
    %swap3A_2708 = arith.constant 14 : i32
    %swap3A_2709 = arith.index_cast %swap3A_2708 : i32 to index
    %swap3A_2710 = arith.constant 32 : index
    %swap3A_2711 = tpu.vector_load %arg6[%swap3A_2709, %swap3A_2710] {strides = array<i32>} : memref<16x512xf32, #tpu.memory_space<vmem>>, vector<1x16xf32>,
    %swap3A_2712 = vector.shape_cast %swap3A_2711 : vector<1x16xf32> to vector<16xf32>
    %swap3A_2713 = vector.shape_cast %broadcast_in_dim3A_8 : vector<16xf32> to vector<1x16xf32>
    tpu.vector_store %arg6[%swap3A_2709, %swap3A_2710], %swap3A_2713 {strides = array<i32>} : memref<16x512xf32, #tpu.memory_space<vmem>>, vector<1x16xf32>,
    %swap3A_2714 = arith.constant 14 : i32
    %swap3A_2715 = arith.index_cast %swap3A_2714 : i32 to index
    %swap3A_2716 = arith.constant 48 : index
    %swap3A_2717 = tpu.vector_load %arg6[%swap3A_2715, %swap3A_2716] {strides = array<i32>} : memref<16x512xf32, #tpu.memory_space<vmem>>, vector<1x16xf32>,
    %swap3A_2718 = vector.shape_cast %swap3A_2717 : vector<1x16xf32> to vector<16xf32>
    %swap3A_2719 = vector.shape_cast %broadcast_in_dim3A_8 : vector<16xf32> to vector<1x16xf32>
    tpu.vector_store %arg6[%swap3A_2715, %swap3A_2716], %swap3A_2719 {strides = array<i32>} : memref<16x512xf32, #tpu.memory_space<vmem>>, vector<1x16xf32>,
    %swap3A_2720 = arith.constant 14 : i32
    %swap3A_2721 = arith.index_cast %swap3A_2720 : i32 to index
    %swap3A_2722 = arith.constant 64 : index
    %swap3A_2723 = tpu.vector_load %arg6[%swap3A_2721, %swap3A_2722] {strides = array<i32>} : memref<16x512xf32, #tpu.memory_space<vmem>>, vector<1x16xf32>,
    %swap3A_2724 = vector.shape_cast %swap3A_2723 : vector<1x16xf32> to vector<16xf32>
    %swap3A_2725 = vector.shape_cast %broadcast_in_dim3A_8 : vector<16xf32> to vector<1x16xf32>
    tpu.vector_store %arg6[%swap3A_2721, %swap3A_2722], %swap3A_2725 {strides = array<i32>} : memref<16x512xf32, #tpu.memory_space<vmem>>, vector<1x16xf32>,
    %swap3A_2726 = arith.constant 14 : i32
    %swap3A_2727 = arith.index_cast %swap3A_2726 : i32 to index
    %swap3A_2728 = arith.constant 80 : index
    %swap3A_2729 = tpu.vector_load %arg6[%swap3A_2727, %swap3A_2728] {strides = array<i32>} : memref<16x512xf32, #tpu.memory_space<vmem>>, vector<1x16xf32>,
    %swap3A_2730 = vector.shape_cast %swap3A_2729 : vector<1x16xf32> to vector<16xf32>
    %swap3A_2731 = vector.shape_cast %broadcast_in_dim3A_8 : vector<16xf32> to vector<1x16xf32>
    tpu.vector_store %arg6[%swap3A_2727, %swap3A_2728], %swap3A_2731 {strides = array<i32>} : memref<16x512xf32, #tpu.memory_space<vmem>>, vector<1x16xf32>,
    %swap3A_2732 = arith.constant 14 : i32
    %swap3A_2733 = arith.index_cast %swap3A_2732 : i32 to index
    %swap3A_2734 = arith.constant 96 : index
    %swap3A_2735 = tpu.vector_load %arg6[%swap3A_2733, %swap3A_2734] {strides = array<i32>} : memref<16x512xf32, #tpu.memory_space<vmem>>, vector<1x16xf32>,
    %swap3A_2736 = vector.shape_cast %swap3A_2735 : vector<1x16xf32> to vector<16xf32>
    %swap3A_2737 = vector.shape_cast %broadcast_in_dim3A_8 : vector<16xf32> to vector<1x16xf32>
    tpu.vector_store %arg6[%swap3A_2733, %swap3A_2734], %swap3A_2737 {strides = array<i32>} : memref<16x512xf32, #tpu.memory_space<vmem>>, vector<1x16xf32>,
    %swap3A_2738 = arith.constant 14 : i32
    %swap3A_2739 = arith.index_cast %swap3A_2738 : i32 to index
    %swap3A_2740 = arith.constant 112 : index
    %swap3A_2741 = tpu.vector_load %arg6[%swap3A_2739, %swap3A_2740] {strides = array<i32>} : memref<16x512xf32, #tpu.memory_space<vmem>>, vector<1x16xf32>,
    %swap3A_2742 = vector.shape_cast %swap3A_2741 : vector<1x16xf32> to vector<16xf32>
    %swap3A_2743 = vector.shape_cast %broadcast_in_dim3A_8 : vector<16xf32> to vector<1x16xf32>
    tpu.vector_store %arg6[%swap3A_2739, %swap3A_2740], %swap3A_2743 {strides = array<i32>} : memref<16x512xf32, #tpu.memory_space<vmem>>, vector<1x16xf32>,
    %swap3A_2744 = arith.constant 14 : i32
    %swap3A_2745 = arith.index_cast %swap3A_2744 : i32 to index
    %swap3A_2746 = arith.constant 128 : index
    %swap3A_2747 = tpu.vector_load %arg6[%swap3A_2745, %swap3A_2746] {strides = array<i32>} : memref<16x512xf32, #tpu.memory_space<vmem>>, vector<1x16xf32>,
    %swap3A_2748 = vector.shape_cast %swap3A_2747 : vector<1x16xf32> to vector<16xf32>
    %swap3A_2749 = vector.shape_cast %broadcast_in_dim3A_8 : vector<16xf32> to vector<1x16xf32>
    tpu.vector_store %arg6[%swap3A_2745, %swap3A_2746], %swap3A_2749 {strides = array<i32>} : memref<16x512xf32, #tpu.memory_space<vmem>>, vector<1x16xf32>,
    %swap3A_2750 = arith.constant 14 : i32
    %swap3A_2751 = arith.index_cast %swap3A_2750 : i32 to index
    %swap3A_2752 = arith.constant 144 : index
    %swap3A_2753 = tpu.vector_load %arg6[%swap3A_2751, %swap3A_2752] {strides = array<i32>} : memref<16x512xf32, #tpu.memory_space<vmem>>, vector<1x16xf32>,
    %swap3A_2754 = vector.shape_cast %swap3A_2753 : vector<1x16xf32> to vector<16xf32>
    %swap3A_2755 = vector.shape_cast %broadcast_in_dim3A_8 : vector<16xf32> to vector<1x16xf32>
    tpu.vector_store %arg6[%swap3A_2751, %swap3A_2752], %swap3A_2755 {strides = array<i32>} : memref<16x512xf32, #tpu.memory_space<vmem>>, vector<1x16xf32>,
    %swap3A_2756 = arith.constant 14 : i32
    %swap3A_2757 = arith.index_cast %swap3A_2756 : i32 to index
    %swap3A_2758 = arith.constant 160 : index
    %swap3A_2759 = tpu.vector_load %arg6[%swap3A_2757, %swap3A_2758] {strides = array<i32>} : memref<16x512xf32, #tpu.memory_space<vmem>>, vector<1x16xf32>,
    %swap3A_2760 = vector.shape_cast %swap3A_2759 : vector<1x16xf32> to vector<16xf32>
    %swap3A_2761 = vector.shape_cast %broadcast_in_dim3A_8 : vector<16xf32> to vector<1x16xf32>
    tpu.vector_store %arg6[%swap3A_2757, %swap3A_2758], %swap3A_2761 {strides = array<i32>} : memref<16x512xf32, #tpu.memory_space<vmem>>, vector<1x16xf32>,
    %swap3A_2762 = arith.constant 14 : i32
    %swap3A_2763 = arith.index_cast %swap3A_2762 : i32 to index
    %swap3A_2764 = arith.constant 176 : index
    %swap3A_2765 = tpu.vector_load %arg6[%swap3A_2763, %swap3A_2764] {strides = array<i32>} : memref<16x512xf32, #tpu.memory_space<vmem>>, vector<1x16xf32>,
    %swap3A_2766 = vector.shape_cast %swap3A_2765 : vector<1x16xf32> to vector<16xf32>
    %swap3A_2767 = vector.shape_cast %broadcast_in_dim3A_8 : vector<16xf32> to vector<1x16xf32>
    tpu.vector_store %arg6[%swap3A_2763, %swap3A_2764], %swap3A_2767 {strides = array<i32>} : memref<16x512xf32, #tpu.memory_space<vmem>>, vector<1x16xf32>,
    %swap3A_2768 = arith.constant 14 : i32
    %swap3A_2769 = arith.index_cast %swap3A_2768 : i32 to index
    %swap3A_2770 = arith.constant 192 : index
    %swap3A_2771 = tpu.vector_load %arg6[%swap3A_2769, %swap3A_2770] {strides = array<i32>} : memref<16x512xf32, #tpu.memory_space<vmem>>, vector<1x16xf32>,
    %swap3A_2772 = vector.shape_cast %swap3A_2771 : vector<1x16xf32> to vector<16xf32>
    %swap3A_2773 = vector.shape_cast %broadcast_in_dim3A_8 : vector<16xf32> to vector<1x16xf32>
    tpu.vector_store %arg6[%swap3A_2769, %swap3A_2770], %swap3A_2773 {strides = array<i32>} : memref<16x512xf32, #tpu.memory_space<vmem>>, vector<1x16xf32>,
    %swap3A_2774 = arith.constant 14 : i32
    %swap3A_2775 = arith.index_cast %swap3A_2774 : i32 to index
    %swap3A_2776 = arith.constant 208 : index
    %swap3A_2777 = tpu.vector_load %arg6[%swap3A_2775, %swap3A_2776] {strides = array<i32>} : memref<16x512xf32, #tpu.memory_space<vmem>>, vector<1x16xf32>,
    %swap3A_2778 = vector.shape_cast %swap3A_2777 : vector<1x16xf32> to vector<16xf32>
    %swap3A_2779 = vector.shape_cast %broadcast_in_dim3A_8 : vector<16xf32> to vector<1x16xf32>
    tpu.vector_store %arg6[%swap3A_2775, %swap3A_2776], %swap3A_2779 {strides = array<i32>} : memref<16x512xf32, #tpu.memory_space<vmem>>, vector<1x16xf32>,
    %swap3A_2780 = arith.constant 14 : i32
    %swap3A_2781 = arith.index_cast %swap3A_2780 : i32 to index
    %swap3A_2782 = arith.constant 224 : index
    %swap3A_2783 = tpu.vector_load %arg6[%swap3A_2781, %swap3A_2782] {strides = array<i32>} : memref<16x512xf32, #tpu.memory_space<vmem>>, vector<1x16xf32>,
    %swap3A_2784 = vector.shape_cast %swap3A_2783 : vector<1x16xf32> to vector<16xf32>
    %swap3A_2785 = vector.shape_cast %broadcast_in_dim3A_8 : vector<16xf32> to vector<1x16xf32>
    tpu.vector_store %arg6[%swap3A_2781, %swap3A_2782], %swap3A_2785 {strides = array<i32>} : memref<16x512xf32, #tpu.memory_space<vmem>>, vector<1x16xf32>,
    %swap3A_2786 = arith.constant 14 : i32
    %swap3A_2787 = arith.index_cast %swap3A_2786 : i32 to index
    %swap3A_2788 = arith.constant 240 : index
    %swap3A_2789 = tpu.vector_load %arg6[%swap3A_2787, %swap3A_2788] {strides = array<i32>} : memref<16x512xf32, #tpu.memory_space<vmem>>, vector<1x16xf32>,
    %swap3A_2790 = vector.shape_cast %swap3A_2789 : vector<1x16xf32> to vector<16xf32>
    %swap3A_2791 = vector.shape_cast %broadcast_in_dim3A_8 : vector<16xf32> to vector<1x16xf32>
    tpu.vector_store %arg6[%swap3A_2787, %swap3A_2788], %swap3A_2791 {strides = array<i32>} : memref<16x512xf32, #tpu.memory_space<vmem>>, vector<1x16xf32>,
    %swap3A_2792 = arith.constant 14 : i32
    %swap3A_2793 = arith.index_cast %swap3A_2792 : i32 to index
    %swap3A_2794 = arith.constant 256 : index
    %swap3A_2795 = tpu.vector_load %arg6[%swap3A_2793, %swap3A_2794] {strides = array<i32>} : memref<16x512xf32, #tpu.memory_space<vmem>>, vector<1x16xf32>,
    %swap3A_2796 = vector.shape_cast %swap3A_2795 : vector<1x16xf32> to vector<16xf32>
    %swap3A_2797 = vector.shape_cast %broadcast_in_dim3A_8 : vector<16xf32> to vector<1x16xf32>
    tpu.vector_store %arg6[%swap3A_2793, %swap3A_2794], %swap3A_2797 {strides = array<i32>} : memref<16x512xf32, #tpu.memory_space<vmem>>, vector<1x16xf32>,
    %swap3A_2798 = arith.constant 14 : i32
    %swap3A_2799 = arith.index_cast %swap3A_2798 : i32 to index
    %swap3A_2800 = arith.constant 272 : index
    %swap3A_2801 = tpu.vector_load %arg6[%swap3A_2799, %swap3A_2800] {strides = array<i32>} : memref<16x512xf32, #tpu.memory_space<vmem>>, vector<1x16xf32>,
    %swap3A_2802 = vector.shape_cast %swap3A_2801 : vector<1x16xf32> to vector<16xf32>
    %swap3A_2803 = vector.shape_cast %broadcast_in_dim3A_8 : vector<16xf32> to vector<1x16xf32>
    tpu.vector_store %arg6[%swap3A_2799, %swap3A_2800], %swap3A_2803 {strides = array<i32>} : memref<16x512xf32, #tpu.memory_space<vmem>>, vector<1x16xf32>,
    %swap3A_2804 = arith.constant 14 : i32
    %swap3A_2805 = arith.index_cast %swap3A_2804 : i32 to index
    %swap3A_2806 = arith.constant 288 : index
    %swap3A_2807 = tpu.vector_load %arg6[%swap3A_2805, %swap3A_2806] {strides = array<i32>} : memref<16x512xf32, #tpu.memory_space<vmem>>, vector<1x16xf32>,
    %swap3A_2808 = vector.shape_cast %swap3A_2807 : vector<1x16xf32> to vector<16xf32>
    %swap3A_2809 = vector.shape_cast %broadcast_in_dim3A_8 : vector<16xf32> to vector<1x16xf32>
    tpu.vector_store %arg6[%swap3A_2805, %swap3A_2806], %swap3A_2809 {strides = array<i32>} : memref<16x512xf32, #tpu.memory_space<vmem>>, vector<1x16xf32>,
    %swap3A_2810 = arith.constant 14 : i32
    %swap3A_2811 = arith.index_cast %swap3A_2810 : i32 to index
    %swap3A_2812 = arith.constant 304 : index
    %swap3A_2813 = tpu.vector_load %arg6[%swap3A_2811, %swap3A_2812] {strides = array<i32>} : memref<16x512xf32, #tpu.memory_space<vmem>>, vector<1x16xf32>,
    %swap3A_2814 = vector.shape_cast %swap3A_2813 : vector<1x16xf32> to vector<16xf32>
    %swap3A_2815 = vector.shape_cast %broadcast_in_dim3A_8 : vector<16xf32> to vector<1x16xf32>
    tpu.vector_store %arg6[%swap3A_2811, %swap3A_2812], %swap3A_2815 {strides = array<i32>} : memref<16x512xf32, #tpu.memory_space<vmem>>, vector<1x16xf32>,
    %swap3A_2816 = arith.constant 14 : i32
    %swap3A_2817 = arith.index_cast %swap3A_2816 : i32 to index
    %swap3A_2818 = arith.constant 320 : index
    %swap3A_2819 = tpu.vector_load %arg6[%swap3A_2817, %swap3A_2818] {strides = array<i32>} : memref<16x512xf32, #tpu.memory_space<vmem>>, vector<1x16xf32>,
    %swap3A_2820 = vector.shape_cast %swap3A_2819 : vector<1x16xf32> to vector<16xf32>
    %swap3A_2821 = vector.shape_cast %broadcast_in_dim3A_8 : vector<16xf32> to vector<1x16xf32>
    tpu.vector_store %arg6[%swap3A_2817, %swap3A_2818], %swap3A_2821 {strides = array<i32>} : memref<16x512xf32, #tpu.memory_space<vmem>>, vector<1x16xf32>,
    %swap3A_2822 = arith.constant 14 : i32
    %swap3A_2823 = arith.index_cast %swap3A_2822 : i32 to index
    %swap3A_2824 = arith.constant 336 : index
    %swap3A_2825 = tpu.vector_load %arg6[%swap3A_2823, %swap3A_2824] {strides = array<i32>} : memref<16x512xf32, #tpu.memory_space<vmem>>, vector<1x16xf32>,
    %swap3A_2826 = vector.shape_cast %swap3A_2825 : vector<1x16xf32> to vector<16xf32>
    %swap3A_2827 = vector.shape_cast %broadcast_in_dim3A_8 : vector<16xf32> to vector<1x16xf32>
    tpu.vector_store %arg6[%swap3A_2823, %swap3A_2824], %swap3A_2827 {strides = array<i32>} : memref<16x512xf32, #tpu.memory_space<vmem>>, vector<1x16xf32>,
    %swap3A_2828 = arith.constant 14 : i32
    %swap3A_2829 = arith.index_cast %swap3A_2828 : i32 to index
    %swap3A_2830 = arith.constant 352 : index
    %swap3A_2831 = tpu.vector_load %arg6[%swap3A_2829, %swap3A_2830] {strides = array<i32>} : memref<16x512xf32, #tpu.memory_space<vmem>>, vector<1x16xf32>,
    %swap3A_2832 = vector.shape_cast %swap3A_2831 : vector<1x16xf32> to vector<16xf32>
    %swap3A_2833 = vector.shape_cast %broadcast_in_dim3A_8 : vector<16xf32> to vector<1x16xf32>
    tpu.vector_store %arg6[%swap3A_2829, %swap3A_2830], %swap3A_2833 {strides = array<i32>} : memref<16x512xf32, #tpu.memory_space<vmem>>, vector<1x16xf32>,
    %swap3A_2834 = arith.constant 14 : i32
    %swap3A_2835 = arith.index_cast %swap3A_2834 : i32 to index
    %swap3A_2836 = arith.constant 368 : index
    %swap3A_2837 = tpu.vector_load %arg6[%swap3A_2835, %swap3A_2836] {strides = array<i32>} : memref<16x512xf32, #tpu.memory_space<vmem>>, vector<1x16xf32>,
    %swap3A_2838 = vector.shape_cast %swap3A_2837 : vector<1x16xf32> to vector<16xf32>
    %swap3A_2839 = vector.shape_cast %broadcast_in_dim3A_8 : vector<16xf32> to vector<1x16xf32>
    tpu.vector_store %arg6[%swap3A_2835, %swap3A_2836], %swap3A_2839 {strides = array<i32>} : memref<16x512xf32, #tpu.memory_space<vmem>>, vector<1x16xf32>,
    %swap3A_2840 = arith.constant 14 : i32
    %swap3A_2841 = arith.index_cast %swap3A_2840 : i32 to index
    %swap3A_2842 = arith.constant 384 : index
    %swap3A_2843 = tpu.vector_load %arg6[%swap3A_2841, %swap3A_2842] {strides = array<i32>} : memref<16x512xf32, #tpu.memory_space<vmem>>, vector<1x16xf32>,
    %swap3A_2844 = vector.shape_cast %swap3A_2843 : vector<1x16xf32> to vector<16xf32>
    %swap3A_2845 = vector.shape_cast %broadcast_in_dim3A_8 : vector<16xf32> to vector<1x16xf32>
    tpu.vector_store %arg6[%swap3A_2841, %swap3A_2842], %swap3A_2845 {strides = array<i32>} : memref<16x512xf32, #tpu.memory_space<vmem>>, vector<1x16xf32>,
    %swap3A_2846 = arith.constant 14 : i32
    %swap3A_2847 = arith.index_cast %swap3A_2846 : i32 to index
    %swap3A_2848 = arith.constant 400 : index
    %swap3A_2849 = tpu.vector_load %arg6[%swap3A_2847, %swap3A_2848] {strides = array<i32>} : memref<16x512xf32, #tpu.memory_space<vmem>>, vector<1x16xf32>,
    %swap3A_2850 = vector.shape_cast %swap3A_2849 : vector<1x16xf32> to vector<16xf32>
    %swap3A_2851 = vector.shape_cast %broadcast_in_dim3A_8 : vector<16xf32> to vector<1x16xf32>
    tpu.vector_store %arg6[%swap3A_2847, %swap3A_2848], %swap3A_2851 {strides = array<i32>} : memref<16x512xf32, #tpu.memory_space<vmem>>, vector<1x16xf32>,
    %swap3A_2852 = arith.constant 14 : i32
    %swap3A_2853 = arith.index_cast %swap3A_2852 : i32 to index
    %swap3A_2854 = arith.constant 416 : index
    %swap3A_2855 = tpu.vector_load %arg6[%swap3A_2853, %swap3A_2854] {strides = array<i32>} : memref<16x512xf32, #tpu.memory_space<vmem>>, vector<1x16xf32>,
    %swap3A_2856 = vector.shape_cast %swap3A_2855 : vector<1x16xf32> to vector<16xf32>
    %swap3A_2857 = vector.shape_cast %broadcast_in_dim3A_8 : vector<16xf32> to vector<1x16xf32>
    tpu.vector_store %arg6[%swap3A_2853, %swap3A_2854], %swap3A_2857 {strides = array<i32>} : memref<16x512xf32, #tpu.memory_space<vmem>>, vector<1x16xf32>,
    %swap3A_2858 = arith.constant 14 : i32
    %swap3A_2859 = arith.index_cast %swap3A_2858 : i32 to index
    %swap3A_2860 = arith.constant 432 : index
    %swap3A_2861 = tpu.vector_load %arg6[%swap3A_2859, %swap3A_2860] {strides = array<i32>} : memref<16x512xf32, #tpu.memory_space<vmem>>, vector<1x16xf32>,
    %swap3A_2862 = vector.shape_cast %swap3A_2861 : vector<1x16xf32> to vector<16xf32>
    %swap3A_2863 = vector.shape_cast %broadcast_in_dim3A_8 : vector<16xf32> to vector<1x16xf32>
    tpu.vector_store %arg6[%swap3A_2859, %swap3A_2860], %swap3A_2863 {strides = array<i32>} : memref<16x512xf32, #tpu.memory_space<vmem>>, vector<1x16xf32>,
    %swap3A_2864 = arith.constant 14 : i32
    %swap3A_2865 = arith.index_cast %swap3A_2864 : i32 to index
    %swap3A_2866 = arith.constant 448 : index
    %swap3A_2867 = tpu.vector_load %arg6[%swap3A_2865, %swap3A_2866] {strides = array<i32>} : memref<16x512xf32, #tpu.memory_space<vmem>>, vector<1x16xf32>,
    %swap3A_2868 = vector.shape_cast %swap3A_2867 : vector<1x16xf32> to vector<16xf32>
    %swap3A_2869 = vector.shape_cast %broadcast_in_dim3A_8 : vector<16xf32> to vector<1x16xf32>
    tpu.vector_store %arg6[%swap3A_2865, %swap3A_2866], %swap3A_2869 {strides = array<i32>} : memref<16x512xf32, #tpu.memory_space<vmem>>, vector<1x16xf32>,
    %swap3A_2870 = arith.constant 14 : i32
    %swap3A_2871 = arith.index_cast %swap3A_2870 : i32 to index
    %swap3A_2872 = arith.constant 464 : index
    %swap3A_2873 = tpu.vector_load %arg6[%swap3A_2871, %swap3A_2872] {strides = array<i32>} : memref<16x512xf32, #tpu.memory_space<vmem>>, vector<1x16xf32>,
    %swap3A_2874 = vector.shape_cast %swap3A_2873 : vector<1x16xf32> to vector<16xf32>
    %swap3A_2875 = vector.shape_cast %broadcast_in_dim3A_8 : vector<16xf32> to vector<1x16xf32>
    tpu.vector_store %arg6[%swap3A_2871, %swap3A_2872], %swap3A_2875 {strides = array<i32>} : memref<16x512xf32, #tpu.memory_space<vmem>>, vector<1x16xf32>,
    %swap3A_2876 = arith.constant 14 : i32
    %swap3A_2877 = arith.index_cast %swap3A_2876 : i32 to index
    %swap3A_2878 = arith.constant 480 : index
    %swap3A_2879 = tpu.vector_load %arg6[%swap3A_2877, %swap3A_2878] {strides = array<i32>} : memref<16x512xf32, #tpu.memory_space<vmem>>, vector<1x16xf32>,
    %swap3A_2880 = vector.shape_cast %swap3A_2879 : vector<1x16xf32> to vector<16xf32>
    %swap3A_2881 = vector.shape_cast %broadcast_in_dim3A_8 : vector<16xf32> to vector<1x16xf32>
    tpu.vector_store %arg6[%swap3A_2877, %swap3A_2878], %swap3A_2881 {strides = array<i32>} : memref<16x512xf32, #tpu.memory_space<vmem>>, vector<1x16xf32>,
    %swap3A_2882 = arith.constant 14 : i32
    %swap3A_2883 = arith.index_cast %swap3A_2882 : i32 to index
    %swap3A_2884 = arith.constant 496 : index
    %swap3A_2885 = tpu.vector_load %arg6[%swap3A_2883, %swap3A_2884] {strides = array<i32>} : memref<16x512xf32, #tpu.memory_space<vmem>>, vector<1x16xf32>,
    %swap3A_2886 = vector.shape_cast %swap3A_2885 : vector<1x16xf32> to vector<16xf32>
    %swap3A_2887 = vector.shape_cast %broadcast_in_dim3A_8 : vector<16xf32> to vector<1x16xf32>
    tpu.vector_store %arg6[%swap3A_2883, %swap3A_2884], %swap3A_2887 {strides = array<i32>} : memref<16x512xf32, #tpu.memory_space<vmem>>, vector<1x16xf32>,
    %swap3A_2888 = arith.constant 15 : i32
    %swap3A_2889 = arith.index_cast %swap3A_2888 : i32 to index
    %swap3A_2890 = arith.constant 0 : index
    %swap3A_2891 = tpu.vector_load %arg6[%swap3A_2889, %swap3A_2890] {strides = array<i32>} : memref<16x512xf32, #tpu.memory_space<vmem>>, vector<1x16xf32>,
    %swap3A_2892 = vector.shape_cast %swap3A_2891 : vector<1x16xf32> to vector<16xf32>
    %swap3A_2893 = vector.shape_cast %broadcast_in_dim3A_8 : vector<16xf32> to vector<1x16xf32>
    tpu.vector_store %arg6[%swap3A_2889, %swap3A_2890], %swap3A_2893 {strides = array<i32>} : memref<16x512xf32, #tpu.memory_space<vmem>>, vector<1x16xf32>,
    %swap3A_2894 = arith.constant 15 : i32
    %swap3A_2895 = arith.index_cast %swap3A_2894 : i32 to index
    %swap3A_2896 = arith.constant 16 : index
    %swap3A_2897 = tpu.vector_load %arg6[%swap3A_2895, %swap3A_2896] {strides = array<i32>} : memref<16x512xf32, #tpu.memory_space<vmem>>, vector<1x16xf32>,
    %swap3A_2898 = vector.shape_cast %swap3A_2897 : vector<1x16xf32> to vector<16xf32>
    %swap3A_2899 = vector.shape_cast %broadcast_in_dim3A_8 : vector<16xf32> to vector<1x16xf32>
    tpu.vector_store %arg6[%swap3A_2895, %swap3A_2896], %swap3A_2899 {strides = array<i32>} : memref<16x512xf32, #tpu.memory_space<vmem>>, vector<1x16xf32>,
    %swap3A_2900 = arith.constant 15 : i32
    %swap3A_2901 = arith.index_cast %swap3A_2900 : i32 to index
    %swap3A_2902 = arith.constant 32 : index
    %swap3A_2903 = tpu.vector_load %arg6[%swap3A_2901, %swap3A_2902] {strides = array<i32>} : memref<16x512xf32, #tpu.memory_space<vmem>>, vector<1x16xf32>,
    %swap3A_2904 = vector.shape_cast %swap3A_2903 : vector<1x16xf32> to vector<16xf32>
    %swap3A_2905 = vector.shape_cast %broadcast_in_dim3A_8 : vector<16xf32> to vector<1x16xf32>
    tpu.vector_store %arg6[%swap3A_2901, %swap3A_2902], %swap3A_2905 {strides = array<i32>} : memref<16x512xf32, #tpu.memory_space<vmem>>, vector<1x16xf32>,
    %swap3A_2906 = arith.constant 15 : i32
    %swap3A_2907 = arith.index_cast %swap3A_2906 : i32 to index
    %swap3A_2908 = arith.constant 48 : index
    %swap3A_2909 = tpu.vector_load %arg6[%swap3A_2907, %swap3A_2908] {strides = array<i32>} : memref<16x512xf32, #tpu.memory_space<vmem>>, vector<1x16xf32>,
    %swap3A_2910 = vector.shape_cast %swap3A_2909 : vector<1x16xf32> to vector<16xf32>
    %swap3A_2911 = vector.shape_cast %broadcast_in_dim3A_8 : vector<16xf32> to vector<1x16xf32>
    tpu.vector_store %arg6[%swap3A_2907, %swap3A_2908], %swap3A_2911 {strides = array<i32>} : memref<16x512xf32, #tpu.memory_space<vmem>>, vector<1x16xf32>,
    %swap3A_2912 = arith.constant 15 : i32
    %swap3A_2913 = arith.index_cast %swap3A_2912 : i32 to index
    %swap3A_2914 = arith.constant 64 : index
    %swap3A_2915 = tpu.vector_load %arg6[%swap3A_2913, %swap3A_2914] {strides = array<i32>} : memref<16x512xf32, #tpu.memory_space<vmem>>, vector<1x16xf32>,
    %swap3A_2916 = vector.shape_cast %swap3A_2915 : vector<1x16xf32> to vector<16xf32>
    %swap3A_2917 = vector.shape_cast %broadcast_in_dim3A_8 : vector<16xf32> to vector<1x16xf32>
    tpu.vector_store %arg6[%swap3A_2913, %swap3A_2914], %swap3A_2917 {strides = array<i32>} : memref<16x512xf32, #tpu.memory_space<vmem>>, vector<1x16xf32>,
    %swap3A_2918 = arith.constant 15 : i32
    %swap3A_2919 = arith.index_cast %swap3A_2918 : i32 to index
    %swap3A_2920 = arith.constant 80 : index
    %swap3A_2921 = tpu.vector_load %arg6[%swap3A_2919, %swap3A_2920] {strides = array<i32>} : memref<16x512xf32, #tpu.memory_space<vmem>>, vector<1x16xf32>,
    %swap3A_2922 = vector.shape_cast %swap3A_2921 : vector<1x16xf32> to vector<16xf32>
    %swap3A_2923 = vector.shape_cast %broadcast_in_dim3A_8 : vector<16xf32> to vector<1x16xf32>
    tpu.vector_store %arg6[%swap3A_2919, %swap3A_2920], %swap3A_2923 {strides = array<i32>} : memref<16x512xf32, #tpu.memory_space<vmem>>, vector<1x16xf32>,
    %swap3A_2924 = arith.constant 15 : i32
    %swap3A_2925 = arith.index_cast %swap3A_2924 : i32 to index
    %swap3A_2926 = arith.constant 96 : index
    %swap3A_2927 = tpu.vector_load %arg6[%swap3A_2925, %swap3A_2926] {strides = array<i32>} : memref<16x512xf32, #tpu.memory_space<vmem>>, vector<1x16xf32>,
    %swap3A_2928 = vector.shape_cast %swap3A_2927 : vector<1x16xf32> to vector<16xf32>
    %swap3A_2929 = vector.shape_cast %broadcast_in_dim3A_8 : vector<16xf32> to vector<1x16xf32>
    tpu.vector_store %arg6[%swap3A_2925, %swap3A_2926], %swap3A_2929 {strides = array<i32>} : memref<16x512xf32, #tpu.memory_space<vmem>>, vector<1x16xf32>,
    %swap3A_2930 = arith.constant 15 : i32
    %swap3A_2931 = arith.index_cast %swap3A_2930 : i32 to index
    %swap3A_2932 = arith.constant 112 : index
    %swap3A_2933 = tpu.vector_load %arg6[%swap3A_2931, %swap3A_2932] {strides = array<i32>} : memref<16x512xf32, #tpu.memory_space<vmem>>, vector<1x16xf32>,
    %swap3A_2934 = vector.shape_cast %swap3A_2933 : vector<1x16xf32> to vector<16xf32>
    %swap3A_2935 = vector.shape_cast %broadcast_in_dim3A_8 : vector<16xf32> to vector<1x16xf32>
    tpu.vector_store %arg6[%swap3A_2931, %swap3A_2932], %swap3A_2935 {strides = array<i32>} : memref<16x512xf32, #tpu.memory_space<vmem>>, vector<1x16xf32>,
    %swap3A_2936 = arith.constant 15 : i32
    %swap3A_2937 = arith.index_cast %swap3A_2936 : i32 to index
    %swap3A_2938 = arith.constant 128 : index
    %swap3A_2939 = tpu.vector_load %arg6[%swap3A_2937, %swap3A_2938] {strides = array<i32>} : memref<16x512xf32, #tpu.memory_space<vmem>>, vector<1x16xf32>,
    %swap3A_2940 = vector.shape_cast %swap3A_2939 : vector<1x16xf32> to vector<16xf32>
    %swap3A_2941 = vector.shape_cast %broadcast_in_dim3A_8 : vector<16xf32> to vector<1x16xf32>
    tpu.vector_store %arg6[%swap3A_2937, %swap3A_2938], %swap3A_2941 {strides = array<i32>} : memref<16x512xf32, #tpu.memory_space<vmem>>, vector<1x16xf32>,
    %swap3A_2942 = arith.constant 15 : i32
    %swap3A_2943 = arith.index_cast %swap3A_2942 : i32 to index
    %swap3A_2944 = arith.constant 144 : index
    %swap3A_2945 = tpu.vector_load %arg6[%swap3A_2943, %swap3A_2944] {strides = array<i32>} : memref<16x512xf32, #tpu.memory_space<vmem>>, vector<1x16xf32>,
    %swap3A_2946 = vector.shape_cast %swap3A_2945 : vector<1x16xf32> to vector<16xf32>
    %swap3A_2947 = vector.shape_cast %broadcast_in_dim3A_8 : vector<16xf32> to vector<1x16xf32>
    tpu.vector_store %arg6[%swap3A_2943, %swap3A_2944], %swap3A_2947 {strides = array<i32>} : memref<16x512xf32, #tpu.memory_space<vmem>>, vector<1x16xf32>,
    %swap3A_2948 = arith.constant 15 : i32
    %swap3A_2949 = arith.index_cast %swap3A_2948 : i32 to index
    %swap3A_2950 = arith.constant 160 : index
    %swap3A_2951 = tpu.vector_load %arg6[%swap3A_2949, %swap3A_2950] {strides = array<i32>} : memref<16x512xf32, #tpu.memory_space<vmem>>, vector<1x16xf32>,
    %swap3A_2952 = vector.shape_cast %swap3A_2951 : vector<1x16xf32> to vector<16xf32>
    %swap3A_2953 = vector.shape_cast %broadcast_in_dim3A_8 : vector<16xf32> to vector<1x16xf32>
    tpu.vector_store %arg6[%swap3A_2949, %swap3A_2950], %swap3A_2953 {strides = array<i32>} : memref<16x512xf32, #tpu.memory_space<vmem>>, vector<1x16xf32>,
    %swap3A_2954 = arith.constant 15 : i32
    %swap3A_2955 = arith.index_cast %swap3A_2954 : i32 to index
    %swap3A_2956 = arith.constant 176 : index
    %swap3A_2957 = tpu.vector_load %arg6[%swap3A_2955, %swap3A_2956] {strides = array<i32>} : memref<16x512xf32, #tpu.memory_space<vmem>>, vector<1x16xf32>,
    %swap3A_2958 = vector.shape_cast %swap3A_2957 : vector<1x16xf32> to vector<16xf32>
    %swap3A_2959 = vector.shape_cast %broadcast_in_dim3A_8 : vector<16xf32> to vector<1x16xf32>
    tpu.vector_store %arg6[%swap3A_2955, %swap3A_2956], %swap3A_2959 {strides = array<i32>} : memref<16x512xf32, #tpu.memory_space<vmem>>, vector<1x16xf32>,
    %swap3A_2960 = arith.constant 15 : i32
    %swap3A_2961 = arith.index_cast %swap3A_2960 : i32 to index
    %swap3A_2962 = arith.constant 192 : index
    %swap3A_2963 = tpu.vector_load %arg6[%swap3A_2961, %swap3A_2962] {strides = array<i32>} : memref<16x512xf32, #tpu.memory_space<vmem>>, vector<1x16xf32>,
    %swap3A_2964 = vector.shape_cast %swap3A_2963 : vector<1x16xf32> to vector<16xf32>
    %swap3A_2965 = vector.shape_cast %broadcast_in_dim3A_8 : vector<16xf32> to vector<1x16xf32>
    tpu.vector_store %arg6[%swap3A_2961, %swap3A_2962], %swap3A_2965 {strides = array<i32>} : memref<16x512xf32, #tpu.memory_space<vmem>>, vector<1x16xf32>,
    %swap3A_2966 = arith.constant 15 : i32
    %swap3A_2967 = arith.index_cast %swap3A_2966 : i32 to index
    %swap3A_2968 = arith.constant 208 : index
    %swap3A_2969 = tpu.vector_load %arg6[%swap3A_2967, %swap3A_2968] {strides = array<i32>} : memref<16x512xf32, #tpu.memory_space<vmem>>, vector<1x16xf32>,
    %swap3A_2970 = vector.shape_cast %swap3A_2969 : vector<1x16xf32> to vector<16xf32>
    %swap3A_2971 = vector.shape_cast %broadcast_in_dim3A_8 : vector<16xf32> to vector<1x16xf32>
    tpu.vector_store %arg6[%swap3A_2967, %swap3A_2968], %swap3A_2971 {strides = array<i32>} : memref<16x512xf32, #tpu.memory_space<vmem>>, vector<1x16xf32>,
    %swap3A_2972 = arith.constant 15 : i32
    %swap3A_2973 = arith.index_cast %swap3A_2972 : i32 to index
    %swap3A_2974 = arith.constant 224 : index
    %swap3A_2975 = tpu.vector_load %arg6[%swap3A_2973, %swap3A_2974] {strides = array<i32>} : memref<16x512xf32, #tpu.memory_space<vmem>>, vector<1x16xf32>,
    %swap3A_2976 = vector.shape_cast %swap3A_2975 : vector<1x16xf32> to vector<16xf32>
    %swap3A_2977 = vector.shape_cast %broadcast_in_dim3A_8 : vector<16xf32> to vector<1x16xf32>
    tpu.vector_store %arg6[%swap3A_2973, %swap3A_2974], %swap3A_2977 {strides = array<i32>} : memref<16x512xf32, #tpu.memory_space<vmem>>, vector<1x16xf32>,
    %swap3A_2978 = arith.constant 15 : i32
    %swap3A_2979 = arith.index_cast %swap3A_2978 : i32 to index
    %swap3A_2980 = arith.constant 240 : index
    %swap3A_2981 = tpu.vector_load %arg6[%swap3A_2979, %swap3A_2980] {strides = array<i32>} : memref<16x512xf32, #tpu.memory_space<vmem>>, vector<1x16xf32>,
    %swap3A_2982 = vector.shape_cast %swap3A_2981 : vector<1x16xf32> to vector<16xf32>
    %swap3A_2983 = vector.shape_cast %broadcast_in_dim3A_8 : vector<16xf32> to vector<1x16xf32>
    tpu.vector_store %arg6[%swap3A_2979, %swap3A_2980], %swap3A_2983 {strides = array<i32>} : memref<16x512xf32, #tpu.memory_space<vmem>>, vector<1x16xf32>,
    %swap3A_2984 = arith.constant 15 : i32
    %swap3A_2985 = arith.index_cast %swap3A_2984 : i32 to index
    %swap3A_2986 = arith.constant 256 : index
    %swap3A_2987 = tpu.vector_load %arg6[%swap3A_2985, %swap3A_2986] {strides = array<i32>} : memref<16x512xf32, #tpu.memory_space<vmem>>, vector<1x16xf32>,
    %swap3A_2988 = vector.shape_cast %swap3A_2987 : vector<1x16xf32> to vector<16xf32>
    %swap3A_2989 = vector.shape_cast %broadcast_in_dim3A_8 : vector<16xf32> to vector<1x16xf32>
    tpu.vector_store %arg6[%swap3A_2985, %swap3A_2986], %swap3A_2989 {strides = array<i32>} : memref<16x512xf32, #tpu.memory_space<vmem>>, vector<1x16xf32>,
    %swap3A_2990 = arith.constant 15 : i32
    %swap3A_2991 = arith.index_cast %swap3A_2990 : i32 to index
    %swap3A_2992 = arith.constant 272 : index
    %swap3A_2993 = tpu.vector_load %arg6[%swap3A_2991, %swap3A_2992] {strides = array<i32>} : memref<16x512xf32, #tpu.memory_space<vmem>>, vector<1x16xf32>,
    %swap3A_2994 = vector.shape_cast %swap3A_2993 : vector<1x16xf32> to vector<16xf32>
    %swap3A_2995 = vector.shape_cast %broadcast_in_dim3A_8 : vector<16xf32> to vector<1x16xf32>
    tpu.vector_store %arg6[%swap3A_2991, %swap3A_2992], %swap3A_2995 {strides = array<i32>} : memref<16x512xf32, #tpu.memory_space<vmem>>, vector<1x16xf32>,
    %swap3A_2996 = arith.constant 15 : i32
    %swap3A_2997 = arith.index_cast %swap3A_2996 : i32 to index
    %swap3A_2998 = arith.constant 288 : index
    %swap3A_2999 = tpu.vector_load %arg6[%swap3A_2997, %swap3A_2998] {strides = array<i32>} : memref<16x512xf32, #tpu.memory_space<vmem>>, vector<1x16xf32>,
    %swap3A_3000 = vector.shape_cast %swap3A_2999 : vector<1x16xf32> to vector<16xf32>
    %swap3A_3001 = vector.shape_cast %broadcast_in_dim3A_8 : vector<16xf32> to vector<1x16xf32>
    tpu.vector_store %arg6[%swap3A_2997, %swap3A_2998], %swap3A_3001 {strides = array<i32>} : memref<16x512xf32, #tpu.memory_space<vmem>>, vector<1x16xf32>,
    %swap3A_3002 = arith.constant 15 : i32
    %swap3A_3003 = arith.index_cast %swap3A_3002 : i32 to index
    %swap3A_3004 = arith.constant 304 : index
    %swap3A_3005 = tpu.vector_load %arg6[%swap3A_3003, %swap3A_3004] {strides = array<i32>} : memref<16x512xf32, #tpu.memory_space<vmem>>, vector<1x16xf32>,
    %swap3A_3006 = vector.shape_cast %swap3A_3005 : vector<1x16xf32> to vector<16xf32>
    %swap3A_3007 = vector.shape_cast %broadcast_in_dim3A_8 : vector<16xf32> to vector<1x16xf32>
    tpu.vector_store %arg6[%swap3A_3003, %swap3A_3004], %swap3A_3007 {strides = array<i32>} : memref<16x512xf32, #tpu.memory_space<vmem>>, vector<1x16xf32>,
    %swap3A_3008 = arith.constant 15 : i32
    %swap3A_3009 = arith.index_cast %swap3A_3008 : i32 to index
    %swap3A_3010 = arith.constant 320 : index
    %swap3A_3011 = tpu.vector_load %arg6[%swap3A_3009, %swap3A_3010] {strides = array<i32>} : memref<16x512xf32, #tpu.memory_space<vmem>>, vector<1x16xf32>,
    %swap3A_3012 = vector.shape_cast %swap3A_3011 : vector<1x16xf32> to vector<16xf32>
    %swap3A_3013 = vector.shape_cast %broadcast_in_dim3A_8 : vector<16xf32> to vector<1x16xf32>
    tpu.vector_store %arg6[%swap3A_3009, %swap3A_3010], %swap3A_3013 {strides = array<i32>} : memref<16x512xf32, #tpu.memory_space<vmem>>, vector<1x16xf32>,
    %swap3A_3014 = arith.constant 15 : i32
    %swap3A_3015 = arith.index_cast %swap3A_3014 : i32 to index
    %swap3A_3016 = arith.constant 336 : index
    %swap3A_3017 = tpu.vector_load %arg6[%swap3A_3015, %swap3A_3016] {strides = array<i32>} : memref<16x512xf32, #tpu.memory_space<vmem>>, vector<1x16xf32>,
    %swap3A_3018 = vector.shape_cast %swap3A_3017 : vector<1x16xf32> to vector<16xf32>
    %swap3A_3019 = vector.shape_cast %broadcast_in_dim3A_8 : vector<16xf32> to vector<1x16xf32>
    tpu.vector_store %arg6[%swap3A_3015, %swap3A_3016], %swap3A_3019 {strides = array<i32>} : memref<16x512xf32, #tpu.memory_space<vmem>>, vector<1x16xf32>,
    %swap3A_3020 = arith.constant 15 : i32
    %swap3A_3021 = arith.index_cast %swap3A_3020 : i32 to index
    %swap3A_3022 = arith.constant 352 : index
    %swap3A_3023 = tpu.vector_load %arg6[%swap3A_3021, %swap3A_3022] {strides = array<i32>} : memref<16x512xf32, #tpu.memory_space<vmem>>, vector<1x16xf32>,
    %swap3A_3024 = vector.shape_cast %swap3A_3023 : vector<1x16xf32> to vector<16xf32>
    %swap3A_3025 = vector.shape_cast %broadcast_in_dim3A_8 : vector<16xf32> to vector<1x16xf32>
    tpu.vector_store %arg6[%swap3A_3021, %swap3A_3022], %swap3A_3025 {strides = array<i32>} : memref<16x512xf32, #tpu.memory_space<vmem>>, vector<1x16xf32>,
    %swap3A_3026 = arith.constant 15 : i32
    %swap3A_3027 = arith.index_cast %swap3A_3026 : i32 to index
    %swap3A_3028 = arith.constant 368 : index
    %swap3A_3029 = tpu.vector_load %arg6[%swap3A_3027, %swap3A_3028] {strides = array<i32>} : memref<16x512xf32, #tpu.memory_space<vmem>>, vector<1x16xf32>,
    %swap3A_3030 = vector.shape_cast %swap3A_3029 : vector<1x16xf32> to vector<16xf32>
    %swap3A_3031 = vector.shape_cast %broadcast_in_dim3A_8 : vector<16xf32> to vector<1x16xf32>
    tpu.vector_store %arg6[%swap3A_3027, %swap3A_3028], %swap3A_3031 {strides = array<i32>} : memref<16x512xf32, #tpu.memory_space<vmem>>, vector<1x16xf32>,
    %swap3A_3032 = arith.constant 15 : i32
    %swap3A_3033 = arith.index_cast %swap3A_3032 : i32 to index
    %swap3A_3034 = arith.constant 384 : index
    %swap3A_3035 = tpu.vector_load %arg6[%swap3A_3033, %swap3A_3034] {strides = array<i32>} : memref<16x512xf32, #tpu.memory_space<vmem>>, vector<1x16xf32>,
    %swap3A_3036 = vector.shape_cast %swap3A_3035 : vector<1x16xf32> to vector<16xf32>
    %swap3A_3037 = vector.shape_cast %broadcast_in_dim3A_8 : vector<16xf32> to vector<1x16xf32>
    tpu.vector_store %arg6[%swap3A_3033, %swap3A_3034], %swap3A_3037 {strides = array<i32>} : memref<16x512xf32, #tpu.memory_space<vmem>>, vector<1x16xf32>,
    %swap3A_3038 = arith.constant 15 : i32
    %swap3A_3039 = arith.index_cast %swap3A_3038 : i32 to index
    %swap3A_3040 = arith.constant 400 : index
    %swap3A_3041 = tpu.vector_load %arg6[%swap3A_3039, %swap3A_3040] {strides = array<i32>} : memref<16x512xf32, #tpu.memory_space<vmem>>, vector<1x16xf32>,
    %swap3A_3042 = vector.shape_cast %swap3A_3041 : vector<1x16xf32> to vector<16xf32>
    %swap3A_3043 = vector.shape_cast %broadcast_in_dim3A_8 : vector<16xf32> to vector<1x16xf32>
    tpu.vector_store %arg6[%swap3A_3039, %swap3A_3040], %swap3A_3043 {strides = array<i32>} : memref<16x512xf32, #tpu.memory_space<vmem>>, vector<1x16xf32>,
    %swap3A_3044 = arith.constant 15 : i32
    %swap3A_3045 = arith.index_cast %swap3A_3044 : i32 to index
    %swap3A_3046 = arith.constant 416 : index
    %swap3A_3047 = tpu.vector_load %arg6[%swap3A_3045, %swap3A_3046] {strides = array<i32>} : memref<16x512xf32, #tpu.memory_space<vmem>>, vector<1x16xf32>,
    %swap3A_3048 = vector.shape_cast %swap3A_3047 : vector<1x16xf32> to vector<16xf32>
    %swap3A_3049 = vector.shape_cast %broadcast_in_dim3A_8 : vector<16xf32> to vector<1x16xf32>
    tpu.vector_store %arg6[%swap3A_3045, %swap3A_3046], %swap3A_3049 {strides = array<i32>} : memref<16x512xf32, #tpu.memory_space<vmem>>, vector<1x16xf32>,
    %swap3A_3050 = arith.constant 15 : i32
    %swap3A_3051 = arith.index_cast %swap3A_3050 : i32 to index
    %swap3A_3052 = arith.constant 432 : index
    %swap3A_3053 = tpu.vector_load %arg6[%swap3A_3051, %swap3A_3052] {strides = array<i32>} : memref<16x512xf32, #tpu.memory_space<vmem>>, vector<1x16xf32>,
    %swap3A_3054 = vector.shape_cast %swap3A_3053 : vector<1x16xf32> to vector<16xf32>
    %swap3A_3055 = vector.shape_cast %broadcast_in_dim3A_8 : vector<16xf32> to vector<1x16xf32>
    tpu.vector_store %arg6[%swap3A_3051, %swap3A_3052], %swap3A_3055 {strides = array<i32>} : memref<16x512xf32, #tpu.memory_space<vmem>>, vector<1x16xf32>,
    %swap3A_3056 = arith.constant 15 : i32
    %swap3A_3057 = arith.index_cast %swap3A_3056 : i32 to index
    %swap3A_3058 = arith.constant 448 : index
    %swap3A_3059 = tpu.vector_load %arg6[%swap3A_3057, %swap3A_3058] {strides = array<i32>} : memref<16x512xf32, #tpu.memory_space<vmem>>, vector<1x16xf32>,
    %swap3A_3060 = vector.shape_cast %swap3A_3059 : vector<1x16xf32> to vector<16xf32>
    %swap3A_3061 = vector.shape_cast %broadcast_in_dim3A_8 : vector<16xf32> to vector<1x16xf32>
    tpu.vector_store %arg6[%swap3A_3057, %swap3A_3058], %swap3A_3061 {strides = array<i32>} : memref<16x512xf32, #tpu.memory_space<vmem>>, vector<1x16xf32>,
    %swap3A_3062 = arith.constant 15 : i32
    %swap3A_3063 = arith.index_cast %swap3A_3062 : i32 to index
    %swap3A_3064 = arith.constant 464 : index
    %swap3A_3065 = tpu.vector_load %arg6[%swap3A_3063, %swap3A_3064] {strides = array<i32>} : memref<16x512xf32, #tpu.memory_space<vmem>>, vector<1x16xf32>,
    %swap3A_3066 = vector.shape_cast %swap3A_3065 : vector<1x16xf32> to vector<16xf32>
    %swap3A_3067 = vector.shape_cast %broadcast_in_dim3A_8 : vector<16xf32> to vector<1x16xf32>
    tpu.vector_store %arg6[%swap3A_3063, %swap3A_3064], %swap3A_3067 {strides = array<i32>} : memref<16x512xf32, #tpu.memory_space<vmem>>, vector<1x16xf32>,
    %swap3A_3068 = arith.constant 15 : i32
    %swap3A_3069 = arith.index_cast %swap3A_3068 : i32 to index
    %swap3A_3070 = arith.constant 480 : index
    %swap3A_3071 = tpu.vector_load %arg6[%swap3A_3069, %swap3A_3070] {strides = array<i32>} : memref<16x512xf32, #tpu.memory_space<vmem>>, vector<1x16xf32>,
    %swap3A_3072 = vector.shape_cast %swap3A_3071 : vector<1x16xf32> to vector<16xf32>
    %swap3A_3073 = vector.shape_cast %broadcast_in_dim3A_8 : vector<16xf32> to vector<1x16xf32>
    tpu.vector_store %arg6[%swap3A_3069, %swap3A_3070], %swap3A_3073 {strides = array<i32>} : memref<16x512xf32, #tpu.memory_space<vmem>>, vector<1x16xf32>,
    %swap3A_3074 = arith.constant 15 : i32
    %swap3A_3075 = arith.index_cast %swap3A_3074 : i32 to index
    %swap3A_3076 = arith.constant 496 : index
    %swap3A_3077 = tpu.vector_load %arg6[%swap3A_3075, %swap3A_3076] {strides = array<i32>} : memref<16x512xf32, #tpu.memory_space<vmem>>, vector<1x16xf32>,
    %swap3A_3078 = vector.shape_cast %swap3A_3077 : vector<1x16xf32> to vector<16xf32>
    %swap3A_3079 = vector.shape_cast %broadcast_in_dim3A_8 : vector<16xf32> to vector<1x16xf32>
    tpu.vector_store %arg6[%swap3A_3075, %swap3A_3076], %swap3A_3079 {strides = array<i32>} : memref<16x512xf32, #tpu.memory_space<vmem>>, vector<1x16xf32>,
    %dma_wait3A = arith.constant 0 : i32
    %dma_wait3A_3080 = arith.constant 0 : i32
    %dma_wait3A_3081 = tpu.memref_slice %arg2[%add3A, %dma_wait3A, %dma_wait3A_3080] : memref<32x10x16xi32, #tpu.memory_space<hbm>> -> memref<1x10x16xi32, #tpu.memory_space<hbm>>
    %dma_wait3A_3082 = tpu.memref_squeeze %dma_wait3A_3081 : memref<1x10x16xi32, #tpu.memory_space<hbm>> -> memref<10x16xi32, #tpu.memory_space<hbm>>
    %dma_wait3A_3083 = arith.constant 0 : i32
    %dma_wait3A_3084 = arith.constant 0 : i32
    %dma_wait3A_3085 = tpu.memref_slice %arg2[%add3A, %dma_wait3A_3083, %dma_wait3A_3084] : memref<32x10x16xi32, #tpu.memory_space<hbm>> -> memref<1x10x16xi32, #tpu.memory_space<hbm>>
    %dma_wait3A_3086 = tpu.memref_squeeze %dma_wait3A_3085 : memref<1x10x16xi32, #tpu.memory_space<hbm>> -> memref<10x16xi32, #tpu.memory_space<hbm>>
    tpu.wait_dma2 semaphore(%arg7 : memref<!tpu.dma_semaphore, #tpu.memory_space<semaphore_mem>>) src(%dma_wait3A_3086 : memref<10x16xi32, #tpu.memory_space<hbm>>) dst(%arg5 : memref<10x16xi32, #tpu.memory_space<vmem>>)
    %dma_start3A_3087 = arith.constant 0 : i32
    %dma_start3A_3088 = arith.constant 0 : i32
    %dma_start3A_3089 = tpu.memref_slice %arg5[%dma_start3A_3087, %dma_start3A_3088] : memref<10x16xi32, #tpu.memory_space<vmem>> -> memref<1x16xi32, #tpu.memory_space<vmem>>
    %dma_start3A_3090 = tpu.memref_squeeze %dma_start3A_3089 : memref<1x16xi32, #tpu.memory_space<vmem>> -> memref<16xi32, #tpu.memory_space<vmem>>
    %dma_start3A_3091 = arith.constant 0 : i32
    %dma_start3A_3092 = arith.constant 0 : i32
    %dma_start3A_3093 = tpu.memref_slice %arg3[%dma_start3A_3091, %dma_start3A_3092] : memref<100000x512xf32, #tpu.memory_space<hbm>> -> memref<100000x512xf32, #tpu.memory_space<hbm>>
    tpu.enqueue_indirect_dma source(%arg6 : memref<16x512xf32, #tpu.memory_space<vmem>>) target(%dma_start3A_3093 : memref<100000x512xf32, #tpu.memory_space<hbm>>) offsets(%dma_start3A_3090 : memref<16xi32, #tpu.memory_space<vmem>>) semaphore(%arg8 : memref<!tpu.dma_semaphore, #tpu.memory_space<semaphore_mem>>)
    %dma_start3A_3094 = arith.constant 1 : i32
    %dma_start3A_3095 = arith.constant 0 : i32
    %dma_start3A_3096 = tpu.memref_slice %arg5[%dma_start3A_3094, %dma_start3A_3095] : memref<10x16xi32, #tpu.memory_space<vmem>> -> memref<1x16xi32, #tpu.memory_space<vmem>>
    %dma_start3A_3097 = tpu.memref_squeeze %dma_start3A_3096 : memref<1x16xi32, #tpu.memory_space<vmem>> -> memref<16xi32, #tpu.memory_space<vmem>>
    %dma_start3A_3098 = arith.constant 0 : i32
    %dma_start3A_3099 = arith.constant 0 : i32
    %dma_start3A_3100 = tpu.memref_slice %arg3[%dma_start3A_3098, %dma_start3A_3099] : memref<100000x512xf32, #tpu.memory_space<hbm>> -> memref<100000x512xf32, #tpu.memory_space<hbm>>
    tpu.enqueue_indirect_dma source(%arg6 : memref<16x512xf32, #tpu.memory_space<vmem>>) target(%dma_start3A_3100 : memref<100000x512xf32, #tpu.memory_space<hbm>>) offsets(%dma_start3A_3097 : memref<16xi32, #tpu.memory_space<vmem>>) semaphore(%arg8 : memref<!tpu.dma_semaphore, #tpu.memory_space<semaphore_mem>>)
    %dma_start3A_3101 = arith.constant 2 : i32
    %dma_start3A_3102 = arith.constant 0 : i32
    %dma_start3A_3103 = tpu.memref_slice %arg5[%dma_start3A_3101, %dma_start3A_3102] : memref<10x16xi32, #tpu.memory_space<vmem>> -> memref<1x16xi32, #tpu.memory_space<vmem>>
    %dma_start3A_3104 = tpu.memref_squeeze %dma_start3A_3103 : memref<1x16xi32, #tpu.memory_space<vmem>> -> memref<16xi32, #tpu.memory_space<vmem>>
    %dma_start3A_3105 = arith.constant 0 : i32
    %dma_start3A_3106 = arith.constant 0 : i32
    %dma_start3A_3107 = tpu.memref_slice %arg3[%dma_start3A_3105, %dma_start3A_3106] : memref<100000x512xf32, #tpu.memory_space<hbm>> -> memref<100000x512xf32, #tpu.memory_space<hbm>>
    tpu.enqueue_indirect_dma source(%arg6 : memref<16x512xf32, #tpu.memory_space<vmem>>) target(%dma_start3A_3107 : memref<100000x512xf32, #tpu.memory_space<hbm>>) offsets(%dma_start3A_3104 : memref<16xi32, #tpu.memory_space<vmem>>) semaphore(%arg8 : memref<!tpu.dma_semaphore, #tpu.memory_space<semaphore_mem>>)
    %dma_start3A_3108 = arith.constant 3 : i32
    %dma_start3A_3109 = arith.constant 0 : i32
    %dma_start3A_3110 = tpu.memref_slice %arg5[%dma_start3A_3108, %dma_start3A_3109] : memref<10x16xi32, #tpu.memory_space<vmem>> -> memref<1x16xi32, #tpu.memory_space<vmem>>
    %dma_start3A_3111 = tpu.memref_squeeze %dma_start3A_3110 : memref<1x16xi32, #tpu.memory_space<vmem>> -> memref<16xi32, #tpu.memory_space<vmem>>
    %dma_start3A_3112 = arith.constant 0 : i32
    %dma_start3A_3113 = arith.constant 0 : i32
    %dma_start3A_3114 = tpu.memref_slice %arg3[%dma_start3A_3112, %dma_start3A_3113] : memref<100000x512xf32, #tpu.memory_space<hbm>> -> memref<100000x512xf32, #tpu.memory_space<hbm>>
    tpu.enqueue_indirect_dma source(%arg6 : memref<16x512xf32, #tpu.memory_space<vmem>>) target(%dma_start3A_3114 : memref<100000x512xf32, #tpu.memory_space<hbm>>) offsets(%dma_start3A_3111 : memref<16xi32, #tpu.memory_space<vmem>>) semaphore(%arg8 : memref<!tpu.dma_semaphore, #tpu.memory_space<semaphore_mem>>)
    %dma_start3A_3115 = arith.constant 4 : i32
    %dma_start3A_3116 = arith.constant 0 : i32
    %dma_start3A_3117 = tpu.memref_slice %arg5[%dma_start3A_3115, %dma_start3A_3116] : memref<10x16xi32, #tpu.memory_space<vmem>> -> memref<1x16xi32, #tpu.memory_space<vmem>>
    %dma_start3A_3118 = tpu.memref_squeeze %dma_start3A_3117 : memref<1x16xi32, #tpu.memory_space<vmem>> -> memref<16xi32, #tpu.memory_space<vmem>>
    %dma_start3A_3119 = arith.constant 0 : i32
    %dma_start3A_3120 = arith.constant 0 : i32
    %dma_start3A_3121 = tpu.memref_slice %arg3[%dma_start3A_3119, %dma_start3A_3120] : memref<100000x512xf32, #tpu.memory_space<hbm>> -> memref<100000x512xf32, #tpu.memory_space<hbm>>
    tpu.enqueue_indirect_dma source(%arg6 : memref<16x512xf32, #tpu.memory_space<vmem>>) target(%dma_start3A_3121 : memref<100000x512xf32, #tpu.memory_space<hbm>>) offsets(%dma_start3A_3118 : memref<16xi32, #tpu.memory_space<vmem>>) semaphore(%arg8 : memref<!tpu.dma_semaphore, #tpu.memory_space<semaphore_mem>>)
    %dma_start3A_3122 = arith.constant 5 : i32
    %dma_start3A_3123 = arith.constant 0 : i32
    %dma_start3A_3124 = tpu.memref_slice %arg5[%dma_start3A_3122, %dma_start3A_3123] : memref<10x16xi32, #tpu.memory_space<vmem>> -> memref<1x16xi32, #tpu.memory_space<vmem>>
    %dma_start3A_3125 = tpu.memref_squeeze %dma_start3A_3124 : memref<1x16xi32, #tpu.memory_space<vmem>> -> memref<16xi32, #tpu.memory_space<vmem>>
    %dma_start3A_3126 = arith.constant 0 : i32
    %dma_start3A_3127 = arith.constant 0 : i32
    %dma_start3A_3128 = tpu.memref_slice %arg3[%dma_start3A_3126, %dma_start3A_3127] : memref<100000x512xf32, #tpu.memory_space<hbm>> -> memref<100000x512xf32, #tpu.memory_space<hbm>>
    tpu.enqueue_indirect_dma source(%arg6 : memref<16x512xf32, #tpu.memory_space<vmem>>) target(%dma_start3A_3128 : memref<100000x512xf32, #tpu.memory_space<hbm>>) offsets(%dma_start3A_3125 : memref<16xi32, #tpu.memory_space<vmem>>) semaphore(%arg8 : memref<!tpu.dma_semaphore, #tpu.memory_space<semaphore_mem>>)
    %dma_start3A_3129 = arith.constant 6 : i32
    %dma_start3A_3130 = arith.constant 0 : i32
    %dma_start3A_3131 = tpu.memref_slice %arg5[%dma_start3A_3129, %dma_start3A_3130] : memref<10x16xi32, #tpu.memory_space<vmem>> -> memref<1x16xi32, #tpu.memory_space<vmem>>
    %dma_start3A_3132 = tpu.memref_squeeze %dma_start3A_3131 : memref<1x16xi32, #tpu.memory_space<vmem>> -> memref<16xi32, #tpu.memory_space<vmem>>
    %dma_start3A_3133 = arith.constant 0 : i32
    %dma_start3A_3134 = arith.constant 0 : i32
    %dma_start3A_3135 = tpu.memref_slice %arg3[%dma_start3A_3133, %dma_start3A_3134] : memref<100000x512xf32, #tpu.memory_space<hbm>> -> memref<100000x512xf32, #tpu.memory_space<hbm>>
    tpu.enqueue_indirect_dma source(%arg6 : memref<16x512xf32, #tpu.memory_space<vmem>>) target(%dma_start3A_3135 : memref<100000x512xf32, #tpu.memory_space<hbm>>) offsets(%dma_start3A_3132 : memref<16xi32, #tpu.memory_space<vmem>>) semaphore(%arg8 : memref<!tpu.dma_semaphore, #tpu.memory_space<semaphore_mem>>)
    %dma_start3A_3136 = arith.constant 7 : i32
    %dma_start3A_3137 = arith.constant 0 : i32
    %dma_start3A_3138 = tpu.memref_slice %arg5[%dma_start3A_3136, %dma_start3A_3137] : memref<10x16xi32, #tpu.memory_space<vmem>> -> memref<1x16xi32, #tpu.memory_space<vmem>>
    %dma_start3A_3139 = tpu.memref_squeeze %dma_start3A_3138 : memref<1x16xi32, #tpu.memory_space<vmem>> -> memref<16xi32, #tpu.memory_space<vmem>>
    %dma_start3A_3140 = arith.constant 0 : i32
    %dma_start3A_3141 = arith.constant 0 : i32
    %dma_start3A_3142 = tpu.memref_slice %arg3[%dma_start3A_3140, %dma_start3A_3141] : memref<100000x512xf32, #tpu.memory_space<hbm>> -> memref<100000x512xf32, #tpu.memory_space<hbm>>
    tpu.enqueue_indirect_dma source(%arg6 : memref<16x512xf32, #tpu.memory_space<vmem>>) target(%dma_start3A_3142 : memref<100000x512xf32, #tpu.memory_space<hbm>>) offsets(%dma_start3A_3139 : memref<16xi32, #tpu.memory_space<vmem>>) semaphore(%arg8 : memref<!tpu.dma_semaphore, #tpu.memory_space<semaphore_mem>>)
    %dma_start3A_3143 = arith.constant 8 : i32
    %dma_start3A_3144 = arith.constant 0 : i32
    %dma_start3A_3145 = tpu.memref_slice %arg5[%dma_start3A_3143, %dma_start3A_3144] : memref<10x16xi32, #tpu.memory_space<vmem>> -> memref<1x16xi32, #tpu.memory_space<vmem>>
    %dma_start3A_3146 = tpu.memref_squeeze %dma_start3A_3145 : memref<1x16xi32, #tpu.memory_space<vmem>> -> memref<16xi32, #tpu.memory_space<vmem>>
    %dma_start3A_3147 = arith.constant 0 : i32
    %dma_start3A_3148 = arith.constant 0 : i32
    %dma_start3A_3149 = tpu.memref_slice %arg3[%dma_start3A_3147, %dma_start3A_3148] : memref<100000x512xf32, #tpu.memory_space<hbm>> -> memref<100000x512xf32, #tpu.memory_space<hbm>>
    tpu.enqueue_indirect_dma source(%arg6 : memref<16x512xf32, #tpu.memory_space<vmem>>) target(%dma_start3A_3149 : memref<100000x512xf32, #tpu.memory_space<hbm>>) offsets(%dma_start3A_3146 : memref<16xi32, #tpu.memory_space<vmem>>) semaphore(%arg8 : memref<!tpu.dma_semaphore, #tpu.memory_space<semaphore_mem>>)
    %dma_start3A_3150 = arith.constant 9 : i32
    %dma_start3A_3151 = arith.constant 0 : i32
    %dma_start3A_3152 = tpu.memref_slice %arg5[%dma_start3A_3150, %dma_start3A_3151] : memref<10x16xi32, #tpu.memory_space<vmem>> -> memref<1x16xi32, #tpu.memory_space<vmem>>
    %dma_start3A_3153 = tpu.memref_squeeze %dma_start3A_3152 : memref<1x16xi32, #tpu.memory_space<vmem>> -> memref<16xi32, #tpu.memory_space<vmem>>
    %dma_start3A_3154 = arith.constant 0 : i32
    %dma_start3A_3155 = arith.constant 0 : i32
    %dma_start3A_3156 = tpu.memref_slice %arg3[%dma_start3A_3154, %dma_start3A_3155] : memref<100000x512xf32, #tpu.memory_space<hbm>> -> memref<100000x512xf32, #tpu.memory_space<hbm>>
    tpu.enqueue_indirect_dma source(%arg6 : memref<16x512xf32, #tpu.memory_space<vmem>>) target(%dma_start3A_3156 : memref<100000x512xf32, #tpu.memory_space<hbm>>) offsets(%dma_start3A_3153 : memref<16xi32, #tpu.memory_space<vmem>>) semaphore(%arg8 : memref<!tpu.dma_semaphore, #tpu.memory_space<semaphore_mem>>)
    %dma_wait3A_3157 = arith.constant 0 : i32
    %dma_wait3A_3158 = arith.constant 0 : i32
    %dma_wait3A_3159 = tpu.memref_slice %arg5[%dma_wait3A_3157, %dma_wait3A_3158] : memref<10x16xi32, #tpu.memory_space<vmem>> -> memref<1x16xi32, #tpu.memory_space<vmem>>
    %dma_wait3A_3160 = tpu.memref_squeeze %dma_wait3A_3159 : memref<1x16xi32, #tpu.memory_space<vmem>> -> memref<16xi32, #tpu.memory_space<vmem>>
    %dma_wait3A_3161 = arith.constant 0 : i32
    %dma_wait3A_3162 = arith.constant 0 : i32
    %dma_wait3A_3163 = tpu.memref_slice %arg3[%dma_wait3A_3161, %dma_wait3A_3162] : memref<100000x512xf32, #tpu.memory_space<hbm>> -> memref<100000x512xf32, #tpu.memory_space<hbm>>
    tpu.wait_indirect_dma semaphore(%arg8 : memref<!tpu.dma_semaphore, #tpu.memory_space<semaphore_mem>>) src(%arg6 : memref<16x512xf32, #tpu.memory_space<vmem>>) dst(%dma_wait3A_3163 : memref<100000x512xf32, #tpu.memory_space<hbm>>)
    %dma_wait3A_3164 = arith.constant 1 : i32
    %dma_wait3A_3165 = arith.constant 0 : i32
    %dma_wait3A_3166 = tpu.memref_slice %arg5[%dma_wait3A_3164, %dma_wait3A_3165] : memref<10x16xi32, #tpu.memory_space<vmem>> -> memref<1x16xi32, #tpu.memory_space<vmem>>
    %dma_wait3A_3167 = tpu.memref_squeeze %dma_wait3A_3166 : memref<1x16xi32, #tpu.memory_space<vmem>> -> memref<16xi32, #tpu.memory_space<vmem>>
    %dma_wait3A_3168 = arith.constant 0 : i32
    %dma_wait3A_3169 = arith.constant 0 : i32
    %dma_wait3A_3170 = tpu.memref_slice %arg3[%dma_wait3A_3168, %dma_wait3A_3169] : memref<100000x512xf32, #tpu.memory_space<hbm>> -> memref<100000x512xf32, #tpu.memory_space<hbm>>
    tpu.wait_indirect_dma semaphore(%arg8 : memref<!tpu.dma_semaphore, #tpu.memory_space<semaphore_mem>>) src(%arg6 : memref<16x512xf32, #tpu.memory_space<vmem>>) dst(%dma_wait3A_3170 : memref<100000x512xf32, #tpu.memory_space<hbm>>)
    %dma_wait3A_3171 = arith.constant 2 : i32
    %dma_wait3A_3172 = arith.constant 0 : i32
    %dma_wait3A_3173 = tpu.memref_slice %arg5[%dma_wait3A_3171, %dma_wait3A_3172] : memref<10x16xi32, #tpu.memory_space<vmem>> -> memref<1x16xi32, #tpu.memory_space<vmem>>
    %dma_wait3A_3174 = tpu.memref_squeeze %dma_wait3A_3173 : memref<1x16xi32, #tpu.memory_space<vmem>> -> memref<16xi32, #tpu.memory_space<vmem>>
    %dma_wait3A_3175 = arith.constant 0 : i32
    %dma_wait3A_3176 = arith.constant 0 : i32
    %dma_wait3A_3177 = tpu.memref_slice %arg3[%dma_wait3A_3175, %dma_wait3A_3176] : memref<100000x512xf32, #tpu.memory_space<hbm>> -> memref<100000x512xf32, #tpu.memory_space<hbm>>
    tpu.wait_indirect_dma semaphore(%arg8 : memref<!tpu.dma_semaphore, #tpu.memory_space<semaphore_mem>>) src(%arg6 : memref<16x512xf32, #tpu.memory_space<vmem>>) dst(%dma_wait3A_3177 : memref<100000x512xf32, #tpu.memory_space<hbm>>)
    %dma_wait3A_3178 = arith.constant 3 : i32
    %dma_wait3A_3179 = arith.constant 0 : i32
    %dma_wait3A_3180 = tpu.memref_slice %arg5[%dma_wait3A_3178, %dma_wait3A_3179] : memref<10x16xi32, #tpu.memory_space<vmem>> -> memref<1x16xi32, #tpu.memory_space<vmem>>
    %dma_wait3A_3181 = tpu.memref_squeeze %dma_wait3A_3180 : memref<1x16xi32, #tpu.memory_space<vmem>> -> memref<16xi32, #tpu.memory_space<vmem>>
    %dma_wait3A_3182 = arith.constant 0 : i32
    %dma_wait3A_3183 = arith.constant 0 : i32
    %dma_wait3A_3184 = tpu.memref_slice %arg3[%dma_wait3A_3182, %dma_wait3A_3183] : memref<100000x512xf32, #tpu.memory_space<hbm>> -> memref<100000x512xf32, #tpu.memory_space<hbm>>
    tpu.wait_indirect_dma semaphore(%arg8 : memref<!tpu.dma_semaphore, #tpu.memory_space<semaphore_mem>>) src(%arg6 : memref<16x512xf32, #tpu.memory_space<vmem>>) dst(%dma_wait3A_3184 : memref<100000x512xf32, #tpu.memory_space<hbm>>)
    %dma_wait3A_3185 = arith.constant 4 : i32
    %dma_wait3A_3186 = arith.constant 0 : i32
    %dma_wait3A_3187 = tpu.memref_slice %arg5[%dma_wait3A_3185, %dma_wait3A_3186] : memref<10x16xi32, #tpu.memory_space<vmem>> -> memref<1x16xi32, #tpu.memory_space<vmem>>
    %dma_wait3A_3188 = tpu.memref_squeeze %dma_wait3A_3187 : memref<1x16xi32, #tpu.memory_space<vmem>> -> memref<16xi32, #tpu.memory_space<vmem>>
    %dma_wait3A_3189 = arith.constant 0 : i32
    %dma_wait3A_3190 = arith.constant 0 : i32
    %dma_wait3A_3191 = tpu.memref_slice %arg3[%dma_wait3A_3189, %dma_wait3A_3190] : memref<100000x512xf32, #tpu.memory_space<hbm>> -> memref<100000x512xf32, #tpu.memory_space<hbm>>
    tpu.wait_indirect_dma semaphore(%arg8 : memref<!tpu.dma_semaphore, #tpu.memory_space<semaphore_mem>>) src(%arg6 : memref<16x512xf32, #tpu.memory_space<vmem>>) dst(%dma_wait3A_3191 : memref<100000x512xf32, #tpu.memory_space<hbm>>)
    %dma_wait3A_3192 = arith.constant 5 : i32
    %dma_wait3A_3193 = arith.constant 0 : i32
    %dma_wait3A_3194 = tpu.memref_slice %arg5[%dma_wait3A_3192, %dma_wait3A_3193] : memref<10x16xi32, #tpu.memory_space<vmem>> -> memref<1x16xi32, #tpu.memory_space<vmem>>
    %dma_wait3A_3195 = tpu.memref_squeeze %dma_wait3A_3194 : memref<1x16xi32, #tpu.memory_space<vmem>> -> memref<16xi32, #tpu.memory_space<vmem>>
    %dma_wait3A_3196 = arith.constant 0 : i32
    %dma_wait3A_3197 = arith.constant 0 : i32
    %dma_wait3A_3198 = tpu.memref_slice %arg3[%dma_wait3A_3196, %dma_wait3A_3197] : memref<100000x512xf32, #tpu.memory_space<hbm>> -> memref<100000x512xf32, #tpu.memory_space<hbm>>
    tpu.wait_indirect_dma semaphore(%arg8 : memref<!tpu.dma_semaphore, #tpu.memory_space<semaphore_mem>>) src(%arg6 : memref<16x512xf32, #tpu.memory_space<vmem>>) dst(%dma_wait3A_3198 : memref<100000x512xf32, #tpu.memory_space<hbm>>)
    %dma_wait3A_3199 = arith.constant 6 : i32
    %dma_wait3A_3200 = arith.constant 0 : i32
    %dma_wait3A_3201 = tpu.memref_slice %arg5[%dma_wait3A_3199, %dma_wait3A_3200] : memref<10x16xi32, #tpu.memory_space<vmem>> -> memref<1x16xi32, #tpu.memory_space<vmem>>
    %dma_wait3A_3202 = tpu.memref_squeeze %dma_wait3A_3201 : memref<1x16xi32, #tpu.memory_space<vmem>> -> memref<16xi32, #tpu.memory_space<vmem>>
    %dma_wait3A_3203 = arith.constant 0 : i32
    %dma_wait3A_3204 = arith.constant 0 : i32
    %dma_wait3A_3205 = tpu.memref_slice %arg3[%dma_wait3A_3203, %dma_wait3A_3204] : memref<100000x512xf32, #tpu.memory_space<hbm>> -> memref<100000x512xf32, #tpu.memory_space<hbm>>
    tpu.wait_indirect_dma semaphore(%arg8 : memref<!tpu.dma_semaphore, #tpu.memory_space<semaphore_mem>>) src(%arg6 : memref<16x512xf32, #tpu.memory_space<vmem>>) dst(%dma_wait3A_3205 : memref<100000x512xf32, #tpu.memory_space<hbm>>)
    %dma_wait3A_3206 = arith.constant 7 : i32
    %dma_wait3A_3207 = arith.constant 0 : i32
    %dma_wait3A_3208 = tpu.memref_slice %arg5[%dma_wait3A_3206, %dma_wait3A_3207] : memref<10x16xi32, #tpu.memory_space<vmem>> -> memref<1x16xi32, #tpu.memory_space<vmem>>
    %dma_wait3A_3209 = tpu.memref_squeeze %dma_wait3A_3208 : memref<1x16xi32, #tpu.memory_space<vmem>> -> memref<16xi32, #tpu.memory_space<vmem>>
    %dma_wait3A_3210 = arith.constant 0 : i32
    %dma_wait3A_3211 = arith.constant 0 : i32
    %dma_wait3A_3212 = tpu.memref_slice %arg3[%dma_wait3A_3210, %dma_wait3A_3211] : memref<100000x512xf32, #tpu.memory_space<hbm>> -> memref<100000x512xf32, #tpu.memory_space<hbm>>
    tpu.wait_indirect_dma semaphore(%arg8 : memref<!tpu.dma_semaphore, #tpu.memory_space<semaphore_mem>>) src(%arg6 : memref<16x512xf32, #tpu.memory_space<vmem>>) dst(%dma_wait3A_3212 : memref<100000x512xf32, #tpu.memory_space<hbm>>)
    %dma_wait3A_3213 = arith.constant 8 : i32
    %dma_wait3A_3214 = arith.constant 0 : i32
    %dma_wait3A_3215 = tpu.memref_slice %arg5[%dma_wait3A_3213, %dma_wait3A_3214] : memref<10x16xi32, #tpu.memory_space<vmem>> -> memref<1x16xi32, #tpu.memory_space<vmem>>
    %dma_wait3A_3216 = tpu.memref_squeeze %dma_wait3A_3215 : memref<1x16xi32, #tpu.memory_space<vmem>> -> memref<16xi32, #tpu.memory_space<vmem>>
    %dma_wait3A_3217 = arith.constant 0 : i32
    %dma_wait3A_3218 = arith.constant 0 : i32
    %dma_wait3A_3219 = tpu.memref_slice %arg3[%dma_wait3A_3217, %dma_wait3A_3218] : memref<100000x512xf32, #tpu.memory_space<hbm>> -> memref<100000x512xf32, #tpu.memory_space<hbm>>
    tpu.wait_indirect_dma semaphore(%arg8 : memref<!tpu.dma_semaphore, #tpu.memory_space<semaphore_mem>>) src(%arg6 : memref<16x512xf32, #tpu.memory_space<vmem>>) dst(%dma_wait3A_3219 : memref<100000x512xf32, #tpu.memory_space<hbm>>)
    %dma_wait3A_3220 = arith.constant 9 : i32
    %dma_wait3A_3221 = arith.constant 0 : i32
    %dma_wait3A_3222 = tpu.memref_slice %arg5[%dma_wait3A_3220, %dma_wait3A_3221] : memref<10x16xi32, #tpu.memory_space<vmem>> -> memref<1x16xi32, #tpu.memory_space<vmem>>
    %dma_wait3A_3223 = tpu.memref_squeeze %dma_wait3A_3222 : memref<1x16xi32, #tpu.memory_space<vmem>> -> memref<16xi32, #tpu.memory_space<vmem>>
    %dma_wait3A_3224 = arith.constant 0 : i32
    %dma_wait3A_3225 = arith.constant 0 : i32
    %dma_wait3A_3226 = tpu.memref_slice %arg3[%dma_wait3A_3224, %dma_wait3A_3225] : memref<100000x512xf32, #tpu.memory_space<hbm>> -> memref<100000x512xf32, #tpu.memory_space<hbm>>
    tpu.wait_indirect_dma semaphore(%arg8 : memref<!tpu.dma_semaphore, #tpu.memory_space<semaphore_mem>>) src(%arg6 : memref<16x512xf32, #tpu.memory_space<vmem>>) dst(%dma_wait3A_3226 : memref<100000x512xf32, #tpu.memory_space<hbm>>)
    return
  }
}

module attributes {stable_mosaic.version = 14 : i64} {
  func.func @_copy_body(%arg0: memref<100000x512xf32, #tpu.memory_space<hbm>>, %arg1: memref<100000x512xf32, #tpu.memory_space<hbm>>, %arg2: memref<!tpu.dma_semaphore, #tpu.memory_space<semaphore_mem>>) attributes {dimension_semantics = [], scalar_prefetch = 0 : i64, scratch_operands = 1 : i64, tpu.core_type = #tpu.core_type<tc>} {
    %dma_start3A = arith.constant 0 : i32
    %dma_start3A_0 = arith.constant 0 : i32
    %dma_start3A_1 = tpu.memref_slice %arg1[%dma_start3A, %dma_start3A_0] : memref<100000x512xf32, #tpu.memory_space<hbm>> -> memref<10000x512xf32, #tpu.memory_space<hbm>>
    %dma_start3A_2 = arith.constant 0 : i32
    %dma_start3A_3 = arith.constant 0 : i32
    %dma_start3A_4 = tpu.memref_slice %arg0[%dma_start3A_2, %dma_start3A_3] : memref<100000x512xf32, #tpu.memory_space<hbm>> -> memref<10000x512xf32, #tpu.memory_space<hbm>>
    tpu.enqueue_dma source(%dma_start3A_4 : memref<10000x512xf32, #tpu.memory_space<hbm>>) target(%dma_start3A_1 : memref<10000x512xf32, #tpu.memory_space<hbm>>) target_semaphore(%arg2 : memref<!tpu.dma_semaphore, #tpu.memory_space<semaphore_mem>>)
    %dma_start3A_5 = arith.constant 10000 : i32
    %dma_start3A_6 = arith.constant 0 : i32
    %dma_start3A_7 = tpu.memref_slice %arg1[%dma_start3A_5, %dma_start3A_6] : memref<100000x512xf32, #tpu.memory_space<hbm>> -> memref<10000x512xf32, #tpu.memory_space<hbm>>
    %dma_start3A_8 = arith.constant 10000 : i32
    %dma_start3A_9 = arith.constant 0 : i32
    %dma_start3A_10 = tpu.memref_slice %arg0[%dma_start3A_8, %dma_start3A_9] : memref<100000x512xf32, #tpu.memory_space<hbm>> -> memref<10000x512xf32, #tpu.memory_space<hbm>>
    tpu.enqueue_dma source(%dma_start3A_10 : memref<10000x512xf32, #tpu.memory_space<hbm>>) target(%dma_start3A_7 : memref<10000x512xf32, #tpu.memory_space<hbm>>) target_semaphore(%arg2 : memref<!tpu.dma_semaphore, #tpu.memory_space<semaphore_mem>>)
    %dma_start3A_11 = arith.constant 20000 : i32
    %dma_start3A_12 = arith.constant 0 : i32
    %dma_start3A_13 = tpu.memref_slice %arg1[%dma_start3A_11, %dma_start3A_12] : memref<100000x512xf32, #tpu.memory_space<hbm>> -> memref<10000x512xf32, #tpu.memory_space<hbm>>
    %dma_start3A_14 = arith.constant 20000 : i32
    %dma_start3A_15 = arith.constant 0 : i32
    %dma_start3A_16 = tpu.memref_slice %arg0[%dma_start3A_14, %dma_start3A_15] : memref<100000x512xf32, #tpu.memory_space<hbm>> -> memref<10000x512xf32, #tpu.memory_space<hbm>>
    tpu.enqueue_dma source(%dma_start3A_16 : memref<10000x512xf32, #tpu.memory_space<hbm>>) target(%dma_start3A_13 : memref<10000x512xf32, #tpu.memory_space<hbm>>) target_semaphore(%arg2 : memref<!tpu.dma_semaphore, #tpu.memory_space<semaphore_mem>>)
    %dma_start3A_17 = arith.constant 30000 : i32
    %dma_start3A_18 = arith.constant 0 : i32
    %dma_start3A_19 = tpu.memref_slice %arg1[%dma_start3A_17, %dma_start3A_18] : memref<100000x512xf32, #tpu.memory_space<hbm>> -> memref<10000x512xf32, #tpu.memory_space<hbm>>
    %dma_start3A_20 = arith.constant 30000 : i32
    %dma_start3A_21 = arith.constant 0 : i32
    %dma_start3A_22 = tpu.memref_slice %arg0[%dma_start3A_20, %dma_start3A_21] : memref<100000x512xf32, #tpu.memory_space<hbm>> -> memref<10000x512xf32, #tpu.memory_space<hbm>>
    tpu.enqueue_dma source(%dma_start3A_22 : memref<10000x512xf32, #tpu.memory_space<hbm>>) target(%dma_start3A_19 : memref<10000x512xf32, #tpu.memory_space<hbm>>) target_semaphore(%arg2 : memref<!tpu.dma_semaphore, #tpu.memory_space<semaphore_mem>>)
    %dma_start3A_23 = arith.constant 40000 : i32
    %dma_start3A_24 = arith.constant 0 : i32
    %dma_start3A_25 = tpu.memref_slice %arg1[%dma_start3A_23, %dma_start3A_24] : memref<100000x512xf32, #tpu.memory_space<hbm>> -> memref<10000x512xf32, #tpu.memory_space<hbm>>
    %dma_start3A_26 = arith.constant 40000 : i32
    %dma_start3A_27 = arith.constant 0 : i32
    %dma_start3A_28 = tpu.memref_slice %arg0[%dma_start3A_26, %dma_start3A_27] : memref<100000x512xf32, #tpu.memory_space<hbm>> -> memref<10000x512xf32, #tpu.memory_space<hbm>>
    tpu.enqueue_dma source(%dma_start3A_28 : memref<10000x512xf32, #tpu.memory_space<hbm>>) target(%dma_start3A_25 : memref<10000x512xf32, #tpu.memory_space<hbm>>) target_semaphore(%arg2 : memref<!tpu.dma_semaphore, #tpu.memory_space<semaphore_mem>>)
    %dma_start3A_29 = arith.constant 50000 : i32
    %dma_start3A_30 = arith.constant 0 : i32
    %dma_start3A_31 = tpu.memref_slice %arg1[%dma_start3A_29, %dma_start3A_30] : memref<100000x512xf32, #tpu.memory_space<hbm>> -> memref<10000x512xf32, #tpu.memory_space<hbm>>
    %dma_start3A_32 = arith.constant 50000 : i32
    %dma_start3A_33 = arith.constant 0 : i32
    %dma_start3A_34 = tpu.memref_slice %arg0[%dma_start3A_32, %dma_start3A_33] : memref<100000x512xf32, #tpu.memory_space<hbm>> -> memref<10000x512xf32, #tpu.memory_space<hbm>>
    tpu.enqueue_dma source(%dma_start3A_34 : memref<10000x512xf32, #tpu.memory_space<hbm>>) target(%dma_start3A_31 : memref<10000x512xf32, #tpu.memory_space<hbm>>) target_semaphore(%arg2 : memref<!tpu.dma_semaphore, #tpu.memory_space<semaphore_mem>>)
    %dma_start3A_35 = arith.constant 60000 : i32
    %dma_start3A_36 = arith.constant 0 : i32
    %dma_start3A_37 = tpu.memref_slice %arg1[%dma_start3A_35, %dma_start3A_36] : memref<100000x512xf32, #tpu.memory_space<hbm>> -> memref<10000x512xf32, #tpu.memory_space<hbm>>
    %dma_start3A_38 = arith.constant 60000 : i32
    %dma_start3A_39 = arith.constant 0 : i32
    %dma_start3A_40 = tpu.memref_slice %arg0[%dma_start3A_38, %dma_start3A_39] : memref<100000x512xf32, #tpu.memory_space<hbm>> -> memref<10000x512xf32, #tpu.memory_space<hbm>>
    tpu.enqueue_dma source(%dma_start3A_40 : memref<10000x512xf32, #tpu.memory_space<hbm>>) target(%dma_start3A_37 : memref<10000x512xf32, #tpu.memory_space<hbm>>) target_semaphore(%arg2 : memref<!tpu.dma_semaphore, #tpu.memory_space<semaphore_mem>>)
    %dma_start3A_41 = arith.constant 70000 : i32
    %dma_start3A_42 = arith.constant 0 : i32
    %dma_start3A_43 = tpu.memref_slice %arg1[%dma_start3A_41, %dma_start3A_42] : memref<100000x512xf32, #tpu.memory_space<hbm>> -> memref<10000x512xf32, #tpu.memory_space<hbm>>
    %dma_start3A_44 = arith.constant 70000 : i32
    %dma_start3A_45 = arith.constant 0 : i32
    %dma_start3A_46 = tpu.memref_slice %arg0[%dma_start3A_44, %dma_start3A_45] : memref<100000x512xf32, #tpu.memory_space<hbm>> -> memref<10000x512xf32, #tpu.memory_space<hbm>>
    tpu.enqueue_dma source(%dma_start3A_46 : memref<10000x512xf32, #tpu.memory_space<hbm>>) target(%dma_start3A_43 : memref<10000x512xf32, #tpu.memory_space<hbm>>) target_semaphore(%arg2 : memref<!tpu.dma_semaphore, #tpu.memory_space<semaphore_mem>>)
    %dma_start3A_47 = arith.constant 80000 : i32
    %dma_start3A_48 = arith.constant 0 : i32
    %dma_start3A_49 = tpu.memref_slice %arg1[%dma_start3A_47, %dma_start3A_48] : memref<100000x512xf32, #tpu.memory_space<hbm>> -> memref<10000x512xf32, #tpu.memory_space<hbm>>
    %dma_start3A_50 = arith.constant 80000 : i32
    %dma_start3A_51 = arith.constant 0 : i32
    %dma_start3A_52 = tpu.memref_slice %arg0[%dma_start3A_50, %dma_start3A_51] : memref<100000x512xf32, #tpu.memory_space<hbm>> -> memref<10000x512xf32, #tpu.memory_space<hbm>>
    tpu.enqueue_dma source(%dma_start3A_52 : memref<10000x512xf32, #tpu.memory_space<hbm>>) target(%dma_start3A_49 : memref<10000x512xf32, #tpu.memory_space<hbm>>) target_semaphore(%arg2 : memref<!tpu.dma_semaphore, #tpu.memory_space<semaphore_mem>>)
    %dma_start3A_53 = arith.constant 90000 : i32
    %dma_start3A_54 = arith.constant 0 : i32
    %dma_start3A_55 = tpu.memref_slice %arg1[%dma_start3A_53, %dma_start3A_54] : memref<100000x512xf32, #tpu.memory_space<hbm>> -> memref<10000x512xf32, #tpu.memory_space<hbm>>
    %dma_start3A_56 = arith.constant 90000 : i32
    %dma_start3A_57 = arith.constant 0 : i32
    %dma_start3A_58 = tpu.memref_slice %arg0[%dma_start3A_56, %dma_start3A_57] : memref<100000x512xf32, #tpu.memory_space<hbm>> -> memref<10000x512xf32, #tpu.memory_space<hbm>>
    tpu.enqueue_dma source(%dma_start3A_58 : memref<10000x512xf32, #tpu.memory_space<hbm>>) target(%dma_start3A_55 : memref<10000x512xf32, #tpu.memory_space<hbm>>) target_semaphore(%arg2 : memref<!tpu.dma_semaphore, #tpu.memory_space<semaphore_mem>>)
    %dma_wait3A = arith.constant 0 : i32
    %dma_wait3A_59 = arith.constant 0 : i32
    %dma_wait3A_60 = tpu.memref_slice %arg1[%dma_wait3A, %dma_wait3A_59] : memref<100000x512xf32, #tpu.memory_space<hbm>> -> memref<10000x512xf32, #tpu.memory_space<hbm>>
    %dma_wait3A_61 = arith.constant 0 : i32
    %dma_wait3A_62 = arith.constant 0 : i32
    %dma_wait3A_63 = tpu.memref_slice %arg0[%dma_wait3A_61, %dma_wait3A_62] : memref<100000x512xf32, #tpu.memory_space<hbm>> -> memref<10000x512xf32, #tpu.memory_space<hbm>>
    tpu.wait_dma2 semaphore(%arg2 : memref<!tpu.dma_semaphore, #tpu.memory_space<semaphore_mem>>) src(%dma_wait3A_63 : memref<10000x512xf32, #tpu.memory_space<hbm>>) dst(%dma_wait3A_60 : memref<10000x512xf32, #tpu.memory_space<hbm>>)
    %dma_wait3A_64 = arith.constant 10000 : i32
    %dma_wait3A_65 = arith.constant 0 : i32
    %dma_wait3A_66 = tpu.memref_slice %arg1[%dma_wait3A_64, %dma_wait3A_65] : memref<100000x512xf32, #tpu.memory_space<hbm>> -> memref<10000x512xf32, #tpu.memory_space<hbm>>
    %dma_wait3A_67 = arith.constant 10000 : i32
    %dma_wait3A_68 = arith.constant 0 : i32
    %dma_wait3A_69 = tpu.memref_slice %arg0[%dma_wait3A_67, %dma_wait3A_68] : memref<100000x512xf32, #tpu.memory_space<hbm>> -> memref<10000x512xf32, #tpu.memory_space<hbm>>
    tpu.wait_dma2 semaphore(%arg2 : memref<!tpu.dma_semaphore, #tpu.memory_space<semaphore_mem>>) src(%dma_wait3A_69 : memref<10000x512xf32, #tpu.memory_space<hbm>>) dst(%dma_wait3A_66 : memref<10000x512xf32, #tpu.memory_space<hbm>>)
    %dma_wait3A_70 = arith.constant 20000 : i32
    %dma_wait3A_71 = arith.constant 0 : i32
    %dma_wait3A_72 = tpu.memref_slice %arg1[%dma_wait3A_70, %dma_wait3A_71] : memref<100000x512xf32, #tpu.memory_space<hbm>> -> memref<10000x512xf32, #tpu.memory_space<hbm>>
    %dma_wait3A_73 = arith.constant 20000 : i32
    %dma_wait3A_74 = arith.constant 0 : i32
    %dma_wait3A_75 = tpu.memref_slice %arg0[%dma_wait3A_73, %dma_wait3A_74] : memref<100000x512xf32, #tpu.memory_space<hbm>> -> memref<10000x512xf32, #tpu.memory_space<hbm>>
    tpu.wait_dma2 semaphore(%arg2 : memref<!tpu.dma_semaphore, #tpu.memory_space<semaphore_mem>>) src(%dma_wait3A_75 : memref<10000x512xf32, #tpu.memory_space<hbm>>) dst(%dma_wait3A_72 : memref<10000x512xf32, #tpu.memory_space<hbm>>)
    %dma_wait3A_76 = arith.constant 30000 : i32
    %dma_wait3A_77 = arith.constant 0 : i32
    %dma_wait3A_78 = tpu.memref_slice %arg1[%dma_wait3A_76, %dma_wait3A_77] : memref<100000x512xf32, #tpu.memory_space<hbm>> -> memref<10000x512xf32, #tpu.memory_space<hbm>>
    %dma_wait3A_79 = arith.constant 30000 : i32
    %dma_wait3A_80 = arith.constant 0 : i32
    %dma_wait3A_81 = tpu.memref_slice %arg0[%dma_wait3A_79, %dma_wait3A_80] : memref<100000x512xf32, #tpu.memory_space<hbm>> -> memref<10000x512xf32, #tpu.memory_space<hbm>>
    tpu.wait_dma2 semaphore(%arg2 : memref<!tpu.dma_semaphore, #tpu.memory_space<semaphore_mem>>) src(%dma_wait3A_81 : memref<10000x512xf32, #tpu.memory_space<hbm>>) dst(%dma_wait3A_78 : memref<10000x512xf32, #tpu.memory_space<hbm>>)
    %dma_wait3A_82 = arith.constant 40000 : i32
    %dma_wait3A_83 = arith.constant 0 : i32
    %dma_wait3A_84 = tpu.memref_slice %arg1[%dma_wait3A_82, %dma_wait3A_83] : memref<100000x512xf32, #tpu.memory_space<hbm>> -> memref<10000x512xf32, #tpu.memory_space<hbm>>
    %dma_wait3A_85 = arith.constant 40000 : i32
    %dma_wait3A_86 = arith.constant 0 : i32
    %dma_wait3A_87 = tpu.memref_slice %arg0[%dma_wait3A_85, %dma_wait3A_86] : memref<100000x512xf32, #tpu.memory_space<hbm>> -> memref<10000x512xf32, #tpu.memory_space<hbm>>
    tpu.wait_dma2 semaphore(%arg2 : memref<!tpu.dma_semaphore, #tpu.memory_space<semaphore_mem>>) src(%dma_wait3A_87 : memref<10000x512xf32, #tpu.memory_space<hbm>>) dst(%dma_wait3A_84 : memref<10000x512xf32, #tpu.memory_space<hbm>>)
    %dma_wait3A_88 = arith.constant 50000 : i32
    %dma_wait3A_89 = arith.constant 0 : i32
    %dma_wait3A_90 = tpu.memref_slice %arg1[%dma_wait3A_88, %dma_wait3A_89] : memref<100000x512xf32, #tpu.memory_space<hbm>> -> memref<10000x512xf32, #tpu.memory_space<hbm>>
    %dma_wait3A_91 = arith.constant 50000 : i32
    %dma_wait3A_92 = arith.constant 0 : i32
    %dma_wait3A_93 = tpu.memref_slice %arg0[%dma_wait3A_91, %dma_wait3A_92] : memref<100000x512xf32, #tpu.memory_space<hbm>> -> memref<10000x512xf32, #tpu.memory_space<hbm>>
    tpu.wait_dma2 semaphore(%arg2 : memref<!tpu.dma_semaphore, #tpu.memory_space<semaphore_mem>>) src(%dma_wait3A_93 : memref<10000x512xf32, #tpu.memory_space<hbm>>) dst(%dma_wait3A_90 : memref<10000x512xf32, #tpu.memory_space<hbm>>)
    %dma_wait3A_94 = arith.constant 60000 : i32
    %dma_wait3A_95 = arith.constant 0 : i32
    %dma_wait3A_96 = tpu.memref_slice %arg1[%dma_wait3A_94, %dma_wait3A_95] : memref<100000x512xf32, #tpu.memory_space<hbm>> -> memref<10000x512xf32, #tpu.memory_space<hbm>>
    %dma_wait3A_97 = arith.constant 60000 : i32
    %dma_wait3A_98 = arith.constant 0 : i32
    %dma_wait3A_99 = tpu.memref_slice %arg0[%dma_wait3A_97, %dma_wait3A_98] : memref<100000x512xf32, #tpu.memory_space<hbm>> -> memref<10000x512xf32, #tpu.memory_space<hbm>>
    tpu.wait_dma2 semaphore(%arg2 : memref<!tpu.dma_semaphore, #tpu.memory_space<semaphore_mem>>) src(%dma_wait3A_99 : memref<10000x512xf32, #tpu.memory_space<hbm>>) dst(%dma_wait3A_96 : memref<10000x512xf32, #tpu.memory_space<hbm>>)
    %dma_wait3A_100 = arith.constant 70000 : i32
    %dma_wait3A_101 = arith.constant 0 : i32
    %dma_wait3A_102 = tpu.memref_slice %arg1[%dma_wait3A_100, %dma_wait3A_101] : memref<100000x512xf32, #tpu.memory_space<hbm>> -> memref<10000x512xf32, #tpu.memory_space<hbm>>
    %dma_wait3A_103 = arith.constant 70000 : i32
    %dma_wait3A_104 = arith.constant 0 : i32
    %dma_wait3A_105 = tpu.memref_slice %arg0[%dma_wait3A_103, %dma_wait3A_104] : memref<100000x512xf32, #tpu.memory_space<hbm>> -> memref<10000x512xf32, #tpu.memory_space<hbm>>
    tpu.wait_dma2 semaphore(%arg2 : memref<!tpu.dma_semaphore, #tpu.memory_space<semaphore_mem>>) src(%dma_wait3A_105 : memref<10000x512xf32, #tpu.memory_space<hbm>>) dst(%dma_wait3A_102 : memref<10000x512xf32, #tpu.memory_space<hbm>>)
    %dma_wait3A_106 = arith.constant 80000 : i32
    %dma_wait3A_107 = arith.constant 0 : i32
    %dma_wait3A_108 = tpu.memref_slice %arg1[%dma_wait3A_106, %dma_wait3A_107] : memref<100000x512xf32, #tpu.memory_space<hbm>> -> memref<10000x512xf32, #tpu.memory_space<hbm>>
    %dma_wait3A_109 = arith.constant 80000 : i32
    %dma_wait3A_110 = arith.constant 0 : i32
    %dma_wait3A_111 = tpu.memref_slice %arg0[%dma_wait3A_109, %dma_wait3A_110] : memref<100000x512xf32, #tpu.memory_space<hbm>> -> memref<10000x512xf32, #tpu.memory_space<hbm>>
    tpu.wait_dma2 semaphore(%arg2 : memref<!tpu.dma_semaphore, #tpu.memory_space<semaphore_mem>>) src(%dma_wait3A_111 : memref<10000x512xf32, #tpu.memory_space<hbm>>) dst(%dma_wait3A_108 : memref<10000x512xf32, #tpu.memory_space<hbm>>)
    %dma_wait3A_112 = arith.constant 90000 : i32
    %dma_wait3A_113 = arith.constant 0 : i32
    %dma_wait3A_114 = tpu.memref_slice %arg1[%dma_wait3A_112, %dma_wait3A_113] : memref<100000x512xf32, #tpu.memory_space<hbm>> -> memref<10000x512xf32, #tpu.memory_space<hbm>>
    %dma_wait3A_115 = arith.constant 90000 : i32
    %dma_wait3A_116 = arith.constant 0 : i32
    %dma_wait3A_117 = tpu.memref_slice %arg0[%dma_wait3A_115, %dma_wait3A_116] : memref<100000x512xf32, #tpu.memory_space<hbm>> -> memref<10000x512xf32, #tpu.memory_space<hbm>>
    tpu.wait_dma2 semaphore(%arg2 : memref<!tpu.dma_semaphore, #tpu.memory_space<semaphore_mem>>) src(%dma_wait3A_117 : memref<10000x512xf32, #tpu.memory_space<hbm>>) dst(%dma_wait3A_114 : memref<10000x512xf32, #tpu.memory_space<hbm>>)
    return
  }
}

</mosaic_0001>

<sc_bundles>
// kernel: kernel.4.cloned.1.call-start
scs
__scs_entry_jumppad:
0x0: {  	(pc) =	sbr.rel $0x88, $3  }
0x1: {  	(tag) =	ssettag $0x0;
	lr =	simm.s32 $0x1  }
0x2: {  	[smem:$0x3F9F] =	sst lr;
	_ =	strace $0xD0000000  }
0x3: {  	_ = 	snop  }
0x4: {  	_ = 	snop  }
0x5: {  	_ = 	snop  }
0x6: {  	_ = 	snop  }
0x7: {  	_ = 	snop  }
__scs_overlays_trampoline_lowered:
0x8: {  	[smem:$0x3FAE] =	sst s0  }
0x9: {  	[smem:$0x3FAF] =	sst s1  }
0xa: {  	[smem:$0x3FB0] =	sst s2  }
0xb: {  	[smem:$0x3FB1] =	sst s3  }
0xc: {  	[smem:$0x3FB2] =	sst s4  }
0xd: {  	[smem:$0x3FB3] =	sst s5  }
0xe: {  	[smem:$0x3FB4] =	sst s6  }
0xf: {  	[smem:$0x3FB5] =	sst s7  }
0x10: {  	[smem:$0x3FB6] =	sst s8  }
0x11: {  	[smem:$0x3FB7] =	sst s9;
	s0 =	simm.s32 @!p0 $0x0  }
0x12: {  	s1 =	sld [smem:$0x3F9D];
	s0 =	simm.s32 @p0 $0x1  }
0x13: {  	[smem:$0x3FB8] =	sst s0;
	s0 =	simm.s32 @!p1 $0x0  }
0x14: {  	s2 =	sld [smem:$0x3F9C];
	s0 =	simm.s32 @p1 $0x1  }
0x15: {  	[smem:$0x3FB9] =	sst s0;
	s0 =	simm.s32 @!p2 $0x0  }
0x16: {  	s3 =	sld [smem:$0x3FDB];
	s0 =	simm.s32 @p2 $0x1  }
0x17: {  	s4 =	simm.s32 $0x1BF5;
	[smem:$0x3FBB] =	sst s0  }
0x18: {  	s0 =	sld [smem:$0x3F9E];
	_ =	swait.ge [sflag:s4], $0x0  }
0x19: {  	s7 =	sld [smem:$0x3F9F]  }
0x1a: {  	s8 =	sadd.s32 $0xFFFFE003, lr  }
0x1b: {  	s9 =	sadd.s32 $0xFFFFFEF7, lr;
	s5 =	simm.s32 $0xFFFFFFFF;
	p2 =	slt.u32 s8, $0xFFFFF086  }
0x1c: {  	p1 =	slt.u32 s9, $0xF7A;
	s5 =	simm.s32 @!p2 $0x0  }
0x1d: {  	s5 =	simm.s32 @p1 $0x1;
	p0 =	seq.s32 s7, s2  }
0x1e: {  	s7 =	smul.u32 @!p0 $0xF7A, s2;
	p2 =	seq.s32 @!p0 s5, $0x0  }
0x1f: {  	s9 =	smul.u32 $0xF7A, s1;
	s8 =	simm.s32 @!p0 $0x1BF5;
	p2 =	por !p2, p0  }
0x20: {  	[sflag:s8] =	ssyncset.s32 @!p0 $0xFFFFF086;
	s6 =	sadd.s32 @!p0 s3, s7;
	s7 =	simm.s32 @!p0 $0x108  }
0x21: {  	s3 =	sadd.s32 s3, s9;
	s6 =	sadd.s32 @!p0 $0x88, s6;
	s7 =	simm.s32 @p2 $0x1082  }
0x22: {  	[simem:s7], [sflag:s8] =	dma.local @!p0 [hbm:s6], $0xF7A  }
0x23: {  	s9 =	sor.u32 $0xD0000000, s2;
	s6 =	simm.s32 $0x108;
	_ =	swait.ge @!p0 [sflag:s8], $0x0  }
0x24: {  	s3 =	sadd.s32 $0x88, s3;
	s6 =	simm.s32 @!p1 $0x1082;
	[sflag:s4] =	ssyncset.s32 $0xFFFFF086  }
0x25: {  	[simem:s6], [sflag:s4] =	dma.local [hbm:s3], $0xF7A  }
0x26: {  	[smem:$0x3F9F] =	sst s1;
	(tag) =	ssettag s2;
	_ =	strace s9  }
0x27: {  	s1 =	sld [smem:$0x3FAF]  }
0x28: {  	s2 =	sld [smem:$0x3FB0]  }
0x29: {  	s4 =	sld [smem:$0x3FB2]  }
0x2a: {  	p0 =	seq.s32 s5, $0x0;
	s5 =	sld [smem:$0x3FB3]  }
0x2b: {  	s6 =	sld [smem:$0x3FB4]  }
0x2c: {  	s7 =	sld [smem:$0x3FB5]  }
0x2d: {  	s3 =	simm.s32 $0x108;
	s8 =	sld [smem:$0x3FB6]  }
0x2e: {  	s3 =	simm.s32 @!p0 $0x1082;
	s9 =	sld [smem:$0x3FB7]  }
0x2f: {  	lr =	sadd.s32 s0, s3;
	s0 =	sld [smem:$0x3FAE]  }
0x30: {  	s3 =	sld [smem:$0x3FB1]  }
0x31: {  	[smem:$0x3FBA] =	sst s10  }
0x32: {  	s10 =	sld [smem:$0x3FB8];
	_ =	sdelay $0x3  }
0x33: {  	p0 =	seq.s32 s10, $0x1;
	s10 =	sld [smem:$0x3FBA];
	_ =	sdelay $0x3  }
0x34: {  	[smem:$0x3FBA] =	sst s10  }
0x35: {  	s10 =	sld [smem:$0x3FB9];
	_ =	sdelay $0x3  }
0x36: {  	p1 =	seq.s32 s10, $0x1;
	s10 =	sld [smem:$0x3FBA];
	_ =	sdelay $0x3  }
0x37: {  	[smem:$0x3FBA] =	sst s10  }
0x38: {  	s10 =	sld [smem:$0x3FBB]  }
0x39: {  	_ = 	snop;
	(pc) =	sbr.ind lr, $3  }
0x3a: {  	_ = 	snop  }
0x3b: {  	_ = 	snop  }
0x3c: {  	p2 =	seq.s32 s10, $0x1;
	s10 =	sld [smem:$0x3FBA]  }
0x3d: {  	_ =	shalt  }
0x3e: {  	_ =	shalt  }
0x3f: {  	_ =	shalt  }
0x40: {  	_ =	shalt  }
0x41: {  	_ =	shalt  }
0x42: {  	_ =	shalt  }
0x43: {  	_ =	shalt  }
0x44: {  	_ =	shalt  }
0x45: {  	_ =	shalt  }
0x46: {  	_ =	shalt  }
0x47: {  	_ =	shalt  }
0x48: {  	_ =	shalt  }
0x49: {  	_ =	shalt  }
0x4a: {  	_ =	shalt  }
0x4b: {  	_ =	shalt  }
0x4c: {  	_ =	shalt  }
0x4d: {  	_ =	shalt  }
0x4e: {  	_ =	shalt  }
0x4f: {  	_ =	shalt  }
0x50: {  	_ =	shalt  }
0x51: {  	_ =	shalt  }
0x52: {  	_ =	shalt  }
0x53: {  	_ =	shalt  }
0x54: {  	_ =	shalt  }
0x55: {  	_ =	shalt  }
0x56: {  	_ =	shalt  }
0x57: {  	_ =	shalt  }
0x58: {  	_ =	shalt  }
0x59: {  	_ =	shalt  }
0x5a: {  	_ =	shalt  }
0x5b: {  	_ =	shalt  }
0x5c: {  	_ =	shalt  }
0x5d: {  	_ =	shalt  }
0x5e: {  	_ =	shalt  }
0x5f: {  	_ =	shalt  }
0x60: {  	_ =	shalt  }
0x61: {  	_ =	shalt  }
0x62: {  	_ =	shalt  }
0x63: {  	_ =	shalt  }
0x64: {  	_ =	shalt  }
0x65: {  	_ =	shalt  }
0x66: {  	_ =	shalt  }
0x67: {  	_ =	shalt  }
0x68: {  	_ =	shalt  }
0x69: {  	_ =	shalt  }
0x6a: {  	_ =	shalt  }
0x6b: {  	_ =	shalt  }
0x6c: {  	_ =	shalt  }
0x6d: {  	_ =	shalt  }
0x6e: {  	_ =	shalt  }
0x6f: {  	_ =	shalt  }
0x70: {  	_ =	shalt  }
0x71: {  	_ =	shalt  }
0x72: {  	_ =	shalt  }
0x73: {  	_ =	shalt  }
0x74: {  	_ =	shalt  }
0x75: {  	_ =	shalt  }
0x76: {  	_ =	shalt  }
0x77: {  	_ =	shalt  }
0x78: {  	_ =	shalt  }
0x79: {  	_ =	shalt  }
0x7a: {  	_ =	shalt  }
0x7b: {  	_ =	shalt  }
0x7c: {  	_ =	shalt  }
0x7d: {  	_ =	shalt  }
0x7e: {  	_ =	shalt  }
0x7f: {  	_ =	shalt  }
0x80: {  	_ =	shalt  }
0x81: {  	_ =	shalt  }
0x82: {  	_ =	shalt  }
0x83: {  	_ =	shalt  }
0x84: {  	_ =	shalt  }
0x85: {  	_ =	shalt  }
0x86: {  	_ =	shalt  }
0x87: {  	_ =	shalt  }
.Lfunc_end0:
.L_simem_size_0:
called_computation_lowered:
.L_overlay_start_0:
0x88: {  	s2 =	sld [smem:$0x3FD9]  }
0x89: {  	s3 =	sld [smem:$0x3FFE];
	_ =	sdelay $0x1  }
0x8a: {  	s1 =	srdreg.scid  }
0x8b: {  	s0 =	sand.u32 $0x1, s1  }
0x8c: {  	s17 =	sshll.u32 s0, $0xA;
	s2 =	sadd.s32 s3, s2  }
0x8d: {  	s2 =	sadd.s32 s2, s17  }
0x8e: {  	[smem:$0x3FC6] =	sst s2  }
0x8f: {  	_ = 	snop  }
0x90: {  	s2 =	sld [smem:$0x3FD0];
	(tm) =	ssettm $0x1  }
0x91: {  	s18 =	sld [smem:$0x3FFB];
	_ =	sdelay $0x3  }
0x92: {  	_ =	strace s18  }
0x93: {  	s3 =	sld [smem:$0x3FFC];
	_ =	sdelay $0x3  }
0x94: {  	_ =	strace s3  }
0x95: {  	s3 =	sld [smem:$0x3FFD];
	_ =	sdelay $0x3  }
0x96: {  	_ =	strace s3  }
0x97: {  	_ =	strace $0x8FFFFFFF  }
0x98: {  	s19 =	sld [smem:$0x3FDB];
	_ =	sdelay $0x1  }
0x99: {  	s4 =	simm.s32 $_scs_section_size  }
0x9a: {  	s5 =	simm.s32 $_size__tile_overlayer_lowered;
	s6 =	simm.s32 $_tile_overlayer_lowered  }
0x9b: {  	s22 =	simm.s32 $0x1BFF;
	s21 =	sshll.u32 s6, $0x1;
	s3 =	sadd.s32 s4, s19  }
0x9c: {  	s7 =	simm.s32 $0x0;
	s20 =	sshll.u32 s5, $0x1;
	s5 =	sadd.s32 s21, s3  }
0x9d: {  	[timem:s7], [sflag:s22] =	dma.local [hbm:s5], s20  }
0x9e: {  	_ =	swait.ge [sflag:s22], s20  }
0x9f: {  	s4 =	ssub.s32 $0x0, s20;
	[sflag:s22] =	ssyncset.done $0x0  }
0xa0: {  	[sflag:s22] =	ssyncadd.s32 s4;
	_ =	sdelay $0x1  }
0xa1: {  	s23 =	simm.s32 $0x1B8B  }
0xa2: {  	_ =	swait.ge [sflag:s23], $0x1  }
0xa3: {  	[sflag:s23] =	ssyncset.done $0x0  }
0xa4: {  	s25 =	simm.s32 $0x1B8E;
	s24 =	sld [smem:$0x3FFE];
	[sflag:s23] =	ssyncadd.s32 $0xFFFFFFFF  }
0xa5: {  	s26 =	simm.s32 $execute0_lowered;
	[smem:$0x3FD2] =	sst s25  }
0xa6: {  	s5 =	sshll.u32 s26, $0x1;
	_ =	strace $0x80000046;
	[dreg:$0x1] =	wrdreg $0xFFFFFFFF  }
0xa7: {  	s28 =	simm.s32 $_size_execute0_lowered;
	s3 =	sadd.s32 s3, s5;
	[dreg:$0x0] =	wrdreg $0x0  }
0xa8: {  	s5 =	sshll.u32 s28, $0x1;
	[dreg:$0x2] =	wrdreg s3  }
0xa9: {  	[dreg:$0x3] =	wrdreg s5  }
0xaa: {  	[dreg:$0x4] =	wrdreg $0xC0  }
0xab: {  	_ =	task [dreg:s7], $0x5FFFF  }
0xac: {  	[dreg:$0x1] =	wrdreg $0xFFFFFFFF  }
0xad: {  	[dreg:$0x0] =	wrdreg $0x60  }
0xae: {  	[dreg:$0x2] =	wrdreg s24  }
0xaf: {  	[dreg:$0x3] =	wrdreg s2  }
0xb0: {  	[dreg:$0x4] =	wrdreg $0x9  }
0xb1: {  	_ =	task.clear_ibuf [dreg:s7], $0x5FFFF;
	_ =	strace $0x90000046  }
0xb2: {  	s29 =	simm.s32 $0x9;
	_ =	strace $0x80000048  }
0xb3: {  	_ =	swait.ge [sflag:s29], $0x1  }
0xb4: {  	[sflag:s29] =	ssyncadd.s32 $0xFFFFFFFF  }
0xb5: {  	_ =	strace $0x90000048  }
0xb6: {  	_ =	sfence  }
0xb7: {  	s30 =	sld [smem:$0x0];
	_ =	sdelay $0x2  }
0xb8: {  	s31 =	sshll.u32 s1, $0xD;
	s1 =	sshrl.u32 s1, $0x2  }
0xb9: {  	s3 =	sand.u32 $0x4000, s31;
	s1 =	sadd.s32 s1, s30  }
0xba: {  	s0 =	sor.u32 s3, s0;
	s1 =	sshll.u32 s1, $0x11  }
0xbb: {  	s0 =	sor.u32 s1, s0  }
0xbc: {  	s0 =	sadd.s32 $0x8F2B, s0  }
0xbd: {  	[sflag:s0] =	ssyncadd.remote.s32 $0x1  }
0xbe: {  	_ =	sfence.sel $0xFFFF  }
0xbf: {  	[dreg:$0x0] =	wrdreg $0xFFFFFFFF;
	(pc) =	sbr.abs _section_cstart, $3  }
0xc0: {  	[dreg:$0x1] =	wrdreg $0xFFFFFFFF  }
0xc1: {  	_ =	task.clear_ibuf [dreg:s7], $0x2FFFF;
	_ =	strace $0x9FFFFFFF  }
0xc2: {  	(tm) =	ssettm $0x7FFFFFFF  }
0xc3: {  	_ =	shalt  }
tec
execute0_lowered:
.L_overlay_start_1:
0x0: {  	(tag) =	ssettag $0x1  }
0x1: {  	s4 =	rddreg [dreg:$0x0]  }
0x2: {  	s1 =	rddreg [dreg:$0x1]  }
0x3: {  	s0 =	rddreg [dreg:$0x2];
	s2 =	simm.s32 $0x0  }
0x4: {  	s3 =	srdreg.scid;
	s8 =	simm.s32 $0x800;
	s9 =	simm.s32 $0x1000  }
0x5: {  	s10 =	simm.s32 $0x1800;
	s11 =	simm.s32 $0x2000;
	s12 =	simm.s32 $0x2  }
0x6: {  	[smem:$0x7FF] =	sst s2;
	s5 =	sand.u32 $0x1, s3;
	s3 =	stileid.u32  }
0x7: {  	s6 =	sshll.u32 s5, $0x8;
	s5 =	ssub.s32 $0x2, s5;
	s7 =	sshll.u32 s3, $0x9  }
0x8: {  	v3 =	vlaneseq.u32;
	_ =	strace $0x80000047;
	s4 =	sadd.s32 s6, s4;
	s31 =	sshrl.u32 s5, $0x1  }
0x9: {  	v0 =	vimm.f32 $0.0e+00;
	vm0 =	vmmov $0xffff;
	v2 =	vshrl.u32 v3, $0x3;
	s6 =	ssub.s32 s5, s31;
	s4 =	sadd.s32 s7, s4;
	s5 =	sadd.s32 $0x100, s1  }
0xa: {  	v1 =	vand.u32 $0x7, v3;
	v3 =	vor.u32 $0x8, v3;
	v2 =	vmul.u32 $0x8, v2;
	s7 =	simm.s32 $0x1;
	s4 =	sadd.s32 $0x400, s4;
	s6 =	smax.u32 s6, $0x1  }
.LBB2_1:
0xb: {  	[tilespmem:s2], [sflag:$0x1] =	stream.linear.gather [hbm4b:s4+s2], $0x500, $0x38;
	[tilespmem:$0x2800] =	vst v63  }
0xc: {  	[tilespmem:$0x800] =	vst v0  }
0xd: {  	[tilespmem:$0x810] =	vst v0  }
0xe: {  	[tilespmem:$0x820] =	vst v0  }
0xf: {  	[tilespmem:$0x830] =	vst v0  }
0x10: {  	[tilespmem:$0x840] =	vst v0  }
0x11: {  	[tilespmem:$0x850] =	vst v0  }
0x12: {  	[tilespmem:$0x860] =	vst v0  }
0x13: {  	[tilespmem:$0x870] =	vst v0  }
0x14: {  	[tilespmem:$0xC00] =	vst v0  }
0x15: {  	[tilespmem:$0xC10] =	vst v0  }
0x16: {  	[tilespmem:$0xC20] =	vst v0  }
0x17: {  	[tilespmem:$0xC30] =	vst v0  }
0x18: {  	[tilespmem:$0xC40] =	vst v0  }
0x19: {  	[tilespmem:$0xC50] =	vst v0  }
0x1a: {  	[tilespmem:$0xC60] =	vst v0  }
0x1b: {  	[tilespmem:$0xC70] =	vst v0  }
0x1c: {  	[tilespmem:$0x1000] =	vst v0  }
0x1d: {  	[tilespmem:$0x1010] =	vst v0  }
0x1e: {  	[tilespmem:$0x1020] =	vst v0  }
0x1f: {  	[tilespmem:$0x1030] =	vst v0  }
0x20: {  	[tilespmem:$0x1040] =	vst v0  }
0x21: {  	[tilespmem:$0x1050] =	vst v0  }
0x22: {  	[tilespmem:$0x1060] =	vst v0  }
0x23: {  	[tilespmem:$0x1070] =	vst v0  }
0x24: {  	[tilespmem:$0x1400] =	vst v0  }
0x25: {  	[tilespmem:$0x1410] =	vst v0  }
0x26: {  	[tilespmem:$0x1420] =	vst v0  }
0x27: {  	[tilespmem:$0x1430] =	vst v0  }
0x28: {  	[tilespmem:$0x1440] =	vst v0  }
0x29: {  	[tilespmem:$0x1450] =	vst v0  }
0x2a: {  	[tilespmem:$0x1460] =	vst v0  }
0x2b: {  	[tilespmem:$0x1470] =	vst v0  }
0x2c: {  	[tilespmem:$0x880] =	vst v0  }
0x2d: {  	[tilespmem:$0x890] =	vst v0  }
0x2e: {  	[tilespmem:$0x8A0] =	vst v0  }
0x2f: {  	[tilespmem:$0x8B0] =	vst v0  }
0x30: {  	[tilespmem:$0x8C0] =	vst v0  }
0x31: {  	[tilespmem:$0x8D0] =	vst v0  }
0x32: {  	[tilespmem:$0x8E0] =	vst v0  }
0x33: {  	[tilespmem:$0x8F0] =	vst v0  }
0x34: {  	[tilespmem:$0xC80] =	vst v0  }
0x35: {  	[tilespmem:$0xC90] =	vst v0  }
0x36: {  	[tilespmem:$0xCA0] =	vst v0  }
0x37: {  	[tilespmem:$0xCB0] =	vst v0  }
0x38: {  	[tilespmem:$0xCC0] =	vst v0  }
0x39: {  	[tilespmem:$0xCD0] =	vst v0  }
0x3a: {  	[tilespmem:$0xCE0] =	vst v0  }
0x3b: {  	[tilespmem:$0xCF0] =	vst v0  }
0x3c: {  	[tilespmem:$0x1080] =	vst v0  }
0x3d: {  	[tilespmem:$0x1090] =	vst v0  }
0x3e: {  	[tilespmem:$0x10A0] =	vst v0  }
0x3f: {  	[tilespmem:$0x10B0] =	vst v0  }
0x40: {  	[tilespmem:$0x10C0] =	vst v0  }
0x41: {  	[tilespmem:$0x10D0] =	vst v0  }
0x42: {  	[tilespmem:$0x10E0] =	vst v0  }
0x43: {  	[tilespmem:$0x10F0] =	vst v0  }
0x44: {  	[tilespmem:$0x1480] =	vst v0  }
0x45: {  	[tilespmem:$0x1490] =	vst v0  }
0x46: {  	[tilespmem:$0x14A0] =	vst v0  }
0x47: {  	[tilespmem:$0x14B0] =	vst v0  }
0x48: {  	[tilespmem:$0x14C0] =	vst v0  }
0x49: {  	[tilespmem:$0x14D0] =	vst v0  }
0x4a: {  	[tilespmem:$0x14E0] =	vst v0  }
0x4b: {  	[tilespmem:$0x14F0] =	vst v0  }
0x4c: {  	[tilespmem:$0x900] =	vst v0  }
0x4d: {  	[tilespmem:$0x910] =	vst v0  }
0x4e: {  	[tilespmem:$0x920] =	vst v0  }
0x4f: {  	[tilespmem:$0x930] =	vst v0  }
0x50: {  	[tilespmem:$0x940] =	vst v0  }
0x51: {  	[tilespmem:$0x950] =	vst v0  }
0x52: {  	[tilespmem:$0x960] =	vst v0  }
0x53: {  	[tilespmem:$0x970] =	vst v0  }
0x54: {  	[tilespmem:$0xD00] =	vst v0  }
0x55: {  	[tilespmem:$0xD10] =	vst v0  }
0x56: {  	[tilespmem:$0xD20] =	vst v0  }
0x57: {  	[tilespmem:$0xD30] =	vst v0  }
0x58: {  	[tilespmem:$0xD40] =	vst v0  }
0x59: {  	[tilespmem:$0xD50] =	vst v0  }
0x5a: {  	[tilespmem:$0xD60] =	vst v0  }
0x5b: {  	[tilespmem:$0xD70] =	vst v0  }
0x5c: {  	[tilespmem:$0x1100] =	vst v0  }
0x5d: {  	[tilespmem:$0x1110] =	vst v0  }
0x5e: {  	[tilespmem:$0x1120] =	vst v0  }
0x5f: {  	[tilespmem:$0x1130] =	vst v0  }
0x60: {  	[tilespmem:$0x1140] =	vst v0  }
0x61: {  	[tilespmem:$0x1150] =	vst v0  }
0x62: {  	[tilespmem:$0x1160] =	vst v0  }
0x63: {  	[tilespmem:$0x1170] =	vst v0  }
0x64: {  	[tilespmem:$0x1500] =	vst v0  }
0x65: {  	[tilespmem:$0x1510] =	vst v0  }
0x66: {  	[tilespmem:$0x1520] =	vst v0  }
0x67: {  	[tilespmem:$0x1530] =	vst v0  }
0x68: {  	[tilespmem:$0x1540] =	vst v0  }
0x69: {  	[tilespmem:$0x1550] =	vst v0  }
0x6a: {  	[tilespmem:$0x1560] =	vst v0  }
0x6b: {  	[tilespmem:$0x1570] =	vst v0  }
0x6c: {  	[tilespmem:$0x980] =	vst v0  }
0x6d: {  	[tilespmem:$0x990] =	vst v0  }
0x6e: {  	[tilespmem:$0x9A0] =	vst v0  }
0x6f: {  	[tilespmem:$0x9B0] =	vst v0  }
0x70: {  	[tilespmem:$0x9C0] =	vst v0  }
0x71: {  	[tilespmem:$0x9D0] =	vst v0  }
0x72: {  	[tilespmem:$0x9E0] =	vst v0  }
0x73: {  	[tilespmem:$0x9F0] =	vst v0  }
0x74: {  	[tilespmem:$0xD80] =	vst v0  }
0x75: {  	[tilespmem:$0xD90] =	vst v0  }
0x76: {  	[tilespmem:$0xDA0] =	vst v0  }
0x77: {  	[tilespmem:$0xDB0] =	vst v0  }
0x78: {  	[tilespmem:$0xDC0] =	vst v0  }
0x79: {  	[tilespmem:$0xDD0] =	vst v0  }
0x7a: {  	[tilespmem:$0xDE0] =	vst v0  }
0x7b: {  	[tilespmem:$0xDF0] =	vst v0  }
0x7c: {  	[tilespmem:$0x1180] =	vst v0  }
0x7d: {  	[tilespmem:$0x1190] =	vst v0  }
0x7e: {  	[tilespmem:$0x11A0] =	vst v0  }
0x7f: {  	[tilespmem:$0x11B0] =	vst v0  }
0x80: {  	[tilespmem:$0x11C0] =	vst v0  }
0x81: {  	[tilespmem:$0x11D0] =	vst v0  }
0x82: {  	[tilespmem:$0x11E0] =	vst v0  }
0x83: {  	[tilespmem:$0x11F0] =	vst v0  }
0x84: {  	[tilespmem:$0x1580] =	vst v0  }
0x85: {  	[tilespmem:$0x1590] =	vst v0  }
0x86: {  	[tilespmem:$0x15A0] =	vst v0  }
0x87: {  	[tilespmem:$0x15B0] =	vst v0  }
0x88: {  	[tilespmem:$0x15C0] =	vst v0  }
0x89: {  	[tilespmem:$0x15D0] =	vst v0  }
0x8a: {  	[tilespmem:$0x15E0] =	vst v0  }
0x8b: {  	[tilespmem:$0x15F0] =	vst v0  }
0x8c: {  	[tilespmem:$0xA00] =	vst v0  }
0x8d: {  	[tilespmem:$0xA10] =	vst v0  }
0x8e: {  	[tilespmem:$0xA20] =	vst v0  }
0x8f: {  	[tilespmem:$0xA30] =	vst v0  }
0x90: {  	[tilespmem:$0xA40] =	vst v0  }
0x91: {  	[tilespmem:$0xA50] =	vst v0  }
0x92: {  	[tilespmem:$0xA60] =	vst v0  }
0x93: {  	[tilespmem:$0xA70] =	vst v0  }
0x94: {  	[tilespmem:$0xE00] =	vst v0  }
0x95: {  	[tilespmem:$0xE10] =	vst v0  }
0x96: {  	[tilespmem:$0xE20] =	vst v0  }
0x97: {  	[tilespmem:$0xE30] =	vst v0  }
0x98: {  	[tilespmem:$0xE40] =	vst v0  }
0x99: {  	[tilespmem:$0xE50] =	vst v0  }
0x9a: {  	[tilespmem:$0xE60] =	vst v0  }
0x9b: {  	[tilespmem:$0xE70] =	vst v0  }
0x9c: {  	[tilespmem:$0x1200] =	vst v0  }
0x9d: {  	[tilespmem:$0x1210] =	vst v0  }
0x9e: {  	[tilespmem:$0x1220] =	vst v0  }
0x9f: {  	[tilespmem:$0x1230] =	vst v0  }
0xa0: {  	[tilespmem:$0x1240] =	vst v0  }
0xa1: {  	[tilespmem:$0x1250] =	vst v0  }
0xa2: {  	[tilespmem:$0x1260] =	vst v0  }
0xa3: {  	[tilespmem:$0x1270] =	vst v0  }
0xa4: {  	[tilespmem:$0x1600] =	vst v0  }
0xa5: {  	[tilespmem:$0x1610] =	vst v0  }
0xa6: {  	[tilespmem:$0x1620] =	vst v0  }
0xa7: {  	[tilespmem:$0x1630] =	vst v0  }
0xa8: {  	[tilespmem:$0x1640] =	vst v0  }
0xa9: {  	[tilespmem:$0x1650] =	vst v0  }
0xaa: {  	[tilespmem:$0x1660] =	vst v0  }
0xab: {  	[tilespmem:$0x1670] =	vst v0  }
0xac: {  	[tilespmem:$0xA80] =	vst v0  }
0xad: {  	[tilespmem:$0xA90] =	vst v0  }
0xae: {  	[tilespmem:$0xAA0] =	vst v0  }
0xaf: {  	[tilespmem:$0xAB0] =	vst v0  }
0xb0: {  	[tilespmem:$0xAC0] =	vst v0  }
0xb1: {  	[tilespmem:$0xAD0] =	vst v0  }
0xb2: {  	[tilespmem:$0xAE0] =	vst v0  }
0xb3: {  	[tilespmem:$0xAF0] =	vst v0  }
0xb4: {  	[tilespmem:$0xE80] =	vst v0  }
0xb5: {  	[tilespmem:$0xE90] =	vst v0  }
0xb6: {  	[tilespmem:$0xEA0] =	vst v0  }
0xb7: {  	[tilespmem:$0xEB0] =	vst v0  }
0xb8: {  	[tilespmem:$0xEC0] =	vst v0  }
0xb9: {  	[tilespmem:$0xED0] =	vst v0  }
0xba: {  	[tilespmem:$0xEE0] =	vst v0  }
0xbb: {  	[tilespmem:$0xEF0] =	vst v0  }
0xbc: {  	[tilespmem:$0x1280] =	vst v0  }
0xbd: {  	[tilespmem:$0x1290] =	vst v0  }
0xbe: {  	[tilespmem:$0x12A0] =	vst v0  }
0xbf: {  	[tilespmem:$0x12B0] =	vst v0  }
0xc0: {  	[tilespmem:$0x12C0] =	vst v0  }
0xc1: {  	[tilespmem:$0x12D0] =	vst v0  }
0xc2: {  	[tilespmem:$0x12E0] =	vst v0  }
0xc3: {  	[tilespmem:$0x12F0] =	vst v0  }
0xc4: {  	[tilespmem:$0x1680] =	vst v0  }
0xc5: {  	[tilespmem:$0x1690] =	vst v0  }
0xc6: {  	[tilespmem:$0x16A0] =	vst v0  }
0xc7: {  	[tilespmem:$0x16B0] =	vst v0  }
0xc8: {  	[tilespmem:$0x16C0] =	vst v0  }
0xc9: {  	[tilespmem:$0x16D0] =	vst v0  }
0xca: {  	[tilespmem:$0x16E0] =	vst v0  }
0xcb: {  	[tilespmem:$0x16F0] =	vst v0  }
0xcc: {  	[tilespmem:$0xB00] =	vst v0  }
0xcd: {  	[tilespmem:$0xB10] =	vst v0  }
0xce: {  	[tilespmem:$0xB20] =	vst v0  }
0xcf: {  	[tilespmem:$0xB30] =	vst v0  }
0xd0: {  	[tilespmem:$0xB40] =	vst v0  }
0xd1: {  	[tilespmem:$0xB50] =	vst v0  }
0xd2: {  	[tilespmem:$0xB60] =	vst v0  }
0xd3: {  	[tilespmem:$0xB70] =	vst v0  }
0xd4: {  	[tilespmem:$0xF00] =	vst v0  }
0xd5: {  	[tilespmem:$0xF10] =	vst v0  }
0xd6: {  	[tilespmem:$0xF20] =	vst v0  }
0xd7: {  	[tilespmem:$0xF30] =	vst v0  }
0xd8: {  	[tilespmem:$0xF40] =	vst v0  }
0xd9: {  	[tilespmem:$0xF50] =	vst v0  }
0xda: {  	[tilespmem:$0xF60] =	vst v0  }
0xdb: {  	[tilespmem:$0xF70] =	vst v0  }
0xdc: {  	[tilespmem:$0x1300] =	vst v0  }
0xdd: {  	[tilespmem:$0x1310] =	vst v0  }
0xde: {  	[tilespmem:$0x1320] =	vst v0  }
0xdf: {  	[tilespmem:$0x1330] =	vst v0  }
0xe0: {  	[tilespmem:$0x1340] =	vst v0  }
0xe1: {  	[tilespmem:$0x1350] =	vst v0  }
0xe2: {  	[tilespmem:$0x1360] =	vst v0  }
0xe3: {  	[tilespmem:$0x1370] =	vst v0  }
0xe4: {  	[tilespmem:$0x1700] =	vst v0  }
0xe5: {  	[tilespmem:$0x1710] =	vst v0  }
0xe6: {  	[tilespmem:$0x1720] =	vst v0  }
0xe7: {  	[tilespmem:$0x1730] =	vst v0  }
0xe8: {  	[tilespmem:$0x1740] =	vst v0  }
0xe9: {  	[tilespmem:$0x1750] =	vst v0  }
0xea: {  	[tilespmem:$0x1760] =	vst v0  }
0xeb: {  	[tilespmem:$0x1770] =	vst v0  }
0xec: {  	[tilespmem:$0xB80] =	vst v0  }
0xed: {  	[tilespmem:$0xB90] =	vst v0  }
0xee: {  	[tilespmem:$0xBA0] =	vst v0  }
0xef: {  	[tilespmem:$0xBB0] =	vst v0  }
0xf0: {  	[tilespmem:$0xBC0] =	vst v0  }
0xf1: {  	[tilespmem:$0xBD0] =	vst v0  }
0xf2: {  	[tilespmem:$0xBE0] =	vst v0  }
0xf3: {  	[tilespmem:$0xBF0] =	vst v0  }
0xf4: {  	[tilespmem:$0xF80] =	vst v0  }
0xf5: {  	[tilespmem:$0xF90] =	vst v0  }
0xf6: {  	[tilespmem:$0xFA0] =	vst v0  }
0xf7: {  	[tilespmem:$0xFB0] =	vst v0  }
0xf8: {  	[tilespmem:$0xFC0] =	vst v0  }
0xf9: {  	[tilespmem:$0xFD0] =	vst v0  }
0xfa: {  	[tilespmem:$0xFE0] =	vst v0  }
0xfb: {  	[tilespmem:$0xFF0] =	vst v0  }
0xfc: {  	[tilespmem:$0x1380] =	vst v0  }
0xfd: {  	[tilespmem:$0x1390] =	vst v0  }
0xfe: {  	[tilespmem:$0x13A0] =	vst v0  }
0xff: {  	[tilespmem:$0x13B0] =	vst v0  }
0x100: {  	[tilespmem:$0x13C0] =	vst v0  }
0x101: {  	[tilespmem:$0x13D0] =	vst v0  }
0x102: {  	[tilespmem:$0x13E0] =	vst v0  }
0x103: {  	[tilespmem:$0x13F0] =	vst v0  }
0x104: {  	[tilespmem:$0x1780] =	vst v0  }
0x105: {  	[tilespmem:$0x1790] =	vst v0  }
0x106: {  	[tilespmem:$0x17A0] =	vst v0  }
0x107: {  	[tilespmem:$0x17B0] =	vst v0  }
0x108: {  	[tilespmem:$0x17C0] =	vst v0  }
0x109: {  	[tilespmem:$0x17D0] =	vst v0  }
0x10a: {  	[tilespmem:$0x17E0] =	vst v0  }
0x10b: {  	[tilespmem:$0x17F0] =	vst v0  }
0x10c: {  	[tilespmem:$0x1800] =	vst v0  }
0x10d: {  	[tilespmem:$0x1810] =	vst v0  }
0x10e: {  	[tilespmem:$0x1820] =	vst v0  }
0x10f: {  	[tilespmem:$0x1830] =	vst v0  }
0x110: {  	[tilespmem:$0x1840] =	vst v0  }
0x111: {  	[tilespmem:$0x1850] =	vst v0  }
0x112: {  	[tilespmem:$0x1860] =	vst v0  }
0x113: {  	[tilespmem:$0x1870] =	vst v0  }
0x114: {  	[tilespmem:$0x1C00] =	vst v0  }
0x115: {  	[tilespmem:$0x1C10] =	vst v0  }
0x116: {  	[tilespmem:$0x1C20] =	vst v0  }
0x117: {  	[tilespmem:$0x1C30] =	vst v0  }
0x118: {  	[tilespmem:$0x1C40] =	vst v0  }
0x119: {  	[tilespmem:$0x1C50] =	vst v0  }
0x11a: {  	[tilespmem:$0x1C60] =	vst v0  }
0x11b: {  	[tilespmem:$0x1C70] =	vst v0  }
0x11c: {  	[tilespmem:$0x2000] =	vst v0  }
0x11d: {  	[tilespmem:$0x2010] =	vst v0  }
0x11e: {  	[tilespmem:$0x2020] =	vst v0  }
0x11f: {  	[tilespmem:$0x2030] =	vst v0  }
0x120: {  	[tilespmem:$0x2040] =	vst v0  }
0x121: {  	[tilespmem:$0x2050] =	vst v0  }
0x122: {  	[tilespmem:$0x2060] =	vst v0  }
0x123: {  	[tilespmem:$0x2070] =	vst v0  }
0x124: {  	[tilespmem:$0x2400] =	vst v0  }
0x125: {  	[tilespmem:$0x2410] =	vst v0  }
0x126: {  	[tilespmem:$0x2420] =	vst v0  }
0x127: {  	[tilespmem:$0x2430] =	vst v0  }
0x128: {  	[tilespmem:$0x2440] =	vst v0  }
0x129: {  	[tilespmem:$0x2450] =	vst v0  }
0x12a: {  	[tilespmem:$0x2460] =	vst v0  }
0x12b: {  	[tilespmem:$0x2470] =	vst v0  }
0x12c: {  	[tilespmem:$0x1880] =	vst v0  }
0x12d: {  	[tilespmem:$0x1890] =	vst v0  }
0x12e: {  	[tilespmem:$0x18A0] =	vst v0  }
0x12f: {  	[tilespmem:$0x18B0] =	vst v0  }
0x130: {  	[tilespmem:$0x18C0] =	vst v0  }
0x131: {  	[tilespmem:$0x18D0] =	vst v0  }
0x132: {  	[tilespmem:$0x18E0] =	vst v0  }
0x133: {  	[tilespmem:$0x18F0] =	vst v0  }
0x134: {  	[tilespmem:$0x1C80] =	vst v0  }
0x135: {  	[tilespmem:$0x1C90] =	vst v0  }
0x136: {  	[tilespmem:$0x1CA0] =	vst v0  }
0x137: {  	[tilespmem:$0x1CB0] =	vst v0  }
0x138: {  	[tilespmem:$0x1CC0] =	vst v0  }
0x139: {  	[tilespmem:$0x1CD0] =	vst v0  }
0x13a: {  	[tilespmem:$0x1CE0] =	vst v0  }
0x13b: {  	[tilespmem:$0x1CF0] =	vst v0  }
0x13c: {  	[tilespmem:$0x2080] =	vst v0  }
0x13d: {  	[tilespmem:$0x2090] =	vst v0  }
0x13e: {  	[tilespmem:$0x20A0] =	vst v0  }
0x13f: {  	[tilespmem:$0x20B0] =	vst v0  }
0x140: {  	[tilespmem:$0x20C0] =	vst v0  }
0x141: {  	[tilespmem:$0x20D0] =	vst v0  }
0x142: {  	[tilespmem:$0x20E0] =	vst v0  }
0x143: {  	[tilespmem:$0x20F0] =	vst v0  }
0x144: {  	[tilespmem:$0x2480] =	vst v0  }
0x145: {  	[tilespmem:$0x2490] =	vst v0  }
0x146: {  	[tilespmem:$0x24A0] =	vst v0  }
0x147: {  	[tilespmem:$0x24B0] =	vst v0  }
0x148: {  	[tilespmem:$0x24C0] =	vst v0  }
0x149: {  	[tilespmem:$0x24D0] =	vst v0  }
0x14a: {  	[tilespmem:$0x24E0] =	vst v0  }
0x14b: {  	[tilespmem:$0x24F0] =	vst v0  }
0x14c: {  	[tilespmem:$0x1900] =	vst v0  }
0x14d: {  	[tilespmem:$0x1910] =	vst v0  }
0x14e: {  	[tilespmem:$0x1920] =	vst v0  }
0x14f: {  	[tilespmem:$0x1930] =	vst v0  }
0x150: {  	[tilespmem:$0x1940] =	vst v0  }
0x151: {  	[tilespmem:$0x1950] =	vst v0  }
0x152: {  	[tilespmem:$0x1960] =	vst v0  }
0x153: {  	[tilespmem:$0x1970] =	vst v0  }
0x154: {  	[tilespmem:$0x1D00] =	vst v0  }
0x155: {  	[tilespmem:$0x1D10] =	vst v0  }
0x156: {  	[tilespmem:$0x1D20] =	vst v0  }
0x157: {  	[tilespmem:$0x1D30] =	vst v0  }
0x158: {  	[tilespmem:$0x1D40] =	vst v0  }
0x159: {  	[tilespmem:$0x1D50] =	vst v0  }
0x15a: {  	[tilespmem:$0x1D60] =	vst v0  }
0x15b: {  	[tilespmem:$0x1D70] =	vst v0  }
0x15c: {  	[tilespmem:$0x2100] =	vst v0  }
0x15d: {  	[tilespmem:$0x2110] =	vst v0  }
0x15e: {  	[tilespmem:$0x2120] =	vst v0  }
0x15f: {  	[tilespmem:$0x2130] =	vst v0  }
0x160: {  	[tilespmem:$0x2140] =	vst v0  }
0x161: {  	[tilespmem:$0x2150] =	vst v0  }
0x162: {  	[tilespmem:$0x2160] =	vst v0  }
0x163: {  	[tilespmem:$0x2170] =	vst v0  }
0x164: {  	[tilespmem:$0x2500] =	vst v0  }
0x165: {  	[tilespmem:$0x2510] =	vst v0  }
0x166: {  	[tilespmem:$0x2520] =	vst v0  }
0x167: {  	[tilespmem:$0x2530] =	vst v0  }
0x168: {  	[tilespmem:$0x2540] =	vst v0  }
0x169: {  	[tilespmem:$0x2550] =	vst v0  }
0x16a: {  	[tilespmem:$0x2560] =	vst v0  }
0x16b: {  	[tilespmem:$0x2570] =	vst v0  }
0x16c: {  	[tilespmem:$0x1980] =	vst v0  }
0x16d: {  	[tilespmem:$0x1990] =	vst v0  }
0x16e: {  	[tilespmem:$0x19A0] =	vst v0  }
0x16f: {  	[tilespmem:$0x19B0] =	vst v0  }
0x170: {  	[tilespmem:$0x19C0] =	vst v0  }
0x171: {  	[tilespmem:$0x19D0] =	vst v0  }
0x172: {  	[tilespmem:$0x19E0] =	vst v0  }
0x173: {  	[tilespmem:$0x19F0] =	vst v0  }
0x174: {  	[tilespmem:$0x1D80] =	vst v0  }
0x175: {  	[tilespmem:$0x1D90] =	vst v0  }
0x176: {  	[tilespmem:$0x1DA0] =	vst v0  }
0x177: {  	[tilespmem:$0x1DB0] =	vst v0  }
0x178: {  	[tilespmem:$0x1DC0] =	vst v0  }
0x179: {  	[tilespmem:$0x1DD0] =	vst v0  }
0x17a: {  	[tilespmem:$0x1DE0] =	vst v0  }
0x17b: {  	[tilespmem:$0x1DF0] =	vst v0  }
0x17c: {  	[tilespmem:$0x2180] =	vst v0  }
0x17d: {  	[tilespmem:$0x2190] =	vst v0  }
0x17e: {  	[tilespmem:$0x21A0] =	vst v0  }
0x17f: {  	[tilespmem:$0x21B0] =	vst v0  }
0x180: {  	[tilespmem:$0x21C0] =	vst v0  }
0x181: {  	[tilespmem:$0x21D0] =	vst v0  }
0x182: {  	[tilespmem:$0x21E0] =	vst v0  }
0x183: {  	[tilespmem:$0x21F0] =	vst v0  }
0x184: {  	[tilespmem:$0x2580] =	vst v0  }
0x185: {  	[tilespmem:$0x2590] =	vst v0  }
0x186: {  	[tilespmem:$0x25A0] =	vst v0  }
0x187: {  	[tilespmem:$0x25B0] =	vst v0  }
0x188: {  	[tilespmem:$0x25C0] =	vst v0  }
0x189: {  	[tilespmem:$0x25D0] =	vst v0  }
0x18a: {  	[tilespmem:$0x25E0] =	vst v0  }
0x18b: {  	[tilespmem:$0x25F0] =	vst v0  }
0x18c: {  	[tilespmem:$0x1A00] =	vst v0  }
0x18d: {  	[tilespmem:$0x1A10] =	vst v0  }
0x18e: {  	[tilespmem:$0x1A20] =	vst v0  }
0x18f: {  	[tilespmem:$0x1A30] =	vst v0  }
0x190: {  	[tilespmem:$0x1A40] =	vst v0  }
0x191: {  	[tilespmem:$0x1A50] =	vst v0  }
0x192: {  	[tilespmem:$0x1A60] =	vst v0  }
0x193: {  	[tilespmem:$0x1A70] =	vst v0  }
0x194: {  	[tilespmem:$0x1E00] =	vst v0  }
0x195: {  	[tilespmem:$0x1E10] =	vst v0  }
0x196: {  	[tilespmem:$0x1E20] =	vst v0  }
0x197: {  	[tilespmem:$0x1E30] =	vst v0  }
0x198: {  	[tilespmem:$0x1E40] =	vst v0  }
0x199: {  	[tilespmem:$0x1E50] =	vst v0  }
0x19a: {  	[tilespmem:$0x1E60] =	vst v0  }
0x19b: {  	[tilespmem:$0x1E70] =	vst v0  }
0x19c: {  	[tilespmem:$0x2200] =	vst v0  }
0x19d: {  	[tilespmem:$0x2210] =	vst v0  }
0x19e: {  	[tilespmem:$0x2220] =	vst v0  }
0x19f: {  	[tilespmem:$0x2230] =	vst v0  }
0x1a0: {  	[tilespmem:$0x2240] =	vst v0  }
0x1a1: {  	[tilespmem:$0x2250] =	vst v0  }
0x1a2: {  	[tilespmem:$0x2260] =	vst v0  }
0x1a3: {  	[tilespmem:$0x2270] =	vst v0  }
0x1a4: {  	[tilespmem:$0x2600] =	vst v0  }
0x1a5: {  	[tilespmem:$0x2610] =	vst v0  }
0x1a6: {  	[tilespmem:$0x2620] =	vst v0  }
0x1a7: {  	[tilespmem:$0x2630] =	vst v0  }
0x1a8: {  	[tilespmem:$0x2640] =	vst v0  }
0x1a9: {  	[tilespmem:$0x2650] =	vst v0  }
0x1aa: {  	[tilespmem:$0x2660] =	vst v0  }
0x1ab: {  	[tilespmem:$0x2670] =	vst v0  }
0x1ac: {  	[tilespmem:$0x1A80] =	vst v0  }
0x1ad: {  	[tilespmem:$0x1A90] =	vst v0  }
0x1ae: {  	[tilespmem:$0x1AA0] =	vst v0  }
0x1af: {  	[tilespmem:$0x1AB0] =	vst v0  }
0x1b0: {  	[tilespmem:$0x1AC0] =	vst v0  }
0x1b1: {  	[tilespmem:$0x1AD0] =	vst v0  }
0x1b2: {  	[tilespmem:$0x1AE0] =	vst v0  }
0x1b3: {  	[tilespmem:$0x1AF0] =	vst v0  }
0x1b4: {  	[tilespmem:$0x1E80] =	vst v0  }
0x1b5: {  	[tilespmem:$0x1E90] =	vst v0  }
0x1b6: {  	[tilespmem:$0x1EA0] =	vst v0  }
0x1b7: {  	[tilespmem:$0x1EB0] =	vst v0  }
0x1b8: {  	[tilespmem:$0x1EC0] =	vst v0  }
0x1b9: {  	[tilespmem:$0x1ED0] =	vst v0  }
0x1ba: {  	[tilespmem:$0x1EE0] =	vst v0  }
0x1bb: {  	[tilespmem:$0x1EF0] =	vst v0  }
0x1bc: {  	[tilespmem:$0x2280] =	vst v0  }
0x1bd: {  	[tilespmem:$0x2290] =	vst v0  }
0x1be: {  	[tilespmem:$0x22A0] =	vst v0  }
0x1bf: {  	[tilespmem:$0x22B0] =	vst v0  }
0x1c0: {  	[tilespmem:$0x22C0] =	vst v0  }
0x1c1: {  	[tilespmem:$0x22D0] =	vst v0  }
0x1c2: {  	[tilespmem:$0x22E0] =	vst v0  }
0x1c3: {  	[tilespmem:$0x22F0] =	vst v0  }
0x1c4: {  	[tilespmem:$0x2680] =	vst v0  }
0x1c5: {  	[tilespmem:$0x2690] =	vst v0  }
0x1c6: {  	[tilespmem:$0x26A0] =	vst v0  }
0x1c7: {  	[tilespmem:$0x26B0] =	vst v0  }
0x1c8: {  	[tilespmem:$0x26C0] =	vst v0  }
0x1c9: {  	[tilespmem:$0x26D0] =	vst v0  }
0x1ca: {  	[tilespmem:$0x26E0] =	vst v0  }
0x1cb: {  	[tilespmem:$0x26F0] =	vst v0  }
0x1cc: {  	[tilespmem:$0x1B00] =	vst v0  }
0x1cd: {  	[tilespmem:$0x1B10] =	vst v0  }
0x1ce: {  	[tilespmem:$0x1B20] =	vst v0  }
0x1cf: {  	[tilespmem:$0x1B30] =	vst v0  }
0x1d0: {  	[tilespmem:$0x1B40] =	vst v0  }
0x1d1: {  	[tilespmem:$0x1B50] =	vst v0  }
0x1d2: {  	[tilespmem:$0x1B60] =	vst v0  }
0x1d3: {  	[tilespmem:$0x1B70] =	vst v0  }
0x1d4: {  	[tilespmem:$0x1F00] =	vst v0  }
0x1d5: {  	[tilespmem:$0x1F10] =	vst v0  }
0x1d6: {  	[tilespmem:$0x1F20] =	vst v0  }
0x1d7: {  	[tilespmem:$0x1F30] =	vst v0  }
0x1d8: {  	[tilespmem:$0x1F40] =	vst v0  }
0x1d9: {  	[tilespmem:$0x1F50] =	vst v0  }
0x1da: {  	[tilespmem:$0x1F60] =	vst v0  }
0x1db: {  	[tilespmem:$0x1F70] =	vst v0  }
0x1dc: {  	[tilespmem:$0x2300] =	vst v0  }
0x1dd: {  	[tilespmem:$0x2310] =	vst v0  }
0x1de: {  	[tilespmem:$0x2320] =	vst v0  }
0x1df: {  	[tilespmem:$0x2330] =	vst v0  }
0x1e0: {  	[tilespmem:$0x2340] =	vst v0  }
0x1e1: {  	[tilespmem:$0x2350] =	vst v0  }
0x1e2: {  	[tilespmem:$0x2360] =	vst v0  }
0x1e3: {  	[tilespmem:$0x2370] =	vst v0  }
0x1e4: {  	[tilespmem:$0x2700] =	vst v0  }
0x1e5: {  	[tilespmem:$0x2710] =	vst v0  }
0x1e6: {  	[tilespmem:$0x2720] =	vst v0  }
0x1e7: {  	[tilespmem:$0x2730] =	vst v0  }
0x1e8: {  	[tilespmem:$0x2740] =	vst v0  }
0x1e9: {  	[tilespmem:$0x2750] =	vst v0  }
0x1ea: {  	[tilespmem:$0x2760] =	vst v0  }
0x1eb: {  	[tilespmem:$0x2770] =	vst v0  }
0x1ec: {  	[tilespmem:$0x1B80] =	vst v0  }
0x1ed: {  	[tilespmem:$0x1B90] =	vst v0  }
0x1ee: {  	[tilespmem:$0x1BA0] =	vst v0  }
0x1ef: {  	[tilespmem:$0x1BB0] =	vst v0  }
0x1f0: {  	[tilespmem:$0x1BC0] =	vst v0  }
0x1f1: {  	[tilespmem:$0x1BD0] =	vst v0  }
0x1f2: {  	[tilespmem:$0x1BE0] =	vst v0  }
0x1f3: {  	[tilespmem:$0x1BF0] =	vst v0  }
0x1f4: {  	[tilespmem:$0x1F80] =	vst v0  }
0x1f5: {  	[tilespmem:$0x1F90] =	vst v0  }
0x1f6: {  	[tilespmem:$0x1FA0] =	vst v0  }
0x1f7: {  	[tilespmem:$0x1FB0] =	vst v0  }
0x1f8: {  	[tilespmem:$0x1FC0] =	vst v0  }
0x1f9: {  	[tilespmem:$0x1FD0] =	vst v0  }
0x1fa: {  	[tilespmem:$0x1FE0] =	vst v0  }
0x1fb: {  	[tilespmem:$0x1FF0] =	vst v0  }
0x1fc: {  	[tilespmem:$0x2380] =	vst v0  }
0x1fd: {  	[tilespmem:$0x2390] =	vst v0  }
0x1fe: {  	[tilespmem:$0x23A0] =	vst v0  }
0x1ff: {  	[tilespmem:$0x23B0] =	vst v0  }
0x200: {  	[tilespmem:$0x23C0] =	vst v0  }
0x201: {  	[tilespmem:$0x23D0] =	vst v0  }
0x202: {  	[tilespmem:$0x23E0] =	vst v0  }
0x203: {  	[tilespmem:$0x23F0] =	vst v0  }
0x204: {  	[tilespmem:$0x2780] =	vst v0  }
0x205: {  	[tilespmem:$0x2790] =	vst v0  }
0x206: {  	[tilespmem:$0x27A0] =	vst v0  }
0x207: {  	[tilespmem:$0x27B0] =	vst v0  }
0x208: {  	[tilespmem:$0x27C0] =	vst v0  }
0x209: {  	[tilespmem:$0x27D0] =	vst v0  }
0x20a: {  	[tilespmem:$0x27E0] =	vst v0  }
0x20b: {  	[tilespmem:$0x27F0] =	vst v0  }
0x20c: {  	_ =	swait.ge [sflag:s7], $0x500  }
0x20d: {  	[sflag:s7] =	ssyncset.done $0x0  }
0x20e: {  	[sflag:s7] =	ssyncadd.s32 $0xFFFFFB00  }
0x20f: {  	v4 =	vld [tilespmem:$0x0];
	_ =	sdelay $0x4  }
0x210: {  	v5 =	vshll.u32 v4, $0x2  }
0x211: {  	v4 =	vand.u32 $0x7, v4;
	v5 =	vand.u32 $0xFFFFFFE0, v5  }
0x212: {  	v4 =	vor.u32 v4, v5  }
0x213: {  	v5 =	vperm.xlane v4, v1;
	_ =	sdelay $0x1  }
0x214: {  	v5 =	vadd.s32 v2, v5;
	_ =	sdelay $0x1  }
0x215: {  	v4 =	vperm.xlane v4, v3;
	_ =	sdelay $0x1  }
0x216: {  	v4 =	vadd.s32 v2, v4  }
0x217: {  	[hbm4b:s1+s2] =	stream.indirect_vreg.scatter [tilespmem:s8], [sflag:$0x2], $0x80, v5, vm0, $0xb8;
	[tilespmem:$0x2800] =	vst v63  }
0x218: {  	_ = 	snop  }
0x219: {  	[hbm4b:s5+s2] =	stream.indirect_vreg.scatter [tilespmem:s9], [sflag:$0x2], $0x80, v5, vm0, $0xb8;
	[tilespmem:$0x2800] =	vst v63  }
0x21a: {  	_ = 	snop  }
0x21b: {  	[hbm4b:s1+s2] =	stream.indirect_vreg.scatter [tilespmem:s10], [sflag:$0x2], $0x80, v4, vm0, $0xb8;
	[tilespmem:$0x2800] =	vst v63  }
0x21c: {  	_ = 	snop  }
0x21d: {  	[hbm4b:s5+s2] =	stream.indirect_vreg.scatter [tilespmem:s11], [sflag:$0x2], $0x80, v4, vm0, $0xb8;
	[tilespmem:$0x2800] =	vst v63  }
0x21e: {  	v4 =	vld [tilespmem:$0x80];
	_ =	sdelay $0x4  }
0x21f: {  	v5 =	vshll.u32 v4, $0x2  }
0x220: {  	v4 =	vand.u32 $0x7, v4;
	v5 =	vand.u32 $0xFFFFFFE0, v5  }
0x221: {  	v4 =	vor.u32 v4, v5  }
0x222: {  	v5 =	vperm.xlane v4, v1;
	_ =	sdelay $0x1  }
0x223: {  	v5 =	vadd.s32 v2, v5;
	_ =	sdelay $0x1  }
0x224: {  	v4 =	vperm.xlane v4, v3;
	_ =	sdelay $0x1  }
0x225: {  	v4 =	vadd.s32 v2, v4  }
0x226: {  	[hbm4b:s1+s2] =	stream.indirect_vreg.scatter [tilespmem:s8], [sflag:$0x2], $0x80, v5, vm0, $0xb8;
	[tilespmem:$0x2800] =	vst v63  }
0x227: {  	_ = 	snop  }
0x228: {  	[hbm4b:s5+s2] =	stream.indirect_vreg.scatter [tilespmem:s9], [sflag:$0x2], $0x80, v5, vm0, $0xb8;
	[tilespmem:$0x2800] =	vst v63  }
0x229: {  	_ = 	snop  }
0x22a: {  	[hbm4b:s1+s2] =	stream.indirect_vreg.scatter [tilespmem:s10], [sflag:$0x2], $0x80, v4, vm0, $0xb8;
	[tilespmem:$0x2800] =	vst v63  }
0x22b: {  	_ = 	snop  }
0x22c: {  	[hbm4b:s5+s2] =	stream.indirect_vreg.scatter [tilespmem:s11], [sflag:$0x2], $0x80, v4, vm0, $0xb8;
	[tilespmem:$0x2800] =	vst v63  }
0x22d: {  	v4 =	vld [tilespmem:$0x100];
	_ =	sdelay $0x4  }
0x22e: {  	v5 =	vshll.u32 v4, $0x2  }
0x22f: {  	v4 =	vand.u32 $0x7, v4;
	v5 =	vand.u32 $0xFFFFFFE0, v5  }
0x230: {  	v4 =	vor.u32 v4, v5  }
0x231: {  	v5 =	vperm.xlane v4, v1;
	_ =	sdelay $0x1  }
0x232: {  	v5 =	vadd.s32 v2, v5;
	_ =	sdelay $0x1  }
0x233: {  	v4 =	vperm.xlane v4, v3;
	_ =	sdelay $0x1  }
0x234: {  	v4 =	vadd.s32 v2, v4  }
0x235: {  	[hbm4b:s1+s2] =	stream.indirect_vreg.scatter [tilespmem:s8], [sflag:$0x2], $0x80, v5, vm0, $0xb8;
	[tilespmem:$0x2800] =	vst v63  }
0x236: {  	_ = 	snop  }
0x237: {  	[hbm4b:s5+s2] =	stream.indirect_vreg.scatter [tilespmem:s9], [sflag:$0x2], $0x80, v5, vm0, $0xb8;
	[tilespmem:$0x2800] =	vst v63  }
0x238: {  	_ = 	snop  }
0x239: {  	[hbm4b:s1+s2] =	stream.indirect_vreg.scatter [tilespmem:s10], [sflag:$0x2], $0x80, v4, vm0, $0xb8;
	[tilespmem:$0x2800] =	vst v63  }
0x23a: {  	_ = 	snop  }
0x23b: {  	[hbm4b:s5+s2] =	stream.indirect_vreg.scatter [tilespmem:s11], [sflag:$0x2], $0x80, v4, vm0, $0xb8;
	[tilespmem:$0x2800] =	vst v63  }
0x23c: {  	v4 =	vld [tilespmem:$0x180];
	_ =	sdelay $0x4  }
0x23d: {  	v5 =	vshll.u32 v4, $0x2  }
0x23e: {  	v4 =	vand.u32 $0x7, v4;
	v5 =	vand.u32 $0xFFFFFFE0, v5  }
0x23f: {  	v4 =	vor.u32 v4, v5  }
0x240: {  	v5 =	vperm.xlane v4, v1;
	_ =	sdelay $0x1  }
0x241: {  	v5 =	vadd.s32 v2, v5;
	_ =	sdelay $0x1  }
0x242: {  	v4 =	vperm.xlane v4, v3;
	_ =	sdelay $0x1  }
0x243: {  	v4 =	vadd.s32 v2, v4  }
0x244: {  	[hbm4b:s1+s2] =	stream.indirect_vreg.scatter [tilespmem:s8], [sflag:$0x2], $0x80, v5, vm0, $0xb8;
	[tilespmem:$0x2800] =	vst v63  }
0x245: {  	_ = 	snop  }
0x246: {  	[hbm4b:s5+s2] =	stream.indirect_vreg.scatter [tilespmem:s9], [sflag:$0x2], $0x80, v5, vm0, $0xb8;
	[tilespmem:$0x2800] =	vst v63  }
0x247: {  	_ = 	snop  }
0x248: {  	[hbm4b:s1+s2] =	stream.indirect_vreg.scatter [tilespmem:s10], [sflag:$0x2], $0x80, v4, vm0, $0xb8;
	[tilespmem:$0x2800] =	vst v63  }
0x249: {  	_ = 	snop  }
0x24a: {  	[hbm4b:s5+s2] =	stream.indirect_vreg.scatter [tilespmem:s11], [sflag:$0x2], $0x80, v4, vm0, $0xb8;
	[tilespmem:$0x2800] =	vst v63  }
0x24b: {  	v4 =	vld [tilespmem:$0x200];
	_ =	sdelay $0x4  }
0x24c: {  	v5 =	vshll.u32 v4, $0x2  }
0x24d: {  	v4 =	vand.u32 $0x7, v4;
	v5 =	vand.u32 $0xFFFFFFE0, v5  }
0x24e: {  	v4 =	vor.u32 v4, v5  }
0x24f: {  	v5 =	vperm.xlane v4, v1;
	_ =	sdelay $0x1  }
0x250: {  	v5 =	vadd.s32 v2, v5;
	_ =	sdelay $0x1  }
0x251: {  	v4 =	vperm.xlane v4, v3;
	_ =	sdelay $0x1  }
0x252: {  	v4 =	vadd.s32 v2, v4  }
0x253: {  	[hbm4b:s1+s2] =	stream.indirect_vreg.scatter [tilespmem:s8], [sflag:$0x2], $0x80, v5, vm0, $0xb8;
	[tilespmem:$0x2800] =	vst v63  }
0x254: {  	_ = 	snop  }
0x255: {  	[hbm4b:s5+s2] =	stream.indirect_vreg.scatter [tilespmem:s9], [sflag:$0x2], $0x80, v5, vm0, $0xb8;
	[tilespmem:$0x2800] =	vst v63  }
0x256: {  	_ = 	snop  }
0x257: {  	[hbm4b:s1+s2] =	stream.indirect_vreg.scatter [tilespmem:s10], [sflag:$0x2], $0x80, v4, vm0, $0xb8;
	[tilespmem:$0x2800] =	vst v63  }
0x258: {  	_ = 	snop  }
0x259: {  	[hbm4b:s5+s2] =	stream.indirect_vreg.scatter [tilespmem:s11], [sflag:$0x2], $0x80, v4, vm0, $0xb8;
	[tilespmem:$0x2800] =	vst v63  }
0x25a: {  	v4 =	vld [tilespmem:$0x280];
	_ =	sdelay $0x4  }
0x25b: {  	v5 =	vshll.u32 v4, $0x2  }
0x25c: {  	v4 =	vand.u32 $0x7, v4;
	v5 =	vand.u32 $0xFFFFFFE0, v5  }
0x25d: {  	v4 =	vor.u32 v4, v5  }
0x25e: {  	v5 =	vperm.xlane v4, v1;
	_ =	sdelay $0x1  }
0x25f: {  	v5 =	vadd.s32 v2, v5;
	_ =	sdelay $0x1  }
0x260: {  	v4 =	vperm.xlane v4, v3;
	_ =	sdelay $0x1  }
0x261: {  	v4 =	vadd.s32 v2, v4  }
0x262: {  	[hbm4b:s1+s2] =	stream.indirect_vreg.scatter [tilespmem:s8], [sflag:$0x2], $0x80, v5, vm0, $0xb8;
	[tilespmem:$0x2800] =	vst v63  }
0x263: {  	_ = 	snop  }
0x264: {  	[hbm4b:s5+s2] =	stream.indirect_vreg.scatter [tilespmem:s9], [sflag:$0x2], $0x80, v5, vm0, $0xb8;
	[tilespmem:$0x2800] =	vst v63  }
0x265: {  	_ = 	snop  }
0x266: {  	[hbm4b:s1+s2] =	stream.indirect_vreg.scatter [tilespmem:s10], [sflag:$0x2], $0x80, v4, vm0, $0xb8;
	[tilespmem:$0x2800] =	vst v63  }
0x267: {  	_ = 	snop  }
0x268: {  	[hbm4b:s5+s2] =	stream.indirect_vreg.scatter [tilespmem:s11], [sflag:$0x2], $0x80, v4, vm0, $0xb8;
	[tilespmem:$0x2800] =	vst v63  }
0x269: {  	v4 =	vld [tilespmem:$0x300];
	_ =	sdelay $0x4  }
0x26a: {  	v5 =	vshll.u32 v4, $0x2  }
0x26b: {  	v4 =	vand.u32 $0x7, v4;
	v5 =	vand.u32 $0xFFFFFFE0, v5  }
0x26c: {  	v4 =	vor.u32 v4, v5  }
0x26d: {  	v5 =	vperm.xlane v4, v1;
	_ =	sdelay $0x1  }
0x26e: {  	v5 =	vadd.s32 v2, v5;
	_ =	sdelay $0x1  }
0x26f: {  	v4 =	vperm.xlane v4, v3;
	_ =	sdelay $0x1  }
0x270: {  	v4 =	vadd.s32 v2, v4  }
0x271: {  	[hbm4b:s1+s2] =	stream.indirect_vreg.scatter [tilespmem:s8], [sflag:$0x2], $0x80, v5, vm0, $0xb8;
	[tilespmem:$0x2800] =	vst v63  }
0x272: {  	_ = 	snop  }
0x273: {  	[hbm4b:s5+s2] =	stream.indirect_vreg.scatter [tilespmem:s9], [sflag:$0x2], $0x80, v5, vm0, $0xb8;
	[tilespmem:$0x2800] =	vst v63  }
0x274: {  	_ = 	snop  }
0x275: {  	[hbm4b:s1+s2] =	stream.indirect_vreg.scatter [tilespmem:s10], [sflag:$0x2], $0x80, v4, vm0, $0xb8;
	[tilespmem:$0x2800] =	vst v63  }
0x276: {  	_ = 	snop  }
0x277: {  	[hbm4b:s5+s2] =	stream.indirect_vreg.scatter [tilespmem:s11], [sflag:$0x2], $0x80, v4, vm0, $0xb8;
	[tilespmem:$0x2800] =	vst v63  }
0x278: {  	v4 =	vld [tilespmem:$0x380];
	_ =	sdelay $0x4  }
0x279: {  	v5 =	vshll.u32 v4, $0x2  }
0x27a: {  	v4 =	vand.u32 $0x7, v4;
	v5 =	vand.u32 $0xFFFFFFE0, v5  }
0x27b: {  	v4 =	vor.u32 v4, v5  }
0x27c: {  	v5 =	vperm.xlane v4, v1;
	_ =	sdelay $0x1  }
0x27d: {  	v5 =	vadd.s32 v2, v5;
	_ =	sdelay $0x1  }
0x27e: {  	v4 =	vperm.xlane v4, v3;
	_ =	sdelay $0x1  }
0x27f: {  	v4 =	vadd.s32 v2, v4  }
0x280: {  	[hbm4b:s1+s2] =	stream.indirect_vreg.scatter [tilespmem:s8], [sflag:$0x2], $0x80, v5, vm0, $0xb8;
	[tilespmem:$0x2800] =	vst v63  }
0x281: {  	_ = 	snop  }
0x282: {  	[hbm4b:s5+s2] =	stream.indirect_vreg.scatter [tilespmem:s9], [sflag:$0x2], $0x80, v5, vm0, $0xb8;
	[tilespmem:$0x2800] =	vst v63  }
0x283: {  	_ = 	snop  }
0x284: {  	[hbm4b:s1+s2] =	stream.indirect_vreg.scatter [tilespmem:s10], [sflag:$0x2], $0x80, v4, vm0, $0xb8;
	[tilespmem:$0x2800] =	vst v63  }
0x285: {  	_ = 	snop  }
0x286: {  	[hbm4b:s5+s2] =	stream.indirect_vreg.scatter [tilespmem:s11], [sflag:$0x2], $0x80, v4, vm0, $0xb8;
	[tilespmem:$0x2800] =	vst v63  }
0x287: {  	v4 =	vld [tilespmem:$0x400];
	_ =	sdelay $0x4  }
0x288: {  	v5 =	vshll.u32 v4, $0x2  }
0x289: {  	v4 =	vand.u32 $0x7, v4;
	v5 =	vand.u32 $0xFFFFFFE0, v5  }
0x28a: {  	v4 =	vor.u32 v4, v5  }
0x28b: {  	v5 =	vperm.xlane v4, v1;
	_ =	sdelay $0x1  }
0x28c: {  	v5 =	vadd.s32 v2, v5;
	_ =	sdelay $0x1  }
0x28d: {  	v4 =	vperm.xlane v4, v3;
	_ =	sdelay $0x1  }
0x28e: {  	v4 =	vadd.s32 v2, v4  }
0x28f: {  	[hbm4b:s1+s2] =	stream.indirect_vreg.scatter [tilespmem:s8], [sflag:$0x2], $0x80, v5, vm0, $0xb8;
	[tilespmem:$0x2800] =	vst v63  }
0x290: {  	_ = 	snop  }
0x291: {  	[hbm4b:s5+s2] =	stream.indirect_vreg.scatter [tilespmem:s9], [sflag:$0x2], $0x80, v5, vm0, $0xb8;
	[tilespmem:$0x2800] =	vst v63  }
0x292: {  	_ = 	snop  }
0x293: {  	[hbm4b:s1+s2] =	stream.indirect_vreg.scatter [tilespmem:s10], [sflag:$0x2], $0x80, v4, vm0, $0xb8;
	[tilespmem:$0x2800] =	vst v63  }
0x294: {  	_ = 	snop  }
0x295: {  	[hbm4b:s5+s2] =	stream.indirect_vreg.scatter [tilespmem:s11], [sflag:$0x2], $0x80, v4, vm0, $0xb8;
	[tilespmem:$0x2800] =	vst v63  }
0x296: {  	v4 =	vld [tilespmem:$0x480];
	_ =	sdelay $0x4  }
0x297: {  	v5 =	vshll.u32 v4, $0x2  }
0x298: {  	v4 =	vand.u32 $0x7, v4;
	v5 =	vand.u32 $0xFFFFFFE0, v5  }
0x299: {  	v4 =	vor.u32 v4, v5  }
0x29a: {  	v5 =	vperm.xlane v4, v1;
	_ =	sdelay $0x1  }
0x29b: {  	v5 =	vadd.s32 v2, v5;
	_ =	sdelay $0x1  }
0x29c: {  	v4 =	vperm.xlane v4, v3;
	_ =	sdelay $0x1  }
0x29d: {  	v4 =	vadd.s32 v2, v4  }
0x29e: {  	[hbm4b:s1+s2] =	stream.indirect_vreg.scatter [tilespmem:s8], [sflag:$0x2], $0x80, v5, vm0, $0xb8;
	[tilespmem:$0x2800] =	vst v63  }
0x29f: {  	_ = 	snop  }
0x2a0: {  	[hbm4b:s5+s2] =	stream.indirect_vreg.scatter [tilespmem:s9], [sflag:$0x2], $0x80, v5, vm0, $0xb8;
	[tilespmem:$0x2800] =	vst v63  }
0x2a1: {  	_ = 	snop  }
0x2a2: {  	[hbm4b:s1+s2] =	stream.indirect_vreg.scatter [tilespmem:s10], [sflag:$0x2], $0x80, v4, vm0, $0xb8;
	[tilespmem:$0x2800] =	vst v63  }
0x2a3: {  	_ = 	snop  }
0x2a4: {  	[hbm4b:s5+s2] =	stream.indirect_vreg.scatter [tilespmem:s11], [sflag:$0x2], $0x80, v4, vm0, $0xb8;
	[tilespmem:$0x2800] =	vst v63  }
0x2a5: {  	_ =	swait.ge [sflag:s12], $0x2000  }
0x2a6: {  	[sflag:s12] =	ssyncset.done $0x0  }
0x2a7: {  	[sflag:s12] =	ssyncadd.s32 $0xFFFFE000  }
0x2a8: {  	_ =	swait.ge [sflag:s12], $0x2000  }
0x2a9: {  	[sflag:s12] =	ssyncset.done $0x0  }
0x2aa: {  	[sflag:s12] =	ssyncadd.s32 $0xFFFFE000  }
0x2ab: {  	_ =	swait.ge [sflag:s12], $0x2000  }
0x2ac: {  	[sflag:s12] =	ssyncset.done $0x0  }
0x2ad: {  	[sflag:s12] =	ssyncadd.s32 $0xFFFFE000  }
0x2ae: {  	_ =	swait.ge [sflag:s12], $0x2000  }
0x2af: {  	[sflag:s12] =	ssyncset.done $0x0  }
0x2b0: {  	[sflag:s12] =	ssyncadd.s32 $0xFFFFE000  }
0x2b1: {  	_ =	swait.ge [sflag:s12], $0x2000  }
0x2b2: {  	[sflag:s12] =	ssyncset.done $0x0  }
0x2b3: {  	[sflag:s12] =	ssyncadd.s32 $0xFFFFE000  }
0x2b4: {  	_ =	swait.ge [sflag:s12], $0x2000  }
0x2b5: {  	[sflag:s12] =	ssyncset.done $0x0  }
0x2b6: {  	[sflag:s12] =	ssyncadd.s32 $0xFFFFE000  }
0x2b7: {  	_ =	swait.ge [sflag:s12], $0x2000  }
0x2b8: {  	[sflag:s12] =	ssyncset.done $0x0  }
0x2b9: {  	[sflag:s12] =	ssyncadd.s32 $0xFFFFE000  }
0x2ba: {  	_ =	swait.ge [sflag:s12], $0x2000  }
0x2bb: {  	[sflag:s12] =	ssyncset.done $0x0  }
0x2bc: {  	[sflag:s12] =	ssyncadd.s32 $0xFFFFE000  }
0x2bd: {  	p0 =	sne.s32 s6, $0x1;
	_ =	swait.ge [sflag:s12], $0x2000  }
.Ltmp0:
0x2be: {  	[sflag:s12] =	ssyncset.done $0x0;
	(pc) =	sbr.rel @p0 .LBB2_1-.Ltmp0, $4  }
0x2bf: {  	[sflag:s12] =	ssyncadd.s32 $0xFFFFE000  }
0x2c0: {  	_ =	swait.ge [sflag:s12], $0x2000  }
0x2c1: {  	[sflag:s12] =	ssyncset.done $0x0  }
0x2c2: {  	s6 =	sadd.s32 $0xFFFFFFFF, s6;
	[sflag:s12] =	ssyncadd.s32 $0xFFFFE000  }
0x2c3: {  	_ =	sfence.sel $0x180000  }
0x2c4: {  	[bflag:$0x0] =	sbarrier.arrive $0xFFFF  }
0x2c5: {  	p0 =	sne.s32 s3, $0x0;
	_ =	strace $0x90000047  }
0x2c6: {  	s0 =	sadd.s32 @!p0 $0x100000, s0;
	[bflag:$0x2] =	sbarrier.arrive $0xFFFF  }
0x2c7: {  	[sflag:s0] =	ssyncadd.tile.s32 @!p0 $0x1;
	_ =	shalt  }
.Lfunc_end2:
_tile_overlayer_lowered:
.L_overlay_start_2:
0x2c8: {  	(tag) =	ssettag $0x2  }
0x2c9: {  	s0 =	rddreg [dreg:$0x0];
	s2 =	stileid.u32  }
0x2ca: {  	s1 =	rddreg [dreg:$0x1];
	p0 =	sne.s32 s2, $0x0  }
0x2cb: {  	s3 =	rddreg [dreg:$0x2];
	[bflag:$0x3] =	sbarrier.arrive $0xFFFF;
	s2 =	simm.s32 @!p0 $0x1C03  }
0x2cc: {  	[timem:s3], [sflag:s2] =	dma.local @!p0 [hbm:s0], s1  }
0x2cd: {  	s0 =	simm.s32 @!p0 $0x3  }
0x2ce: {  	_ =	swait.ge @!p0 [sflag:s0], s1  }
0x2cf: {  	s1 =	ssub.s32 @!p0 $0x0, s1;
	[sflag:s0] =	ssyncset.done @!p0 $0x0  }
0x2d0: {  	[sflag:s0] =	ssyncadd.s32 @!p0 s1  }
0x2d1: {  	[bflag:$0x3] =	sbarrier.arrive $0xFFFF  }
0x2d2: {  	_ =	shalt  }

</sc_bundles>
